<compile_context>
chip_gen: v7x
topology: tpu7x:2x2x1
jax: 0.10.2.dev20260603
libtpu: 0.0.44.dev20260713+nightly
codegen_flags: <defaults>
</compile_context>

<pallas_src>
import functools

import jax
import jax.numpy as jnp
from jax import lax
from jax.experimental import pallas as pl
from jax.experimental.pallas import tpu as pltpu
from jax.experimental.pallas import tpu_sc as plsc

N = 50000
D = 256
B = 4096
E = 16
M = 4
HID = 256
NC = 40

NCORES = 2
NSUB = 16
NW = NCORES * NSUB
BPW = B // NW
EM = E * M
LANES = 16
DCH = D // LANES
NBUF = 2


def _sc_gather_combine(X, eidx, nidx, wvec, bvec):
    f32 = jnp.float32
    mesh = plsc.VectorSubcoreMesh(core_axis_name="c", subcore_axis_name="s")
    out_type = (
        jax.ShapeDtypeStruct((B, D), f32),
        jax.ShapeDtypeStruct((B, D), f32),
    )
    scratch = [
        pltpu.VMEM((BPW * EM,), jnp.int32),
        pltpu.VMEM((BPW,), jnp.int32),
        pltpu.VMEM((NBUF, EM, D), f32),
        pltpu.VMEM((BPW, D), f32),
        pltpu.VMEM((BPW, D), f32),
        pltpu.VMEM((LANES,), f32),
        pltpu.VMEM((LANES,), f32),
        pltpu.SemaphoreType.DMA,
        pltpu.SemaphoreType.DMA,
        pltpu.SemaphoreType.DMA,
    ]

    @functools.partial(pl.kernel, out_type=out_type, mesh=mesh,
                       scratch_types=scratch)
    def k(Xh, eidxh, nidxh, wvh, bvh, self_out, neigh_out,
          idx_v, nidx_v, rows, selfr, neigh, wv_v, bv_v, sem0, sem1, semself):
        wid = lax.axis_index("s") * NCORES + lax.axis_index("c")
        base = wid * BPW
        pltpu.sync_copy(eidxh.at[pl.ds(base * EM, BPW * EM)], idx_v)
        pltpu.sync_copy(nidxh.at[pl.ds(base, BPW)], nidx_v)
        pltpu.sync_copy(wvh, wv_v)
        pltpu.sync_copy(bvh, bv_v)
        selfcp = pltpu.async_copy(Xh.at[nidx_v], selfr, semself)
        wv = wv_v[...]
        bv = bv_v[...]
        sems = [sem0, sem1]

        for s_ in range(NBUF):
            pltpu.async_copy(Xh.at[idx_v.at[pl.ds(s_ * EM, EM)]],
                             rows.at[s_], sems[s_])

        @pl.loop(0, BPW, step=NBUF)
        def _gloop(g):
            for s_ in range(NBUF):
                b = g + s_
                slot = rows.at[s_]
                pltpu.make_async_copy(
                    Xh.at[idx_v.at[pl.ds(b * EM, EM)]], slot,
                    sems[s_]).wait()

                zero = jnp.zeros((LANES,), f32)
                for dc in range(DCH):
                    neigh[b, pl.ds(dc * LANES, LANES)] = zero

                def ebody(e, carry):
                    va = jnp.zeros((LANES,), f32)
                    msgs = []
                    for dc in range(DCH):
                        sl = pl.ds(dc * LANES, LANES)
                        f0 = slot[4 * e + 0, sl]
                        f1 = slot[4 * e + 1, sl]
                        f2 = slot[4 * e + 2, sl]
                        f3 = slot[4 * e + 3, sl]
                        ss = (f0 + f1) + (f2 + f3)
                        qq = (f0 * f0 + f1 * f1) + (f2 * f2 + f3 * f3)
                        mu = ss * 0.25
                        va = va + (qq * 0.25 - mu * mu)
                        msgs.append(f0 * f1 * f2)
                    lanes = lax.iota(jnp.int32, LANES)
                    dnums = lax.GatherDimensionNumbers(
                        offset_dims=(), collapsed_slice_dims=(0,),
                        start_index_map=(0,))
                    for sh in (8, 4, 2, 1):
                        perm = (lanes + sh) & (LANES - 1)
                        va = va + lax.gather(
                            va, perm[:, None], dnums, slice_sizes=(1,),
                            mode=lax.GatherScatterMode.PROMISE_IN_BOUNDS)
                    z = va * wv + bv
                    att = 1.0 / (1.0 + jnp.exp(-z))
                    for dc in range(DCH):
                        plsc.addupdate(neigh.at[b, pl.ds(dc * LANES, LANES)],
                                       att * msgs[dc])
                    return carry

                lax.fori_loop(0, E, ebody, 0)

                nb = b + NBUF

                @pl.when(nb < BPW)
                def _():
                    pltpu.async_copy(Xh.at[idx_v.at[pl.ds(nb * EM, EM)]],
                                     rows.at[s_], sems[s_])

        selfcp.wait()
        pltpu.sync_copy(neigh, neigh_out.at[pl.ds(base, BPW)])
        pltpu.sync_copy(selfr, self_out.at[pl.ds(base, BPW)])

    return k(X, eidx, nidx, wvec, bvec)


def _tc_dense(self_feat, neigh, w1, w2, lin_b2, skip_W, beta2, cls_Wp, cls_bp):
    f32 = jnp.float32
    BT = 512
    grid = (B // BT,)

    def body(beta_ref, s_ref, n_ref, w1_ref, w2_ref, lb_ref, sw_ref,
             cw_ref, cb_ref, out_ref):
        x_s = s_ref[...]
        x_n = n_ref[...]
        h = (jnp.dot(x_s, w1_ref[...], preferred_element_type=f32)
             + jnp.dot(x_n, w2_ref[...], preferred_element_type=f32)
             + lb_ref[...])
        out = jnp.maximum(h, 0.0)
        bt = beta_ref[0, 0]
        enc = ((1.0 - bt) * out
               + bt * jnp.dot(x_s, sw_ref[...], preferred_element_type=f32))
        logits = jnp.dot(enc, cw_ref[...], preferred_element_type=f32) + cb_ref[...]
        mx = jnp.max(logits, axis=1, keepdims=True)
        ex = jnp.exp(logits - mx)
        lse = jnp.log(jnp.sum(ex, axis=1, keepdims=True)) + mx
        out_ref[...] = logits - lse

    return pl.pallas_call(
        body,
        grid=grid,
        in_specs=[
            pl.BlockSpec(memory_space=pltpu.SMEM),
            pl.BlockSpec((BT, D), lambda i: (i, 0)),
            pl.BlockSpec((BT, D), lambda i: (i, 0)),
            pl.BlockSpec((D, HID), lambda i: (0, 0)),
            pl.BlockSpec((D, HID), lambda i: (0, 0)),
            pl.BlockSpec((1, HID), lambda i: (0, 0)),
            pl.BlockSpec((D, HID), lambda i: (0, 0)),
            pl.BlockSpec((HID, 128), lambda i: (0, 0)),
            pl.BlockSpec((1, 128), lambda i: (0, 0)),
        ],
        out_specs=pl.BlockSpec((BT, 128), lambda i: (i, 0)),
        out_shape=jax.ShapeDtypeStruct((B, 128), f32),
    )(beta2, self_feat, neigh, w1, w2, lin_b2, skip_W, cls_Wp, cls_bp)


def kernel(nodes, edge_nodes, X, w_att_w, w_att_b, lin_W, lin_b, skip_W,
           beta, cls_W, cls_b):
    f32 = jnp.float32
    nidx = nodes.astype(jnp.int32)
    eidx = edge_nodes.astype(jnp.int32).reshape(-1)
    wvec = jnp.full((LANES,), w_att_w[0, 0] / D, f32)
    bvec = jnp.full((LANES,), w_att_b[0], f32)

    self_feat, neigh = _sc_gather_combine(X, eidx, nidx, wvec, bvec)

    w1 = lin_W[:D]
    w2 = lin_W[D:]
    lin_b2 = lin_b.reshape(1, HID)
    beta2 = jnp.reshape(beta, (1, 1)).astype(f32)
    cls_Wp = jnp.zeros((HID, 128), f32).at[:, :NC].set(cls_W)
    cls_bp = jnp.full((1, 128), -1e30, f32).at[0, :NC].set(cls_b)

    logp = _tc_dense(self_feat, neigh, w1, w2, lin_b2, skip_W, beta2,
                     cls_Wp, cls_bp)
    return logp[:, :NC]

# --- scband reference (transcript-rebuilt; emitter-appended) ---
"""Pipeline reference for scband-tmphn-927712936182 (READ-ONLY COPY).

The authoritative reference and input builder live on the scoring server;
editing this copy changes nothing except your own understanding.
"""

import jax, jax.numpy as jnp
import numpy as np

N = 50000
D = 256
B = 4096
E = 16
M = 4
HID = 256
NC = 40


def setup_inputs(seed: int = 0) -> dict:
    key = jax.random.key(seed)
    ks = jax.random.split(key, 8)
    nodes = jax.random.randint(ks[0], (B,), 0, N)
    edge_nodes = jax.random.randint(ks[1], (B, E, M), 0, N)
    X = jax.random.normal(ks[2], (N, D), dtype=jnp.float32)
    w_att_w = jax.random.normal(ks[3], (1, 1), dtype=jnp.float32) * 0.1
    w_att_b = jnp.zeros((1,), dtype=jnp.float32)
    lin_W = jax.random.normal(ks[4], (2 * D, HID), dtype=jnp.float32) * 0.02
    lin_b = jnp.zeros((HID,), dtype=jnp.float32)
    skip_W = jax.random.normal(ks[5], (D, HID), dtype=jnp.float32) * 0.02
    beta = jnp.array(0.5, dtype=jnp.float32)
    cls_W = jax.random.normal(ks[6], (HID, NC), dtype=jnp.float32) * 0.02
    cls_b = jnp.zeros((NC,), dtype=jnp.float32)
    return {"nodes": nodes, "edge_nodes": edge_nodes, "X": X,
            "w_att_w": w_att_w, "w_att_b": w_att_b,
            "lin_W": lin_W, "lin_b": lin_b, "skip_W": skip_W,
            "beta": beta, "cls_W": cls_W, "cls_b": cls_b}


def reference(nodes, edge_nodes, X, w_att_w, w_att_b, lin_W, lin_b, skip_W, beta, cls_W, cls_b):
    # TMessagePassing.aggregate_one, vectorized over batch B and edges E.
    # Every hyperedge has exactly m members, so the len(edge) == m branch is taken:
    # msg = prod(feats[:-1], dim=0)
    feats = X[edge_nodes]                               # [B, E, M, D] gather
    edge_var = jnp.var(feats, axis=2).mean(axis=-1)      # [B, E]  (unbiased=False)
    att = jax.nn.sigmoid(edge_var * w_att_w[0, 0] + w_att_b[0])  # [B, E]
    msg = jnp.prod(feats[:, :, :-1, :], axis=2)          # [B, E, D]
    neigh = jnp.sum(att[:, :, None] * msg, axis=1)       # [B, D]  (sum over edges)
    # Encoder with combine == 'concat'
    self_feat = X[nodes]                                 # [B, D]
    h = jnp.concatenate([self_feat, neigh], axis=1)      # [B, 2D]
    out = jax.nn.relu(h @ lin_W + lin_b)                 # [B, HID]
    enc = (1.0 - beta) * out + beta * (self_feat @ skip_W)
    # classifier + log_softmax
    logits = enc @ cls_W + cls_b                         # [B, NC]
    return jax.nn.log_softmax(logits, axis=1)

if __name__ == "__main__":
    import jax
    _d = setup_inputs()
    print(jax.jit(kernel)(*tuple(_d.values())))

</pallas_src>

<mosaic_0001>
#map = affine_map<(d0, d1) -> (0, 0)>
#map1 = affine_map<(d0, d1) -> (0)>
module attributes {stable_mosaic.version = 14 : i64} {
  func.func @k(%arg0: i32, %arg1: i32, %arg2: memref<50000x256xf32, #tpu.memory_space<hbm>>, %arg3: memref<262144xi32, #tpu.memory_space<hbm>>, %arg4: memref<4096xi32, #tpu.memory_space<hbm>>, %arg5: memref<16xf32, #tpu.memory_space<hbm>>, %arg6: memref<16xf32, #tpu.memory_space<hbm>>, %arg7: memref<4096x256xf32, #tpu.memory_space<hbm>>, %arg8: memref<4096x256xf32, #tpu.memory_space<hbm>>, %arg9: memref<8192xi32, #tpu.memory_space<vmem>>, %arg10: memref<128xi32, #tpu.memory_space<vmem>>, %arg11: memref<2x64x256xf32, #tpu.memory_space<vmem>>, %arg12: memref<128x256xf32, #tpu.memory_space<vmem>>, %arg13: memref<128x256xf32, #tpu.memory_space<vmem>>, %arg14: memref<16xf32, #tpu.memory_space<vmem>>, %arg15: memref<16xf32, #tpu.memory_space<vmem>>, %arg16: memref<!tpu.dma_semaphore, #tpu.memory_space<semaphore_mem>>, %arg17: memref<!tpu.dma_semaphore, #tpu.memory_space<semaphore_mem>>, %arg18: memref<!tpu.dma_semaphore, #tpu.memory_space<semaphore_mem>>) attributes {dimension_semantics = [#tpu.dimension_semantics<core_parallel>, #tpu.dimension_semantics<subcore_parallel>], iteration_bounds = array<i64: 2, 16>, scalar_prefetch = 0 : i64, scratch_operands = 10 : i64, tpu.core_type = #tpu.core_type<sc_vector_subcore>, window_params = [{transform_indices = #map}, {transform_indices = #map1}, {transform_indices = #map1}, {transform_indices = #map1}, {transform_indices = #map1}, {transform_indices = #map}, {transform_indices = #map}]} {
    %mul3A = arith.constant 2 : i32
    %mul3A_0 = arith.muli %arg1, %mul3A : i32
    %add3A = arith.addi %mul3A_0, %arg0 : i32
    %mul3A_1 = arith.constant 128 : i32
    %mul3A_2 = arith.muli %add3A, %mul3A_1 : i32
    %mul3A_3 = arith.constant 64 : i32
    %mul3A_4 = arith.muli %mul3A_2, %mul3A_3 : i32
    "tpu.region"() ({
      %run_scoped3A = tpu.sem_alloc : memref<!tpu.dma_semaphore, #tpu.memory_space<semaphore_mem>>
      %dma_start3A_38 = tpu.memref_slice %arg3[%mul3A_4] : memref<262144xi32, #tpu.memory_space<hbm>> -> memref<8192xi32, #tpu.memory_space<hbm>>
      %dma_start3A_39 = tpu.memref_slice %arg3[%mul3A_4] : memref<262144xi32, #tpu.memory_space<hbm>> -> memref<8192xi32, #tpu.memory_space<hbm>>
      tpu.enqueue_dma source(%dma_start3A_39 : memref<8192xi32, #tpu.memory_space<hbm>>) target(%arg9 : memref<8192xi32, #tpu.memory_space<vmem>>) target_semaphore(%run_scoped3A : memref<!tpu.dma_semaphore, #tpu.memory_space<semaphore_mem>>)
      %dma_wait3A_40 = tpu.memref_slice %arg3[%mul3A_4] : memref<262144xi32, #tpu.memory_space<hbm>> -> memref<8192xi32, #tpu.memory_space<hbm>>
      %dma_wait3A_41 = tpu.memref_slice %arg3[%mul3A_4] : memref<262144xi32, #tpu.memory_space<hbm>> -> memref<8192xi32, #tpu.memory_space<hbm>>
      tpu.wait_dma2 semaphore(%run_scoped3A : memref<!tpu.dma_semaphore, #tpu.memory_space<semaphore_mem>>) src(%dma_wait3A_41 : memref<8192xi32, #tpu.memory_space<hbm>>) dst(%arg9 : memref<8192xi32, #tpu.memory_space<vmem>>)
      tpu.yield
    }) : () -> ()
    "tpu.region"() ({
      %run_scoped3A = tpu.sem_alloc : memref<!tpu.dma_semaphore, #tpu.memory_space<semaphore_mem>>
      %dma_start3A_38 = tpu.memref_slice %arg4[%mul3A_2] : memref<4096xi32, #tpu.memory_space<hbm>> -> memref<128xi32, #tpu.memory_space<hbm>>
      %dma_start3A_39 = tpu.memref_slice %arg4[%mul3A_2] : memref<4096xi32, #tpu.memory_space<hbm>> -> memref<128xi32, #tpu.memory_space<hbm>>
      tpu.enqueue_dma source(%dma_start3A_39 : memref<128xi32, #tpu.memory_space<hbm>>) target(%arg10 : memref<128xi32, #tpu.memory_space<vmem>>) target_semaphore(%run_scoped3A : memref<!tpu.dma_semaphore, #tpu.memory_space<semaphore_mem>>)
      %dma_wait3A_40 = tpu.memref_slice %arg4[%mul3A_2] : memref<4096xi32, #tpu.memory_space<hbm>> -> memref<128xi32, #tpu.memory_space<hbm>>
      %dma_wait3A_41 = tpu.memref_slice %arg4[%mul3A_2] : memref<4096xi32, #tpu.memory_space<hbm>> -> memref<128xi32, #tpu.memory_space<hbm>>
      tpu.wait_dma2 semaphore(%run_scoped3A : memref<!tpu.dma_semaphore, #tpu.memory_space<semaphore_mem>>) src(%dma_wait3A_41 : memref<128xi32, #tpu.memory_space<hbm>>) dst(%arg10 : memref<128xi32, #tpu.memory_space<vmem>>)
      tpu.yield
    }) : () -> ()
    "tpu.region"() ({
      %run_scoped3A = tpu.sem_alloc : memref<!tpu.dma_semaphore, #tpu.memory_space<semaphore_mem>>
      tpu.enqueue_dma source(%arg5 : memref<16xf32, #tpu.memory_space<hbm>>) target(%arg14 : memref<16xf32, #tpu.memory_space<vmem>>) target_semaphore(%run_scoped3A : memref<!tpu.dma_semaphore, #tpu.memory_space<semaphore_mem>>)
      tpu.wait_dma2 semaphore(%run_scoped3A : memref<!tpu.dma_semaphore, #tpu.memory_space<semaphore_mem>>) src(%arg5 : memref<16xf32, #tpu.memory_space<hbm>>) dst(%arg14 : memref<16xf32, #tpu.memory_space<vmem>>)
      tpu.yield
    }) : () -> ()
    "tpu.region"() ({
      %run_scoped3A = tpu.sem_alloc : memref<!tpu.dma_semaphore, #tpu.memory_space<semaphore_mem>>
      tpu.enqueue_dma source(%arg6 : memref<16xf32, #tpu.memory_space<hbm>>) target(%arg15 : memref<16xf32, #tpu.memory_space<vmem>>) target_semaphore(%run_scoped3A : memref<!tpu.dma_semaphore, #tpu.memory_space<semaphore_mem>>)
      tpu.wait_dma2 semaphore(%run_scoped3A : memref<!tpu.dma_semaphore, #tpu.memory_space<semaphore_mem>>) src(%arg6 : memref<16xf32, #tpu.memory_space<hbm>>) dst(%arg15 : memref<16xf32, #tpu.memory_space<vmem>>)
      tpu.yield
    }) : () -> ()
    %dma_start3A = arith.constant 0 : i32
    %dma_start3A_5 = arith.constant 0 : i32
    %dma_start3A_6 = tpu.memref_slice %arg2[%dma_start3A, %dma_start3A_5] : memref<50000x256xf32, #tpu.memory_space<hbm>> -> memref<50000x256xf32, #tpu.memory_space<hbm>>
    tpu.enqueue_indirect_dma source(%dma_start3A_6 : memref<50000x256xf32, #tpu.memory_space<hbm>>) target(%arg12 : memref<128x256xf32, #tpu.memory_space<vmem>>) offsets(%arg10 : memref<128xi32, #tpu.memory_space<vmem>>) semaphore(%arg18 : memref<!tpu.dma_semaphore, #tpu.memory_space<semaphore_mem>>)
    %get3A = arith.constant 0 : index
    %get3A_7 = tpu.vector_load %arg14[%get3A] {strides = array<i32>} : memref<16xf32, #tpu.memory_space<vmem>>, vector<16xf32>,
    %get3A_8 = vector.shape_cast %get3A_7 : vector<16xf32> to vector<16xf32>
    %get3A_9 = arith.constant 0 : index
    %get3A_10 = tpu.vector_load %arg15[%get3A_9] {strides = array<i32>} : memref<16xf32, #tpu.memory_space<vmem>>, vector<16xf32>,
    %get3A_11 = vector.shape_cast %get3A_10 : vector<16xf32> to vector<16xf32>
    %dma_start3A_12 = arith.constant 0 : i32
    %dma_start3A_13 = arith.constant 0 : i32
    %dma_start3A_14 = arith.constant 0 : i32
    %dma_start3A_15 = tpu.memref_slice %arg11[%dma_start3A_12, %dma_start3A_13, %dma_start3A_14] : memref<2x64x256xf32, #tpu.memory_space<vmem>> -> memref<1x64x256xf32, #tpu.memory_space<vmem>>
    %dma_start3A_16 = tpu.memref_squeeze %dma_start3A_15 : memref<1x64x256xf32, #tpu.memory_space<vmem>> -> memref<64x256xf32, #tpu.memory_space<vmem>>
    %dma_start3A_17 = arith.constant 0 : i32
    %dma_start3A_18 = tpu.memref_slice %arg9[%dma_start3A_17] : memref<8192xi32, #tpu.memory_space<vmem>> -> memref<64xi32, #tpu.memory_space<vmem>>
    %dma_start3A_19 = arith.constant 0 : i32
    %dma_start3A_20 = arith.constant 0 : i32
    %dma_start3A_21 = tpu.memref_slice %arg2[%dma_start3A_19, %dma_start3A_20] : memref<50000x256xf32, #tpu.memory_space<hbm>> -> memref<50000x256xf32, #tpu.memory_space<hbm>>
    tpu.enqueue_indirect_dma source(%dma_start3A_21 : memref<50000x256xf32, #tpu.memory_space<hbm>>) target(%dma_start3A_16 : memref<64x256xf32, #tpu.memory_space<vmem>>) offsets(%dma_start3A_18 : memref<64xi32, #tpu.memory_space<vmem>>) semaphore(%arg16 : memref<!tpu.dma_semaphore, #tpu.memory_space<semaphore_mem>>)
    %dma_start3A_22 = arith.constant 1 : i32
    %dma_start3A_23 = arith.constant 0 : i32
    %dma_start3A_24 = arith.constant 0 : i32
    %dma_start3A_25 = tpu.memref_slice %arg11[%dma_start3A_22, %dma_start3A_23, %dma_start3A_24] : memref<2x64x256xf32, #tpu.memory_space<vmem>> -> memref<1x64x256xf32, #tpu.memory_space<vmem>>
    %dma_start3A_26 = tpu.memref_squeeze %dma_start3A_25 : memref<1x64x256xf32, #tpu.memory_space<vmem>> -> memref<64x256xf32, #tpu.memory_space<vmem>>
    %dma_start3A_27 = arith.constant 64 : i32
    %dma_start3A_28 = tpu.memref_slice %arg9[%dma_start3A_27] : memref<8192xi32, #tpu.memory_space<vmem>> -> memref<64xi32, #tpu.memory_space<vmem>>
    %dma_start3A_29 = arith.constant 0 : i32
    %dma_start3A_30 = arith.constant 0 : i32
    %dma_start3A_31 = tpu.memref_slice %arg2[%dma_start3A_29, %dma_start3A_30] : memref<50000x256xf32, #tpu.memory_space<hbm>> -> memref<50000x256xf32, #tpu.memory_space<hbm>>
    tpu.enqueue_indirect_dma source(%dma_start3A_31 : memref<50000x256xf32, #tpu.memory_space<hbm>>) target(%dma_start3A_26 : memref<64x256xf32, #tpu.memory_space<vmem>>) offsets(%dma_start3A_28 : memref<64xi32, #tpu.memory_space<vmem>>) semaphore(%arg17 : memref<!tpu.dma_semaphore, #tpu.memory_space<semaphore_mem>>)
    %scan3A = arith.constant 0 : i32
    %scan3A_32 = arith.constant 64 : i32
    %scan3A_33 = arith.addi %scan3A, %scan3A_32 : i32
    %scan3A_34 = arith.constant 1 : i32
    scf.for %scan3A_38 = %scan3A to %scan3A_33 step %scan3A_34  : i32 {
      %mul3A_39 = arith.constant 2 : i32
      %mul3A_40 = arith.muli %scan3A_38, %mul3A_39 : i32
      %add3A_41 = arith.constant 0 : i32
      %add3A_42 = arith.addi %add3A_41, %mul3A_40 : i32
      %add3A_43 = arith.constant 0 : i32
      %add3A_44 = arith.addi %add3A_42, %add3A_43 : i32
      %mul3A_45 = arith.constant 64 : i32
      %mul3A_46 = arith.muli %add3A_44, %mul3A_45 : i32
      %dma_wait3A_47 = arith.constant 0 : i32
      %dma_wait3A_48 = arith.constant 0 : i32
      %dma_wait3A_49 = arith.constant 0 : i32
      %dma_wait3A_50 = tpu.memref_slice %arg11[%dma_wait3A_47, %dma_wait3A_48, %dma_wait3A_49] : memref<2x64x256xf32, #tpu.memory_space<vmem>> -> memref<1x64x256xf32, #tpu.memory_space<vmem>>
      %dma_wait3A_51 = tpu.memref_squeeze %dma_wait3A_50 : memref<1x64x256xf32, #tpu.memory_space<vmem>> -> memref<64x256xf32, #tpu.memory_space<vmem>>
      %dma_wait3A_52 = tpu.memref_slice %arg9[%mul3A_46] : memref<8192xi32, #tpu.memory_space<vmem>> -> memref<64xi32, #tpu.memory_space<vmem>>
      %dma_wait3A_53 = arith.constant 0 : i32
      %dma_wait3A_54 = arith.constant 0 : i32
      %dma_wait3A_55 = tpu.memref_slice %arg2[%dma_wait3A_53, %dma_wait3A_54] : memref<50000x256xf32, #tpu.memory_space<hbm>> -> memref<50000x256xf32, #tpu.memory_space<hbm>>
      tpu.wait_indirect_dma semaphore(%arg16 : memref<!tpu.dma_semaphore, #tpu.memory_space<semaphore_mem>>) src(%dma_wait3A_55 : memref<50000x256xf32, #tpu.memory_space<hbm>>) dst(%dma_wait3A_51 : memref<64x256xf32, #tpu.memory_space<vmem>>)
      %broadcast_in_dim3A = arith.constant 0.000000e+00 : f32
      %broadcast_in_dim3A_56 = vector.broadcast %broadcast_in_dim3A : f32 to vector<16xf32>
      %swap3A = arith.index_cast %add3A_44 : i32 to index
      %swap3A_57 = arith.constant 0 : index
      %swap3A_58 = tpu.vector_load %arg13[%swap3A, %swap3A_57] {strides = array<i32>} : memref<128x256xf32, #tpu.memory_space<vmem>>, vector<1x16xf32>,
      %swap3A_59 = vector.shape_cast %swap3A_58 : vector<1x16xf32> to vector<16xf32>
      %swap3A_60 = vector.shape_cast %broadcast_in_dim3A_56 : vector<16xf32> to vector<1x16xf32>
      tpu.vector_store %arg13[%swap3A, %swap3A_57], %swap3A_60 {strides = array<i32>} : memref<128x256xf32, #tpu.memory_space<vmem>>, vector<1x16xf32>,
      %swap3A_61 = arith.index_cast %add3A_44 : i32 to index
      %swap3A_62 = arith.constant 16 : index
      %swap3A_63 = tpu.vector_load %arg13[%swap3A_61, %swap3A_62] {strides = array<i32>} : memref<128x256xf32, #tpu.memory_space<vmem>>, vector<1x16xf32>,
      %swap3A_64 = vector.shape_cast %swap3A_63 : vector<1x16xf32> to vector<16xf32>
      %swap3A_65 = vector.shape_cast %broadcast_in_dim3A_56 : vector<16xf32> to vector<1x16xf32>
      tpu.vector_store %arg13[%swap3A_61, %swap3A_62], %swap3A_65 {strides = array<i32>} : memref<128x256xf32, #tpu.memory_space<vmem>>, vector<1x16xf32>,
      %swap3A_66 = arith.index_cast %add3A_44 : i32 to index
      %swap3A_67 = arith.constant 32 : index
      %swap3A_68 = tpu.vector_load %arg13[%swap3A_66, %swap3A_67] {strides = array<i32>} : memref<128x256xf32, #tpu.memory_space<vmem>>, vector<1x16xf32>,
      %swap3A_69 = vector.shape_cast %swap3A_68 : vector<1x16xf32> to vector<16xf32>
      %swap3A_70 = vector.shape_cast %broadcast_in_dim3A_56 : vector<16xf32> to vector<1x16xf32>
      tpu.vector_store %arg13[%swap3A_66, %swap3A_67], %swap3A_70 {strides = array<i32>} : memref<128x256xf32, #tpu.memory_space<vmem>>, vector<1x16xf32>,
      %swap3A_71 = arith.index_cast %add3A_44 : i32 to index
      %swap3A_72 = arith.constant 48 : index
      %swap3A_73 = tpu.vector_load %arg13[%swap3A_71, %swap3A_72] {strides = array<i32>} : memref<128x256xf32, #tpu.memory_space<vmem>>, vector<1x16xf32>,
      %swap3A_74 = vector.shape_cast %swap3A_73 : vector<1x16xf32> to vector<16xf32>
      %swap3A_75 = vector.shape_cast %broadcast_in_dim3A_56 : vector<16xf32> to vector<1x16xf32>
      tpu.vector_store %arg13[%swap3A_71, %swap3A_72], %swap3A_75 {strides = array<i32>} : memref<128x256xf32, #tpu.memory_space<vmem>>, vector<1x16xf32>,
      %swap3A_76 = arith.index_cast %add3A_44 : i32 to index
      %swap3A_77 = arith.constant 64 : index
      %swap3A_78 = tpu.vector_load %arg13[%swap3A_76, %swap3A_77] {strides = array<i32>} : memref<128x256xf32, #tpu.memory_space<vmem>>, vector<1x16xf32>,
      %swap3A_79 = vector.shape_cast %swap3A_78 : vector<1x16xf32> to vector<16xf32>
      %swap3A_80 = vector.shape_cast %broadcast_in_dim3A_56 : vector<16xf32> to vector<1x16xf32>
      tpu.vector_store %arg13[%swap3A_76, %swap3A_77], %swap3A_80 {strides = array<i32>} : memref<128x256xf32, #tpu.memory_space<vmem>>, vector<1x16xf32>,
      %swap3A_81 = arith.index_cast %add3A_44 : i32 to index
      %swap3A_82 = arith.constant 80 : index
      %swap3A_83 = tpu.vector_load %arg13[%swap3A_81, %swap3A_82] {strides = array<i32>} : memref<128x256xf32, #tpu.memory_space<vmem>>, vector<1x16xf32>,
      %swap3A_84 = vector.shape_cast %swap3A_83 : vector<1x16xf32> to vector<16xf32>
      %swap3A_85 = vector.shape_cast %broadcast_in_dim3A_56 : vector<16xf32> to vector<1x16xf32>
      tpu.vector_store %arg13[%swap3A_81, %swap3A_82], %swap3A_85 {strides = array<i32>} : memref<128x256xf32, #tpu.memory_space<vmem>>, vector<1x16xf32>,
      %swap3A_86 = arith.index_cast %add3A_44 : i32 to index
      %swap3A_87 = arith.constant 96 : index
      %swap3A_88 = tpu.vector_load %arg13[%swap3A_86, %swap3A_87] {strides = array<i32>} : memref<128x256xf32, #tpu.memory_space<vmem>>, vector<1x16xf32>,
      %swap3A_89 = vector.shape_cast %swap3A_88 : vector<1x16xf32> to vector<16xf32>
      %swap3A_90 = vector.shape_cast %broadcast_in_dim3A_56 : vector<16xf32> to vector<1x16xf32>
      tpu.vector_store %arg13[%swap3A_86, %swap3A_87], %swap3A_90 {strides = array<i32>} : memref<128x256xf32, #tpu.memory_space<vmem>>, vector<1x16xf32>,
      %swap3A_91 = arith.index_cast %add3A_44 : i32 to index
      %swap3A_92 = arith.constant 112 : index
      %swap3A_93 = tpu.vector_load %arg13[%swap3A_91, %swap3A_92] {strides = array<i32>} : memref<128x256xf32, #tpu.memory_space<vmem>>, vector<1x16xf32>,
      %swap3A_94 = vector.shape_cast %swap3A_93 : vector<1x16xf32> to vector<16xf32>
      %swap3A_95 = vector.shape_cast %broadcast_in_dim3A_56 : vector<16xf32> to vector<1x16xf32>
      tpu.vector_store %arg13[%swap3A_91, %swap3A_92], %swap3A_95 {strides = array<i32>} : memref<128x256xf32, #tpu.memory_space<vmem>>, vector<1x16xf32>,
      %swap3A_96 = arith.index_cast %add3A_44 : i32 to index
      %swap3A_97 = arith.constant 128 : index
      %swap3A_98 = tpu.vector_load %arg13[%swap3A_96, %swap3A_97] {strides = array<i32>} : memref<128x256xf32, #tpu.memory_space<vmem>>, vector<1x16xf32>,
      %swap3A_99 = vector.shape_cast %swap3A_98 : vector<1x16xf32> to vector<16xf32>
      %swap3A_100 = vector.shape_cast %broadcast_in_dim3A_56 : vector<16xf32> to vector<1x16xf32>
      tpu.vector_store %arg13[%swap3A_96, %swap3A_97], %swap3A_100 {strides = array<i32>} : memref<128x256xf32, #tpu.memory_space<vmem>>, vector<1x16xf32>,
      %swap3A_101 = arith.index_cast %add3A_44 : i32 to index
      %swap3A_102 = arith.constant 144 : index
      %swap3A_103 = tpu.vector_load %arg13[%swap3A_101, %swap3A_102] {strides = array<i32>} : memref<128x256xf32, #tpu.memory_space<vmem>>, vector<1x16xf32>,
      %swap3A_104 = vector.shape_cast %swap3A_103 : vector<1x16xf32> to vector<16xf32>
      %swap3A_105 = vector.shape_cast %broadcast_in_dim3A_56 : vector<16xf32> to vector<1x16xf32>
      tpu.vector_store %arg13[%swap3A_101, %swap3A_102], %swap3A_105 {strides = array<i32>} : memref<128x256xf32, #tpu.memory_space<vmem>>, vector<1x16xf32>,
      %swap3A_106 = arith.index_cast %add3A_44 : i32 to index
      %swap3A_107 = arith.constant 160 : index
      %swap3A_108 = tpu.vector_load %arg13[%swap3A_106, %swap3A_107] {strides = array<i32>} : memref<128x256xf32, #tpu.memory_space<vmem>>, vector<1x16xf32>,
      %swap3A_109 = vector.shape_cast %swap3A_108 : vector<1x16xf32> to vector<16xf32>
      %swap3A_110 = vector.shape_cast %broadcast_in_dim3A_56 : vector<16xf32> to vector<1x16xf32>
      tpu.vector_store %arg13[%swap3A_106, %swap3A_107], %swap3A_110 {strides = array<i32>} : memref<128x256xf32, #tpu.memory_space<vmem>>, vector<1x16xf32>,
      %swap3A_111 = arith.index_cast %add3A_44 : i32 to index
      %swap3A_112 = arith.constant 176 : index
      %swap3A_113 = tpu.vector_load %arg13[%swap3A_111, %swap3A_112] {strides = array<i32>} : memref<128x256xf32, #tpu.memory_space<vmem>>, vector<1x16xf32>,
      %swap3A_114 = vector.shape_cast %swap3A_113 : vector<1x16xf32> to vector<16xf32>
      %swap3A_115 = vector.shape_cast %broadcast_in_dim3A_56 : vector<16xf32> to vector<1x16xf32>
      tpu.vector_store %arg13[%swap3A_111, %swap3A_112], %swap3A_115 {strides = array<i32>} : memref<128x256xf32, #tpu.memory_space<vmem>>, vector<1x16xf32>,
      %swap3A_116 = arith.index_cast %add3A_44 : i32 to index
      %swap3A_117 = arith.constant 192 : index
      %swap3A_118 = tpu.vector_load %arg13[%swap3A_116, %swap3A_117] {strides = array<i32>} : memref<128x256xf32, #tpu.memory_space<vmem>>, vector<1x16xf32>,
      %swap3A_119 = vector.shape_cast %swap3A_118 : vector<1x16xf32> to vector<16xf32>
      %swap3A_120 = vector.shape_cast %broadcast_in_dim3A_56 : vector<16xf32> to vector<1x16xf32>
      tpu.vector_store %arg13[%swap3A_116, %swap3A_117], %swap3A_120 {strides = array<i32>} : memref<128x256xf32, #tpu.memory_space<vmem>>, vector<1x16xf32>,
      %swap3A_121 = arith.index_cast %add3A_44 : i32 to index
      %swap3A_122 = arith.constant 208 : index
      %swap3A_123 = tpu.vector_load %arg13[%swap3A_121, %swap3A_122] {strides = array<i32>} : memref<128x256xf32, #tpu.memory_space<vmem>>, vector<1x16xf32>,
      %swap3A_124 = vector.shape_cast %swap3A_123 : vector<1x16xf32> to vector<16xf32>
      %swap3A_125 = vector.shape_cast %broadcast_in_dim3A_56 : vector<16xf32> to vector<1x16xf32>
      tpu.vector_store %arg13[%swap3A_121, %swap3A_122], %swap3A_125 {strides = array<i32>} : memref<128x256xf32, #tpu.memory_space<vmem>>, vector<1x16xf32>,
      %swap3A_126 = arith.index_cast %add3A_44 : i32 to index
      %swap3A_127 = arith.constant 224 : index
      %swap3A_128 = tpu.vector_load %arg13[%swap3A_126, %swap3A_127] {strides = array<i32>} : memref<128x256xf32, #tpu.memory_space<vmem>>, vector<1x16xf32>,
      %swap3A_129 = vector.shape_cast %swap3A_128 : vector<1x16xf32> to vector<16xf32>
      %swap3A_130 = vector.shape_cast %broadcast_in_dim3A_56 : vector<16xf32> to vector<1x16xf32>
      tpu.vector_store %arg13[%swap3A_126, %swap3A_127], %swap3A_130 {strides = array<i32>} : memref<128x256xf32, #tpu.memory_space<vmem>>, vector<1x16xf32>,
      %swap3A_131 = arith.index_cast %add3A_44 : i32 to index
      %swap3A_132 = arith.constant 240 : index
      %swap3A_133 = tpu.vector_load %arg13[%swap3A_131, %swap3A_132] {strides = array<i32>} : memref<128x256xf32, #tpu.memory_space<vmem>>, vector<1x16xf32>,
      %swap3A_134 = vector.shape_cast %swap3A_133 : vector<1x16xf32> to vector<16xf32>
      %swap3A_135 = vector.shape_cast %broadcast_in_dim3A_56 : vector<16xf32> to vector<1x16xf32>
      tpu.vector_store %arg13[%swap3A_131, %swap3A_132], %swap3A_135 {strides = array<i32>} : memref<128x256xf32, #tpu.memory_space<vmem>>, vector<1x16xf32>,
      %scan3A_136 = arith.constant 0 : i32
      %scan3A_137 = arith.constant 0 : i32
      %scan3A_138 = arith.constant 0 : i32
      %scan3A_139 = arith.constant 16 : i32
      %scan3A_140 = arith.addi %scan3A_138, %scan3A_139 : i32
      %scan3A_141 = arith.constant 1 : i32
      scf.for %scan3A_256 = %scan3A_138 to %scan3A_140 step %scan3A_141  : i32 {
        %broadcast_in_dim3A_257 = arith.constant 0.000000e+00 : f32
        %broadcast_in_dim3A_258 = vector.broadcast %broadcast_in_dim3A_257 : f32 to vector<16xf32>
        %mul3A_259 = arith.constant 4 : i32
        %mul3A_260 = arith.muli %mul3A_259, %scan3A_256 : i32
        %add3A_261 = arith.constant 0 : i32
        %add3A_262 = arith.addi %mul3A_260, %add3A_261 : i32
        %get3A_263 = arith.constant 0 : i32
        %get3A_264 = arith.constant 0 : i32
        %get3A_265 = tpu.memref_slice %arg11[%scan3A_137, %get3A_263, %get3A_264] : memref<2x64x256xf32, #tpu.memory_space<vmem>> -> memref<1x64x256xf32, #tpu.memory_space<vmem>>
        %get3A_266 = tpu.memref_squeeze %get3A_265 : memref<1x64x256xf32, #tpu.memory_space<vmem>> -> memref<64x256xf32, #tpu.memory_space<vmem>>
        %get3A_267 = arith.index_cast %add3A_262 : i32 to index
        %get3A_268 = arith.constant 0 : index
        %get3A_269 = tpu.vector_load %get3A_266[%get3A_267, %get3A_268] {strides = array<i32>} : memref<64x256xf32, #tpu.memory_space<vmem>>, vector<1x16xf32>,
        %get3A_270 = vector.shape_cast %get3A_269 : vector<1x16xf32> to vector<16xf32>
        %mul3A_271 = arith.constant 4 : i32
        %mul3A_272 = arith.muli %mul3A_271, %scan3A_256 : i32
        %add3A_273 = arith.constant 1 : i32
        %add3A_274 = arith.addi %mul3A_272, %add3A_273 : i32
        %get3A_275 = arith.constant 0 : i32
        %get3A_276 = arith.constant 0 : i32
        %get3A_277 = tpu.memref_slice %arg11[%scan3A_137, %get3A_275, %get3A_276] : memref<2x64x256xf32, #tpu.memory_space<vmem>> -> memref<1x64x256xf32, #tpu.memory_space<vmem>>
        %get3A_278 = tpu.memref_squeeze %get3A_277 : memref<1x64x256xf32, #tpu.memory_space<vmem>> -> memref<64x256xf32, #tpu.memory_space<vmem>>
        %get3A_279 = arith.index_cast %add3A_274 : i32 to index
        %get3A_280 = arith.constant 0 : index
        %get3A_281 = tpu.vector_load %get3A_278[%get3A_279, %get3A_280] {strides = array<i32>} : memref<64x256xf32, #tpu.memory_space<vmem>>, vector<1x16xf32>,
        %get3A_282 = vector.shape_cast %get3A_281 : vector<1x16xf32> to vector<16xf32>
        %mul3A_283 = arith.constant 4 : i32
        %mul3A_284 = arith.muli %mul3A_283, %scan3A_256 : i32
        %add3A_285 = arith.constant 2 : i32
        %add3A_286 = arith.addi %mul3A_284, %add3A_285 : i32
        %get3A_287 = arith.constant 0 : i32
        %get3A_288 = arith.constant 0 : i32
        %get3A_289 = tpu.memref_slice %arg11[%scan3A_137, %get3A_287, %get3A_288] : memref<2x64x256xf32, #tpu.memory_space<vmem>> -> memref<1x64x256xf32, #tpu.memory_space<vmem>>
        %get3A_290 = tpu.memref_squeeze %get3A_289 : memref<1x64x256xf32, #tpu.memory_space<vmem>> -> memref<64x256xf32, #tpu.memory_space<vmem>>
        %get3A_291 = arith.index_cast %add3A_286 : i32 to index
        %get3A_292 = arith.constant 0 : index
        %get3A_293 = tpu.vector_load %get3A_290[%get3A_291, %get3A_292] {strides = array<i32>} : memref<64x256xf32, #tpu.memory_space<vmem>>, vector<1x16xf32>,
        %get3A_294 = vector.shape_cast %get3A_293 : vector<1x16xf32> to vector<16xf32>
        %mul3A_295 = arith.constant 4 : i32
        %mul3A_296 = arith.muli %mul3A_295, %scan3A_256 : i32
        %add3A_297 = arith.constant 3 : i32
        %add3A_298 = arith.addi %mul3A_296, %add3A_297 : i32
        %get3A_299 = arith.constant 0 : i32
        %get3A_300 = arith.constant 0 : i32
        %get3A_301 = tpu.memref_slice %arg11[%scan3A_137, %get3A_299, %get3A_300] : memref<2x64x256xf32, #tpu.memory_space<vmem>> -> memref<1x64x256xf32, #tpu.memory_space<vmem>>
        %get3A_302 = tpu.memref_squeeze %get3A_301 : memref<1x64x256xf32, #tpu.memory_space<vmem>> -> memref<64x256xf32, #tpu.memory_space<vmem>>
        %get3A_303 = arith.index_cast %add3A_298 : i32 to index
        %get3A_304 = arith.constant 0 : index
        %get3A_305 = tpu.vector_load %get3A_302[%get3A_303, %get3A_304] {strides = array<i32>} : memref<64x256xf32, #tpu.memory_space<vmem>>, vector<1x16xf32>,
        %get3A_306 = vector.shape_cast %get3A_305 : vector<1x16xf32> to vector<16xf32>
        %add3A_307 = arith.addf %get3A_270, %get3A_282 : vector<16xf32>
        %add3A_308 = arith.addf %get3A_294, %get3A_306 : vector<16xf32>
        %add3A_309 = arith.addf %add3A_307, %add3A_308 : vector<16xf32>
        %mul3A_310 = arith.mulf %get3A_270, %get3A_270 : vector<16xf32>
        %mul3A_311 = arith.mulf %get3A_282, %get3A_282 : vector<16xf32>
        %add3A_312 = arith.addf %mul3A_310, %mul3A_311 : vector<16xf32>
        %mul3A_313 = arith.mulf %get3A_294, %get3A_294 : vector<16xf32>
        %mul3A_314 = arith.mulf %get3A_306, %get3A_306 : vector<16xf32>
        %add3A_315 = arith.addf %mul3A_313, %mul3A_314 : vector<16xf32>
        %add3A_316 = arith.addf %add3A_312, %add3A_315 : vector<16xf32>
        %mul3A_317 = arith.constant 2.500000e-01 : f32
        %mul3A_318 = vector.broadcast %mul3A_317 : f32 to vector<16xf32>
        %mul3A_319 = arith.mulf %add3A_309, %mul3A_318 : vector<16xf32>
        %mul3A_320 = arith.constant 2.500000e-01 : f32
        %mul3A_321 = vector.broadcast %mul3A_320 : f32 to vector<16xf32>
        %mul3A_322 = arith.mulf %add3A_316, %mul3A_321 : vector<16xf32>
        %mul3A_323 = arith.mulf %mul3A_319, %mul3A_319 : vector<16xf32>
        %sub3A = arith.subf %mul3A_322, %mul3A_323 : vector<16xf32>
        %add3A_324 = arith.addf %broadcast_in_dim3A_258, %sub3A : vector<16xf32>
        %mul3A_325 = arith.mulf %get3A_270, %get3A_282 : vector<16xf32>
        %mul3A_326 = arith.mulf %mul3A_325, %get3A_294 : vector<16xf32>
        %mul3A_327 = arith.constant 4 : i32
        %mul3A_328 = arith.muli %mul3A_327, %scan3A_256 : i32
        %add3A_329 = arith.constant 0 : i32
        %add3A_330 = arith.addi %mul3A_328, %add3A_329 : i32
        %get3A_331 = arith.constant 0 : i32
        %get3A_332 = arith.constant 0 : i32
        %get3A_333 = tpu.memref_slice %arg11[%scan3A_137, %get3A_331, %get3A_332] : memref<2x64x256xf32, #tpu.memory_space<vmem>> -> memref<1x64x256xf32, #tpu.memory_space<vmem>>
        %get3A_334 = tpu.memref_squeeze %get3A_333 : memref<1x64x256xf32, #tpu.memory_space<vmem>> -> memref<64x256xf32, #tpu.memory_space<vmem>>
        %get3A_335 = arith.index_cast %add3A_330 : i32 to index
        %get3A_336 = arith.constant 16 : index
        %get3A_337 = tpu.vector_load %get3A_334[%get3A_335, %get3A_336] {strides = array<i32>} : memref<64x256xf32, #tpu.memory_space<vmem>>, vector<1x16xf32>,
        %get3A_338 = vector.shape_cast %get3A_337 : vector<1x16xf32> to vector<16xf32>
        %mul3A_339 = arith.constant 4 : i32
        %mul3A_340 = arith.muli %mul3A_339, %scan3A_256 : i32
        %add3A_341 = arith.constant 1 : i32
        %add3A_342 = arith.addi %mul3A_340, %add3A_341 : i32
        %get3A_343 = arith.constant 0 : i32
        %get3A_344 = arith.constant 0 : i32
        %get3A_345 = tpu.memref_slice %arg11[%scan3A_137, %get3A_343, %get3A_344] : memref<2x64x256xf32, #tpu.memory_space<vmem>> -> memref<1x64x256xf32, #tpu.memory_space<vmem>>
        %get3A_346 = tpu.memref_squeeze %get3A_345 : memref<1x64x256xf32, #tpu.memory_space<vmem>> -> memref<64x256xf32, #tpu.memory_space<vmem>>
        %get3A_347 = arith.index_cast %add3A_342 : i32 to index
        %get3A_348 = arith.constant 16 : index
        %get3A_349 = tpu.vector_load %get3A_346[%get3A_347, %get3A_348] {strides = array<i32>} : memref<64x256xf32, #tpu.memory_space<vmem>>, vector<1x16xf32>,
        %get3A_350 = vector.shape_cast %get3A_349 : vector<1x16xf32> to vector<16xf32>
        %mul3A_351 = arith.constant 4 : i32
        %mul3A_352 = arith.muli %mul3A_351, %scan3A_256 : i32
        %add3A_353 = arith.constant 2 : i32
        %add3A_354 = arith.addi %mul3A_352, %add3A_353 : i32
        %get3A_355 = arith.constant 0 : i32
        %get3A_356 = arith.constant 0 : i32
        %get3A_357 = tpu.memref_slice %arg11[%scan3A_137, %get3A_355, %get3A_356] : memref<2x64x256xf32, #tpu.memory_space<vmem>> -> memref<1x64x256xf32, #tpu.memory_space<vmem>>
        %get3A_358 = tpu.memref_squeeze %get3A_357 : memref<1x64x256xf32, #tpu.memory_space<vmem>> -> memref<64x256xf32, #tpu.memory_space<vmem>>
        %get3A_359 = arith.index_cast %add3A_354 : i32 to index
        %get3A_360 = arith.constant 16 : index
        %get3A_361 = tpu.vector_load %get3A_358[%get3A_359, %get3A_360] {strides = array<i32>} : memref<64x256xf32, #tpu.memory_space<vmem>>, vector<1x16xf32>,
        %get3A_362 = vector.shape_cast %get3A_361 : vector<1x16xf32> to vector<16xf32>
        %mul3A_363 = arith.constant 4 : i32
        %mul3A_364 = arith.muli %mul3A_363, %scan3A_256 : i32
        %add3A_365 = arith.constant 3 : i32
        %add3A_366 = arith.addi %mul3A_364, %add3A_365 : i32
        %get3A_367 = arith.constant 0 : i32
        %get3A_368 = arith.constant 0 : i32
        %get3A_369 = tpu.memref_slice %arg11[%scan3A_137, %get3A_367, %get3A_368] : memref<2x64x256xf32, #tpu.memory_space<vmem>> -> memref<1x64x256xf32, #tpu.memory_space<vmem>>
        %get3A_370 = tpu.memref_squeeze %get3A_369 : memref<1x64x256xf32, #tpu.memory_space<vmem>> -> memref<64x256xf32, #tpu.memory_space<vmem>>
        %get3A_371 = arith.index_cast %add3A_366 : i32 to index
        %get3A_372 = arith.constant 16 : index
        %get3A_373 = tpu.vector_load %get3A_370[%get3A_371, %get3A_372] {strides = array<i32>} : memref<64x256xf32, #tpu.memory_space<vmem>>, vector<1x16xf32>,
        %get3A_374 = vector.shape_cast %get3A_373 : vector<1x16xf32> to vector<16xf32>
        %add3A_375 = arith.addf %get3A_338, %get3A_350 : vector<16xf32>
        %add3A_376 = arith.addf %get3A_362, %get3A_374 : vector<16xf32>
        %add3A_377 = arith.addf %add3A_375, %add3A_376 : vector<16xf32>
        %mul3A_378 = arith.mulf %get3A_338, %get3A_338 : vector<16xf32>
        %mul3A_379 = arith.mulf %get3A_350, %get3A_350 : vector<16xf32>
        %add3A_380 = arith.addf %mul3A_378, %mul3A_379 : vector<16xf32>
        %mul3A_381 = arith.mulf %get3A_362, %get3A_362 : vector<16xf32>
        %mul3A_382 = arith.mulf %get3A_374, %get3A_374 : vector<16xf32>
        %add3A_383 = arith.addf %mul3A_381, %mul3A_382 : vector<16xf32>
        %add3A_384 = arith.addf %add3A_380, %add3A_383 : vector<16xf32>
        %mul3A_385 = arith.constant 2.500000e-01 : f32
        %mul3A_386 = vector.broadcast %mul3A_385 : f32 to vector<16xf32>
        %mul3A_387 = arith.mulf %add3A_377, %mul3A_386 : vector<16xf32>
        %mul3A_388 = arith.constant 2.500000e-01 : f32
        %mul3A_389 = vector.broadcast %mul3A_388 : f32 to vector<16xf32>
        %mul3A_390 = arith.mulf %add3A_384, %mul3A_389 : vector<16xf32>
        %mul3A_391 = arith.mulf %mul3A_387, %mul3A_387 : vector<16xf32>
        %sub3A_392 = arith.subf %mul3A_390, %mul3A_391 : vector<16xf32>
        %add3A_393 = arith.addf %add3A_324, %sub3A_392 : vector<16xf32>
        %mul3A_394 = arith.mulf %get3A_338, %get3A_350 : vector<16xf32>
        %mul3A_395 = arith.mulf %mul3A_394, %get3A_362 : vector<16xf32>
        %mul3A_396 = arith.constant 4 : i32
        %mul3A_397 = arith.muli %mul3A_396, %scan3A_256 : i32
        %add3A_398 = arith.constant 0 : i32
        %add3A_399 = arith.addi %mul3A_397, %add3A_398 : i32
        %get3A_400 = arith.constant 0 : i32
        %get3A_401 = arith.constant 0 : i32
        %get3A_402 = tpu.memref_slice %arg11[%scan3A_137, %get3A_400, %get3A_401] : memref<2x64x256xf32, #tpu.memory_space<vmem>> -> memref<1x64x256xf32, #tpu.memory_space<vmem>>
        %get3A_403 = tpu.memref_squeeze %get3A_402 : memref<1x64x256xf32, #tpu.memory_space<vmem>> -> memref<64x256xf32, #tpu.memory_space<vmem>>
        %get3A_404 = arith.index_cast %add3A_399 : i32 to index
        %get3A_405 = arith.constant 32 : index
        %get3A_406 = tpu.vector_load %get3A_403[%get3A_404, %get3A_405] {strides = array<i32>} : memref<64x256xf32, #tpu.memory_space<vmem>>, vector<1x16xf32>,
        %get3A_407 = vector.shape_cast %get3A_406 : vector<1x16xf32> to vector<16xf32>
        %mul3A_408 = arith.constant 4 : i32
        %mul3A_409 = arith.muli %mul3A_408, %scan3A_256 : i32
        %add3A_410 = arith.constant 1 : i32
        %add3A_411 = arith.addi %mul3A_409, %add3A_410 : i32
        %get3A_412 = arith.constant 0 : i32
        %get3A_413 = arith.constant 0 : i32
        %get3A_414 = tpu.memref_slice %arg11[%scan3A_137, %get3A_412, %get3A_413] : memref<2x64x256xf32, #tpu.memory_space<vmem>> -> memref<1x64x256xf32, #tpu.memory_space<vmem>>
        %get3A_415 = tpu.memref_squeeze %get3A_414 : memref<1x64x256xf32, #tpu.memory_space<vmem>> -> memref<64x256xf32, #tpu.memory_space<vmem>>
        %get3A_416 = arith.index_cast %add3A_411 : i32 to index
        %get3A_417 = arith.constant 32 : index
        %get3A_418 = tpu.vector_load %get3A_415[%get3A_416, %get3A_417] {strides = array<i32>} : memref<64x256xf32, #tpu.memory_space<vmem>>, vector<1x16xf32>,
        %get3A_419 = vector.shape_cast %get3A_418 : vector<1x16xf32> to vector<16xf32>
        %mul3A_420 = arith.constant 4 : i32
        %mul3A_421 = arith.muli %mul3A_420, %scan3A_256 : i32
        %add3A_422 = arith.constant 2 : i32
        %add3A_423 = arith.addi %mul3A_421, %add3A_422 : i32
        %get3A_424 = arith.constant 0 : i32
        %get3A_425 = arith.constant 0 : i32
        %get3A_426 = tpu.memref_slice %arg11[%scan3A_137, %get3A_424, %get3A_425] : memref<2x64x256xf32, #tpu.memory_space<vmem>> -> memref<1x64x256xf32, #tpu.memory_space<vmem>>
        %get3A_427 = tpu.memref_squeeze %get3A_426 : memref<1x64x256xf32, #tpu.memory_space<vmem>> -> memref<64x256xf32, #tpu.memory_space<vmem>>
        %get3A_428 = arith.index_cast %add3A_423 : i32 to index
        %get3A_429 = arith.constant 32 : index
        %get3A_430 = tpu.vector_load %get3A_427[%get3A_428, %get3A_429] {strides = array<i32>} : memref<64x256xf32, #tpu.memory_space<vmem>>, vector<1x16xf32>,
        %get3A_431 = vector.shape_cast %get3A_430 : vector<1x16xf32> to vector<16xf32>
        %mul3A_432 = arith.constant 4 : i32
        %mul3A_433 = arith.muli %mul3A_432, %scan3A_256 : i32
        %add3A_434 = arith.constant 3 : i32
        %add3A_435 = arith.addi %mul3A_433, %add3A_434 : i32
        %get3A_436 = arith.constant 0 : i32
        %get3A_437 = arith.constant 0 : i32
        %get3A_438 = tpu.memref_slice %arg11[%scan3A_137, %get3A_436, %get3A_437] : memref<2x64x256xf32, #tpu.memory_space<vmem>> -> memref<1x64x256xf32, #tpu.memory_space<vmem>>
        %get3A_439 = tpu.memref_squeeze %get3A_438 : memref<1x64x256xf32, #tpu.memory_space<vmem>> -> memref<64x256xf32, #tpu.memory_space<vmem>>
        %get3A_440 = arith.index_cast %add3A_435 : i32 to index
        %get3A_441 = arith.constant 32 : index
        %get3A_442 = tpu.vector_load %get3A_439[%get3A_440, %get3A_441] {strides = array<i32>} : memref<64x256xf32, #tpu.memory_space<vmem>>, vector<1x16xf32>,
        %get3A_443 = vector.shape_cast %get3A_442 : vector<1x16xf32> to vector<16xf32>
        %add3A_444 = arith.addf %get3A_407, %get3A_419 : vector<16xf32>
        %add3A_445 = arith.addf %get3A_431, %get3A_443 : vector<16xf32>
        %add3A_446 = arith.addf %add3A_444, %add3A_445 : vector<16xf32>
        %mul3A_447 = arith.mulf %get3A_407, %get3A_407 : vector<16xf32>
        %mul3A_448 = arith.mulf %get3A_419, %get3A_419 : vector<16xf32>
        %add3A_449 = arith.addf %mul3A_447, %mul3A_448 : vector<16xf32>
        %mul3A_450 = arith.mulf %get3A_431, %get3A_431 : vector<16xf32>
        %mul3A_451 = arith.mulf %get3A_443, %get3A_443 : vector<16xf32>
        %add3A_452 = arith.addf %mul3A_450, %mul3A_451 : vector<16xf32>
        %add3A_453 = arith.addf %add3A_449, %add3A_452 : vector<16xf32>
        %mul3A_454 = arith.constant 2.500000e-01 : f32
        %mul3A_455 = vector.broadcast %mul3A_454 : f32 to vector<16xf32>
        %mul3A_456 = arith.mulf %add3A_446, %mul3A_455 : vector<16xf32>
        %mul3A_457 = arith.constant 2.500000e-01 : f32
        %mul3A_458 = vector.broadcast %mul3A_457 : f32 to vector<16xf32>
        %mul3A_459 = arith.mulf %add3A_453, %mul3A_458 : vector<16xf32>
        %mul3A_460 = arith.mulf %mul3A_456, %mul3A_456 : vector<16xf32>
        %sub3A_461 = arith.subf %mul3A_459, %mul3A_460 : vector<16xf32>
        %add3A_462 = arith.addf %add3A_393, %sub3A_461 : vector<16xf32>
        %mul3A_463 = arith.mulf %get3A_407, %get3A_419 : vector<16xf32>
        %mul3A_464 = arith.mulf %mul3A_463, %get3A_431 : vector<16xf32>
        %mul3A_465 = arith.constant 4 : i32
        %mul3A_466 = arith.muli %mul3A_465, %scan3A_256 : i32
        %add3A_467 = arith.constant 0 : i32
        %add3A_468 = arith.addi %mul3A_466, %add3A_467 : i32
        %get3A_469 = arith.constant 0 : i32
        %get3A_470 = arith.constant 0 : i32
        %get3A_471 = tpu.memref_slice %arg11[%scan3A_137, %get3A_469, %get3A_470] : memref<2x64x256xf32, #tpu.memory_space<vmem>> -> memref<1x64x256xf32, #tpu.memory_space<vmem>>
        %get3A_472 = tpu.memref_squeeze %get3A_471 : memref<1x64x256xf32, #tpu.memory_space<vmem>> -> memref<64x256xf32, #tpu.memory_space<vmem>>
        %get3A_473 = arith.index_cast %add3A_468 : i32 to index
        %get3A_474 = arith.constant 48 : index
        %get3A_475 = tpu.vector_load %get3A_472[%get3A_473, %get3A_474] {strides = array<i32>} : memref<64x256xf32, #tpu.memory_space<vmem>>, vector<1x16xf32>,
        %get3A_476 = vector.shape_cast %get3A_475 : vector<1x16xf32> to vector<16xf32>
        %mul3A_477 = arith.constant 4 : i32
        %mul3A_478 = arith.muli %mul3A_477, %scan3A_256 : i32
        %add3A_479 = arith.constant 1 : i32
        %add3A_480 = arith.addi %mul3A_478, %add3A_479 : i32
        %get3A_481 = arith.constant 0 : i32
        %get3A_482 = arith.constant 0 : i32
        %get3A_483 = tpu.memref_slice %arg11[%scan3A_137, %get3A_481, %get3A_482] : memref<2x64x256xf32, #tpu.memory_space<vmem>> -> memref<1x64x256xf32, #tpu.memory_space<vmem>>
        %get3A_484 = tpu.memref_squeeze %get3A_483 : memref<1x64x256xf32, #tpu.memory_space<vmem>> -> memref<64x256xf32, #tpu.memory_space<vmem>>
        %get3A_485 = arith.index_cast %add3A_480 : i32 to index
        %get3A_486 = arith.constant 48 : index
        %get3A_487 = tpu.vector_load %get3A_484[%get3A_485, %get3A_486] {strides = array<i32>} : memref<64x256xf32, #tpu.memory_space<vmem>>, vector<1x16xf32>,
        %get3A_488 = vector.shape_cast %get3A_487 : vector<1x16xf32> to vector<16xf32>
        %mul3A_489 = arith.constant 4 : i32
        %mul3A_490 = arith.muli %mul3A_489, %scan3A_256 : i32
        %add3A_491 = arith.constant 2 : i32
        %add3A_492 = arith.addi %mul3A_490, %add3A_491 : i32
        %get3A_493 = arith.constant 0 : i32
        %get3A_494 = arith.constant 0 : i32
        %get3A_495 = tpu.memref_slice %arg11[%scan3A_137, %get3A_493, %get3A_494] : memref<2x64x256xf32, #tpu.memory_space<vmem>> -> memref<1x64x256xf32, #tpu.memory_space<vmem>>
        %get3A_496 = tpu.memref_squeeze %get3A_495 : memref<1x64x256xf32, #tpu.memory_space<vmem>> -> memref<64x256xf32, #tpu.memory_space<vmem>>
        %get3A_497 = arith.index_cast %add3A_492 : i32 to index
        %get3A_498 = arith.constant 48 : index
        %get3A_499 = tpu.vector_load %get3A_496[%get3A_497, %get3A_498] {strides = array<i32>} : memref<64x256xf32, #tpu.memory_space<vmem>>, vector<1x16xf32>,
        %get3A_500 = vector.shape_cast %get3A_499 : vector<1x16xf32> to vector<16xf32>
        %mul3A_501 = arith.constant 4 : i32
        %mul3A_502 = arith.muli %mul3A_501, %scan3A_256 : i32
        %add3A_503 = arith.constant 3 : i32
        %add3A_504 = arith.addi %mul3A_502, %add3A_503 : i32
        %get3A_505 = arith.constant 0 : i32
        %get3A_506 = arith.constant 0 : i32
        %get3A_507 = tpu.memref_slice %arg11[%scan3A_137, %get3A_505, %get3A_506] : memref<2x64x256xf32, #tpu.memory_space<vmem>> -> memref<1x64x256xf32, #tpu.memory_space<vmem>>
        %get3A_508 = tpu.memref_squeeze %get3A_507 : memref<1x64x256xf32, #tpu.memory_space<vmem>> -> memref<64x256xf32, #tpu.memory_space<vmem>>
        %get3A_509 = arith.index_cast %add3A_504 : i32 to index
        %get3A_510 = arith.constant 48 : index
        %get3A_511 = tpu.vector_load %get3A_508[%get3A_509, %get3A_510] {strides = array<i32>} : memref<64x256xf32, #tpu.memory_space<vmem>>, vector<1x16xf32>,
        %get3A_512 = vector.shape_cast %get3A_511 : vector<1x16xf32> to vector<16xf32>
        %add3A_513 = arith.addf %get3A_476, %get3A_488 : vector<16xf32>
        %add3A_514 = arith.addf %get3A_500, %get3A_512 : vector<16xf32>
        %add3A_515 = arith.addf %add3A_513, %add3A_514 : vector<16xf32>
        %mul3A_516 = arith.mulf %get3A_476, %get3A_476 : vector<16xf32>
        %mul3A_517 = arith.mulf %get3A_488, %get3A_488 : vector<16xf32>
        %add3A_518 = arith.addf %mul3A_516, %mul3A_517 : vector<16xf32>
        %mul3A_519 = arith.mulf %get3A_500, %get3A_500 : vector<16xf32>
        %mul3A_520 = arith.mulf %get3A_512, %get3A_512 : vector<16xf32>
        %add3A_521 = arith.addf %mul3A_519, %mul3A_520 : vector<16xf32>
        %add3A_522 = arith.addf %add3A_518, %add3A_521 : vector<16xf32>
        %mul3A_523 = arith.constant 2.500000e-01 : f32
        %mul3A_524 = vector.broadcast %mul3A_523 : f32 to vector<16xf32>
        %mul3A_525 = arith.mulf %add3A_515, %mul3A_524 : vector<16xf32>
        %mul3A_526 = arith.constant 2.500000e-01 : f32
        %mul3A_527 = vector.broadcast %mul3A_526 : f32 to vector<16xf32>
        %mul3A_528 = arith.mulf %add3A_522, %mul3A_527 : vector<16xf32>
        %mul3A_529 = arith.mulf %mul3A_525, %mul3A_525 : vector<16xf32>
        %sub3A_530 = arith.subf %mul3A_528, %mul3A_529 : vector<16xf32>
        %add3A_531 = arith.addf %add3A_462, %sub3A_530 : vector<16xf32>
        %mul3A_532 = arith.mulf %get3A_476, %get3A_488 : vector<16xf32>
        %mul3A_533 = arith.mulf %mul3A_532, %get3A_500 : vector<16xf32>
        %mul3A_534 = arith.constant 4 : i32
        %mul3A_535 = arith.muli %mul3A_534, %scan3A_256 : i32
        %add3A_536 = arith.constant 0 : i32
        %add3A_537 = arith.addi %mul3A_535, %add3A_536 : i32
        %get3A_538 = arith.constant 0 : i32
        %get3A_539 = arith.constant 0 : i32
        %get3A_540 = tpu.memref_slice %arg11[%scan3A_137, %get3A_538, %get3A_539] : memref<2x64x256xf32, #tpu.memory_space<vmem>> -> memref<1x64x256xf32, #tpu.memory_space<vmem>>
        %get3A_541 = tpu.memref_squeeze %get3A_540 : memref<1x64x256xf32, #tpu.memory_space<vmem>> -> memref<64x256xf32, #tpu.memory_space<vmem>>
        %get3A_542 = arith.index_cast %add3A_537 : i32 to index
        %get3A_543 = arith.constant 64 : index
        %get3A_544 = tpu.vector_load %get3A_541[%get3A_542, %get3A_543] {strides = array<i32>} : memref<64x256xf32, #tpu.memory_space<vmem>>, vector<1x16xf32>,
        %get3A_545 = vector.shape_cast %get3A_544 : vector<1x16xf32> to vector<16xf32>
        %mul3A_546 = arith.constant 4 : i32
        %mul3A_547 = arith.muli %mul3A_546, %scan3A_256 : i32
        %add3A_548 = arith.constant 1 : i32
        %add3A_549 = arith.addi %mul3A_547, %add3A_548 : i32
        %get3A_550 = arith.constant 0 : i32
        %get3A_551 = arith.constant 0 : i32
        %get3A_552 = tpu.memref_slice %arg11[%scan3A_137, %get3A_550, %get3A_551] : memref<2x64x256xf32, #tpu.memory_space<vmem>> -> memref<1x64x256xf32, #tpu.memory_space<vmem>>
        %get3A_553 = tpu.memref_squeeze %get3A_552 : memref<1x64x256xf32, #tpu.memory_space<vmem>> -> memref<64x256xf32, #tpu.memory_space<vmem>>
        %get3A_554 = arith.index_cast %add3A_549 : i32 to index
        %get3A_555 = arith.constant 64 : index
        %get3A_556 = tpu.vector_load %get3A_553[%get3A_554, %get3A_555] {strides = array<i32>} : memref<64x256xf32, #tpu.memory_space<vmem>>, vector<1x16xf32>,
        %get3A_557 = vector.shape_cast %get3A_556 : vector<1x16xf32> to vector<16xf32>
        %mul3A_558 = arith.constant 4 : i32
        %mul3A_559 = arith.muli %mul3A_558, %scan3A_256 : i32
        %add3A_560 = arith.constant 2 : i32
        %add3A_561 = arith.addi %mul3A_559, %add3A_560 : i32
        %get3A_562 = arith.constant 0 : i32
        %get3A_563 = arith.constant 0 : i32
        %get3A_564 = tpu.memref_slice %arg11[%scan3A_137, %get3A_562, %get3A_563] : memref<2x64x256xf32, #tpu.memory_space<vmem>> -> memref<1x64x256xf32, #tpu.memory_space<vmem>>
        %get3A_565 = tpu.memref_squeeze %get3A_564 : memref<1x64x256xf32, #tpu.memory_space<vmem>> -> memref<64x256xf32, #tpu.memory_space<vmem>>
        %get3A_566 = arith.index_cast %add3A_561 : i32 to index
        %get3A_567 = arith.constant 64 : index
        %get3A_568 = tpu.vector_load %get3A_565[%get3A_566, %get3A_567] {strides = array<i32>} : memref<64x256xf32, #tpu.memory_space<vmem>>, vector<1x16xf32>,
        %get3A_569 = vector.shape_cast %get3A_568 : vector<1x16xf32> to vector<16xf32>
        %mul3A_570 = arith.constant 4 : i32
        %mul3A_571 = arith.muli %mul3A_570, %scan3A_256 : i32
        %add3A_572 = arith.constant 3 : i32
        %add3A_573 = arith.addi %mul3A_571, %add3A_572 : i32
        %get3A_574 = arith.constant 0 : i32
        %get3A_575 = arith.constant 0 : i32
        %get3A_576 = tpu.memref_slice %arg11[%scan3A_137, %get3A_574, %get3A_575] : memref<2x64x256xf32, #tpu.memory_space<vmem>> -> memref<1x64x256xf32, #tpu.memory_space<vmem>>
        %get3A_577 = tpu.memref_squeeze %get3A_576 : memref<1x64x256xf32, #tpu.memory_space<vmem>> -> memref<64x256xf32, #tpu.memory_space<vmem>>
        %get3A_578 = arith.index_cast %add3A_573 : i32 to index
        %get3A_579 = arith.constant 64 : index
        %get3A_580 = tpu.vector_load %get3A_577[%get3A_578, %get3A_579] {strides = array<i32>} : memref<64x256xf32, #tpu.memory_space<vmem>>, vector<1x16xf32>,
        %get3A_581 = vector.shape_cast %get3A_580 : vector<1x16xf32> to vector<16xf32>
        %add3A_582 = arith.addf %get3A_545, %get3A_557 : vector<16xf32>
        %add3A_583 = arith.addf %get3A_569, %get3A_581 : vector<16xf32>
        %add3A_584 = arith.addf %add3A_582, %add3A_583 : vector<16xf32>
        %mul3A_585 = arith.mulf %get3A_545, %get3A_545 : vector<16xf32>
        %mul3A_586 = arith.mulf %get3A_557, %get3A_557 : vector<16xf32>
        %add3A_587 = arith.addf %mul3A_585, %mul3A_586 : vector<16xf32>
        %mul3A_588 = arith.mulf %get3A_569, %get3A_569 : vector<16xf32>
        %mul3A_589 = arith.mulf %get3A_581, %get3A_581 : vector<16xf32>
        %add3A_590 = arith.addf %mul3A_588, %mul3A_589 : vector<16xf32>
        %add3A_591 = arith.addf %add3A_587, %add3A_590 : vector<16xf32>
        %mul3A_592 = arith.constant 2.500000e-01 : f32
        %mul3A_593 = vector.broadcast %mul3A_592 : f32 to vector<16xf32>
        %mul3A_594 = arith.mulf %add3A_584, %mul3A_593 : vector<16xf32>
        %mul3A_595 = arith.constant 2.500000e-01 : f32
        %mul3A_596 = vector.broadcast %mul3A_595 : f32 to vector<16xf32>
        %mul3A_597 = arith.mulf %add3A_591, %mul3A_596 : vector<16xf32>
        %mul3A_598 = arith.mulf %mul3A_594, %mul3A_594 : vector<16xf32>
        %sub3A_599 = arith.subf %mul3A_597, %mul3A_598 : vector<16xf32>
        %add3A_600 = arith.addf %add3A_531, %sub3A_599 : vector<16xf32>
        %mul3A_601 = arith.mulf %get3A_545, %get3A_557 : vector<16xf32>
        %mul3A_602 = arith.mulf %mul3A_601, %get3A_569 : vector<16xf32>
        %mul3A_603 = arith.constant 4 : i32
        %mul3A_604 = arith.muli %mul3A_603, %scan3A_256 : i32
        %add3A_605 = arith.constant 0 : i32
        %add3A_606 = arith.addi %mul3A_604, %add3A_605 : i32
        %get3A_607 = arith.constant 0 : i32
        %get3A_608 = arith.constant 0 : i32
        %get3A_609 = tpu.memref_slice %arg11[%scan3A_137, %get3A_607, %get3A_608] : memref<2x64x256xf32, #tpu.memory_space<vmem>> -> memref<1x64x256xf32, #tpu.memory_space<vmem>>
        %get3A_610 = tpu.memref_squeeze %get3A_609 : memref<1x64x256xf32, #tpu.memory_space<vmem>> -> memref<64x256xf32, #tpu.memory_space<vmem>>
        %get3A_611 = arith.index_cast %add3A_606 : i32 to index
        %get3A_612 = arith.constant 80 : index
        %get3A_613 = tpu.vector_load %get3A_610[%get3A_611, %get3A_612] {strides = array<i32>} : memref<64x256xf32, #tpu.memory_space<vmem>>, vector<1x16xf32>,
        %get3A_614 = vector.shape_cast %get3A_613 : vector<1x16xf32> to vector<16xf32>
        %mul3A_615 = arith.constant 4 : i32
        %mul3A_616 = arith.muli %mul3A_615, %scan3A_256 : i32
        %add3A_617 = arith.constant 1 : i32
        %add3A_618 = arith.addi %mul3A_616, %add3A_617 : i32
        %get3A_619 = arith.constant 0 : i32
        %get3A_620 = arith.constant 0 : i32
        %get3A_621 = tpu.memref_slice %arg11[%scan3A_137, %get3A_619, %get3A_620] : memref<2x64x256xf32, #tpu.memory_space<vmem>> -> memref<1x64x256xf32, #tpu.memory_space<vmem>>
        %get3A_622 = tpu.memref_squeeze %get3A_621 : memref<1x64x256xf32, #tpu.memory_space<vmem>> -> memref<64x256xf32, #tpu.memory_space<vmem>>
        %get3A_623 = arith.index_cast %add3A_618 : i32 to index
        %get3A_624 = arith.constant 80 : index
        %get3A_625 = tpu.vector_load %get3A_622[%get3A_623, %get3A_624] {strides = array<i32>} : memref<64x256xf32, #tpu.memory_space<vmem>>, vector<1x16xf32>,
        %get3A_626 = vector.shape_cast %get3A_625 : vector<1x16xf32> to vector<16xf32>
        %mul3A_627 = arith.constant 4 : i32
        %mul3A_628 = arith.muli %mul3A_627, %scan3A_256 : i32
        %add3A_629 = arith.constant 2 : i32
        %add3A_630 = arith.addi %mul3A_628, %add3A_629 : i32
        %get3A_631 = arith.constant 0 : i32
        %get3A_632 = arith.constant 0 : i32
        %get3A_633 = tpu.memref_slice %arg11[%scan3A_137, %get3A_631, %get3A_632] : memref<2x64x256xf32, #tpu.memory_space<vmem>> -> memref<1x64x256xf32, #tpu.memory_space<vmem>>
        %get3A_634 = tpu.memref_squeeze %get3A_633 : memref<1x64x256xf32, #tpu.memory_space<vmem>> -> memref<64x256xf32, #tpu.memory_space<vmem>>
        %get3A_635 = arith.index_cast %add3A_630 : i32 to index
        %get3A_636 = arith.constant 80 : index
        %get3A_637 = tpu.vector_load %get3A_634[%get3A_635, %get3A_636] {strides = array<i32>} : memref<64x256xf32, #tpu.memory_space<vmem>>, vector<1x16xf32>,
        %get3A_638 = vector.shape_cast %get3A_637 : vector<1x16xf32> to vector<16xf32>
        %mul3A_639 = arith.constant 4 : i32
        %mul3A_640 = arith.muli %mul3A_639, %scan3A_256 : i32
        %add3A_641 = arith.constant 3 : i32
        %add3A_642 = arith.addi %mul3A_640, %add3A_641 : i32
        %get3A_643 = arith.constant 0 : i32
        %get3A_644 = arith.constant 0 : i32
        %get3A_645 = tpu.memref_slice %arg11[%scan3A_137, %get3A_643, %get3A_644] : memref<2x64x256xf32, #tpu.memory_space<vmem>> -> memref<1x64x256xf32, #tpu.memory_space<vmem>>
        %get3A_646 = tpu.memref_squeeze %get3A_645 : memref<1x64x256xf32, #tpu.memory_space<vmem>> -> memref<64x256xf32, #tpu.memory_space<vmem>>
        %get3A_647 = arith.index_cast %add3A_642 : i32 to index
        %get3A_648 = arith.constant 80 : index
        %get3A_649 = tpu.vector_load %get3A_646[%get3A_647, %get3A_648] {strides = array<i32>} : memref<64x256xf32, #tpu.memory_space<vmem>>, vector<1x16xf32>,
        %get3A_650 = vector.shape_cast %get3A_649 : vector<1x16xf32> to vector<16xf32>
        %add3A_651 = arith.addf %get3A_614, %get3A_626 : vector<16xf32>
        %add3A_652 = arith.addf %get3A_638, %get3A_650 : vector<16xf32>
        %add3A_653 = arith.addf %add3A_651, %add3A_652 : vector<16xf32>
        %mul3A_654 = arith.mulf %get3A_614, %get3A_614 : vector<16xf32>
        %mul3A_655 = arith.mulf %get3A_626, %get3A_626 : vector<16xf32>
        %add3A_656 = arith.addf %mul3A_654, %mul3A_655 : vector<16xf32>
        %mul3A_657 = arith.mulf %get3A_638, %get3A_638 : vector<16xf32>
        %mul3A_658 = arith.mulf %get3A_650, %get3A_650 : vector<16xf32>
        %add3A_659 = arith.addf %mul3A_657, %mul3A_658 : vector<16xf32>
        %add3A_660 = arith.addf %add3A_656, %add3A_659 : vector<16xf32>
        %mul3A_661 = arith.constant 2.500000e-01 : f32
        %mul3A_662 = vector.broadcast %mul3A_661 : f32 to vector<16xf32>
        %mul3A_663 = arith.mulf %add3A_653, %mul3A_662 : vector<16xf32>
        %mul3A_664 = arith.constant 2.500000e-01 : f32
        %mul3A_665 = vector.broadcast %mul3A_664 : f32 to vector<16xf32>
        %mul3A_666 = arith.mulf %add3A_660, %mul3A_665 : vector<16xf32>
        %mul3A_667 = arith.mulf %mul3A_663, %mul3A_663 : vector<16xf32>
        %sub3A_668 = arith.subf %mul3A_666, %mul3A_667 : vector<16xf32>
        %add3A_669 = arith.addf %add3A_600, %sub3A_668 : vector<16xf32>
        %mul3A_670 = arith.mulf %get3A_614, %get3A_626 : vector<16xf32>
        %mul3A_671 = arith.mulf %mul3A_670, %get3A_638 : vector<16xf32>
        %mul3A_672 = arith.constant 4 : i32
        %mul3A_673 = arith.muli %mul3A_672, %scan3A_256 : i32
        %add3A_674 = arith.constant 0 : i32
        %add3A_675 = arith.addi %mul3A_673, %add3A_674 : i32
        %get3A_676 = arith.constant 0 : i32
        %get3A_677 = arith.constant 0 : i32
        %get3A_678 = tpu.memref_slice %arg11[%scan3A_137, %get3A_676, %get3A_677] : memref<2x64x256xf32, #tpu.memory_space<vmem>> -> memref<1x64x256xf32, #tpu.memory_space<vmem>>
        %get3A_679 = tpu.memref_squeeze %get3A_678 : memref<1x64x256xf32, #tpu.memory_space<vmem>> -> memref<64x256xf32, #tpu.memory_space<vmem>>
        %get3A_680 = arith.index_cast %add3A_675 : i32 to index
        %get3A_681 = arith.constant 96 : index
        %get3A_682 = tpu.vector_load %get3A_679[%get3A_680, %get3A_681] {strides = array<i32>} : memref<64x256xf32, #tpu.memory_space<vmem>>, vector<1x16xf32>,
        %get3A_683 = vector.shape_cast %get3A_682 : vector<1x16xf32> to vector<16xf32>
        %mul3A_684 = arith.constant 4 : i32
        %mul3A_685 = arith.muli %mul3A_684, %scan3A_256 : i32
        %add3A_686 = arith.constant 1 : i32
        %add3A_687 = arith.addi %mul3A_685, %add3A_686 : i32
        %get3A_688 = arith.constant 0 : i32
        %get3A_689 = arith.constant 0 : i32
        %get3A_690 = tpu.memref_slice %arg11[%scan3A_137, %get3A_688, %get3A_689] : memref<2x64x256xf32, #tpu.memory_space<vmem>> -> memref<1x64x256xf32, #tpu.memory_space<vmem>>
        %get3A_691 = tpu.memref_squeeze %get3A_690 : memref<1x64x256xf32, #tpu.memory_space<vmem>> -> memref<64x256xf32, #tpu.memory_space<vmem>>
        %get3A_692 = arith.index_cast %add3A_687 : i32 to index
        %get3A_693 = arith.constant 96 : index
        %get3A_694 = tpu.vector_load %get3A_691[%get3A_692, %get3A_693] {strides = array<i32>} : memref<64x256xf32, #tpu.memory_space<vmem>>, vector<1x16xf32>,
        %get3A_695 = vector.shape_cast %get3A_694 : vector<1x16xf32> to vector<16xf32>
        %mul3A_696 = arith.constant 4 : i32
        %mul3A_697 = arith.muli %mul3A_696, %scan3A_256 : i32
        %add3A_698 = arith.constant 2 : i32
        %add3A_699 = arith.addi %mul3A_697, %add3A_698 : i32
        %get3A_700 = arith.constant 0 : i32
        %get3A_701 = arith.constant 0 : i32
        %get3A_702 = tpu.memref_slice %arg11[%scan3A_137, %get3A_700, %get3A_701] : memref<2x64x256xf32, #tpu.memory_space<vmem>> -> memref<1x64x256xf32, #tpu.memory_space<vmem>>
        %get3A_703 = tpu.memref_squeeze %get3A_702 : memref<1x64x256xf32, #tpu.memory_space<vmem>> -> memref<64x256xf32, #tpu.memory_space<vmem>>
        %get3A_704 = arith.index_cast %add3A_699 : i32 to index
        %get3A_705 = arith.constant 96 : index
        %get3A_706 = tpu.vector_load %get3A_703[%get3A_704, %get3A_705] {strides = array<i32>} : memref<64x256xf32, #tpu.memory_space<vmem>>, vector<1x16xf32>,
        %get3A_707 = vector.shape_cast %get3A_706 : vector<1x16xf32> to vector<16xf32>
        %mul3A_708 = arith.constant 4 : i32
        %mul3A_709 = arith.muli %mul3A_708, %scan3A_256 : i32
        %add3A_710 = arith.constant 3 : i32
        %add3A_711 = arith.addi %mul3A_709, %add3A_710 : i32
        %get3A_712 = arith.constant 0 : i32
        %get3A_713 = arith.constant 0 : i32
        %get3A_714 = tpu.memref_slice %arg11[%scan3A_137, %get3A_712, %get3A_713] : memref<2x64x256xf32, #tpu.memory_space<vmem>> -> memref<1x64x256xf32, #tpu.memory_space<vmem>>
        %get3A_715 = tpu.memref_squeeze %get3A_714 : memref<1x64x256xf32, #tpu.memory_space<vmem>> -> memref<64x256xf32, #tpu.memory_space<vmem>>
        %get3A_716 = arith.index_cast %add3A_711 : i32 to index
        %get3A_717 = arith.constant 96 : index
        %get3A_718 = tpu.vector_load %get3A_715[%get3A_716, %get3A_717] {strides = array<i32>} : memref<64x256xf32, #tpu.memory_space<vmem>>, vector<1x16xf32>,
        %get3A_719 = vector.shape_cast %get3A_718 : vector<1x16xf32> to vector<16xf32>
        %add3A_720 = arith.addf %get3A_683, %get3A_695 : vector<16xf32>
        %add3A_721 = arith.addf %get3A_707, %get3A_719 : vector<16xf32>
        %add3A_722 = arith.addf %add3A_720, %add3A_721 : vector<16xf32>
        %mul3A_723 = arith.mulf %get3A_683, %get3A_683 : vector<16xf32>
        %mul3A_724 = arith.mulf %get3A_695, %get3A_695 : vector<16xf32>
        %add3A_725 = arith.addf %mul3A_723, %mul3A_724 : vector<16xf32>
        %mul3A_726 = arith.mulf %get3A_707, %get3A_707 : vector<16xf32>
        %mul3A_727 = arith.mulf %get3A_719, %get3A_719 : vector<16xf32>
        %add3A_728 = arith.addf %mul3A_726, %mul3A_727 : vector<16xf32>
        %add3A_729 = arith.addf %add3A_725, %add3A_728 : vector<16xf32>
        %mul3A_730 = arith.constant 2.500000e-01 : f32
        %mul3A_731 = vector.broadcast %mul3A_730 : f32 to vector<16xf32>
        %mul3A_732 = arith.mulf %add3A_722, %mul3A_731 : vector<16xf32>
        %mul3A_733 = arith.constant 2.500000e-01 : f32
        %mul3A_734 = vector.broadcast %mul3A_733 : f32 to vector<16xf32>
        %mul3A_735 = arith.mulf %add3A_729, %mul3A_734 : vector<16xf32>
        %mul3A_736 = arith.mulf %mul3A_732, %mul3A_732 : vector<16xf32>
        %sub3A_737 = arith.subf %mul3A_735, %mul3A_736 : vector<16xf32>
        %add3A_738 = arith.addf %add3A_669, %sub3A_737 : vector<16xf32>
        %mul3A_739 = arith.mulf %get3A_683, %get3A_695 : vector<16xf32>
        %mul3A_740 = arith.mulf %mul3A_739, %get3A_707 : vector<16xf32>
        %mul3A_741 = arith.constant 4 : i32
        %mul3A_742 = arith.muli %mul3A_741, %scan3A_256 : i32
        %add3A_743 = arith.constant 0 : i32
        %add3A_744 = arith.addi %mul3A_742, %add3A_743 : i32
        %get3A_745 = arith.constant 0 : i32
        %get3A_746 = arith.constant 0 : i32
        %get3A_747 = tpu.memref_slice %arg11[%scan3A_137, %get3A_745, %get3A_746] : memref<2x64x256xf32, #tpu.memory_space<vmem>> -> memref<1x64x256xf32, #tpu.memory_space<vmem>>
        %get3A_748 = tpu.memref_squeeze %get3A_747 : memref<1x64x256xf32, #tpu.memory_space<vmem>> -> memref<64x256xf32, #tpu.memory_space<vmem>>
        %get3A_749 = arith.index_cast %add3A_744 : i32 to index
        %get3A_750 = arith.constant 112 : index
        %get3A_751 = tpu.vector_load %get3A_748[%get3A_749, %get3A_750] {strides = array<i32>} : memref<64x256xf32, #tpu.memory_space<vmem>>, vector<1x16xf32>,
        %get3A_752 = vector.shape_cast %get3A_751 : vector<1x16xf32> to vector<16xf32>
        %mul3A_753 = arith.constant 4 : i32
        %mul3A_754 = arith.muli %mul3A_753, %scan3A_256 : i32
        %add3A_755 = arith.constant 1 : i32
        %add3A_756 = arith.addi %mul3A_754, %add3A_755 : i32
        %get3A_757 = arith.constant 0 : i32
        %get3A_758 = arith.constant 0 : i32
        %get3A_759 = tpu.memref_slice %arg11[%scan3A_137, %get3A_757, %get3A_758] : memref<2x64x256xf32, #tpu.memory_space<vmem>> -> memref<1x64x256xf32, #tpu.memory_space<vmem>>
        %get3A_760 = tpu.memref_squeeze %get3A_759 : memref<1x64x256xf32, #tpu.memory_space<vmem>> -> memref<64x256xf32, #tpu.memory_space<vmem>>
        %get3A_761 = arith.index_cast %add3A_756 : i32 to index
        %get3A_762 = arith.constant 112 : index
        %get3A_763 = tpu.vector_load %get3A_760[%get3A_761, %get3A_762] {strides = array<i32>} : memref<64x256xf32, #tpu.memory_space<vmem>>, vector<1x16xf32>,
        %get3A_764 = vector.shape_cast %get3A_763 : vector<1x16xf32> to vector<16xf32>
        %mul3A_765 = arith.constant 4 : i32
        %mul3A_766 = arith.muli %mul3A_765, %scan3A_256 : i32
        %add3A_767 = arith.constant 2 : i32
        %add3A_768 = arith.addi %mul3A_766, %add3A_767 : i32
        %get3A_769 = arith.constant 0 : i32
        %get3A_770 = arith.constant 0 : i32
        %get3A_771 = tpu.memref_slice %arg11[%scan3A_137, %get3A_769, %get3A_770] : memref<2x64x256xf32, #tpu.memory_space<vmem>> -> memref<1x64x256xf32, #tpu.memory_space<vmem>>
        %get3A_772 = tpu.memref_squeeze %get3A_771 : memref<1x64x256xf32, #tpu.memory_space<vmem>> -> memref<64x256xf32, #tpu.memory_space<vmem>>
        %get3A_773 = arith.index_cast %add3A_768 : i32 to index
        %get3A_774 = arith.constant 112 : index
        %get3A_775 = tpu.vector_load %get3A_772[%get3A_773, %get3A_774] {strides = array<i32>} : memref<64x256xf32, #tpu.memory_space<vmem>>, vector<1x16xf32>,
        %get3A_776 = vector.shape_cast %get3A_775 : vector<1x16xf32> to vector<16xf32>
        %mul3A_777 = arith.constant 4 : i32
        %mul3A_778 = arith.muli %mul3A_777, %scan3A_256 : i32
        %add3A_779 = arith.constant 3 : i32
        %add3A_780 = arith.addi %mul3A_778, %add3A_779 : i32
        %get3A_781 = arith.constant 0 : i32
        %get3A_782 = arith.constant 0 : i32
        %get3A_783 = tpu.memref_slice %arg11[%scan3A_137, %get3A_781, %get3A_782] : memref<2x64x256xf32, #tpu.memory_space<vmem>> -> memref<1x64x256xf32, #tpu.memory_space<vmem>>
        %get3A_784 = tpu.memref_squeeze %get3A_783 : memref<1x64x256xf32, #tpu.memory_space<vmem>> -> memref<64x256xf32, #tpu.memory_space<vmem>>
        %get3A_785 = arith.index_cast %add3A_780 : i32 to index
        %get3A_786 = arith.constant 112 : index
        %get3A_787 = tpu.vector_load %get3A_784[%get3A_785, %get3A_786] {strides = array<i32>} : memref<64x256xf32, #tpu.memory_space<vmem>>, vector<1x16xf32>,
        %get3A_788 = vector.shape_cast %get3A_787 : vector<1x16xf32> to vector<16xf32>
        %add3A_789 = arith.addf %get3A_752, %get3A_764 : vector<16xf32>
        %add3A_790 = arith.addf %get3A_776, %get3A_788 : vector<16xf32>
        %add3A_791 = arith.addf %add3A_789, %add3A_790 : vector<16xf32>
        %mul3A_792 = arith.mulf %get3A_752, %get3A_752 : vector<16xf32>
        %mul3A_793 = arith.mulf %get3A_764, %get3A_764 : vector<16xf32>
        %add3A_794 = arith.addf %mul3A_792, %mul3A_793 : vector<16xf32>
        %mul3A_795 = arith.mulf %get3A_776, %get3A_776 : vector<16xf32>
        %mul3A_796 = arith.mulf %get3A_788, %get3A_788 : vector<16xf32>
        %add3A_797 = arith.addf %mul3A_795, %mul3A_796 : vector<16xf32>
        %add3A_798 = arith.addf %add3A_794, %add3A_797 : vector<16xf32>
        %mul3A_799 = arith.constant 2.500000e-01 : f32
        %mul3A_800 = vector.broadcast %mul3A_799 : f32 to vector<16xf32>
        %mul3A_801 = arith.mulf %add3A_791, %mul3A_800 : vector<16xf32>
        %mul3A_802 = arith.constant 2.500000e-01 : f32
        %mul3A_803 = vector.broadcast %mul3A_802 : f32 to vector<16xf32>
        %mul3A_804 = arith.mulf %add3A_798, %mul3A_803 : vector<16xf32>
        %mul3A_805 = arith.mulf %mul3A_801, %mul3A_801 : vector<16xf32>
        %sub3A_806 = arith.subf %mul3A_804, %mul3A_805 : vector<16xf32>
        %add3A_807 = arith.addf %add3A_738, %sub3A_806 : vector<16xf32>
        %mul3A_808 = arith.mulf %get3A_752, %get3A_764 : vector<16xf32>
        %mul3A_809 = arith.mulf %mul3A_808, %get3A_776 : vector<16xf32>
        %mul3A_810 = arith.constant 4 : i32
        %mul3A_811 = arith.muli %mul3A_810, %scan3A_256 : i32
        %add3A_812 = arith.constant 0 : i32
        %add3A_813 = arith.addi %mul3A_811, %add3A_812 : i32
        %get3A_814 = arith.constant 0 : i32
        %get3A_815 = arith.constant 0 : i32
        %get3A_816 = tpu.memref_slice %arg11[%scan3A_137, %get3A_814, %get3A_815] : memref<2x64x256xf32, #tpu.memory_space<vmem>> -> memref<1x64x256xf32, #tpu.memory_space<vmem>>
        %get3A_817 = tpu.memref_squeeze %get3A_816 : memref<1x64x256xf32, #tpu.memory_space<vmem>> -> memref<64x256xf32, #tpu.memory_space<vmem>>
        %get3A_818 = arith.index_cast %add3A_813 : i32 to index
        %get3A_819 = arith.constant 128 : index
        %get3A_820 = tpu.vector_load %get3A_817[%get3A_818, %get3A_819] {strides = array<i32>} : memref<64x256xf32, #tpu.memory_space<vmem>>, vector<1x16xf32>,
        %get3A_821 = vector.shape_cast %get3A_820 : vector<1x16xf32> to vector<16xf32>
        %mul3A_822 = arith.constant 4 : i32
        %mul3A_823 = arith.muli %mul3A_822, %scan3A_256 : i32
        %add3A_824 = arith.constant 1 : i32
        %add3A_825 = arith.addi %mul3A_823, %add3A_824 : i32
        %get3A_826 = arith.constant 0 : i32
        %get3A_827 = arith.constant 0 : i32
        %get3A_828 = tpu.memref_slice %arg11[%scan3A_137, %get3A_826, %get3A_827] : memref<2x64x256xf32, #tpu.memory_space<vmem>> -> memref<1x64x256xf32, #tpu.memory_space<vmem>>
        %get3A_829 = tpu.memref_squeeze %get3A_828 : memref<1x64x256xf32, #tpu.memory_space<vmem>> -> memref<64x256xf32, #tpu.memory_space<vmem>>
        %get3A_830 = arith.index_cast %add3A_825 : i32 to index
        %get3A_831 = arith.constant 128 : index
        %get3A_832 = tpu.vector_load %get3A_829[%get3A_830, %get3A_831] {strides = array<i32>} : memref<64x256xf32, #tpu.memory_space<vmem>>, vector<1x16xf32>,
        %get3A_833 = vector.shape_cast %get3A_832 : vector<1x16xf32> to vector<16xf32>
        %mul3A_834 = arith.constant 4 : i32
        %mul3A_835 = arith.muli %mul3A_834, %scan3A_256 : i32
        %add3A_836 = arith.constant 2 : i32
        %add3A_837 = arith.addi %mul3A_835, %add3A_836 : i32
        %get3A_838 = arith.constant 0 : i32
        %get3A_839 = arith.constant 0 : i32
        %get3A_840 = tpu.memref_slice %arg11[%scan3A_137, %get3A_838, %get3A_839] : memref<2x64x256xf32, #tpu.memory_space<vmem>> -> memref<1x64x256xf32, #tpu.memory_space<vmem>>
        %get3A_841 = tpu.memref_squeeze %get3A_840 : memref<1x64x256xf32, #tpu.memory_space<vmem>> -> memref<64x256xf32, #tpu.memory_space<vmem>>
        %get3A_842 = arith.index_cast %add3A_837 : i32 to index
        %get3A_843 = arith.constant 128 : index
        %get3A_844 = tpu.vector_load %get3A_841[%get3A_842, %get3A_843] {strides = array<i32>} : memref<64x256xf32, #tpu.memory_space<vmem>>, vector<1x16xf32>,
        %get3A_845 = vector.shape_cast %get3A_844 : vector<1x16xf32> to vector<16xf32>
        %mul3A_846 = arith.constant 4 : i32
        %mul3A_847 = arith.muli %mul3A_846, %scan3A_256 : i32
        %add3A_848 = arith.constant 3 : i32
        %add3A_849 = arith.addi %mul3A_847, %add3A_848 : i32
        %get3A_850 = arith.constant 0 : i32
        %get3A_851 = arith.constant 0 : i32
        %get3A_852 = tpu.memref_slice %arg11[%scan3A_137, %get3A_850, %get3A_851] : memref<2x64x256xf32, #tpu.memory_space<vmem>> -> memref<1x64x256xf32, #tpu.memory_space<vmem>>
        %get3A_853 = tpu.memref_squeeze %get3A_852 : memref<1x64x256xf32, #tpu.memory_space<vmem>> -> memref<64x256xf32, #tpu.memory_space<vmem>>
        %get3A_854 = arith.index_cast %add3A_849 : i32 to index
        %get3A_855 = arith.constant 128 : index
        %get3A_856 = tpu.vector_load %get3A_853[%get3A_854, %get3A_855] {strides = array<i32>} : memref<64x256xf32, #tpu.memory_space<vmem>>, vector<1x16xf32>,
        %get3A_857 = vector.shape_cast %get3A_856 : vector<1x16xf32> to vector<16xf32>
        %add3A_858 = arith.addf %get3A_821, %get3A_833 : vector<16xf32>
        %add3A_859 = arith.addf %get3A_845, %get3A_857 : vector<16xf32>
        %add3A_860 = arith.addf %add3A_858, %add3A_859 : vector<16xf32>
        %mul3A_861 = arith.mulf %get3A_821, %get3A_821 : vector<16xf32>
        %mul3A_862 = arith.mulf %get3A_833, %get3A_833 : vector<16xf32>
        %add3A_863 = arith.addf %mul3A_861, %mul3A_862 : vector<16xf32>
        %mul3A_864 = arith.mulf %get3A_845, %get3A_845 : vector<16xf32>
        %mul3A_865 = arith.mulf %get3A_857, %get3A_857 : vector<16xf32>
        %add3A_866 = arith.addf %mul3A_864, %mul3A_865 : vector<16xf32>
        %add3A_867 = arith.addf %add3A_863, %add3A_866 : vector<16xf32>
        %mul3A_868 = arith.constant 2.500000e-01 : f32
        %mul3A_869 = vector.broadcast %mul3A_868 : f32 to vector<16xf32>
        %mul3A_870 = arith.mulf %add3A_860, %mul3A_869 : vector<16xf32>
        %mul3A_871 = arith.constant 2.500000e-01 : f32
        %mul3A_872 = vector.broadcast %mul3A_871 : f32 to vector<16xf32>
        %mul3A_873 = arith.mulf %add3A_867, %mul3A_872 : vector<16xf32>
        %mul3A_874 = arith.mulf %mul3A_870, %mul3A_870 : vector<16xf32>
        %sub3A_875 = arith.subf %mul3A_873, %mul3A_874 : vector<16xf32>
        %add3A_876 = arith.addf %add3A_807, %sub3A_875 : vector<16xf32>
        %mul3A_877 = arith.mulf %get3A_821, %get3A_833 : vector<16xf32>
        %mul3A_878 = arith.mulf %mul3A_877, %get3A_845 : vector<16xf32>
        %mul3A_879 = arith.constant 4 : i32
        %mul3A_880 = arith.muli %mul3A_879, %scan3A_256 : i32
        %add3A_881 = arith.constant 0 : i32
        %add3A_882 = arith.addi %mul3A_880, %add3A_881 : i32
        %get3A_883 = arith.constant 0 : i32
        %get3A_884 = arith.constant 0 : i32
        %get3A_885 = tpu.memref_slice %arg11[%scan3A_137, %get3A_883, %get3A_884] : memref<2x64x256xf32, #tpu.memory_space<vmem>> -> memref<1x64x256xf32, #tpu.memory_space<vmem>>
        %get3A_886 = tpu.memref_squeeze %get3A_885 : memref<1x64x256xf32, #tpu.memory_space<vmem>> -> memref<64x256xf32, #tpu.memory_space<vmem>>
        %get3A_887 = arith.index_cast %add3A_882 : i32 to index
        %get3A_888 = arith.constant 144 : index
        %get3A_889 = tpu.vector_load %get3A_886[%get3A_887, %get3A_888] {strides = array<i32>} : memref<64x256xf32, #tpu.memory_space<vmem>>, vector<1x16xf32>,
        %get3A_890 = vector.shape_cast %get3A_889 : vector<1x16xf32> to vector<16xf32>
        %mul3A_891 = arith.constant 4 : i32
        %mul3A_892 = arith.muli %mul3A_891, %scan3A_256 : i32
        %add3A_893 = arith.constant 1 : i32
        %add3A_894 = arith.addi %mul3A_892, %add3A_893 : i32
        %get3A_895 = arith.constant 0 : i32
        %get3A_896 = arith.constant 0 : i32
        %get3A_897 = tpu.memref_slice %arg11[%scan3A_137, %get3A_895, %get3A_896] : memref<2x64x256xf32, #tpu.memory_space<vmem>> -> memref<1x64x256xf32, #tpu.memory_space<vmem>>
        %get3A_898 = tpu.memref_squeeze %get3A_897 : memref<1x64x256xf32, #tpu.memory_space<vmem>> -> memref<64x256xf32, #tpu.memory_space<vmem>>
        %get3A_899 = arith.index_cast %add3A_894 : i32 to index
        %get3A_900 = arith.constant 144 : index
        %get3A_901 = tpu.vector_load %get3A_898[%get3A_899, %get3A_900] {strides = array<i32>} : memref<64x256xf32, #tpu.memory_space<vmem>>, vector<1x16xf32>,
        %get3A_902 = vector.shape_cast %get3A_901 : vector<1x16xf32> to vector<16xf32>
        %mul3A_903 = arith.constant 4 : i32
        %mul3A_904 = arith.muli %mul3A_903, %scan3A_256 : i32
        %add3A_905 = arith.constant 2 : i32
        %add3A_906 = arith.addi %mul3A_904, %add3A_905 : i32
        %get3A_907 = arith.constant 0 : i32
        %get3A_908 = arith.constant 0 : i32
        %get3A_909 = tpu.memref_slice %arg11[%scan3A_137, %get3A_907, %get3A_908] : memref<2x64x256xf32, #tpu.memory_space<vmem>> -> memref<1x64x256xf32, #tpu.memory_space<vmem>>
        %get3A_910 = tpu.memref_squeeze %get3A_909 : memref<1x64x256xf32, #tpu.memory_space<vmem>> -> memref<64x256xf32, #tpu.memory_space<vmem>>
        %get3A_911 = arith.index_cast %add3A_906 : i32 to index
        %get3A_912 = arith.constant 144 : index
        %get3A_913 = tpu.vector_load %get3A_910[%get3A_911, %get3A_912] {strides = array<i32>} : memref<64x256xf32, #tpu.memory_space<vmem>>, vector<1x16xf32>,
        %get3A_914 = vector.shape_cast %get3A_913 : vector<1x16xf32> to vector<16xf32>
        %mul3A_915 = arith.constant 4 : i32
        %mul3A_916 = arith.muli %mul3A_915, %scan3A_256 : i32
        %add3A_917 = arith.constant 3 : i32
        %add3A_918 = arith.addi %mul3A_916, %add3A_917 : i32
        %get3A_919 = arith.constant 0 : i32
        %get3A_920 = arith.constant 0 : i32
        %get3A_921 = tpu.memref_slice %arg11[%scan3A_137, %get3A_919, %get3A_920] : memref<2x64x256xf32, #tpu.memory_space<vmem>> -> memref<1x64x256xf32, #tpu.memory_space<vmem>>
        %get3A_922 = tpu.memref_squeeze %get3A_921 : memref<1x64x256xf32, #tpu.memory_space<vmem>> -> memref<64x256xf32, #tpu.memory_space<vmem>>
        %get3A_923 = arith.index_cast %add3A_918 : i32 to index
        %get3A_924 = arith.constant 144 : index
        %get3A_925 = tpu.vector_load %get3A_922[%get3A_923, %get3A_924] {strides = array<i32>} : memref<64x256xf32, #tpu.memory_space<vmem>>, vector<1x16xf32>,
        %get3A_926 = vector.shape_cast %get3A_925 : vector<1x16xf32> to vector<16xf32>
        %add3A_927 = arith.addf %get3A_890, %get3A_902 : vector<16xf32>
        %add3A_928 = arith.addf %get3A_914, %get3A_926 : vector<16xf32>
        %add3A_929 = arith.addf %add3A_927, %add3A_928 : vector<16xf32>
        %mul3A_930 = arith.mulf %get3A_890, %get3A_890 : vector<16xf32>
        %mul3A_931 = arith.mulf %get3A_902, %get3A_902 : vector<16xf32>
        %add3A_932 = arith.addf %mul3A_930, %mul3A_931 : vector<16xf32>
        %mul3A_933 = arith.mulf %get3A_914, %get3A_914 : vector<16xf32>
        %mul3A_934 = arith.mulf %get3A_926, %get3A_926 : vector<16xf32>
        %add3A_935 = arith.addf %mul3A_933, %mul3A_934 : vector<16xf32>
        %add3A_936 = arith.addf %add3A_932, %add3A_935 : vector<16xf32>
        %mul3A_937 = arith.constant 2.500000e-01 : f32
        %mul3A_938 = vector.broadcast %mul3A_937 : f32 to vector<16xf32>
        %mul3A_939 = arith.mulf %add3A_929, %mul3A_938 : vector<16xf32>
        %mul3A_940 = arith.constant 2.500000e-01 : f32
        %mul3A_941 = vector.broadcast %mul3A_940 : f32 to vector<16xf32>
        %mul3A_942 = arith.mulf %add3A_936, %mul3A_941 : vector<16xf32>
        %mul3A_943 = arith.mulf %mul3A_939, %mul3A_939 : vector<16xf32>
        %sub3A_944 = arith.subf %mul3A_942, %mul3A_943 : vector<16xf32>
        %add3A_945 = arith.addf %add3A_876, %sub3A_944 : vector<16xf32>
        %mul3A_946 = arith.mulf %get3A_890, %get3A_902 : vector<16xf32>
        %mul3A_947 = arith.mulf %mul3A_946, %get3A_914 : vector<16xf32>
        %mul3A_948 = arith.constant 4 : i32
        %mul3A_949 = arith.muli %mul3A_948, %scan3A_256 : i32
        %add3A_950 = arith.constant 0 : i32
        %add3A_951 = arith.addi %mul3A_949, %add3A_950 : i32
        %get3A_952 = arith.constant 0 : i32
        %get3A_953 = arith.constant 0 : i32
        %get3A_954 = tpu.memref_slice %arg11[%scan3A_137, %get3A_952, %get3A_953] : memref<2x64x256xf32, #tpu.memory_space<vmem>> -> memref<1x64x256xf32, #tpu.memory_space<vmem>>
        %get3A_955 = tpu.memref_squeeze %get3A_954 : memref<1x64x256xf32, #tpu.memory_space<vmem>> -> memref<64x256xf32, #tpu.memory_space<vmem>>
        %get3A_956 = arith.index_cast %add3A_951 : i32 to index
        %get3A_957 = arith.constant 160 : index
        %get3A_958 = tpu.vector_load %get3A_955[%get3A_956, %get3A_957] {strides = array<i32>} : memref<64x256xf32, #tpu.memory_space<vmem>>, vector<1x16xf32>,
        %get3A_959 = vector.shape_cast %get3A_958 : vector<1x16xf32> to vector<16xf32>
        %mul3A_960 = arith.constant 4 : i32
        %mul3A_961 = arith.muli %mul3A_960, %scan3A_256 : i32
        %add3A_962 = arith.constant 1 : i32
        %add3A_963 = arith.addi %mul3A_961, %add3A_962 : i32
        %get3A_964 = arith.constant 0 : i32
        %get3A_965 = arith.constant 0 : i32
        %get3A_966 = tpu.memref_slice %arg11[%scan3A_137, %get3A_964, %get3A_965] : memref<2x64x256xf32, #tpu.memory_space<vmem>> -> memref<1x64x256xf32, #tpu.memory_space<vmem>>
        %get3A_967 = tpu.memref_squeeze %get3A_966 : memref<1x64x256xf32, #tpu.memory_space<vmem>> -> memref<64x256xf32, #tpu.memory_space<vmem>>
        %get3A_968 = arith.index_cast %add3A_963 : i32 to index
        %get3A_969 = arith.constant 160 : index
        %get3A_970 = tpu.vector_load %get3A_967[%get3A_968, %get3A_969] {strides = array<i32>} : memref<64x256xf32, #tpu.memory_space<vmem>>, vector<1x16xf32>,
        %get3A_971 = vector.shape_cast %get3A_970 : vector<1x16xf32> to vector<16xf32>
        %mul3A_972 = arith.constant 4 : i32
        %mul3A_973 = arith.muli %mul3A_972, %scan3A_256 : i32
        %add3A_974 = arith.constant 2 : i32
        %add3A_975 = arith.addi %mul3A_973, %add3A_974 : i32
        %get3A_976 = arith.constant 0 : i32
        %get3A_977 = arith.constant 0 : i32
        %get3A_978 = tpu.memref_slice %arg11[%scan3A_137, %get3A_976, %get3A_977] : memref<2x64x256xf32, #tpu.memory_space<vmem>> -> memref<1x64x256xf32, #tpu.memory_space<vmem>>
        %get3A_979 = tpu.memref_squeeze %get3A_978 : memref<1x64x256xf32, #tpu.memory_space<vmem>> -> memref<64x256xf32, #tpu.memory_space<vmem>>
        %get3A_980 = arith.index_cast %add3A_975 : i32 to index
        %get3A_981 = arith.constant 160 : index
        %get3A_982 = tpu.vector_load %get3A_979[%get3A_980, %get3A_981] {strides = array<i32>} : memref<64x256xf32, #tpu.memory_space<vmem>>, vector<1x16xf32>,
        %get3A_983 = vector.shape_cast %get3A_982 : vector<1x16xf32> to vector<16xf32>
        %mul3A_984 = arith.constant 4 : i32
        %mul3A_985 = arith.muli %mul3A_984, %scan3A_256 : i32
        %add3A_986 = arith.constant 3 : i32
        %add3A_987 = arith.addi %mul3A_985, %add3A_986 : i32
        %get3A_988 = arith.constant 0 : i32
        %get3A_989 = arith.constant 0 : i32
        %get3A_990 = tpu.memref_slice %arg11[%scan3A_137, %get3A_988, %get3A_989] : memref<2x64x256xf32, #tpu.memory_space<vmem>> -> memref<1x64x256xf32, #tpu.memory_space<vmem>>
        %get3A_991 = tpu.memref_squeeze %get3A_990 : memref<1x64x256xf32, #tpu.memory_space<vmem>> -> memref<64x256xf32, #tpu.memory_space<vmem>>
        %get3A_992 = arith.index_cast %add3A_987 : i32 to index
        %get3A_993 = arith.constant 160 : index
        %get3A_994 = tpu.vector_load %get3A_991[%get3A_992, %get3A_993] {strides = array<i32>} : memref<64x256xf32, #tpu.memory_space<vmem>>, vector<1x16xf32>,
        %get3A_995 = vector.shape_cast %get3A_994 : vector<1x16xf32> to vector<16xf32>
        %add3A_996 = arith.addf %get3A_959, %get3A_971 : vector<16xf32>
        %add3A_997 = arith.addf %get3A_983, %get3A_995 : vector<16xf32>
        %add3A_998 = arith.addf %add3A_996, %add3A_997 : vector<16xf32>
        %mul3A_999 = arith.mulf %get3A_959, %get3A_959 : vector<16xf32>
        %mul3A_1000 = arith.mulf %get3A_971, %get3A_971 : vector<16xf32>
        %add3A_1001 = arith.addf %mul3A_999, %mul3A_1000 : vector<16xf32>
        %mul3A_1002 = arith.mulf %get3A_983, %get3A_983 : vector<16xf32>
        %mul3A_1003 = arith.mulf %get3A_995, %get3A_995 : vector<16xf32>
        %add3A_1004 = arith.addf %mul3A_1002, %mul3A_1003 : vector<16xf32>
        %add3A_1005 = arith.addf %add3A_1001, %add3A_1004 : vector<16xf32>
        %mul3A_1006 = arith.constant 2.500000e-01 : f32
        %mul3A_1007 = vector.broadcast %mul3A_1006 : f32 to vector<16xf32>
        %mul3A_1008 = arith.mulf %add3A_998, %mul3A_1007 : vector<16xf32>
        %mul3A_1009 = arith.constant 2.500000e-01 : f32
        %mul3A_1010 = vector.broadcast %mul3A_1009 : f32 to vector<16xf32>
        %mul3A_1011 = arith.mulf %add3A_1005, %mul3A_1010 : vector<16xf32>
        %mul3A_1012 = arith.mulf %mul3A_1008, %mul3A_1008 : vector<16xf32>
        %sub3A_1013 = arith.subf %mul3A_1011, %mul3A_1012 : vector<16xf32>
        %add3A_1014 = arith.addf %add3A_945, %sub3A_1013 : vector<16xf32>
        %mul3A_1015 = arith.mulf %get3A_959, %get3A_971 : vector<16xf32>
        %mul3A_1016 = arith.mulf %mul3A_1015, %get3A_983 : vector<16xf32>
        %mul3A_1017 = arith.constant 4 : i32
        %mul3A_1018 = arith.muli %mul3A_1017, %scan3A_256 : i32
        %add3A_1019 = arith.constant 0 : i32
        %add3A_1020 = arith.addi %mul3A_1018, %add3A_1019 : i32
        %get3A_1021 = arith.constant 0 : i32
        %get3A_1022 = arith.constant 0 : i32
        %get3A_1023 = tpu.memref_slice %arg11[%scan3A_137, %get3A_1021, %get3A_1022] : memref<2x64x256xf32, #tpu.memory_space<vmem>> -> memref<1x64x256xf32, #tpu.memory_space<vmem>>
        %get3A_1024 = tpu.memref_squeeze %get3A_1023 : memref<1x64x256xf32, #tpu.memory_space<vmem>> -> memref<64x256xf32, #tpu.memory_space<vmem>>
        %get3A_1025 = arith.index_cast %add3A_1020 : i32 to index
        %get3A_1026 = arith.constant 176 : index
        %get3A_1027 = tpu.vector_load %get3A_1024[%get3A_1025, %get3A_1026] {strides = array<i32>} : memref<64x256xf32, #tpu.memory_space<vmem>>, vector<1x16xf32>,
        %get3A_1028 = vector.shape_cast %get3A_1027 : vector<1x16xf32> to vector<16xf32>
        %mul3A_1029 = arith.constant 4 : i32
        %mul3A_1030 = arith.muli %mul3A_1029, %scan3A_256 : i32
        %add3A_1031 = arith.constant 1 : i32
        %add3A_1032 = arith.addi %mul3A_1030, %add3A_1031 : i32
        %get3A_1033 = arith.constant 0 : i32
        %get3A_1034 = arith.constant 0 : i32
        %get3A_1035 = tpu.memref_slice %arg11[%scan3A_137, %get3A_1033, %get3A_1034] : memref<2x64x256xf32, #tpu.memory_space<vmem>> -> memref<1x64x256xf32, #tpu.memory_space<vmem>>
        %get3A_1036 = tpu.memref_squeeze %get3A_1035 : memref<1x64x256xf32, #tpu.memory_space<vmem>> -> memref<64x256xf32, #tpu.memory_space<vmem>>
        %get3A_1037 = arith.index_cast %add3A_1032 : i32 to index
        %get3A_1038 = arith.constant 176 : index
        %get3A_1039 = tpu.vector_load %get3A_1036[%get3A_1037, %get3A_1038] {strides = array<i32>} : memref<64x256xf32, #tpu.memory_space<vmem>>, vector<1x16xf32>,
        %get3A_1040 = vector.shape_cast %get3A_1039 : vector<1x16xf32> to vector<16xf32>
        %mul3A_1041 = arith.constant 4 : i32
        %mul3A_1042 = arith.muli %mul3A_1041, %scan3A_256 : i32
        %add3A_1043 = arith.constant 2 : i32
        %add3A_1044 = arith.addi %mul3A_1042, %add3A_1043 : i32
        %get3A_1045 = arith.constant 0 : i32
        %get3A_1046 = arith.constant 0 : i32
        %get3A_1047 = tpu.memref_slice %arg11[%scan3A_137, %get3A_1045, %get3A_1046] : memref<2x64x256xf32, #tpu.memory_space<vmem>> -> memref<1x64x256xf32, #tpu.memory_space<vmem>>
        %get3A_1048 = tpu.memref_squeeze %get3A_1047 : memref<1x64x256xf32, #tpu.memory_space<vmem>> -> memref<64x256xf32, #tpu.memory_space<vmem>>
        %get3A_1049 = arith.index_cast %add3A_1044 : i32 to index
        %get3A_1050 = arith.constant 176 : index
        %get3A_1051 = tpu.vector_load %get3A_1048[%get3A_1049, %get3A_1050] {strides = array<i32>} : memref<64x256xf32, #tpu.memory_space<vmem>>, vector<1x16xf32>,
        %get3A_1052 = vector.shape_cast %get3A_1051 : vector<1x16xf32> to vector<16xf32>
        %mul3A_1053 = arith.constant 4 : i32
        %mul3A_1054 = arith.muli %mul3A_1053, %scan3A_256 : i32
        %add3A_1055 = arith.constant 3 : i32
        %add3A_1056 = arith.addi %mul3A_1054, %add3A_1055 : i32
        %get3A_1057 = arith.constant 0 : i32
        %get3A_1058 = arith.constant 0 : i32
        %get3A_1059 = tpu.memref_slice %arg11[%scan3A_137, %get3A_1057, %get3A_1058] : memref<2x64x256xf32, #tpu.memory_space<vmem>> -> memref<1x64x256xf32, #tpu.memory_space<vmem>>
        %get3A_1060 = tpu.memref_squeeze %get3A_1059 : memref<1x64x256xf32, #tpu.memory_space<vmem>> -> memref<64x256xf32, #tpu.memory_space<vmem>>
        %get3A_1061 = arith.index_cast %add3A_1056 : i32 to index
        %get3A_1062 = arith.constant 176 : index
        %get3A_1063 = tpu.vector_load %get3A_1060[%get3A_1061, %get3A_1062] {strides = array<i32>} : memref<64x256xf32, #tpu.memory_space<vmem>>, vector<1x16xf32>,
        %get3A_1064 = vector.shape_cast %get3A_1063 : vector<1x16xf32> to vector<16xf32>
        %add3A_1065 = arith.addf %get3A_1028, %get3A_1040 : vector<16xf32>
        %add3A_1066 = arith.addf %get3A_1052, %get3A_1064 : vector<16xf32>
        %add3A_1067 = arith.addf %add3A_1065, %add3A_1066 : vector<16xf32>
        %mul3A_1068 = arith.mulf %get3A_1028, %get3A_1028 : vector<16xf32>
        %mul3A_1069 = arith.mulf %get3A_1040, %get3A_1040 : vector<16xf32>
        %add3A_1070 = arith.addf %mul3A_1068, %mul3A_1069 : vector<16xf32>
        %mul3A_1071 = arith.mulf %get3A_1052, %get3A_1052 : vector<16xf32>
        %mul3A_1072 = arith.mulf %get3A_1064, %get3A_1064 : vector<16xf32>
        %add3A_1073 = arith.addf %mul3A_1071, %mul3A_1072 : vector<16xf32>
        %add3A_1074 = arith.addf %add3A_1070, %add3A_1073 : vector<16xf32>
        %mul3A_1075 = arith.constant 2.500000e-01 : f32
        %mul3A_1076 = vector.broadcast %mul3A_1075 : f32 to vector<16xf32>
        %mul3A_1077 = arith.mulf %add3A_1067, %mul3A_1076 : vector<16xf32>
        %mul3A_1078 = arith.constant 2.500000e-01 : f32
        %mul3A_1079 = vector.broadcast %mul3A_1078 : f32 to vector<16xf32>
        %mul3A_1080 = arith.mulf %add3A_1074, %mul3A_1079 : vector<16xf32>
        %mul3A_1081 = arith.mulf %mul3A_1077, %mul3A_1077 : vector<16xf32>
        %sub3A_1082 = arith.subf %mul3A_1080, %mul3A_1081 : vector<16xf32>
        %add3A_1083 = arith.addf %add3A_1014, %sub3A_1082 : vector<16xf32>
        %mul3A_1084 = arith.mulf %get3A_1028, %get3A_1040 : vector<16xf32>
        %mul3A_1085 = arith.mulf %mul3A_1084, %get3A_1052 : vector<16xf32>
        %mul3A_1086 = arith.constant 4 : i32
        %mul3A_1087 = arith.muli %mul3A_1086, %scan3A_256 : i32
        %add3A_1088 = arith.constant 0 : i32
        %add3A_1089 = arith.addi %mul3A_1087, %add3A_1088 : i32
        %get3A_1090 = arith.constant 0 : i32
        %get3A_1091 = arith.constant 0 : i32
        %get3A_1092 = tpu.memref_slice %arg11[%scan3A_137, %get3A_1090, %get3A_1091] : memref<2x64x256xf32, #tpu.memory_space<vmem>> -> memref<1x64x256xf32, #tpu.memory_space<vmem>>
        %get3A_1093 = tpu.memref_squeeze %get3A_1092 : memref<1x64x256xf32, #tpu.memory_space<vmem>> -> memref<64x256xf32, #tpu.memory_space<vmem>>
        %get3A_1094 = arith.index_cast %add3A_1089 : i32 to index
        %get3A_1095 = arith.constant 192 : index
        %get3A_1096 = tpu.vector_load %get3A_1093[%get3A_1094, %get3A_1095] {strides = array<i32>} : memref<64x256xf32, #tpu.memory_space<vmem>>, vector<1x16xf32>,
        %get3A_1097 = vector.shape_cast %get3A_1096 : vector<1x16xf32> to vector<16xf32>
        %mul3A_1098 = arith.constant 4 : i32
        %mul3A_1099 = arith.muli %mul3A_1098, %scan3A_256 : i32
        %add3A_1100 = arith.constant 1 : i32
        %add3A_1101 = arith.addi %mul3A_1099, %add3A_1100 : i32
        %get3A_1102 = arith.constant 0 : i32
        %get3A_1103 = arith.constant 0 : i32
        %get3A_1104 = tpu.memref_slice %arg11[%scan3A_137, %get3A_1102, %get3A_1103] : memref<2x64x256xf32, #tpu.memory_space<vmem>> -> memref<1x64x256xf32, #tpu.memory_space<vmem>>
        %get3A_1105 = tpu.memref_squeeze %get3A_1104 : memref<1x64x256xf32, #tpu.memory_space<vmem>> -> memref<64x256xf32, #tpu.memory_space<vmem>>
        %get3A_1106 = arith.index_cast %add3A_1101 : i32 to index
        %get3A_1107 = arith.constant 192 : index
        %get3A_1108 = tpu.vector_load %get3A_1105[%get3A_1106, %get3A_1107] {strides = array<i32>} : memref<64x256xf32, #tpu.memory_space<vmem>>, vector<1x16xf32>,
        %get3A_1109 = vector.shape_cast %get3A_1108 : vector<1x16xf32> to vector<16xf32>
        %mul3A_1110 = arith.constant 4 : i32
        %mul3A_1111 = arith.muli %mul3A_1110, %scan3A_256 : i32
        %add3A_1112 = arith.constant 2 : i32
        %add3A_1113 = arith.addi %mul3A_1111, %add3A_1112 : i32
        %get3A_1114 = arith.constant 0 : i32
        %get3A_1115 = arith.constant 0 : i32
        %get3A_1116 = tpu.memref_slice %arg11[%scan3A_137, %get3A_1114, %get3A_1115] : memref<2x64x256xf32, #tpu.memory_space<vmem>> -> memref<1x64x256xf32, #tpu.memory_space<vmem>>
        %get3A_1117 = tpu.memref_squeeze %get3A_1116 : memref<1x64x256xf32, #tpu.memory_space<vmem>> -> memref<64x256xf32, #tpu.memory_space<vmem>>
        %get3A_1118 = arith.index_cast %add3A_1113 : i32 to index
        %get3A_1119 = arith.constant 192 : index
        %get3A_1120 = tpu.vector_load %get3A_1117[%get3A_1118, %get3A_1119] {strides = array<i32>} : memref<64x256xf32, #tpu.memory_space<vmem>>, vector<1x16xf32>,
        %get3A_1121 = vector.shape_cast %get3A_1120 : vector<1x16xf32> to vector<16xf32>
        %mul3A_1122 = arith.constant 4 : i32
        %mul3A_1123 = arith.muli %mul3A_1122, %scan3A_256 : i32
        %add3A_1124 = arith.constant 3 : i32
        %add3A_1125 = arith.addi %mul3A_1123, %add3A_1124 : i32
        %get3A_1126 = arith.constant 0 : i32
        %get3A_1127 = arith.constant 0 : i32
        %get3A_1128 = tpu.memref_slice %arg11[%scan3A_137, %get3A_1126, %get3A_1127] : memref<2x64x256xf32, #tpu.memory_space<vmem>> -> memref<1x64x256xf32, #tpu.memory_space<vmem>>
        %get3A_1129 = tpu.memref_squeeze %get3A_1128 : memref<1x64x256xf32, #tpu.memory_space<vmem>> -> memref<64x256xf32, #tpu.memory_space<vmem>>
        %get3A_1130 = arith.index_cast %add3A_1125 : i32 to index
        %get3A_1131 = arith.constant 192 : index
        %get3A_1132 = tpu.vector_load %get3A_1129[%get3A_1130, %get3A_1131] {strides = array<i32>} : memref<64x256xf32, #tpu.memory_space<vmem>>, vector<1x16xf32>,
        %get3A_1133 = vector.shape_cast %get3A_1132 : vector<1x16xf32> to vector<16xf32>
        %add3A_1134 = arith.addf %get3A_1097, %get3A_1109 : vector<16xf32>
        %add3A_1135 = arith.addf %get3A_1121, %get3A_1133 : vector<16xf32>
        %add3A_1136 = arith.addf %add3A_1134, %add3A_1135 : vector<16xf32>
        %mul3A_1137 = arith.mulf %get3A_1097, %get3A_1097 : vector<16xf32>
        %mul3A_1138 = arith.mulf %get3A_1109, %get3A_1109 : vector<16xf32>
        %add3A_1139 = arith.addf %mul3A_1137, %mul3A_1138 : vector<16xf32>
        %mul3A_1140 = arith.mulf %get3A_1121, %get3A_1121 : vector<16xf32>
        %mul3A_1141 = arith.mulf %get3A_1133, %get3A_1133 : vector<16xf32>
        %add3A_1142 = arith.addf %mul3A_1140, %mul3A_1141 : vector<16xf32>
        %add3A_1143 = arith.addf %add3A_1139, %add3A_1142 : vector<16xf32>
        %mul3A_1144 = arith.constant 2.500000e-01 : f32
        %mul3A_1145 = vector.broadcast %mul3A_1144 : f32 to vector<16xf32>
        %mul3A_1146 = arith.mulf %add3A_1136, %mul3A_1145 : vector<16xf32>
        %mul3A_1147 = arith.constant 2.500000e-01 : f32
        %mul3A_1148 = vector.broadcast %mul3A_1147 : f32 to vector<16xf32>
        %mul3A_1149 = arith.mulf %add3A_1143, %mul3A_1148 : vector<16xf32>
        %mul3A_1150 = arith.mulf %mul3A_1146, %mul3A_1146 : vector<16xf32>
        %sub3A_1151 = arith.subf %mul3A_1149, %mul3A_1150 : vector<16xf32>
        %add3A_1152 = arith.addf %add3A_1083, %sub3A_1151 : vector<16xf32>
        %mul3A_1153 = arith.mulf %get3A_1097, %get3A_1109 : vector<16xf32>
        %mul3A_1154 = arith.mulf %mul3A_1153, %get3A_1121 : vector<16xf32>
        %mul3A_1155 = arith.constant 4 : i32
        %mul3A_1156 = arith.muli %mul3A_1155, %scan3A_256 : i32
        %add3A_1157 = arith.constant 0 : i32
        %add3A_1158 = arith.addi %mul3A_1156, %add3A_1157 : i32
        %get3A_1159 = arith.constant 0 : i32
        %get3A_1160 = arith.constant 0 : i32
        %get3A_1161 = tpu.memref_slice %arg11[%scan3A_137, %get3A_1159, %get3A_1160] : memref<2x64x256xf32, #tpu.memory_space<vmem>> -> memref<1x64x256xf32, #tpu.memory_space<vmem>>
        %get3A_1162 = tpu.memref_squeeze %get3A_1161 : memref<1x64x256xf32, #tpu.memory_space<vmem>> -> memref<64x256xf32, #tpu.memory_space<vmem>>
        %get3A_1163 = arith.index_cast %add3A_1158 : i32 to index
        %get3A_1164 = arith.constant 208 : index
        %get3A_1165 = tpu.vector_load %get3A_1162[%get3A_1163, %get3A_1164] {strides = array<i32>} : memref<64x256xf32, #tpu.memory_space<vmem>>, vector<1x16xf32>,
        %get3A_1166 = vector.shape_cast %get3A_1165 : vector<1x16xf32> to vector<16xf32>
        %mul3A_1167 = arith.constant 4 : i32
        %mul3A_1168 = arith.muli %mul3A_1167, %scan3A_256 : i32
        %add3A_1169 = arith.constant 1 : i32
        %add3A_1170 = arith.addi %mul3A_1168, %add3A_1169 : i32
        %get3A_1171 = arith.constant 0 : i32
        %get3A_1172 = arith.constant 0 : i32
        %get3A_1173 = tpu.memref_slice %arg11[%scan3A_137, %get3A_1171, %get3A_1172] : memref<2x64x256xf32, #tpu.memory_space<vmem>> -> memref<1x64x256xf32, #tpu.memory_space<vmem>>
        %get3A_1174 = tpu.memref_squeeze %get3A_1173 : memref<1x64x256xf32, #tpu.memory_space<vmem>> -> memref<64x256xf32, #tpu.memory_space<vmem>>
        %get3A_1175 = arith.index_cast %add3A_1170 : i32 to index
        %get3A_1176 = arith.constant 208 : index
        %get3A_1177 = tpu.vector_load %get3A_1174[%get3A_1175, %get3A_1176] {strides = array<i32>} : memref<64x256xf32, #tpu.memory_space<vmem>>, vector<1x16xf32>,
        %get3A_1178 = vector.shape_cast %get3A_1177 : vector<1x16xf32> to vector<16xf32>
        %mul3A_1179 = arith.constant 4 : i32
        %mul3A_1180 = arith.muli %mul3A_1179, %scan3A_256 : i32
        %add3A_1181 = arith.constant 2 : i32
        %add3A_1182 = arith.addi %mul3A_1180, %add3A_1181 : i32
        %get3A_1183 = arith.constant 0 : i32
        %get3A_1184 = arith.constant 0 : i32
        %get3A_1185 = tpu.memref_slice %arg11[%scan3A_137, %get3A_1183, %get3A_1184] : memref<2x64x256xf32, #tpu.memory_space<vmem>> -> memref<1x64x256xf32, #tpu.memory_space<vmem>>
        %get3A_1186 = tpu.memref_squeeze %get3A_1185 : memref<1x64x256xf32, #tpu.memory_space<vmem>> -> memref<64x256xf32, #tpu.memory_space<vmem>>
        %get3A_1187 = arith.index_cast %add3A_1182 : i32 to index
        %get3A_1188 = arith.constant 208 : index
        %get3A_1189 = tpu.vector_load %get3A_1186[%get3A_1187, %get3A_1188] {strides = array<i32>} : memref<64x256xf32, #tpu.memory_space<vmem>>, vector<1x16xf32>,
        %get3A_1190 = vector.shape_cast %get3A_1189 : vector<1x16xf32> to vector<16xf32>
        %mul3A_1191 = arith.constant 4 : i32
        %mul3A_1192 = arith.muli %mul3A_1191, %scan3A_256 : i32
        %add3A_1193 = arith.constant 3 : i32
        %add3A_1194 = arith.addi %mul3A_1192, %add3A_1193 : i32
        %get3A_1195 = arith.constant 0 : i32
        %get3A_1196 = arith.constant 0 : i32
        %get3A_1197 = tpu.memref_slice %arg11[%scan3A_137, %get3A_1195, %get3A_1196] : memref<2x64x256xf32, #tpu.memory_space<vmem>> -> memref<1x64x256xf32, #tpu.memory_space<vmem>>
        %get3A_1198 = tpu.memref_squeeze %get3A_1197 : memref<1x64x256xf32, #tpu.memory_space<vmem>> -> memref<64x256xf32, #tpu.memory_space<vmem>>
        %get3A_1199 = arith.index_cast %add3A_1194 : i32 to index
        %get3A_1200 = arith.constant 208 : index
        %get3A_1201 = tpu.vector_load %get3A_1198[%get3A_1199, %get3A_1200] {strides = array<i32>} : memref<64x256xf32, #tpu.memory_space<vmem>>, vector<1x16xf32>,
        %get3A_1202 = vector.shape_cast %get3A_1201 : vector<1x16xf32> to vector<16xf32>
        %add3A_1203 = arith.addf %get3A_1166, %get3A_1178 : vector<16xf32>
        %add3A_1204 = arith.addf %get3A_1190, %get3A_1202 : vector<16xf32>
        %add3A_1205 = arith.addf %add3A_1203, %add3A_1204 : vector<16xf32>
        %mul3A_1206 = arith.mulf %get3A_1166, %get3A_1166 : vector<16xf32>
        %mul3A_1207 = arith.mulf %get3A_1178, %get3A_1178 : vector<16xf32>
        %add3A_1208 = arith.addf %mul3A_1206, %mul3A_1207 : vector<16xf32>
        %mul3A_1209 = arith.mulf %get3A_1190, %get3A_1190 : vector<16xf32>
        %mul3A_1210 = arith.mulf %get3A_1202, %get3A_1202 : vector<16xf32>
        %add3A_1211 = arith.addf %mul3A_1209, %mul3A_1210 : vector<16xf32>
        %add3A_1212 = arith.addf %add3A_1208, %add3A_1211 : vector<16xf32>
        %mul3A_1213 = arith.constant 2.500000e-01 : f32
        %mul3A_1214 = vector.broadcast %mul3A_1213 : f32 to vector<16xf32>
        %mul3A_1215 = arith.mulf %add3A_1205, %mul3A_1214 : vector<16xf32>
        %mul3A_1216 = arith.constant 2.500000e-01 : f32
        %mul3A_1217 = vector.broadcast %mul3A_1216 : f32 to vector<16xf32>
        %mul3A_1218 = arith.mulf %add3A_1212, %mul3A_1217 : vector<16xf32>
        %mul3A_1219 = arith.mulf %mul3A_1215, %mul3A_1215 : vector<16xf32>
        %sub3A_1220 = arith.subf %mul3A_1218, %mul3A_1219 : vector<16xf32>
        %add3A_1221 = arith.addf %add3A_1152, %sub3A_1220 : vector<16xf32>
        %mul3A_1222 = arith.mulf %get3A_1166, %get3A_1178 : vector<16xf32>
        %mul3A_1223 = arith.mulf %mul3A_1222, %get3A_1190 : vector<16xf32>
        %mul3A_1224 = arith.constant 4 : i32
        %mul3A_1225 = arith.muli %mul3A_1224, %scan3A_256 : i32
        %add3A_1226 = arith.constant 0 : i32
        %add3A_1227 = arith.addi %mul3A_1225, %add3A_1226 : i32
        %get3A_1228 = arith.constant 0 : i32
        %get3A_1229 = arith.constant 0 : i32
        %get3A_1230 = tpu.memref_slice %arg11[%scan3A_137, %get3A_1228, %get3A_1229] : memref<2x64x256xf32, #tpu.memory_space<vmem>> -> memref<1x64x256xf32, #tpu.memory_space<vmem>>
        %get3A_1231 = tpu.memref_squeeze %get3A_1230 : memref<1x64x256xf32, #tpu.memory_space<vmem>> -> memref<64x256xf32, #tpu.memory_space<vmem>>
        %get3A_1232 = arith.index_cast %add3A_1227 : i32 to index
        %get3A_1233 = arith.constant 224 : index
        %get3A_1234 = tpu.vector_load %get3A_1231[%get3A_1232, %get3A_1233] {strides = array<i32>} : memref<64x256xf32, #tpu.memory_space<vmem>>, vector<1x16xf32>,
        %get3A_1235 = vector.shape_cast %get3A_1234 : vector<1x16xf32> to vector<16xf32>
        %mul3A_1236 = arith.constant 4 : i32
        %mul3A_1237 = arith.muli %mul3A_1236, %scan3A_256 : i32
        %add3A_1238 = arith.constant 1 : i32
        %add3A_1239 = arith.addi %mul3A_1237, %add3A_1238 : i32
        %get3A_1240 = arith.constant 0 : i32
        %get3A_1241 = arith.constant 0 : i32
        %get3A_1242 = tpu.memref_slice %arg11[%scan3A_137, %get3A_1240, %get3A_1241] : memref<2x64x256xf32, #tpu.memory_space<vmem>> -> memref<1x64x256xf32, #tpu.memory_space<vmem>>
        %get3A_1243 = tpu.memref_squeeze %get3A_1242 : memref<1x64x256xf32, #tpu.memory_space<vmem>> -> memref<64x256xf32, #tpu.memory_space<vmem>>
        %get3A_1244 = arith.index_cast %add3A_1239 : i32 to index
        %get3A_1245 = arith.constant 224 : index
        %get3A_1246 = tpu.vector_load %get3A_1243[%get3A_1244, %get3A_1245] {strides = array<i32>} : memref<64x256xf32, #tpu.memory_space<vmem>>, vector<1x16xf32>,
        %get3A_1247 = vector.shape_cast %get3A_1246 : vector<1x16xf32> to vector<16xf32>
        %mul3A_1248 = arith.constant 4 : i32
        %mul3A_1249 = arith.muli %mul3A_1248, %scan3A_256 : i32
        %add3A_1250 = arith.constant 2 : i32
        %add3A_1251 = arith.addi %mul3A_1249, %add3A_1250 : i32
        %get3A_1252 = arith.constant 0 : i32
        %get3A_1253 = arith.constant 0 : i32
        %get3A_1254 = tpu.memref_slice %arg11[%scan3A_137, %get3A_1252, %get3A_1253] : memref<2x64x256xf32, #tpu.memory_space<vmem>> -> memref<1x64x256xf32, #tpu.memory_space<vmem>>
        %get3A_1255 = tpu.memref_squeeze %get3A_1254 : memref<1x64x256xf32, #tpu.memory_space<vmem>> -> memref<64x256xf32, #tpu.memory_space<vmem>>
        %get3A_1256 = arith.index_cast %add3A_1251 : i32 to index
        %get3A_1257 = arith.constant 224 : index
        %get3A_1258 = tpu.vector_load %get3A_1255[%get3A_1256, %get3A_1257] {strides = array<i32>} : memref<64x256xf32, #tpu.memory_space<vmem>>, vector<1x16xf32>,
        %get3A_1259 = vector.shape_cast %get3A_1258 : vector<1x16xf32> to vector<16xf32>
        %mul3A_1260 = arith.constant 4 : i32
        %mul3A_1261 = arith.muli %mul3A_1260, %scan3A_256 : i32
        %add3A_1262 = arith.constant 3 : i32
        %add3A_1263 = arith.addi %mul3A_1261, %add3A_1262 : i32
        %get3A_1264 = arith.constant 0 : i32
        %get3A_1265 = arith.constant 0 : i32
        %get3A_1266 = tpu.memref_slice %arg11[%scan3A_137, %get3A_1264, %get3A_1265] : memref<2x64x256xf32, #tpu.memory_space<vmem>> -> memref<1x64x256xf32, #tpu.memory_space<vmem>>
        %get3A_1267 = tpu.memref_squeeze %get3A_1266 : memref<1x64x256xf32, #tpu.memory_space<vmem>> -> memref<64x256xf32, #tpu.memory_space<vmem>>
        %get3A_1268 = arith.index_cast %add3A_1263 : i32 to index
        %get3A_1269 = arith.constant 224 : index
        %get3A_1270 = tpu.vector_load %get3A_1267[%get3A_1268, %get3A_1269] {strides = array<i32>} : memref<64x256xf32, #tpu.memory_space<vmem>>, vector<1x16xf32>,
        %get3A_1271 = vector.shape_cast %get3A_1270 : vector<1x16xf32> to vector<16xf32>
        %add3A_1272 = arith.addf %get3A_1235, %get3A_1247 : vector<16xf32>
        %add3A_1273 = arith.addf %get3A_1259, %get3A_1271 : vector<16xf32>
        %add3A_1274 = arith.addf %add3A_1272, %add3A_1273 : vector<16xf32>
        %mul3A_1275 = arith.mulf %get3A_1235, %get3A_1235 : vector<16xf32>
        %mul3A_1276 = arith.mulf %get3A_1247, %get3A_1247 : vector<16xf32>
        %add3A_1277 = arith.addf %mul3A_1275, %mul3A_1276 : vector<16xf32>
        %mul3A_1278 = arith.mulf %get3A_1259, %get3A_1259 : vector<16xf32>
        %mul3A_1279 = arith.mulf %get3A_1271, %get3A_1271 : vector<16xf32>
        %add3A_1280 = arith.addf %mul3A_1278, %mul3A_1279 : vector<16xf32>
        %add3A_1281 = arith.addf %add3A_1277, %add3A_1280 : vector<16xf32>
        %mul3A_1282 = arith.constant 2.500000e-01 : f32
        %mul3A_1283 = vector.broadcast %mul3A_1282 : f32 to vector<16xf32>
        %mul3A_1284 = arith.mulf %add3A_1274, %mul3A_1283 : vector<16xf32>
        %mul3A_1285 = arith.constant 2.500000e-01 : f32
        %mul3A_1286 = vector.broadcast %mul3A_1285 : f32 to vector<16xf32>
        %mul3A_1287 = arith.mulf %add3A_1281, %mul3A_1286 : vector<16xf32>
        %mul3A_1288 = arith.mulf %mul3A_1284, %mul3A_1284 : vector<16xf32>
        %sub3A_1289 = arith.subf %mul3A_1287, %mul3A_1288 : vector<16xf32>
        %add3A_1290 = arith.addf %add3A_1221, %sub3A_1289 : vector<16xf32>
        %mul3A_1291 = arith.mulf %get3A_1235, %get3A_1247 : vector<16xf32>
        %mul3A_1292 = arith.mulf %mul3A_1291, %get3A_1259 : vector<16xf32>
        %mul3A_1293 = arith.constant 4 : i32
        %mul3A_1294 = arith.muli %mul3A_1293, %scan3A_256 : i32
        %add3A_1295 = arith.constant 0 : i32
        %add3A_1296 = arith.addi %mul3A_1294, %add3A_1295 : i32
        %get3A_1297 = arith.constant 0 : i32
        %get3A_1298 = arith.constant 0 : i32
        %get3A_1299 = tpu.memref_slice %arg11[%scan3A_137, %get3A_1297, %get3A_1298] : memref<2x64x256xf32, #tpu.memory_space<vmem>> -> memref<1x64x256xf32, #tpu.memory_space<vmem>>
        %get3A_1300 = tpu.memref_squeeze %get3A_1299 : memref<1x64x256xf32, #tpu.memory_space<vmem>> -> memref<64x256xf32, #tpu.memory_space<vmem>>
        %get3A_1301 = arith.index_cast %add3A_1296 : i32 to index
        %get3A_1302 = arith.constant 240 : index
        %get3A_1303 = tpu.vector_load %get3A_1300[%get3A_1301, %get3A_1302] {strides = array<i32>} : memref<64x256xf32, #tpu.memory_space<vmem>>, vector<1x16xf32>,
        %get3A_1304 = vector.shape_cast %get3A_1303 : vector<1x16xf32> to vector<16xf32>
        %mul3A_1305 = arith.constant 4 : i32
        %mul3A_1306 = arith.muli %mul3A_1305, %scan3A_256 : i32
        %add3A_1307 = arith.constant 1 : i32
        %add3A_1308 = arith.addi %mul3A_1306, %add3A_1307 : i32
        %get3A_1309 = arith.constant 0 : i32
        %get3A_1310 = arith.constant 0 : i32
        %get3A_1311 = tpu.memref_slice %arg11[%scan3A_137, %get3A_1309, %get3A_1310] : memref<2x64x256xf32, #tpu.memory_space<vmem>> -> memref<1x64x256xf32, #tpu.memory_space<vmem>>
        %get3A_1312 = tpu.memref_squeeze %get3A_1311 : memref<1x64x256xf32, #tpu.memory_space<vmem>> -> memref<64x256xf32, #tpu.memory_space<vmem>>
        %get3A_1313 = arith.index_cast %add3A_1308 : i32 to index
        %get3A_1314 = arith.constant 240 : index
        %get3A_1315 = tpu.vector_load %get3A_1312[%get3A_1313, %get3A_1314] {strides = array<i32>} : memref<64x256xf32, #tpu.memory_space<vmem>>, vector<1x16xf32>,
        %get3A_1316 = vector.shape_cast %get3A_1315 : vector<1x16xf32> to vector<16xf32>
        %mul3A_1317 = arith.constant 4 : i32
        %mul3A_1318 = arith.muli %mul3A_1317, %scan3A_256 : i32
        %add3A_1319 = arith.constant 2 : i32
        %add3A_1320 = arith.addi %mul3A_1318, %add3A_1319 : i32
        %get3A_1321 = arith.constant 0 : i32
        %get3A_1322 = arith.constant 0 : i32
        %get3A_1323 = tpu.memref_slice %arg11[%scan3A_137, %get3A_1321, %get3A_1322] : memref<2x64x256xf32, #tpu.memory_space<vmem>> -> memref<1x64x256xf32, #tpu.memory_space<vmem>>
        %get3A_1324 = tpu.memref_squeeze %get3A_1323 : memref<1x64x256xf32, #tpu.memory_space<vmem>> -> memref<64x256xf32, #tpu.memory_space<vmem>>
        %get3A_1325 = arith.index_cast %add3A_1320 : i32 to index
        %get3A_1326 = arith.constant 240 : index
        %get3A_1327 = tpu.vector_load %get3A_1324[%get3A_1325, %get3A_1326] {strides = array<i32>} : memref<64x256xf32, #tpu.memory_space<vmem>>, vector<1x16xf32>,
        %get3A_1328 = vector.shape_cast %get3A_1327 : vector<1x16xf32> to vector<16xf32>
        %mul3A_1329 = arith.constant 4 : i32
        %mul3A_1330 = arith.muli %mul3A_1329, %scan3A_256 : i32
        %add3A_1331 = arith.constant 3 : i32
        %add3A_1332 = arith.addi %mul3A_1330, %add3A_1331 : i32
        %get3A_1333 = arith.constant 0 : i32
        %get3A_1334 = arith.constant 0 : i32
        %get3A_1335 = tpu.memref_slice %arg11[%scan3A_137, %get3A_1333, %get3A_1334] : memref<2x64x256xf32, #tpu.memory_space<vmem>> -> memref<1x64x256xf32, #tpu.memory_space<vmem>>
        %get3A_1336 = tpu.memref_squeeze %get3A_1335 : memref<1x64x256xf32, #tpu.memory_space<vmem>> -> memref<64x256xf32, #tpu.memory_space<vmem>>
        %get3A_1337 = arith.index_cast %add3A_1332 : i32 to index
        %get3A_1338 = arith.constant 240 : index
        %get3A_1339 = tpu.vector_load %get3A_1336[%get3A_1337, %get3A_1338] {strides = array<i32>} : memref<64x256xf32, #tpu.memory_space<vmem>>, vector<1x16xf32>,
        %get3A_1340 = vector.shape_cast %get3A_1339 : vector<1x16xf32> to vector<16xf32>
        %add3A_1341 = arith.addf %get3A_1304, %get3A_1316 : vector<16xf32>
        %add3A_1342 = arith.addf %get3A_1328, %get3A_1340 : vector<16xf32>
        %add3A_1343 = arith.addf %add3A_1341, %add3A_1342 : vector<16xf32>
        %mul3A_1344 = arith.mulf %get3A_1304, %get3A_1304 : vector<16xf32>
        %mul3A_1345 = arith.mulf %get3A_1316, %get3A_1316 : vector<16xf32>
        %add3A_1346 = arith.addf %mul3A_1344, %mul3A_1345 : vector<16xf32>
        %mul3A_1347 = arith.mulf %get3A_1328, %get3A_1328 : vector<16xf32>
        %mul3A_1348 = arith.mulf %get3A_1340, %get3A_1340 : vector<16xf32>
        %add3A_1349 = arith.addf %mul3A_1347, %mul3A_1348 : vector<16xf32>
        %add3A_1350 = arith.addf %add3A_1346, %add3A_1349 : vector<16xf32>
        %mul3A_1351 = arith.constant 2.500000e-01 : f32
        %mul3A_1352 = vector.broadcast %mul3A_1351 : f32 to vector<16xf32>
        %mul3A_1353 = arith.mulf %add3A_1343, %mul3A_1352 : vector<16xf32>
        %mul3A_1354 = arith.constant 2.500000e-01 : f32
        %mul3A_1355 = vector.broadcast %mul3A_1354 : f32 to vector<16xf32>
        %mul3A_1356 = arith.mulf %add3A_1350, %mul3A_1355 : vector<16xf32>
        %mul3A_1357 = arith.mulf %mul3A_1353, %mul3A_1353 : vector<16xf32>
        %sub3A_1358 = arith.subf %mul3A_1356, %mul3A_1357 : vector<16xf32>
        %add3A_1359 = arith.addf %add3A_1290, %sub3A_1358 : vector<16xf32>
        %mul3A_1360 = arith.mulf %get3A_1304, %get3A_1316 : vector<16xf32>
        %mul3A_1361 = arith.mulf %mul3A_1360, %get3A_1328 : vector<16xf32>
        %iota3A = tpu.iota {dimensions = array<i32: 0>} : vector<16xi32>
        %add3A_1362 = arith.constant 8 : i32
        %add3A_1363 = vector.broadcast %add3A_1362 : i32 to vector<16xi32>
        %add3A_1364 = arith.addi %iota3A, %add3A_1363 : vector<16xi32>
        %and3A = arith.constant 15 : i32
        %and3A_1365 = vector.broadcast %and3A : i32 to vector<16xi32>
        %and3A_1366 = arith.andi %add3A_1364, %and3A_1365 : vector<16xi32>
        %broadcast_in_dim3A_1367 = vector.shape_cast %and3A_1366 : vector<16xi32> to vector<16x1xi32>
        %gather3A = vector.shape_cast %broadcast_in_dim3A_1367 : vector<16x1xi32> to vector<16xi32>
        %gather3A_1368 = tpu.dynamic_gather %add3A_1359[%gather3A] in [0] : vector<16xf32>, vector<16xi32> -> vector<16xf32>
        %add3A_1369 = arith.addf %add3A_1359, %gather3A_1368 : vector<16xf32>
        %add3A_1370 = arith.constant 4 : i32
        %add3A_1371 = vector.broadcast %add3A_1370 : i32 to vector<16xi32>
        %add3A_1372 = arith.addi %iota3A, %add3A_1371 : vector<16xi32>
        %and3A_1373 = arith.constant 15 : i32
        %and3A_1374 = vector.broadcast %and3A_1373 : i32 to vector<16xi32>
        %and3A_1375 = arith.andi %add3A_1372, %and3A_1374 : vector<16xi32>
        %broadcast_in_dim3A_1376 = vector.shape_cast %and3A_1375 : vector<16xi32> to vector<16x1xi32>
        %gather3A_1377 = vector.shape_cast %broadcast_in_dim3A_1376 : vector<16x1xi32> to vector<16xi32>
        %gather3A_1378 = tpu.dynamic_gather %add3A_1369[%gather3A_1377] in [0] : vector<16xf32>, vector<16xi32> -> vector<16xf32>
        %add3A_1379 = arith.addf %add3A_1369, %gather3A_1378 : vector<16xf32>
        %add3A_1380 = arith.constant 2 : i32
        %add3A_1381 = vector.broadcast %add3A_1380 : i32 to vector<16xi32>
        %add3A_1382 = arith.addi %iota3A, %add3A_1381 : vector<16xi32>
        %and3A_1383 = arith.constant 15 : i32
        %and3A_1384 = vector.broadcast %and3A_1383 : i32 to vector<16xi32>
        %and3A_1385 = arith.andi %add3A_1382, %and3A_1384 : vector<16xi32>
        %broadcast_in_dim3A_1386 = vector.shape_cast %and3A_1385 : vector<16xi32> to vector<16x1xi32>
        %gather3A_1387 = vector.shape_cast %broadcast_in_dim3A_1386 : vector<16x1xi32> to vector<16xi32>
        %gather3A_1388 = tpu.dynamic_gather %add3A_1379[%gather3A_1387] in [0] : vector<16xf32>, vector<16xi32> -> vector<16xf32>
        %add3A_1389 = arith.addf %add3A_1379, %gather3A_1388 : vector<16xf32>
        %add3A_1390 = arith.constant 1 : i32
        %add3A_1391 = vector.broadcast %add3A_1390 : i32 to vector<16xi32>
        %add3A_1392 = arith.addi %iota3A, %add3A_1391 : vector<16xi32>
        %and3A_1393 = arith.constant 15 : i32
        %and3A_1394 = vector.broadcast %and3A_1393 : i32 to vector<16xi32>
        %and3A_1395 = arith.andi %add3A_1392, %and3A_1394 : vector<16xi32>
        %broadcast_in_dim3A_1396 = vector.shape_cast %and3A_1395 : vector<16xi32> to vector<16x1xi32>
        %gather3A_1397 = vector.shape_cast %broadcast_in_dim3A_1396 : vector<16x1xi32> to vector<16xi32>
        %gather3A_1398 = tpu.dynamic_gather %add3A_1389[%gather3A_1397] in [0] : vector<16xf32>, vector<16xi32> -> vector<16xf32>
        %add3A_1399 = arith.addf %add3A_1389, %gather3A_1398 : vector<16xf32>
        %mul3A_1400 = arith.mulf %add3A_1399, %get3A_8 : vector<16xf32>
        %add3A_1401 = arith.addf %mul3A_1400, %get3A_11 : vector<16xf32>
        %neg3A = arith.constant 0.000000e+00 : f32
        %neg3A_1402 = vector.broadcast %neg3A : f32 to vector<16xf32>
        %neg3A_1403 = arith.subf %neg3A_1402, %add3A_1401 : vector<16xf32>
        %exp3A = math.exp %neg3A_1403 : vector<16xf32>
        %add3A_1404 = arith.constant 1.000000e+00 : f32
        %add3A_1405 = vector.broadcast %add3A_1404 : f32 to vector<16xf32>
        %add3A_1406 = arith.addf %add3A_1405, %exp3A : vector<16xf32>
        %div3A = arith.constant 1.000000e+00 : f32
        %div3A_1407 = vector.broadcast %div3A : f32 to vector<16xf32>
        %div3A_1408 = arith.divf %div3A_1407, %add3A_1406 : vector<16xf32>
        %mul3A_1409 = arith.mulf %div3A_1408, %mul3A_326 : vector<16xf32>
        %swap3A_1410 = arith.index_cast %add3A_44 : i32 to index
        %swap3A_1411 = arith.constant 0 : index
        %swap3A_1412 = tpu.vector_load %arg13[%swap3A_1410, %swap3A_1411] {strides = array<i32>} : memref<128x256xf32, #tpu.memory_space<vmem>>, vector<1x16xf32>,
        %swap3A_1413 = vector.shape_cast %swap3A_1412 : vector<1x16xf32> to vector<16xf32>
        %swap3A_1414 = vector.shape_cast %mul3A_1409 : vector<16xf32> to vector<1x16xf32>
        tpu.vector_store %arg13[%swap3A_1410, %swap3A_1411], %swap3A_1414 {add = true, strides = array<i32>} : memref<128x256xf32, #tpu.memory_space<vmem>>, vector<1x16xf32>,
        %mul3A_1415 = arith.mulf %div3A_1408, %mul3A_395 : vector<16xf32>
        %swap3A_1416 = arith.index_cast %add3A_44 : i32 to index
        %swap3A_1417 = arith.constant 16 : index
        %swap3A_1418 = tpu.vector_load %arg13[%swap3A_1416, %swap3A_1417] {strides = array<i32>} : memref<128x256xf32, #tpu.memory_space<vmem>>, vector<1x16xf32>,
        %swap3A_1419 = vector.shape_cast %swap3A_1418 : vector<1x16xf32> to vector<16xf32>
        %swap3A_1420 = vector.shape_cast %mul3A_1415 : vector<16xf32> to vector<1x16xf32>
        tpu.vector_store %arg13[%swap3A_1416, %swap3A_1417], %swap3A_1420 {add = true, strides = array<i32>} : memref<128x256xf32, #tpu.memory_space<vmem>>, vector<1x16xf32>,
        %mul3A_1421 = arith.mulf %div3A_1408, %mul3A_464 : vector<16xf32>
        %swap3A_1422 = arith.index_cast %add3A_44 : i32 to index
        %swap3A_1423 = arith.constant 32 : index
        %swap3A_1424 = tpu.vector_load %arg13[%swap3A_1422, %swap3A_1423] {strides = array<i32>} : memref<128x256xf32, #tpu.memory_space<vmem>>, vector<1x16xf32>,
        %swap3A_1425 = vector.shape_cast %swap3A_1424 : vector<1x16xf32> to vector<16xf32>
        %swap3A_1426 = vector.shape_cast %mul3A_1421 : vector<16xf32> to vector<1x16xf32>
        tpu.vector_store %arg13[%swap3A_1422, %swap3A_1423], %swap3A_1426 {add = true, strides = array<i32>} : memref<128x256xf32, #tpu.memory_space<vmem>>, vector<1x16xf32>,
        %mul3A_1427 = arith.mulf %div3A_1408, %mul3A_533 : vector<16xf32>
        %swap3A_1428 = arith.index_cast %add3A_44 : i32 to index
        %swap3A_1429 = arith.constant 48 : index
        %swap3A_1430 = tpu.vector_load %arg13[%swap3A_1428, %swap3A_1429] {strides = array<i32>} : memref<128x256xf32, #tpu.memory_space<vmem>>, vector<1x16xf32>,
        %swap3A_1431 = vector.shape_cast %swap3A_1430 : vector<1x16xf32> to vector<16xf32>
        %swap3A_1432 = vector.shape_cast %mul3A_1427 : vector<16xf32> to vector<1x16xf32>
        tpu.vector_store %arg13[%swap3A_1428, %swap3A_1429], %swap3A_1432 {add = true, strides = array<i32>} : memref<128x256xf32, #tpu.memory_space<vmem>>, vector<1x16xf32>,
        %mul3A_1433 = arith.mulf %div3A_1408, %mul3A_602 : vector<16xf32>
        %swap3A_1434 = arith.index_cast %add3A_44 : i32 to index
        %swap3A_1435 = arith.constant 64 : index
        %swap3A_1436 = tpu.vector_load %arg13[%swap3A_1434, %swap3A_1435] {strides = array<i32>} : memref<128x256xf32, #tpu.memory_space<vmem>>, vector<1x16xf32>,
        %swap3A_1437 = vector.shape_cast %swap3A_1436 : vector<1x16xf32> to vector<16xf32>
        %swap3A_1438 = vector.shape_cast %mul3A_1433 : vector<16xf32> to vector<1x16xf32>
        tpu.vector_store %arg13[%swap3A_1434, %swap3A_1435], %swap3A_1438 {add = true, strides = array<i32>} : memref<128x256xf32, #tpu.memory_space<vmem>>, vector<1x16xf32>,
        %mul3A_1439 = arith.mulf %div3A_1408, %mul3A_671 : vector<16xf32>
        %swap3A_1440 = arith.index_cast %add3A_44 : i32 to index
        %swap3A_1441 = arith.constant 80 : index
        %swap3A_1442 = tpu.vector_load %arg13[%swap3A_1440, %swap3A_1441] {strides = array<i32>} : memref<128x256xf32, #tpu.memory_space<vmem>>, vector<1x16xf32>,
        %swap3A_1443 = vector.shape_cast %swap3A_1442 : vector<1x16xf32> to vector<16xf32>
        %swap3A_1444 = vector.shape_cast %mul3A_1439 : vector<16xf32> to vector<1x16xf32>
        tpu.vector_store %arg13[%swap3A_1440, %swap3A_1441], %swap3A_1444 {add = true, strides = array<i32>} : memref<128x256xf32, #tpu.memory_space<vmem>>, vector<1x16xf32>,
        %mul3A_1445 = arith.mulf %div3A_1408, %mul3A_740 : vector<16xf32>
        %swap3A_1446 = arith.index_cast %add3A_44 : i32 to index
        %swap3A_1447 = arith.constant 96 : index
        %swap3A_1448 = tpu.vector_load %arg13[%swap3A_1446, %swap3A_1447] {strides = array<i32>} : memref<128x256xf32, #tpu.memory_space<vmem>>, vector<1x16xf32>,
        %swap3A_1449 = vector.shape_cast %swap3A_1448 : vector<1x16xf32> to vector<16xf32>
        %swap3A_1450 = vector.shape_cast %mul3A_1445 : vector<16xf32> to vector<1x16xf32>
        tpu.vector_store %arg13[%swap3A_1446, %swap3A_1447], %swap3A_1450 {add = true, strides = array<i32>} : memref<128x256xf32, #tpu.memory_space<vmem>>, vector<1x16xf32>,
        %mul3A_1451 = arith.mulf %div3A_1408, %mul3A_809 : vector<16xf32>
        %swap3A_1452 = arith.index_cast %add3A_44 : i32 to index
        %swap3A_1453 = arith.constant 112 : index
        %swap3A_1454 = tpu.vector_load %arg13[%swap3A_1452, %swap3A_1453] {strides = array<i32>} : memref<128x256xf32, #tpu.memory_space<vmem>>, vector<1x16xf32>,
        %swap3A_1455 = vector.shape_cast %swap3A_1454 : vector<1x16xf32> to vector<16xf32>
        %swap3A_1456 = vector.shape_cast %mul3A_1451 : vector<16xf32> to vector<1x16xf32>
        tpu.vector_store %arg13[%swap3A_1452, %swap3A_1453], %swap3A_1456 {add = true, strides = array<i32>} : memref<128x256xf32, #tpu.memory_space<vmem>>, vector<1x16xf32>,
        %mul3A_1457 = arith.mulf %div3A_1408, %mul3A_878 : vector<16xf32>
        %swap3A_1458 = arith.index_cast %add3A_44 : i32 to index
        %swap3A_1459 = arith.constant 128 : index
        %swap3A_1460 = tpu.vector_load %arg13[%swap3A_1458, %swap3A_1459] {strides = array<i32>} : memref<128x256xf32, #tpu.memory_space<vmem>>, vector<1x16xf32>,
        %swap3A_1461 = vector.shape_cast %swap3A_1460 : vector<1x16xf32> to vector<16xf32>
        %swap3A_1462 = vector.shape_cast %mul3A_1457 : vector<16xf32> to vector<1x16xf32>
        tpu.vector_store %arg13[%swap3A_1458, %swap3A_1459], %swap3A_1462 {add = true, strides = array<i32>} : memref<128x256xf32, #tpu.memory_space<vmem>>, vector<1x16xf32>,
        %mul3A_1463 = arith.mulf %div3A_1408, %mul3A_947 : vector<16xf32>
        %swap3A_1464 = arith.index_cast %add3A_44 : i32 to index
        %swap3A_1465 = arith.constant 144 : index
        %swap3A_1466 = tpu.vector_load %arg13[%swap3A_1464, %swap3A_1465] {strides = array<i32>} : memref<128x256xf32, #tpu.memory_space<vmem>>, vector<1x16xf32>,
        %swap3A_1467 = vector.shape_cast %swap3A_1466 : vector<1x16xf32> to vector<16xf32>
        %swap3A_1468 = vector.shape_cast %mul3A_1463 : vector<16xf32> to vector<1x16xf32>
        tpu.vector_store %arg13[%swap3A_1464, %swap3A_1465], %swap3A_1468 {add = true, strides = array<i32>} : memref<128x256xf32, #tpu.memory_space<vmem>>, vector<1x16xf32>,
        %mul3A_1469 = arith.mulf %div3A_1408, %mul3A_1016 : vector<16xf32>
        %swap3A_1470 = arith.index_cast %add3A_44 : i32 to index
        %swap3A_1471 = arith.constant 160 : index
        %swap3A_1472 = tpu.vector_load %arg13[%swap3A_1470, %swap3A_1471] {strides = array<i32>} : memref<128x256xf32, #tpu.memory_space<vmem>>, vector<1x16xf32>,
        %swap3A_1473 = vector.shape_cast %swap3A_1472 : vector<1x16xf32> to vector<16xf32>
        %swap3A_1474 = vector.shape_cast %mul3A_1469 : vector<16xf32> to vector<1x16xf32>
        tpu.vector_store %arg13[%swap3A_1470, %swap3A_1471], %swap3A_1474 {add = true, strides = array<i32>} : memref<128x256xf32, #tpu.memory_space<vmem>>, vector<1x16xf32>,
        %mul3A_1475 = arith.mulf %div3A_1408, %mul3A_1085 : vector<16xf32>
        %swap3A_1476 = arith.index_cast %add3A_44 : i32 to index
        %swap3A_1477 = arith.constant 176 : index
        %swap3A_1478 = tpu.vector_load %arg13[%swap3A_1476, %swap3A_1477] {strides = array<i32>} : memref<128x256xf32, #tpu.memory_space<vmem>>, vector<1x16xf32>,
        %swap3A_1479 = vector.shape_cast %swap3A_1478 : vector<1x16xf32> to vector<16xf32>
        %swap3A_1480 = vector.shape_cast %mul3A_1475 : vector<16xf32> to vector<1x16xf32>
        tpu.vector_store %arg13[%swap3A_1476, %swap3A_1477], %swap3A_1480 {add = true, strides = array<i32>} : memref<128x256xf32, #tpu.memory_space<vmem>>, vector<1x16xf32>,
        %mul3A_1481 = arith.mulf %div3A_1408, %mul3A_1154 : vector<16xf32>
        %swap3A_1482 = arith.index_cast %add3A_44 : i32 to index
        %swap3A_1483 = arith.constant 192 : index
        %swap3A_1484 = tpu.vector_load %arg13[%swap3A_1482, %swap3A_1483] {strides = array<i32>} : memref<128x256xf32, #tpu.memory_space<vmem>>, vector<1x16xf32>,
        %swap3A_1485 = vector.shape_cast %swap3A_1484 : vector<1x16xf32> to vector<16xf32>
        %swap3A_1486 = vector.shape_cast %mul3A_1481 : vector<16xf32> to vector<1x16xf32>
        tpu.vector_store %arg13[%swap3A_1482, %swap3A_1483], %swap3A_1486 {add = true, strides = array<i32>} : memref<128x256xf32, #tpu.memory_space<vmem>>, vector<1x16xf32>,
        %mul3A_1487 = arith.mulf %div3A_1408, %mul3A_1223 : vector<16xf32>
        %swap3A_1488 = arith.index_cast %add3A_44 : i32 to index
        %swap3A_1489 = arith.constant 208 : index
        %swap3A_1490 = tpu.vector_load %arg13[%swap3A_1488, %swap3A_1489] {strides = array<i32>} : memref<128x256xf32, #tpu.memory_space<vmem>>, vector<1x16xf32>,
        %swap3A_1491 = vector.shape_cast %swap3A_1490 : vector<1x16xf32> to vector<16xf32>
        %swap3A_1492 = vector.shape_cast %mul3A_1487 : vector<16xf32> to vector<1x16xf32>
        tpu.vector_store %arg13[%swap3A_1488, %swap3A_1489], %swap3A_1492 {add = true, strides = array<i32>} : memref<128x256xf32, #tpu.memory_space<vmem>>, vector<1x16xf32>,
        %mul3A_1493 = arith.mulf %div3A_1408, %mul3A_1292 : vector<16xf32>
        %swap3A_1494 = arith.index_cast %add3A_44 : i32 to index
        %swap3A_1495 = arith.constant 224 : index
        %swap3A_1496 = tpu.vector_load %arg13[%swap3A_1494, %swap3A_1495] {strides = array<i32>} : memref<128x256xf32, #tpu.memory_space<vmem>>, vector<1x16xf32>,
        %swap3A_1497 = vector.shape_cast %swap3A_1496 : vector<1x16xf32> to vector<16xf32>
        %swap3A_1498 = vector.shape_cast %mul3A_1493 : vector<16xf32> to vector<1x16xf32>
        tpu.vector_store %arg13[%swap3A_1494, %swap3A_1495], %swap3A_1498 {add = true, strides = array<i32>} : memref<128x256xf32, #tpu.memory_space<vmem>>, vector<1x16xf32>,
        %mul3A_1499 = arith.mulf %div3A_1408, %mul3A_1361 : vector<16xf32>
        %swap3A_1500 = arith.index_cast %add3A_44 : i32 to index
        %swap3A_1501 = arith.constant 240 : index
        %swap3A_1502 = tpu.vector_load %arg13[%swap3A_1500, %swap3A_1501] {strides = array<i32>} : memref<128x256xf32, #tpu.memory_space<vmem>>, vector<1x16xf32>,
        %swap3A_1503 = vector.shape_cast %swap3A_1502 : vector<1x16xf32> to vector<16xf32>
        %swap3A_1504 = vector.shape_cast %mul3A_1499 : vector<16xf32> to vector<1x16xf32>
        tpu.vector_store %arg13[%swap3A_1500, %swap3A_1501], %swap3A_1504 {add = true, strides = array<i32>} : memref<128x256xf32, #tpu.memory_space<vmem>>, vector<1x16xf32>,
      }
      %scan3A_142 = arith.constant 16 : i32
      %add3A_143 = arith.constant 2 : i32
      %add3A_144 = arith.addi %add3A_44, %add3A_143 : i32
      %lt3A = arith.constant 128 : i32
      %lt3A_145 = arith.cmpi slt, %add3A_144, %lt3A : i32
      %convert_element_type3A = arith.extui %lt3A_145 : i1 to i32
      %cond3A = arith.constant 0 : i32
      %cond3A_146 = arith.cmpi ne, %convert_element_type3A, %cond3A : i32
      scf.if %cond3A_146 {
        %mul3A_256 = arith.constant 64 : i32
        %mul3A_257 = arith.muli %add3A_144, %mul3A_256 : i32
        %dma_start3A_258 = arith.constant 0 : i32
        %dma_start3A_259 = arith.constant 0 : i32
        %dma_start3A_260 = arith.constant 0 : i32
        %dma_start3A_261 = tpu.memref_slice %arg11[%dma_start3A_258, %dma_start3A_259, %dma_start3A_260] : memref<2x64x256xf32, #tpu.memory_space<vmem>> -> memref<1x64x256xf32, #tpu.memory_space<vmem>>
        %dma_start3A_262 = tpu.memref_squeeze %dma_start3A_261 : memref<1x64x256xf32, #tpu.memory_space<vmem>> -> memref<64x256xf32, #tpu.memory_space<vmem>>
        %dma_start3A_263 = tpu.memref_slice %arg9[%mul3A_257] : memref<8192xi32, #tpu.memory_space<vmem>> -> memref<64xi32, #tpu.memory_space<vmem>>
        %dma_start3A_264 = arith.constant 0 : i32
        %dma_start3A_265 = arith.constant 0 : i32
        %dma_start3A_266 = tpu.memref_slice %arg2[%dma_start3A_264, %dma_start3A_265] : memref<50000x256xf32, #tpu.memory_space<hbm>> -> memref<50000x256xf32, #tpu.memory_space<hbm>>
        tpu.enqueue_indirect_dma source(%dma_start3A_266 : memref<50000x256xf32, #tpu.memory_space<hbm>>) target(%dma_start3A_262 : memref<64x256xf32, #tpu.memory_space<vmem>>) offsets(%dma_start3A_263 : memref<64xi32, #tpu.memory_space<vmem>>) semaphore(%arg16 : memref<!tpu.dma_semaphore, #tpu.memory_space<semaphore_mem>>)
      } else {
      }
      %add3A_147 = arith.constant 1 : i32
      %add3A_148 = arith.addi %add3A_42, %add3A_147 : i32
      %mul3A_149 = arith.constant 64 : i32
      %mul3A_150 = arith.muli %add3A_148, %mul3A_149 : i32
      %dma_wait3A_151 = arith.constant 1 : i32
      %dma_wait3A_152 = arith.constant 0 : i32
      %dma_wait3A_153 = arith.constant 0 : i32
      %dma_wait3A_154 = tpu.memref_slice %arg11[%dma_wait3A_151, %dma_wait3A_152, %dma_wait3A_153] : memref<2x64x256xf32, #tpu.memory_space<vmem>> -> memref<1x64x256xf32, #tpu.memory_space<vmem>>
      %dma_wait3A_155 = tpu.memref_squeeze %dma_wait3A_154 : memref<1x64x256xf32, #tpu.memory_space<vmem>> -> memref<64x256xf32, #tpu.memory_space<vmem>>
      %dma_wait3A_156 = tpu.memref_slice %arg9[%mul3A_150] : memref<8192xi32, #tpu.memory_space<vmem>> -> memref<64xi32, #tpu.memory_space<vmem>>
      %dma_wait3A_157 = arith.constant 0 : i32
      %dma_wait3A_158 = arith.constant 0 : i32
      %dma_wait3A_159 = tpu.memref_slice %arg2[%dma_wait3A_157, %dma_wait3A_158] : memref<50000x256xf32, #tpu.memory_space<hbm>> -> memref<50000x256xf32, #tpu.memory_space<hbm>>
      tpu.wait_indirect_dma semaphore(%arg17 : memref<!tpu.dma_semaphore, #tpu.memory_space<semaphore_mem>>) src(%dma_wait3A_159 : memref<50000x256xf32, #tpu.memory_space<hbm>>) dst(%dma_wait3A_155 : memref<64x256xf32, #tpu.memory_space<vmem>>)
      %broadcast_in_dim3A_160 = arith.constant 0.000000e+00 : f32
      %broadcast_in_dim3A_161 = vector.broadcast %broadcast_in_dim3A_160 : f32 to vector<16xf32>
      %swap3A_162 = arith.index_cast %add3A_148 : i32 to index
      %swap3A_163 = arith.constant 0 : index
      %swap3A_164 = tpu.vector_load %arg13[%swap3A_162, %swap3A_163] {strides = array<i32>} : memref<128x256xf32, #tpu.memory_space<vmem>>, vector<1x16xf32>,
      %swap3A_165 = vector.shape_cast %swap3A_164 : vector<1x16xf32> to vector<16xf32>
      %swap3A_166 = vector.shape_cast %broadcast_in_dim3A_161 : vector<16xf32> to vector<1x16xf32>
      tpu.vector_store %arg13[%swap3A_162, %swap3A_163], %swap3A_166 {strides = array<i32>} : memref<128x256xf32, #tpu.memory_space<vmem>>, vector<1x16xf32>,
      %swap3A_167 = arith.index_cast %add3A_148 : i32 to index
      %swap3A_168 = arith.constant 16 : index
      %swap3A_169 = tpu.vector_load %arg13[%swap3A_167, %swap3A_168] {strides = array<i32>} : memref<128x256xf32, #tpu.memory_space<vmem>>, vector<1x16xf32>,
      %swap3A_170 = vector.shape_cast %swap3A_169 : vector<1x16xf32> to vector<16xf32>
      %swap3A_171 = vector.shape_cast %broadcast_in_dim3A_161 : vector<16xf32> to vector<1x16xf32>
      tpu.vector_store %arg13[%swap3A_167, %swap3A_168], %swap3A_171 {strides = array<i32>} : memref<128x256xf32, #tpu.memory_space<vmem>>, vector<1x16xf32>,
      %swap3A_172 = arith.index_cast %add3A_148 : i32 to index
      %swap3A_173 = arith.constant 32 : index
      %swap3A_174 = tpu.vector_load %arg13[%swap3A_172, %swap3A_173] {strides = array<i32>} : memref<128x256xf32, #tpu.memory_space<vmem>>, vector<1x16xf32>,
      %swap3A_175 = vector.shape_cast %swap3A_174 : vector<1x16xf32> to vector<16xf32>
      %swap3A_176 = vector.shape_cast %broadcast_in_dim3A_161 : vector<16xf32> to vector<1x16xf32>
      tpu.vector_store %arg13[%swap3A_172, %swap3A_173], %swap3A_176 {strides = array<i32>} : memref<128x256xf32, #tpu.memory_space<vmem>>, vector<1x16xf32>,
      %swap3A_177 = arith.index_cast %add3A_148 : i32 to index
      %swap3A_178 = arith.constant 48 : index
      %swap3A_179 = tpu.vector_load %arg13[%swap3A_177, %swap3A_178] {strides = array<i32>} : memref<128x256xf32, #tpu.memory_space<vmem>>, vector<1x16xf32>,
      %swap3A_180 = vector.shape_cast %swap3A_179 : vector<1x16xf32> to vector<16xf32>
      %swap3A_181 = vector.shape_cast %broadcast_in_dim3A_161 : vector<16xf32> to vector<1x16xf32>
      tpu.vector_store %arg13[%swap3A_177, %swap3A_178], %swap3A_181 {strides = array<i32>} : memref<128x256xf32, #tpu.memory_space<vmem>>, vector<1x16xf32>,
      %swap3A_182 = arith.index_cast %add3A_148 : i32 to index
      %swap3A_183 = arith.constant 64 : index
      %swap3A_184 = tpu.vector_load %arg13[%swap3A_182, %swap3A_183] {strides = array<i32>} : memref<128x256xf32, #tpu.memory_space<vmem>>, vector<1x16xf32>,
      %swap3A_185 = vector.shape_cast %swap3A_184 : vector<1x16xf32> to vector<16xf32>
      %swap3A_186 = vector.shape_cast %broadcast_in_dim3A_161 : vector<16xf32> to vector<1x16xf32>
      tpu.vector_store %arg13[%swap3A_182, %swap3A_183], %swap3A_186 {strides = array<i32>} : memref<128x256xf32, #tpu.memory_space<vmem>>, vector<1x16xf32>,
      %swap3A_187 = arith.index_cast %add3A_148 : i32 to index
      %swap3A_188 = arith.constant 80 : index
      %swap3A_189 = tpu.vector_load %arg13[%swap3A_187, %swap3A_188] {strides = array<i32>} : memref<128x256xf32, #tpu.memory_space<vmem>>, vector<1x16xf32>,
      %swap3A_190 = vector.shape_cast %swap3A_189 : vector<1x16xf32> to vector<16xf32>
      %swap3A_191 = vector.shape_cast %broadcast_in_dim3A_161 : vector<16xf32> to vector<1x16xf32>
      tpu.vector_store %arg13[%swap3A_187, %swap3A_188], %swap3A_191 {strides = array<i32>} : memref<128x256xf32, #tpu.memory_space<vmem>>, vector<1x16xf32>,
      %swap3A_192 = arith.index_cast %add3A_148 : i32 to index
      %swap3A_193 = arith.constant 96 : index
      %swap3A_194 = tpu.vector_load %arg13[%swap3A_192, %swap3A_193] {strides = array<i32>} : memref<128x256xf32, #tpu.memory_space<vmem>>, vector<1x16xf32>,
      %swap3A_195 = vector.shape_cast %swap3A_194 : vector<1x16xf32> to vector<16xf32>
      %swap3A_196 = vector.shape_cast %broadcast_in_dim3A_161 : vector<16xf32> to vector<1x16xf32>
      tpu.vector_store %arg13[%swap3A_192, %swap3A_193], %swap3A_196 {strides = array<i32>} : memref<128x256xf32, #tpu.memory_space<vmem>>, vector<1x16xf32>,
      %swap3A_197 = arith.index_cast %add3A_148 : i32 to index
      %swap3A_198 = arith.constant 112 : index
      %swap3A_199 = tpu.vector_load %arg13[%swap3A_197, %swap3A_198] {strides = array<i32>} : memref<128x256xf32, #tpu.memory_space<vmem>>, vector<1x16xf32>,
      %swap3A_200 = vector.shape_cast %swap3A_199 : vector<1x16xf32> to vector<16xf32>
      %swap3A_201 = vector.shape_cast %broadcast_in_dim3A_161 : vector<16xf32> to vector<1x16xf32>
      tpu.vector_store %arg13[%swap3A_197, %swap3A_198], %swap3A_201 {strides = array<i32>} : memref<128x256xf32, #tpu.memory_space<vmem>>, vector<1x16xf32>,
      %swap3A_202 = arith.index_cast %add3A_148 : i32 to index
      %swap3A_203 = arith.constant 128 : index
      %swap3A_204 = tpu.vector_load %arg13[%swap3A_202, %swap3A_203] {strides = array<i32>} : memref<128x256xf32, #tpu.memory_space<vmem>>, vector<1x16xf32>,
      %swap3A_205 = vector.shape_cast %swap3A_204 : vector<1x16xf32> to vector<16xf32>
      %swap3A_206 = vector.shape_cast %broadcast_in_dim3A_161 : vector<16xf32> to vector<1x16xf32>
      tpu.vector_store %arg13[%swap3A_202, %swap3A_203], %swap3A_206 {strides = array<i32>} : memref<128x256xf32, #tpu.memory_space<vmem>>, vector<1x16xf32>,
      %swap3A_207 = arith.index_cast %add3A_148 : i32 to index
      %swap3A_208 = arith.constant 144 : index
      %swap3A_209 = tpu.vector_load %arg13[%swap3A_207, %swap3A_208] {strides = array<i32>} : memref<128x256xf32, #tpu.memory_space<vmem>>, vector<1x16xf32>,
      %swap3A_210 = vector.shape_cast %swap3A_209 : vector<1x16xf32> to vector<16xf32>
      %swap3A_211 = vector.shape_cast %broadcast_in_dim3A_161 : vector<16xf32> to vector<1x16xf32>
      tpu.vector_store %arg13[%swap3A_207, %swap3A_208], %swap3A_211 {strides = array<i32>} : memref<128x256xf32, #tpu.memory_space<vmem>>, vector<1x16xf32>,
      %swap3A_212 = arith.index_cast %add3A_148 : i32 to index
      %swap3A_213 = arith.constant 160 : index
      %swap3A_214 = tpu.vector_load %arg13[%swap3A_212, %swap3A_213] {strides = array<i32>} : memref<128x256xf32, #tpu.memory_space<vmem>>, vector<1x16xf32>,
      %swap3A_215 = vector.shape_cast %swap3A_214 : vector<1x16xf32> to vector<16xf32>
      %swap3A_216 = vector.shape_cast %broadcast_in_dim3A_161 : vector<16xf32> to vector<1x16xf32>
      tpu.vector_store %arg13[%swap3A_212, %swap3A_213], %swap3A_216 {strides = array<i32>} : memref<128x256xf32, #tpu.memory_space<vmem>>, vector<1x16xf32>,
      %swap3A_217 = arith.index_cast %add3A_148 : i32 to index
      %swap3A_218 = arith.constant 176 : index
      %swap3A_219 = tpu.vector_load %arg13[%swap3A_217, %swap3A_218] {strides = array<i32>} : memref<128x256xf32, #tpu.memory_space<vmem>>, vector<1x16xf32>,
      %swap3A_220 = vector.shape_cast %swap3A_219 : vector<1x16xf32> to vector<16xf32>
      %swap3A_221 = vector.shape_cast %broadcast_in_dim3A_161 : vector<16xf32> to vector<1x16xf32>
      tpu.vector_store %arg13[%swap3A_217, %swap3A_218], %swap3A_221 {strides = array<i32>} : memref<128x256xf32, #tpu.memory_space<vmem>>, vector<1x16xf32>,
      %swap3A_222 = arith.index_cast %add3A_148 : i32 to index
      %swap3A_223 = arith.constant 192 : index
      %swap3A_224 = tpu.vector_load %arg13[%swap3A_222, %swap3A_223] {strides = array<i32>} : memref<128x256xf32, #tpu.memory_space<vmem>>, vector<1x16xf32>,
      %swap3A_225 = vector.shape_cast %swap3A_224 : vector<1x16xf32> to vector<16xf32>
      %swap3A_226 = vector.shape_cast %broadcast_in_dim3A_161 : vector<16xf32> to vector<1x16xf32>
      tpu.vector_store %arg13[%swap3A_222, %swap3A_223], %swap3A_226 {strides = array<i32>} : memref<128x256xf32, #tpu.memory_space<vmem>>, vector<1x16xf32>,
      %swap3A_227 = arith.index_cast %add3A_148 : i32 to index
      %swap3A_228 = arith.constant 208 : index
      %swap3A_229 = tpu.vector_load %arg13[%swap3A_227, %swap3A_228] {strides = array<i32>} : memref<128x256xf32, #tpu.memory_space<vmem>>, vector<1x16xf32>,
      %swap3A_230 = vector.shape_cast %swap3A_229 : vector<1x16xf32> to vector<16xf32>
      %swap3A_231 = vector.shape_cast %broadcast_in_dim3A_161 : vector<16xf32> to vector<1x16xf32>
      tpu.vector_store %arg13[%swap3A_227, %swap3A_228], %swap3A_231 {strides = array<i32>} : memref<128x256xf32, #tpu.memory_space<vmem>>, vector<1x16xf32>,
      %swap3A_232 = arith.index_cast %add3A_148 : i32 to index
      %swap3A_233 = arith.constant 224 : index
      %swap3A_234 = tpu.vector_load %arg13[%swap3A_232, %swap3A_233] {strides = array<i32>} : memref<128x256xf32, #tpu.memory_space<vmem>>, vector<1x16xf32>,
      %swap3A_235 = vector.shape_cast %swap3A_234 : vector<1x16xf32> to vector<16xf32>
      %swap3A_236 = vector.shape_cast %broadcast_in_dim3A_161 : vector<16xf32> to vector<1x16xf32>
      tpu.vector_store %arg13[%swap3A_232, %swap3A_233], %swap3A_236 {strides = array<i32>} : memref<128x256xf32, #tpu.memory_space<vmem>>, vector<1x16xf32>,
      %swap3A_237 = arith.index_cast %add3A_148 : i32 to index
      %swap3A_238 = arith.constant 240 : index
      %swap3A_239 = tpu.vector_load %arg13[%swap3A_237, %swap3A_238] {strides = array<i32>} : memref<128x256xf32, #tpu.memory_space<vmem>>, vector<1x16xf32>,
      %swap3A_240 = vector.shape_cast %swap3A_239 : vector<1x16xf32> to vector<16xf32>
      %swap3A_241 = vector.shape_cast %broadcast_in_dim3A_161 : vector<16xf32> to vector<1x16xf32>
      tpu.vector_store %arg13[%swap3A_237, %swap3A_238], %swap3A_241 {strides = array<i32>} : memref<128x256xf32, #tpu.memory_space<vmem>>, vector<1x16xf32>,
      %scan3A_242 = arith.constant 0 : i32
      %scan3A_243 = arith.constant 1 : i32
      %scan3A_244 = arith.constant 0 : i32
      %scan3A_245 = arith.constant 16 : i32
      %scan3A_246 = arith.addi %scan3A_244, %scan3A_245 : i32
      %scan3A_247 = arith.constant 1 : i32
      scf.for %scan3A_256 = %scan3A_244 to %scan3A_246 step %scan3A_247  : i32 {
        %broadcast_in_dim3A_257 = arith.constant 0.000000e+00 : f32
        %broadcast_in_dim3A_258 = vector.broadcast %broadcast_in_dim3A_257 : f32 to vector<16xf32>
        %mul3A_259 = arith.constant 4 : i32
        %mul3A_260 = arith.muli %mul3A_259, %scan3A_256 : i32
        %add3A_261 = arith.constant 0 : i32
        %add3A_262 = arith.addi %mul3A_260, %add3A_261 : i32
        %get3A_263 = arith.constant 0 : i32
        %get3A_264 = arith.constant 0 : i32
        %get3A_265 = tpu.memref_slice %arg11[%scan3A_243, %get3A_263, %get3A_264] : memref<2x64x256xf32, #tpu.memory_space<vmem>> -> memref<1x64x256xf32, #tpu.memory_space<vmem>>
        %get3A_266 = tpu.memref_squeeze %get3A_265 : memref<1x64x256xf32, #tpu.memory_space<vmem>> -> memref<64x256xf32, #tpu.memory_space<vmem>>
        %get3A_267 = arith.index_cast %add3A_262 : i32 to index
        %get3A_268 = arith.constant 0 : index
        %get3A_269 = tpu.vector_load %get3A_266[%get3A_267, %get3A_268] {strides = array<i32>} : memref<64x256xf32, #tpu.memory_space<vmem>>, vector<1x16xf32>,
        %get3A_270 = vector.shape_cast %get3A_269 : vector<1x16xf32> to vector<16xf32>
        %mul3A_271 = arith.constant 4 : i32
        %mul3A_272 = arith.muli %mul3A_271, %scan3A_256 : i32
        %add3A_273 = arith.constant 1 : i32
        %add3A_274 = arith.addi %mul3A_272, %add3A_273 : i32
        %get3A_275 = arith.constant 0 : i32
        %get3A_276 = arith.constant 0 : i32
        %get3A_277 = tpu.memref_slice %arg11[%scan3A_243, %get3A_275, %get3A_276] : memref<2x64x256xf32, #tpu.memory_space<vmem>> -> memref<1x64x256xf32, #tpu.memory_space<vmem>>
        %get3A_278 = tpu.memref_squeeze %get3A_277 : memref<1x64x256xf32, #tpu.memory_space<vmem>> -> memref<64x256xf32, #tpu.memory_space<vmem>>
        %get3A_279 = arith.index_cast %add3A_274 : i32 to index
        %get3A_280 = arith.constant 0 : index
        %get3A_281 = tpu.vector_load %get3A_278[%get3A_279, %get3A_280] {strides = array<i32>} : memref<64x256xf32, #tpu.memory_space<vmem>>, vector<1x16xf32>,
        %get3A_282 = vector.shape_cast %get3A_281 : vector<1x16xf32> to vector<16xf32>
        %mul3A_283 = arith.constant 4 : i32
        %mul3A_284 = arith.muli %mul3A_283, %scan3A_256 : i32
        %add3A_285 = arith.constant 2 : i32
        %add3A_286 = arith.addi %mul3A_284, %add3A_285 : i32
        %get3A_287 = arith.constant 0 : i32
        %get3A_288 = arith.constant 0 : i32
        %get3A_289 = tpu.memref_slice %arg11[%scan3A_243, %get3A_287, %get3A_288] : memref<2x64x256xf32, #tpu.memory_space<vmem>> -> memref<1x64x256xf32, #tpu.memory_space<vmem>>
        %get3A_290 = tpu.memref_squeeze %get3A_289 : memref<1x64x256xf32, #tpu.memory_space<vmem>> -> memref<64x256xf32, #tpu.memory_space<vmem>>
        %get3A_291 = arith.index_cast %add3A_286 : i32 to index
        %get3A_292 = arith.constant 0 : index
        %get3A_293 = tpu.vector_load %get3A_290[%get3A_291, %get3A_292] {strides = array<i32>} : memref<64x256xf32, #tpu.memory_space<vmem>>, vector<1x16xf32>,
        %get3A_294 = vector.shape_cast %get3A_293 : vector<1x16xf32> to vector<16xf32>
        %mul3A_295 = arith.constant 4 : i32
        %mul3A_296 = arith.muli %mul3A_295, %scan3A_256 : i32
        %add3A_297 = arith.constant 3 : i32
        %add3A_298 = arith.addi %mul3A_296, %add3A_297 : i32
        %get3A_299 = arith.constant 0 : i32
        %get3A_300 = arith.constant 0 : i32
        %get3A_301 = tpu.memref_slice %arg11[%scan3A_243, %get3A_299, %get3A_300] : memref<2x64x256xf32, #tpu.memory_space<vmem>> -> memref<1x64x256xf32, #tpu.memory_space<vmem>>
        %get3A_302 = tpu.memref_squeeze %get3A_301 : memref<1x64x256xf32, #tpu.memory_space<vmem>> -> memref<64x256xf32, #tpu.memory_space<vmem>>
        %get3A_303 = arith.index_cast %add3A_298 : i32 to index
        %get3A_304 = arith.constant 0 : index
        %get3A_305 = tpu.vector_load %get3A_302[%get3A_303, %get3A_304] {strides = array<i32>} : memref<64x256xf32, #tpu.memory_space<vmem>>, vector<1x16xf32>,
        %get3A_306 = vector.shape_cast %get3A_305 : vector<1x16xf32> to vector<16xf32>
        %add3A_307 = arith.addf %get3A_270, %get3A_282 : vector<16xf32>
        %add3A_308 = arith.addf %get3A_294, %get3A_306 : vector<16xf32>
        %add3A_309 = arith.addf %add3A_307, %add3A_308 : vector<16xf32>
        %mul3A_310 = arith.mulf %get3A_270, %get3A_270 : vector<16xf32>
        %mul3A_311 = arith.mulf %get3A_282, %get3A_282 : vector<16xf32>
        %add3A_312 = arith.addf %mul3A_310, %mul3A_311 : vector<16xf32>
        %mul3A_313 = arith.mulf %get3A_294, %get3A_294 : vector<16xf32>
        %mul3A_314 = arith.mulf %get3A_306, %get3A_306 : vector<16xf32>
        %add3A_315 = arith.addf %mul3A_313, %mul3A_314 : vector<16xf32>
        %add3A_316 = arith.addf %add3A_312, %add3A_315 : vector<16xf32>
        %mul3A_317 = arith.constant 2.500000e-01 : f32
        %mul3A_318 = vector.broadcast %mul3A_317 : f32 to vector<16xf32>
        %mul3A_319 = arith.mulf %add3A_309, %mul3A_318 : vector<16xf32>
        %mul3A_320 = arith.constant 2.500000e-01 : f32
        %mul3A_321 = vector.broadcast %mul3A_320 : f32 to vector<16xf32>
        %mul3A_322 = arith.mulf %add3A_316, %mul3A_321 : vector<16xf32>
        %mul3A_323 = arith.mulf %mul3A_319, %mul3A_319 : vector<16xf32>
        %sub3A = arith.subf %mul3A_322, %mul3A_323 : vector<16xf32>
        %add3A_324 = arith.addf %broadcast_in_dim3A_258, %sub3A : vector<16xf32>
        %mul3A_325 = arith.mulf %get3A_270, %get3A_282 : vector<16xf32>
        %mul3A_326 = arith.mulf %mul3A_325, %get3A_294 : vector<16xf32>
        %mul3A_327 = arith.constant 4 : i32
        %mul3A_328 = arith.muli %mul3A_327, %scan3A_256 : i32
        %add3A_329 = arith.constant 0 : i32
        %add3A_330 = arith.addi %mul3A_328, %add3A_329 : i32
        %get3A_331 = arith.constant 0 : i32
        %get3A_332 = arith.constant 0 : i32
        %get3A_333 = tpu.memref_slice %arg11[%scan3A_243, %get3A_331, %get3A_332] : memref<2x64x256xf32, #tpu.memory_space<vmem>> -> memref<1x64x256xf32, #tpu.memory_space<vmem>>
        %get3A_334 = tpu.memref_squeeze %get3A_333 : memref<1x64x256xf32, #tpu.memory_space<vmem>> -> memref<64x256xf32, #tpu.memory_space<vmem>>
        %get3A_335 = arith.index_cast %add3A_330 : i32 to index
        %get3A_336 = arith.constant 16 : index
        %get3A_337 = tpu.vector_load %get3A_334[%get3A_335, %get3A_336] {strides = array<i32>} : memref<64x256xf32, #tpu.memory_space<vmem>>, vector<1x16xf32>,
        %get3A_338 = vector.shape_cast %get3A_337 : vector<1x16xf32> to vector<16xf32>
        %mul3A_339 = arith.constant 4 : i32
        %mul3A_340 = arith.muli %mul3A_339, %scan3A_256 : i32
        %add3A_341 = arith.constant 1 : i32
        %add3A_342 = arith.addi %mul3A_340, %add3A_341 : i32
        %get3A_343 = arith.constant 0 : i32
        %get3A_344 = arith.constant 0 : i32
        %get3A_345 = tpu.memref_slice %arg11[%scan3A_243, %get3A_343, %get3A_344] : memref<2x64x256xf32, #tpu.memory_space<vmem>> -> memref<1x64x256xf32, #tpu.memory_space<vmem>>
        %get3A_346 = tpu.memref_squeeze %get3A_345 : memref<1x64x256xf32, #tpu.memory_space<vmem>> -> memref<64x256xf32, #tpu.memory_space<vmem>>
        %get3A_347 = arith.index_cast %add3A_342 : i32 to index
        %get3A_348 = arith.constant 16 : index
        %get3A_349 = tpu.vector_load %get3A_346[%get3A_347, %get3A_348] {strides = array<i32>} : memref<64x256xf32, #tpu.memory_space<vmem>>, vector<1x16xf32>,
        %get3A_350 = vector.shape_cast %get3A_349 : vector<1x16xf32> to vector<16xf32>
        %mul3A_351 = arith.constant 4 : i32
        %mul3A_352 = arith.muli %mul3A_351, %scan3A_256 : i32
        %add3A_353 = arith.constant 2 : i32
        %add3A_354 = arith.addi %mul3A_352, %add3A_353 : i32
        %get3A_355 = arith.constant 0 : i32
        %get3A_356 = arith.constant 0 : i32
        %get3A_357 = tpu.memref_slice %arg11[%scan3A_243, %get3A_355, %get3A_356] : memref<2x64x256xf32, #tpu.memory_space<vmem>> -> memref<1x64x256xf32, #tpu.memory_space<vmem>>
        %get3A_358 = tpu.memref_squeeze %get3A_357 : memref<1x64x256xf32, #tpu.memory_space<vmem>> -> memref<64x256xf32, #tpu.memory_space<vmem>>
        %get3A_359 = arith.index_cast %add3A_354 : i32 to index
        %get3A_360 = arith.constant 16 : index
        %get3A_361 = tpu.vector_load %get3A_358[%get3A_359, %get3A_360] {strides = array<i32>} : memref<64x256xf32, #tpu.memory_space<vmem>>, vector<1x16xf32>,
        %get3A_362 = vector.shape_cast %get3A_361 : vector<1x16xf32> to vector<16xf32>
        %mul3A_363 = arith.constant 4 : i32
        %mul3A_364 = arith.muli %mul3A_363, %scan3A_256 : i32
        %add3A_365 = arith.constant 3 : i32
        %add3A_366 = arith.addi %mul3A_364, %add3A_365 : i32
        %get3A_367 = arith.constant 0 : i32
        %get3A_368 = arith.constant 0 : i32
        %get3A_369 = tpu.memref_slice %arg11[%scan3A_243, %get3A_367, %get3A_368] : memref<2x64x256xf32, #tpu.memory_space<vmem>> -> memref<1x64x256xf32, #tpu.memory_space<vmem>>
        %get3A_370 = tpu.memref_squeeze %get3A_369 : memref<1x64x256xf32, #tpu.memory_space<vmem>> -> memref<64x256xf32, #tpu.memory_space<vmem>>
        %get3A_371 = arith.index_cast %add3A_366 : i32 to index
        %get3A_372 = arith.constant 16 : index
        %get3A_373 = tpu.vector_load %get3A_370[%get3A_371, %get3A_372] {strides = array<i32>} : memref<64x256xf32, #tpu.memory_space<vmem>>, vector<1x16xf32>,
        %get3A_374 = vector.shape_cast %get3A_373 : vector<1x16xf32> to vector<16xf32>
        %add3A_375 = arith.addf %get3A_338, %get3A_350 : vector<16xf32>
        %add3A_376 = arith.addf %get3A_362, %get3A_374 : vector<16xf32>
        %add3A_377 = arith.addf %add3A_375, %add3A_376 : vector<16xf32>
        %mul3A_378 = arith.mulf %get3A_338, %get3A_338 : vector<16xf32>
        %mul3A_379 = arith.mulf %get3A_350, %get3A_350 : vector<16xf32>
        %add3A_380 = arith.addf %mul3A_378, %mul3A_379 : vector<16xf32>
        %mul3A_381 = arith.mulf %get3A_362, %get3A_362 : vector<16xf32>
        %mul3A_382 = arith.mulf %get3A_374, %get3A_374 : vector<16xf32>
        %add3A_383 = arith.addf %mul3A_381, %mul3A_382 : vector<16xf32>
        %add3A_384 = arith.addf %add3A_380, %add3A_383 : vector<16xf32>
        %mul3A_385 = arith.constant 2.500000e-01 : f32
        %mul3A_386 = vector.broadcast %mul3A_385 : f32 to vector<16xf32>
        %mul3A_387 = arith.mulf %add3A_377, %mul3A_386 : vector<16xf32>
        %mul3A_388 = arith.constant 2.500000e-01 : f32
        %mul3A_389 = vector.broadcast %mul3A_388 : f32 to vector<16xf32>
        %mul3A_390 = arith.mulf %add3A_384, %mul3A_389 : vector<16xf32>
        %mul3A_391 = arith.mulf %mul3A_387, %mul3A_387 : vector<16xf32>
        %sub3A_392 = arith.subf %mul3A_390, %mul3A_391 : vector<16xf32>
        %add3A_393 = arith.addf %add3A_324, %sub3A_392 : vector<16xf32>
        %mul3A_394 = arith.mulf %get3A_338, %get3A_350 : vector<16xf32>
        %mul3A_395 = arith.mulf %mul3A_394, %get3A_362 : vector<16xf32>
        %mul3A_396 = arith.constant 4 : i32
        %mul3A_397 = arith.muli %mul3A_396, %scan3A_256 : i32
        %add3A_398 = arith.constant 0 : i32
        %add3A_399 = arith.addi %mul3A_397, %add3A_398 : i32
        %get3A_400 = arith.constant 0 : i32
        %get3A_401 = arith.constant 0 : i32
        %get3A_402 = tpu.memref_slice %arg11[%scan3A_243, %get3A_400, %get3A_401] : memref<2x64x256xf32, #tpu.memory_space<vmem>> -> memref<1x64x256xf32, #tpu.memory_space<vmem>>
        %get3A_403 = tpu.memref_squeeze %get3A_402 : memref<1x64x256xf32, #tpu.memory_space<vmem>> -> memref<64x256xf32, #tpu.memory_space<vmem>>
        %get3A_404 = arith.index_cast %add3A_399 : i32 to index
        %get3A_405 = arith.constant 32 : index
        %get3A_406 = tpu.vector_load %get3A_403[%get3A_404, %get3A_405] {strides = array<i32>} : memref<64x256xf32, #tpu.memory_space<vmem>>, vector<1x16xf32>,
        %get3A_407 = vector.shape_cast %get3A_406 : vector<1x16xf32> to vector<16xf32>
        %mul3A_408 = arith.constant 4 : i32
        %mul3A_409 = arith.muli %mul3A_408, %scan3A_256 : i32
        %add3A_410 = arith.constant 1 : i32
        %add3A_411 = arith.addi %mul3A_409, %add3A_410 : i32
        %get3A_412 = arith.constant 0 : i32
        %get3A_413 = arith.constant 0 : i32
        %get3A_414 = tpu.memref_slice %arg11[%scan3A_243, %get3A_412, %get3A_413] : memref<2x64x256xf32, #tpu.memory_space<vmem>> -> memref<1x64x256xf32, #tpu.memory_space<vmem>>
        %get3A_415 = tpu.memref_squeeze %get3A_414 : memref<1x64x256xf32, #tpu.memory_space<vmem>> -> memref<64x256xf32, #tpu.memory_space<vmem>>
        %get3A_416 = arith.index_cast %add3A_411 : i32 to index
        %get3A_417 = arith.constant 32 : index
        %get3A_418 = tpu.vector_load %get3A_415[%get3A_416, %get3A_417] {strides = array<i32>} : memref<64x256xf32, #tpu.memory_space<vmem>>, vector<1x16xf32>,
        %get3A_419 = vector.shape_cast %get3A_418 : vector<1x16xf32> to vector<16xf32>
        %mul3A_420 = arith.constant 4 : i32
        %mul3A_421 = arith.muli %mul3A_420, %scan3A_256 : i32
        %add3A_422 = arith.constant 2 : i32
        %add3A_423 = arith.addi %mul3A_421, %add3A_422 : i32
        %get3A_424 = arith.constant 0 : i32
        %get3A_425 = arith.constant 0 : i32
        %get3A_426 = tpu.memref_slice %arg11[%scan3A_243, %get3A_424, %get3A_425] : memref<2x64x256xf32, #tpu.memory_space<vmem>> -> memref<1x64x256xf32, #tpu.memory_space<vmem>>
        %get3A_427 = tpu.memref_squeeze %get3A_426 : memref<1x64x256xf32, #tpu.memory_space<vmem>> -> memref<64x256xf32, #tpu.memory_space<vmem>>
        %get3A_428 = arith.index_cast %add3A_423 : i32 to index
        %get3A_429 = arith.constant 32 : index
        %get3A_430 = tpu.vector_load %get3A_427[%get3A_428, %get3A_429] {strides = array<i32>} : memref<64x256xf32, #tpu.memory_space<vmem>>, vector<1x16xf32>,
        %get3A_431 = vector.shape_cast %get3A_430 : vector<1x16xf32> to vector<16xf32>
        %mul3A_432 = arith.constant 4 : i32
        %mul3A_433 = arith.muli %mul3A_432, %scan3A_256 : i32
        %add3A_434 = arith.constant 3 : i32
        %add3A_435 = arith.addi %mul3A_433, %add3A_434 : i32
        %get3A_436 = arith.constant 0 : i32
        %get3A_437 = arith.constant 0 : i32
        %get3A_438 = tpu.memref_slice %arg11[%scan3A_243, %get3A_436, %get3A_437] : memref<2x64x256xf32, #tpu.memory_space<vmem>> -> memref<1x64x256xf32, #tpu.memory_space<vmem>>
        %get3A_439 = tpu.memref_squeeze %get3A_438 : memref<1x64x256xf32, #tpu.memory_space<vmem>> -> memref<64x256xf32, #tpu.memory_space<vmem>>
        %get3A_440 = arith.index_cast %add3A_435 : i32 to index
        %get3A_441 = arith.constant 32 : index
        %get3A_442 = tpu.vector_load %get3A_439[%get3A_440, %get3A_441] {strides = array<i32>} : memref<64x256xf32, #tpu.memory_space<vmem>>, vector<1x16xf32>,
        %get3A_443 = vector.shape_cast %get3A_442 : vector<1x16xf32> to vector<16xf32>
        %add3A_444 = arith.addf %get3A_407, %get3A_419 : vector<16xf32>
        %add3A_445 = arith.addf %get3A_431, %get3A_443 : vector<16xf32>
        %add3A_446 = arith.addf %add3A_444, %add3A_445 : vector<16xf32>
        %mul3A_447 = arith.mulf %get3A_407, %get3A_407 : vector<16xf32>
        %mul3A_448 = arith.mulf %get3A_419, %get3A_419 : vector<16xf32>
        %add3A_449 = arith.addf %mul3A_447, %mul3A_448 : vector<16xf32>
        %mul3A_450 = arith.mulf %get3A_431, %get3A_431 : vector<16xf32>
        %mul3A_451 = arith.mulf %get3A_443, %get3A_443 : vector<16xf32>
        %add3A_452 = arith.addf %mul3A_450, %mul3A_451 : vector<16xf32>
        %add3A_453 = arith.addf %add3A_449, %add3A_452 : vector<16xf32>
        %mul3A_454 = arith.constant 2.500000e-01 : f32
        %mul3A_455 = vector.broadcast %mul3A_454 : f32 to vector<16xf32>
        %mul3A_456 = arith.mulf %add3A_446, %mul3A_455 : vector<16xf32>
        %mul3A_457 = arith.constant 2.500000e-01 : f32
        %mul3A_458 = vector.broadcast %mul3A_457 : f32 to vector<16xf32>
        %mul3A_459 = arith.mulf %add3A_453, %mul3A_458 : vector<16xf32>
        %mul3A_460 = arith.mulf %mul3A_456, %mul3A_456 : vector<16xf32>
        %sub3A_461 = arith.subf %mul3A_459, %mul3A_460 : vector<16xf32>
        %add3A_462 = arith.addf %add3A_393, %sub3A_461 : vector<16xf32>
        %mul3A_463 = arith.mulf %get3A_407, %get3A_419 : vector<16xf32>
        %mul3A_464 = arith.mulf %mul3A_463, %get3A_431 : vector<16xf32>
        %mul3A_465 = arith.constant 4 : i32
        %mul3A_466 = arith.muli %mul3A_465, %scan3A_256 : i32
        %add3A_467 = arith.constant 0 : i32
        %add3A_468 = arith.addi %mul3A_466, %add3A_467 : i32
        %get3A_469 = arith.constant 0 : i32
        %get3A_470 = arith.constant 0 : i32
        %get3A_471 = tpu.memref_slice %arg11[%scan3A_243, %get3A_469, %get3A_470] : memref<2x64x256xf32, #tpu.memory_space<vmem>> -> memref<1x64x256xf32, #tpu.memory_space<vmem>>
        %get3A_472 = tpu.memref_squeeze %get3A_471 : memref<1x64x256xf32, #tpu.memory_space<vmem>> -> memref<64x256xf32, #tpu.memory_space<vmem>>
        %get3A_473 = arith.index_cast %add3A_468 : i32 to index
        %get3A_474 = arith.constant 48 : index
        %get3A_475 = tpu.vector_load %get3A_472[%get3A_473, %get3A_474] {strides = array<i32>} : memref<64x256xf32, #tpu.memory_space<vmem>>, vector<1x16xf32>,
        %get3A_476 = vector.shape_cast %get3A_475 : vector<1x16xf32> to vector<16xf32>
        %mul3A_477 = arith.constant 4 : i32
        %mul3A_478 = arith.muli %mul3A_477, %scan3A_256 : i32
        %add3A_479 = arith.constant 1 : i32
        %add3A_480 = arith.addi %mul3A_478, %add3A_479 : i32
        %get3A_481 = arith.constant 0 : i32
        %get3A_482 = arith.constant 0 : i32
        %get3A_483 = tpu.memref_slice %arg11[%scan3A_243, %get3A_481, %get3A_482] : memref<2x64x256xf32, #tpu.memory_space<vmem>> -> memref<1x64x256xf32, #tpu.memory_space<vmem>>
        %get3A_484 = tpu.memref_squeeze %get3A_483 : memref<1x64x256xf32, #tpu.memory_space<vmem>> -> memref<64x256xf32, #tpu.memory_space<vmem>>
        %get3A_485 = arith.index_cast %add3A_480 : i32 to index
        %get3A_486 = arith.constant 48 : index
        %get3A_487 = tpu.vector_load %get3A_484[%get3A_485, %get3A_486] {strides = array<i32>} : memref<64x256xf32, #tpu.memory_space<vmem>>, vector<1x16xf32>,
        %get3A_488 = vector.shape_cast %get3A_487 : vector<1x16xf32> to vector<16xf32>
        %mul3A_489 = arith.constant 4 : i32
        %mul3A_490 = arith.muli %mul3A_489, %scan3A_256 : i32
        %add3A_491 = arith.constant 2 : i32
        %add3A_492 = arith.addi %mul3A_490, %add3A_491 : i32
        %get3A_493 = arith.constant 0 : i32
        %get3A_494 = arith.constant 0 : i32
        %get3A_495 = tpu.memref_slice %arg11[%scan3A_243, %get3A_493, %get3A_494] : memref<2x64x256xf32, #tpu.memory_space<vmem>> -> memref<1x64x256xf32, #tpu.memory_space<vmem>>
        %get3A_496 = tpu.memref_squeeze %get3A_495 : memref<1x64x256xf32, #tpu.memory_space<vmem>> -> memref<64x256xf32, #tpu.memory_space<vmem>>
        %get3A_497 = arith.index_cast %add3A_492 : i32 to index
        %get3A_498 = arith.constant 48 : index
        %get3A_499 = tpu.vector_load %get3A_496[%get3A_497, %get3A_498] {strides = array<i32>} : memref<64x256xf32, #tpu.memory_space<vmem>>, vector<1x16xf32>,
        %get3A_500 = vector.shape_cast %get3A_499 : vector<1x16xf32> to vector<16xf32>
        %mul3A_501 = arith.constant 4 : i32
        %mul3A_502 = arith.muli %mul3A_501, %scan3A_256 : i32
        %add3A_503 = arith.constant 3 : i32
        %add3A_504 = arith.addi %mul3A_502, %add3A_503 : i32
        %get3A_505 = arith.constant 0 : i32
        %get3A_506 = arith.constant 0 : i32
        %get3A_507 = tpu.memref_slice %arg11[%scan3A_243, %get3A_505, %get3A_506] : memref<2x64x256xf32, #tpu.memory_space<vmem>> -> memref<1x64x256xf32, #tpu.memory_space<vmem>>
        %get3A_508 = tpu.memref_squeeze %get3A_507 : memref<1x64x256xf32, #tpu.memory_space<vmem>> -> memref<64x256xf32, #tpu.memory_space<vmem>>
        %get3A_509 = arith.index_cast %add3A_504 : i32 to index
        %get3A_510 = arith.constant 48 : index
        %get3A_511 = tpu.vector_load %get3A_508[%get3A_509, %get3A_510] {strides = array<i32>} : memref<64x256xf32, #tpu.memory_space<vmem>>, vector<1x16xf32>,
        %get3A_512 = vector.shape_cast %get3A_511 : vector<1x16xf32> to vector<16xf32>
        %add3A_513 = arith.addf %get3A_476, %get3A_488 : vector<16xf32>
        %add3A_514 = arith.addf %get3A_500, %get3A_512 : vector<16xf32>
        %add3A_515 = arith.addf %add3A_513, %add3A_514 : vector<16xf32>
        %mul3A_516 = arith.mulf %get3A_476, %get3A_476 : vector<16xf32>
        %mul3A_517 = arith.mulf %get3A_488, %get3A_488 : vector<16xf32>
        %add3A_518 = arith.addf %mul3A_516, %mul3A_517 : vector<16xf32>
        %mul3A_519 = arith.mulf %get3A_500, %get3A_500 : vector<16xf32>
        %mul3A_520 = arith.mulf %get3A_512, %get3A_512 : vector<16xf32>
        %add3A_521 = arith.addf %mul3A_519, %mul3A_520 : vector<16xf32>
        %add3A_522 = arith.addf %add3A_518, %add3A_521 : vector<16xf32>
        %mul3A_523 = arith.constant 2.500000e-01 : f32
        %mul3A_524 = vector.broadcast %mul3A_523 : f32 to vector<16xf32>
        %mul3A_525 = arith.mulf %add3A_515, %mul3A_524 : vector<16xf32>
        %mul3A_526 = arith.constant 2.500000e-01 : f32
        %mul3A_527 = vector.broadcast %mul3A_526 : f32 to vector<16xf32>
        %mul3A_528 = arith.mulf %add3A_522, %mul3A_527 : vector<16xf32>
        %mul3A_529 = arith.mulf %mul3A_525, %mul3A_525 : vector<16xf32>
        %sub3A_530 = arith.subf %mul3A_528, %mul3A_529 : vector<16xf32>
        %add3A_531 = arith.addf %add3A_462, %sub3A_530 : vector<16xf32>
        %mul3A_532 = arith.mulf %get3A_476, %get3A_488 : vector<16xf32>
        %mul3A_533 = arith.mulf %mul3A_532, %get3A_500 : vector<16xf32>
        %mul3A_534 = arith.constant 4 : i32
        %mul3A_535 = arith.muli %mul3A_534, %scan3A_256 : i32
        %add3A_536 = arith.constant 0 : i32
        %add3A_537 = arith.addi %mul3A_535, %add3A_536 : i32
        %get3A_538 = arith.constant 0 : i32
        %get3A_539 = arith.constant 0 : i32
        %get3A_540 = tpu.memref_slice %arg11[%scan3A_243, %get3A_538, %get3A_539] : memref<2x64x256xf32, #tpu.memory_space<vmem>> -> memref<1x64x256xf32, #tpu.memory_space<vmem>>
        %get3A_541 = tpu.memref_squeeze %get3A_540 : memref<1x64x256xf32, #tpu.memory_space<vmem>> -> memref<64x256xf32, #tpu.memory_space<vmem>>
        %get3A_542 = arith.index_cast %add3A_537 : i32 to index
        %get3A_543 = arith.constant 64 : index
        %get3A_544 = tpu.vector_load %get3A_541[%get3A_542, %get3A_543] {strides = array<i32>} : memref<64x256xf32, #tpu.memory_space<vmem>>, vector<1x16xf32>,
        %get3A_545 = vector.shape_cast %get3A_544 : vector<1x16xf32> to vector<16xf32>
        %mul3A_546 = arith.constant 4 : i32
        %mul3A_547 = arith.muli %mul3A_546, %scan3A_256 : i32
        %add3A_548 = arith.constant 1 : i32
        %add3A_549 = arith.addi %mul3A_547, %add3A_548 : i32
        %get3A_550 = arith.constant 0 : i32
        %get3A_551 = arith.constant 0 : i32
        %get3A_552 = tpu.memref_slice %arg11[%scan3A_243, %get3A_550, %get3A_551] : memref<2x64x256xf32, #tpu.memory_space<vmem>> -> memref<1x64x256xf32, #tpu.memory_space<vmem>>
        %get3A_553 = tpu.memref_squeeze %get3A_552 : memref<1x64x256xf32, #tpu.memory_space<vmem>> -> memref<64x256xf32, #tpu.memory_space<vmem>>
        %get3A_554 = arith.index_cast %add3A_549 : i32 to index
        %get3A_555 = arith.constant 64 : index
        %get3A_556 = tpu.vector_load %get3A_553[%get3A_554, %get3A_555] {strides = array<i32>} : memref<64x256xf32, #tpu.memory_space<vmem>>, vector<1x16xf32>,
        %get3A_557 = vector.shape_cast %get3A_556 : vector<1x16xf32> to vector<16xf32>
        %mul3A_558 = arith.constant 4 : i32
        %mul3A_559 = arith.muli %mul3A_558, %scan3A_256 : i32
        %add3A_560 = arith.constant 2 : i32
        %add3A_561 = arith.addi %mul3A_559, %add3A_560 : i32
        %get3A_562 = arith.constant 0 : i32
        %get3A_563 = arith.constant 0 : i32
        %get3A_564 = tpu.memref_slice %arg11[%scan3A_243, %get3A_562, %get3A_563] : memref<2x64x256xf32, #tpu.memory_space<vmem>> -> memref<1x64x256xf32, #tpu.memory_space<vmem>>
        %get3A_565 = tpu.memref_squeeze %get3A_564 : memref<1x64x256xf32, #tpu.memory_space<vmem>> -> memref<64x256xf32, #tpu.memory_space<vmem>>
        %get3A_566 = arith.index_cast %add3A_561 : i32 to index
        %get3A_567 = arith.constant 64 : index
        %get3A_568 = tpu.vector_load %get3A_565[%get3A_566, %get3A_567] {strides = array<i32>} : memref<64x256xf32, #tpu.memory_space<vmem>>, vector<1x16xf32>,
        %get3A_569 = vector.shape_cast %get3A_568 : vector<1x16xf32> to vector<16xf32>
        %mul3A_570 = arith.constant 4 : i32
        %mul3A_571 = arith.muli %mul3A_570, %scan3A_256 : i32
        %add3A_572 = arith.constant 3 : i32
        %add3A_573 = arith.addi %mul3A_571, %add3A_572 : i32
        %get3A_574 = arith.constant 0 : i32
        %get3A_575 = arith.constant 0 : i32
        %get3A_576 = tpu.memref_slice %arg11[%scan3A_243, %get3A_574, %get3A_575] : memref<2x64x256xf32, #tpu.memory_space<vmem>> -> memref<1x64x256xf32, #tpu.memory_space<vmem>>
        %get3A_577 = tpu.memref_squeeze %get3A_576 : memref<1x64x256xf32, #tpu.memory_space<vmem>> -> memref<64x256xf32, #tpu.memory_space<vmem>>
        %get3A_578 = arith.index_cast %add3A_573 : i32 to index
        %get3A_579 = arith.constant 64 : index
        %get3A_580 = tpu.vector_load %get3A_577[%get3A_578, %get3A_579] {strides = array<i32>} : memref<64x256xf32, #tpu.memory_space<vmem>>, vector<1x16xf32>,
        %get3A_581 = vector.shape_cast %get3A_580 : vector<1x16xf32> to vector<16xf32>
        %add3A_582 = arith.addf %get3A_545, %get3A_557 : vector<16xf32>
        %add3A_583 = arith.addf %get3A_569, %get3A_581 : vector<16xf32>
        %add3A_584 = arith.addf %add3A_582, %add3A_583 : vector<16xf32>
        %mul3A_585 = arith.mulf %get3A_545, %get3A_545 : vector<16xf32>
        %mul3A_586 = arith.mulf %get3A_557, %get3A_557 : vector<16xf32>
        %add3A_587 = arith.addf %mul3A_585, %mul3A_586 : vector<16xf32>
        %mul3A_588 = arith.mulf %get3A_569, %get3A_569 : vector<16xf32>
        %mul3A_589 = arith.mulf %get3A_581, %get3A_581 : vector<16xf32>
        %add3A_590 = arith.addf %mul3A_588, %mul3A_589 : vector<16xf32>
        %add3A_591 = arith.addf %add3A_587, %add3A_590 : vector<16xf32>
        %mul3A_592 = arith.constant 2.500000e-01 : f32
        %mul3A_593 = vector.broadcast %mul3A_592 : f32 to vector<16xf32>
        %mul3A_594 = arith.mulf %add3A_584, %mul3A_593 : vector<16xf32>
        %mul3A_595 = arith.constant 2.500000e-01 : f32
        %mul3A_596 = vector.broadcast %mul3A_595 : f32 to vector<16xf32>
        %mul3A_597 = arith.mulf %add3A_591, %mul3A_596 : vector<16xf32>
        %mul3A_598 = arith.mulf %mul3A_594, %mul3A_594 : vector<16xf32>
        %sub3A_599 = arith.subf %mul3A_597, %mul3A_598 : vector<16xf32>
        %add3A_600 = arith.addf %add3A_531, %sub3A_599 : vector<16xf32>
        %mul3A_601 = arith.mulf %get3A_545, %get3A_557 : vector<16xf32>
        %mul3A_602 = arith.mulf %mul3A_601, %get3A_569 : vector<16xf32>
        %mul3A_603 = arith.constant 4 : i32
        %mul3A_604 = arith.muli %mul3A_603, %scan3A_256 : i32
        %add3A_605 = arith.constant 0 : i32
        %add3A_606 = arith.addi %mul3A_604, %add3A_605 : i32
        %get3A_607 = arith.constant 0 : i32
        %get3A_608 = arith.constant 0 : i32
        %get3A_609 = tpu.memref_slice %arg11[%scan3A_243, %get3A_607, %get3A_608] : memref<2x64x256xf32, #tpu.memory_space<vmem>> -> memref<1x64x256xf32, #tpu.memory_space<vmem>>
        %get3A_610 = tpu.memref_squeeze %get3A_609 : memref<1x64x256xf32, #tpu.memory_space<vmem>> -> memref<64x256xf32, #tpu.memory_space<vmem>>
        %get3A_611 = arith.index_cast %add3A_606 : i32 to index
        %get3A_612 = arith.constant 80 : index
        %get3A_613 = tpu.vector_load %get3A_610[%get3A_611, %get3A_612] {strides = array<i32>} : memref<64x256xf32, #tpu.memory_space<vmem>>, vector<1x16xf32>,
        %get3A_614 = vector.shape_cast %get3A_613 : vector<1x16xf32> to vector<16xf32>
        %mul3A_615 = arith.constant 4 : i32
        %mul3A_616 = arith.muli %mul3A_615, %scan3A_256 : i32
        %add3A_617 = arith.constant 1 : i32
        %add3A_618 = arith.addi %mul3A_616, %add3A_617 : i32
        %get3A_619 = arith.constant 0 : i32
        %get3A_620 = arith.constant 0 : i32
        %get3A_621 = tpu.memref_slice %arg11[%scan3A_243, %get3A_619, %get3A_620] : memref<2x64x256xf32, #tpu.memory_space<vmem>> -> memref<1x64x256xf32, #tpu.memory_space<vmem>>
        %get3A_622 = tpu.memref_squeeze %get3A_621 : memref<1x64x256xf32, #tpu.memory_space<vmem>> -> memref<64x256xf32, #tpu.memory_space<vmem>>
        %get3A_623 = arith.index_cast %add3A_618 : i32 to index
        %get3A_624 = arith.constant 80 : index
        %get3A_625 = tpu.vector_load %get3A_622[%get3A_623, %get3A_624] {strides = array<i32>} : memref<64x256xf32, #tpu.memory_space<vmem>>, vector<1x16xf32>,
        %get3A_626 = vector.shape_cast %get3A_625 : vector<1x16xf32> to vector<16xf32>
        %mul3A_627 = arith.constant 4 : i32
        %mul3A_628 = arith.muli %mul3A_627, %scan3A_256 : i32
        %add3A_629 = arith.constant 2 : i32
        %add3A_630 = arith.addi %mul3A_628, %add3A_629 : i32
        %get3A_631 = arith.constant 0 : i32
        %get3A_632 = arith.constant 0 : i32
        %get3A_633 = tpu.memref_slice %arg11[%scan3A_243, %get3A_631, %get3A_632] : memref<2x64x256xf32, #tpu.memory_space<vmem>> -> memref<1x64x256xf32, #tpu.memory_space<vmem>>
        %get3A_634 = tpu.memref_squeeze %get3A_633 : memref<1x64x256xf32, #tpu.memory_space<vmem>> -> memref<64x256xf32, #tpu.memory_space<vmem>>
        %get3A_635 = arith.index_cast %add3A_630 : i32 to index
        %get3A_636 = arith.constant 80 : index
        %get3A_637 = tpu.vector_load %get3A_634[%get3A_635, %get3A_636] {strides = array<i32>} : memref<64x256xf32, #tpu.memory_space<vmem>>, vector<1x16xf32>,
        %get3A_638 = vector.shape_cast %get3A_637 : vector<1x16xf32> to vector<16xf32>
        %mul3A_639 = arith.constant 4 : i32
        %mul3A_640 = arith.muli %mul3A_639, %scan3A_256 : i32
        %add3A_641 = arith.constant 3 : i32
        %add3A_642 = arith.addi %mul3A_640, %add3A_641 : i32
        %get3A_643 = arith.constant 0 : i32
        %get3A_644 = arith.constant 0 : i32
        %get3A_645 = tpu.memref_slice %arg11[%scan3A_243, %get3A_643, %get3A_644] : memref<2x64x256xf32, #tpu.memory_space<vmem>> -> memref<1x64x256xf32, #tpu.memory_space<vmem>>
        %get3A_646 = tpu.memref_squeeze %get3A_645 : memref<1x64x256xf32, #tpu.memory_space<vmem>> -> memref<64x256xf32, #tpu.memory_space<vmem>>
        %get3A_647 = arith.index_cast %add3A_642 : i32 to index
        %get3A_648 = arith.constant 80 : index
        %get3A_649 = tpu.vector_load %get3A_646[%get3A_647, %get3A_648] {strides = array<i32>} : memref<64x256xf32, #tpu.memory_space<vmem>>, vector<1x16xf32>,
        %get3A_650 = vector.shape_cast %get3A_649 : vector<1x16xf32> to vector<16xf32>
        %add3A_651 = arith.addf %get3A_614, %get3A_626 : vector<16xf32>
        %add3A_652 = arith.addf %get3A_638, %get3A_650 : vector<16xf32>
        %add3A_653 = arith.addf %add3A_651, %add3A_652 : vector<16xf32>
        %mul3A_654 = arith.mulf %get3A_614, %get3A_614 : vector<16xf32>
        %mul3A_655 = arith.mulf %get3A_626, %get3A_626 : vector<16xf32>
        %add3A_656 = arith.addf %mul3A_654, %mul3A_655 : vector<16xf32>
        %mul3A_657 = arith.mulf %get3A_638, %get3A_638 : vector<16xf32>
        %mul3A_658 = arith.mulf %get3A_650, %get3A_650 : vector<16xf32>
        %add3A_659 = arith.addf %mul3A_657, %mul3A_658 : vector<16xf32>
        %add3A_660 = arith.addf %add3A_656, %add3A_659 : vector<16xf32>
        %mul3A_661 = arith.constant 2.500000e-01 : f32
        %mul3A_662 = vector.broadcast %mul3A_661 : f32 to vector<16xf32>
        %mul3A_663 = arith.mulf %add3A_653, %mul3A_662 : vector<16xf32>
        %mul3A_664 = arith.constant 2.500000e-01 : f32
        %mul3A_665 = vector.broadcast %mul3A_664 : f32 to vector<16xf32>
        %mul3A_666 = arith.mulf %add3A_660, %mul3A_665 : vector<16xf32>
        %mul3A_667 = arith.mulf %mul3A_663, %mul3A_663 : vector<16xf32>
        %sub3A_668 = arith.subf %mul3A_666, %mul3A_667 : vector<16xf32>
        %add3A_669 = arith.addf %add3A_600, %sub3A_668 : vector<16xf32>
        %mul3A_670 = arith.mulf %get3A_614, %get3A_626 : vector<16xf32>
        %mul3A_671 = arith.mulf %mul3A_670, %get3A_638 : vector<16xf32>
        %mul3A_672 = arith.constant 4 : i32
        %mul3A_673 = arith.muli %mul3A_672, %scan3A_256 : i32
        %add3A_674 = arith.constant 0 : i32
        %add3A_675 = arith.addi %mul3A_673, %add3A_674 : i32
        %get3A_676 = arith.constant 0 : i32
        %get3A_677 = arith.constant 0 : i32
        %get3A_678 = tpu.memref_slice %arg11[%scan3A_243, %get3A_676, %get3A_677] : memref<2x64x256xf32, #tpu.memory_space<vmem>> -> memref<1x64x256xf32, #tpu.memory_space<vmem>>
        %get3A_679 = tpu.memref_squeeze %get3A_678 : memref<1x64x256xf32, #tpu.memory_space<vmem>> -> memref<64x256xf32, #tpu.memory_space<vmem>>
        %get3A_680 = arith.index_cast %add3A_675 : i32 to index
        %get3A_681 = arith.constant 96 : index
        %get3A_682 = tpu.vector_load %get3A_679[%get3A_680, %get3A_681] {strides = array<i32>} : memref<64x256xf32, #tpu.memory_space<vmem>>, vector<1x16xf32>,
        %get3A_683 = vector.shape_cast %get3A_682 : vector<1x16xf32> to vector<16xf32>
        %mul3A_684 = arith.constant 4 : i32
        %mul3A_685 = arith.muli %mul3A_684, %scan3A_256 : i32
        %add3A_686 = arith.constant 1 : i32
        %add3A_687 = arith.addi %mul3A_685, %add3A_686 : i32
        %get3A_688 = arith.constant 0 : i32
        %get3A_689 = arith.constant 0 : i32
        %get3A_690 = tpu.memref_slice %arg11[%scan3A_243, %get3A_688, %get3A_689] : memref<2x64x256xf32, #tpu.memory_space<vmem>> -> memref<1x64x256xf32, #tpu.memory_space<vmem>>
        %get3A_691 = tpu.memref_squeeze %get3A_690 : memref<1x64x256xf32, #tpu.memory_space<vmem>> -> memref<64x256xf32, #tpu.memory_space<vmem>>
        %get3A_692 = arith.index_cast %add3A_687 : i32 to index
        %get3A_693 = arith.constant 96 : index
        %get3A_694 = tpu.vector_load %get3A_691[%get3A_692, %get3A_693] {strides = array<i32>} : memref<64x256xf32, #tpu.memory_space<vmem>>, vector<1x16xf32>,
        %get3A_695 = vector.shape_cast %get3A_694 : vector<1x16xf32> to vector<16xf32>
        %mul3A_696 = arith.constant 4 : i32
        %mul3A_697 = arith.muli %mul3A_696, %scan3A_256 : i32
        %add3A_698 = arith.constant 2 : i32
        %add3A_699 = arith.addi %mul3A_697, %add3A_698 : i32
        %get3A_700 = arith.constant 0 : i32
        %get3A_701 = arith.constant 0 : i32
        %get3A_702 = tpu.memref_slice %arg11[%scan3A_243, %get3A_700, %get3A_701] : memref<2x64x256xf32, #tpu.memory_space<vmem>> -> memref<1x64x256xf32, #tpu.memory_space<vmem>>
        %get3A_703 = tpu.memref_squeeze %get3A_702 : memref<1x64x256xf32, #tpu.memory_space<vmem>> -> memref<64x256xf32, #tpu.memory_space<vmem>>
        %get3A_704 = arith.index_cast %add3A_699 : i32 to index
        %get3A_705 = arith.constant 96 : index
        %get3A_706 = tpu.vector_load %get3A_703[%get3A_704, %get3A_705] {strides = array<i32>} : memref<64x256xf32, #tpu.memory_space<vmem>>, vector<1x16xf32>,
        %get3A_707 = vector.shape_cast %get3A_706 : vector<1x16xf32> to vector<16xf32>
        %mul3A_708 = arith.constant 4 : i32
        %mul3A_709 = arith.muli %mul3A_708, %scan3A_256 : i32
        %add3A_710 = arith.constant 3 : i32
        %add3A_711 = arith.addi %mul3A_709, %add3A_710 : i32
        %get3A_712 = arith.constant 0 : i32
        %get3A_713 = arith.constant 0 : i32
        %get3A_714 = tpu.memref_slice %arg11[%scan3A_243, %get3A_712, %get3A_713] : memref<2x64x256xf32, #tpu.memory_space<vmem>> -> memref<1x64x256xf32, #tpu.memory_space<vmem>>
        %get3A_715 = tpu.memref_squeeze %get3A_714 : memref<1x64x256xf32, #tpu.memory_space<vmem>> -> memref<64x256xf32, #tpu.memory_space<vmem>>
        %get3A_716 = arith.index_cast %add3A_711 : i32 to index
        %get3A_717 = arith.constant 96 : index
        %get3A_718 = tpu.vector_load %get3A_715[%get3A_716, %get3A_717] {strides = array<i32>} : memref<64x256xf32, #tpu.memory_space<vmem>>, vector<1x16xf32>,
        %get3A_719 = vector.shape_cast %get3A_718 : vector<1x16xf32> to vector<16xf32>
        %add3A_720 = arith.addf %get3A_683, %get3A_695 : vector<16xf32>
        %add3A_721 = arith.addf %get3A_707, %get3A_719 : vector<16xf32>
        %add3A_722 = arith.addf %add3A_720, %add3A_721 : vector<16xf32>
        %mul3A_723 = arith.mulf %get3A_683, %get3A_683 : vector<16xf32>
        %mul3A_724 = arith.mulf %get3A_695, %get3A_695 : vector<16xf32>
        %add3A_725 = arith.addf %mul3A_723, %mul3A_724 : vector<16xf32>
        %mul3A_726 = arith.mulf %get3A_707, %get3A_707 : vector<16xf32>
        %mul3A_727 = arith.mulf %get3A_719, %get3A_719 : vector<16xf32>
        %add3A_728 = arith.addf %mul3A_726, %mul3A_727 : vector<16xf32>
        %add3A_729 = arith.addf %add3A_725, %add3A_728 : vector<16xf32>
        %mul3A_730 = arith.constant 2.500000e-01 : f32
        %mul3A_731 = vector.broadcast %mul3A_730 : f32 to vector<16xf32>
        %mul3A_732 = arith.mulf %add3A_722, %mul3A_731 : vector<16xf32>
        %mul3A_733 = arith.constant 2.500000e-01 : f32
        %mul3A_734 = vector.broadcast %mul3A_733 : f32 to vector<16xf32>
        %mul3A_735 = arith.mulf %add3A_729, %mul3A_734 : vector<16xf32>
        %mul3A_736 = arith.mulf %mul3A_732, %mul3A_732 : vector<16xf32>
        %sub3A_737 = arith.subf %mul3A_735, %mul3A_736 : vector<16xf32>
        %add3A_738 = arith.addf %add3A_669, %sub3A_737 : vector<16xf32>
        %mul3A_739 = arith.mulf %get3A_683, %get3A_695 : vector<16xf32>
        %mul3A_740 = arith.mulf %mul3A_739, %get3A_707 : vector<16xf32>
        %mul3A_741 = arith.constant 4 : i32
        %mul3A_742 = arith.muli %mul3A_741, %scan3A_256 : i32
        %add3A_743 = arith.constant 0 : i32
        %add3A_744 = arith.addi %mul3A_742, %add3A_743 : i32
        %get3A_745 = arith.constant 0 : i32
        %get3A_746 = arith.constant 0 : i32
        %get3A_747 = tpu.memref_slice %arg11[%scan3A_243, %get3A_745, %get3A_746] : memref<2x64x256xf32, #tpu.memory_space<vmem>> -> memref<1x64x256xf32, #tpu.memory_space<vmem>>
        %get3A_748 = tpu.memref_squeeze %get3A_747 : memref<1x64x256xf32, #tpu.memory_space<vmem>> -> memref<64x256xf32, #tpu.memory_space<vmem>>
        %get3A_749 = arith.index_cast %add3A_744 : i32 to index
        %get3A_750 = arith.constant 112 : index
        %get3A_751 = tpu.vector_load %get3A_748[%get3A_749, %get3A_750] {strides = array<i32>} : memref<64x256xf32, #tpu.memory_space<vmem>>, vector<1x16xf32>,
        %get3A_752 = vector.shape_cast %get3A_751 : vector<1x16xf32> to vector<16xf32>
        %mul3A_753 = arith.constant 4 : i32
        %mul3A_754 = arith.muli %mul3A_753, %scan3A_256 : i32
        %add3A_755 = arith.constant 1 : i32
        %add3A_756 = arith.addi %mul3A_754, %add3A_755 : i32
        %get3A_757 = arith.constant 0 : i32
        %get3A_758 = arith.constant 0 : i32
        %get3A_759 = tpu.memref_slice %arg11[%scan3A_243, %get3A_757, %get3A_758] : memref<2x64x256xf32, #tpu.memory_space<vmem>> -> memref<1x64x256xf32, #tpu.memory_space<vmem>>
        %get3A_760 = tpu.memref_squeeze %get3A_759 : memref<1x64x256xf32, #tpu.memory_space<vmem>> -> memref<64x256xf32, #tpu.memory_space<vmem>>
        %get3A_761 = arith.index_cast %add3A_756 : i32 to index
        %get3A_762 = arith.constant 112 : index
        %get3A_763 = tpu.vector_load %get3A_760[%get3A_761, %get3A_762] {strides = array<i32>} : memref<64x256xf32, #tpu.memory_space<vmem>>, vector<1x16xf32>,
        %get3A_764 = vector.shape_cast %get3A_763 : vector<1x16xf32> to vector<16xf32>
        %mul3A_765 = arith.constant 4 : i32
        %mul3A_766 = arith.muli %mul3A_765, %scan3A_256 : i32
        %add3A_767 = arith.constant 2 : i32
        %add3A_768 = arith.addi %mul3A_766, %add3A_767 : i32
        %get3A_769 = arith.constant 0 : i32
        %get3A_770 = arith.constant 0 : i32
        %get3A_771 = tpu.memref_slice %arg11[%scan3A_243, %get3A_769, %get3A_770] : memref<2x64x256xf32, #tpu.memory_space<vmem>> -> memref<1x64x256xf32, #tpu.memory_space<vmem>>
        %get3A_772 = tpu.memref_squeeze %get3A_771 : memref<1x64x256xf32, #tpu.memory_space<vmem>> -> memref<64x256xf32, #tpu.memory_space<vmem>>
        %get3A_773 = arith.index_cast %add3A_768 : i32 to index
        %get3A_774 = arith.constant 112 : index
        %get3A_775 = tpu.vector_load %get3A_772[%get3A_773, %get3A_774] {strides = array<i32>} : memref<64x256xf32, #tpu.memory_space<vmem>>, vector<1x16xf32>,
        %get3A_776 = vector.shape_cast %get3A_775 : vector<1x16xf32> to vector<16xf32>
        %mul3A_777 = arith.constant 4 : i32
        %mul3A_778 = arith.muli %mul3A_777, %scan3A_256 : i32
        %add3A_779 = arith.constant 3 : i32
        %add3A_780 = arith.addi %mul3A_778, %add3A_779 : i32
        %get3A_781 = arith.constant 0 : i32
        %get3A_782 = arith.constant 0 : i32
        %get3A_783 = tpu.memref_slice %arg11[%scan3A_243, %get3A_781, %get3A_782] : memref<2x64x256xf32, #tpu.memory_space<vmem>> -> memref<1x64x256xf32, #tpu.memory_space<vmem>>
        %get3A_784 = tpu.memref_squeeze %get3A_783 : memref<1x64x256xf32, #tpu.memory_space<vmem>> -> memref<64x256xf32, #tpu.memory_space<vmem>>
        %get3A_785 = arith.index_cast %add3A_780 : i32 to index
        %get3A_786 = arith.constant 112 : index
        %get3A_787 = tpu.vector_load %get3A_784[%get3A_785, %get3A_786] {strides = array<i32>} : memref<64x256xf32, #tpu.memory_space<vmem>>, vector<1x16xf32>,
        %get3A_788 = vector.shape_cast %get3A_787 : vector<1x16xf32> to vector<16xf32>
        %add3A_789 = arith.addf %get3A_752, %get3A_764 : vector<16xf32>
        %add3A_790 = arith.addf %get3A_776, %get3A_788 : vector<16xf32>
        %add3A_791 = arith.addf %add3A_789, %add3A_790 : vector<16xf32>
        %mul3A_792 = arith.mulf %get3A_752, %get3A_752 : vector<16xf32>
        %mul3A_793 = arith.mulf %get3A_764, %get3A_764 : vector<16xf32>
        %add3A_794 = arith.addf %mul3A_792, %mul3A_793 : vector<16xf32>
        %mul3A_795 = arith.mulf %get3A_776, %get3A_776 : vector<16xf32>
        %mul3A_796 = arith.mulf %get3A_788, %get3A_788 : vector<16xf32>
        %add3A_797 = arith.addf %mul3A_795, %mul3A_796 : vector<16xf32>
        %add3A_798 = arith.addf %add3A_794, %add3A_797 : vector<16xf32>
        %mul3A_799 = arith.constant 2.500000e-01 : f32
        %mul3A_800 = vector.broadcast %mul3A_799 : f32 to vector<16xf32>
        %mul3A_801 = arith.mulf %add3A_791, %mul3A_800 : vector<16xf32>
        %mul3A_802 = arith.constant 2.500000e-01 : f32
        %mul3A_803 = vector.broadcast %mul3A_802 : f32 to vector<16xf32>
        %mul3A_804 = arith.mulf %add3A_798, %mul3A_803 : vector<16xf32>
        %mul3A_805 = arith.mulf %mul3A_801, %mul3A_801 : vector<16xf32>
        %sub3A_806 = arith.subf %mul3A_804, %mul3A_805 : vector<16xf32>
        %add3A_807 = arith.addf %add3A_738, %sub3A_806 : vector<16xf32>
        %mul3A_808 = arith.mulf %get3A_752, %get3A_764 : vector<16xf32>
        %mul3A_809 = arith.mulf %mul3A_808, %get3A_776 : vector<16xf32>
        %mul3A_810 = arith.constant 4 : i32
        %mul3A_811 = arith.muli %mul3A_810, %scan3A_256 : i32
        %add3A_812 = arith.constant 0 : i32
        %add3A_813 = arith.addi %mul3A_811, %add3A_812 : i32
        %get3A_814 = arith.constant 0 : i32
        %get3A_815 = arith.constant 0 : i32
        %get3A_816 = tpu.memref_slice %arg11[%scan3A_243, %get3A_814, %get3A_815] : memref<2x64x256xf32, #tpu.memory_space<vmem>> -> memref<1x64x256xf32, #tpu.memory_space<vmem>>
        %get3A_817 = tpu.memref_squeeze %get3A_816 : memref<1x64x256xf32, #tpu.memory_space<vmem>> -> memref<64x256xf32, #tpu.memory_space<vmem>>
        %get3A_818 = arith.index_cast %add3A_813 : i32 to index
        %get3A_819 = arith.constant 128 : index
        %get3A_820 = tpu.vector_load %get3A_817[%get3A_818, %get3A_819] {strides = array<i32>} : memref<64x256xf32, #tpu.memory_space<vmem>>, vector<1x16xf32>,
        %get3A_821 = vector.shape_cast %get3A_820 : vector<1x16xf32> to vector<16xf32>
        %mul3A_822 = arith.constant 4 : i32
        %mul3A_823 = arith.muli %mul3A_822, %scan3A_256 : i32
        %add3A_824 = arith.constant 1 : i32
        %add3A_825 = arith.addi %mul3A_823, %add3A_824 : i32
        %get3A_826 = arith.constant 0 : i32
        %get3A_827 = arith.constant 0 : i32
        %get3A_828 = tpu.memref_slice %arg11[%scan3A_243, %get3A_826, %get3A_827] : memref<2x64x256xf32, #tpu.memory_space<vmem>> -> memref<1x64x256xf32, #tpu.memory_space<vmem>>
        %get3A_829 = tpu.memref_squeeze %get3A_828 : memref<1x64x256xf32, #tpu.memory_space<vmem>> -> memref<64x256xf32, #tpu.memory_space<vmem>>
        %get3A_830 = arith.index_cast %add3A_825 : i32 to index
        %get3A_831 = arith.constant 128 : index
        %get3A_832 = tpu.vector_load %get3A_829[%get3A_830, %get3A_831] {strides = array<i32>} : memref<64x256xf32, #tpu.memory_space<vmem>>, vector<1x16xf32>,
        %get3A_833 = vector.shape_cast %get3A_832 : vector<1x16xf32> to vector<16xf32>
        %mul3A_834 = arith.constant 4 : i32
        %mul3A_835 = arith.muli %mul3A_834, %scan3A_256 : i32
        %add3A_836 = arith.constant 2 : i32
        %add3A_837 = arith.addi %mul3A_835, %add3A_836 : i32
        %get3A_838 = arith.constant 0 : i32
        %get3A_839 = arith.constant 0 : i32
        %get3A_840 = tpu.memref_slice %arg11[%scan3A_243, %get3A_838, %get3A_839] : memref<2x64x256xf32, #tpu.memory_space<vmem>> -> memref<1x64x256xf32, #tpu.memory_space<vmem>>
        %get3A_841 = tpu.memref_squeeze %get3A_840 : memref<1x64x256xf32, #tpu.memory_space<vmem>> -> memref<64x256xf32, #tpu.memory_space<vmem>>
        %get3A_842 = arith.index_cast %add3A_837 : i32 to index
        %get3A_843 = arith.constant 128 : index
        %get3A_844 = tpu.vector_load %get3A_841[%get3A_842, %get3A_843] {strides = array<i32>} : memref<64x256xf32, #tpu.memory_space<vmem>>, vector<1x16xf32>,
        %get3A_845 = vector.shape_cast %get3A_844 : vector<1x16xf32> to vector<16xf32>
        %mul3A_846 = arith.constant 4 : i32
        %mul3A_847 = arith.muli %mul3A_846, %scan3A_256 : i32
        %add3A_848 = arith.constant 3 : i32
        %add3A_849 = arith.addi %mul3A_847, %add3A_848 : i32
        %get3A_850 = arith.constant 0 : i32
        %get3A_851 = arith.constant 0 : i32
        %get3A_852 = tpu.memref_slice %arg11[%scan3A_243, %get3A_850, %get3A_851] : memref<2x64x256xf32, #tpu.memory_space<vmem>> -> memref<1x64x256xf32, #tpu.memory_space<vmem>>
        %get3A_853 = tpu.memref_squeeze %get3A_852 : memref<1x64x256xf32, #tpu.memory_space<vmem>> -> memref<64x256xf32, #tpu.memory_space<vmem>>
        %get3A_854 = arith.index_cast %add3A_849 : i32 to index
        %get3A_855 = arith.constant 128 : index
        %get3A_856 = tpu.vector_load %get3A_853[%get3A_854, %get3A_855] {strides = array<i32>} : memref<64x256xf32, #tpu.memory_space<vmem>>, vector<1x16xf32>,
        %get3A_857 = vector.shape_cast %get3A_856 : vector<1x16xf32> to vector<16xf32>
        %add3A_858 = arith.addf %get3A_821, %get3A_833 : vector<16xf32>
        %add3A_859 = arith.addf %get3A_845, %get3A_857 : vector<16xf32>
        %add3A_860 = arith.addf %add3A_858, %add3A_859 : vector<16xf32>
        %mul3A_861 = arith.mulf %get3A_821, %get3A_821 : vector<16xf32>
        %mul3A_862 = arith.mulf %get3A_833, %get3A_833 : vector<16xf32>
        %add3A_863 = arith.addf %mul3A_861, %mul3A_862 : vector<16xf32>
        %mul3A_864 = arith.mulf %get3A_845, %get3A_845 : vector<16xf32>
        %mul3A_865 = arith.mulf %get3A_857, %get3A_857 : vector<16xf32>
        %add3A_866 = arith.addf %mul3A_864, %mul3A_865 : vector<16xf32>
        %add3A_867 = arith.addf %add3A_863, %add3A_866 : vector<16xf32>
        %mul3A_868 = arith.constant 2.500000e-01 : f32
        %mul3A_869 = vector.broadcast %mul3A_868 : f32 to vector<16xf32>
        %mul3A_870 = arith.mulf %add3A_860, %mul3A_869 : vector<16xf32>
        %mul3A_871 = arith.constant 2.500000e-01 : f32
        %mul3A_872 = vector.broadcast %mul3A_871 : f32 to vector<16xf32>
        %mul3A_873 = arith.mulf %add3A_867, %mul3A_872 : vector<16xf32>
        %mul3A_874 = arith.mulf %mul3A_870, %mul3A_870 : vector<16xf32>
        %sub3A_875 = arith.subf %mul3A_873, %mul3A_874 : vector<16xf32>
        %add3A_876 = arith.addf %add3A_807, %sub3A_875 : vector<16xf32>
        %mul3A_877 = arith.mulf %get3A_821, %get3A_833 : vector<16xf32>
        %mul3A_878 = arith.mulf %mul3A_877, %get3A_845 : vector<16xf32>
        %mul3A_879 = arith.constant 4 : i32
        %mul3A_880 = arith.muli %mul3A_879, %scan3A_256 : i32
        %add3A_881 = arith.constant 0 : i32
        %add3A_882 = arith.addi %mul3A_880, %add3A_881 : i32
        %get3A_883 = arith.constant 0 : i32
        %get3A_884 = arith.constant 0 : i32
        %get3A_885 = tpu.memref_slice %arg11[%scan3A_243, %get3A_883, %get3A_884] : memref<2x64x256xf32, #tpu.memory_space<vmem>> -> memref<1x64x256xf32, #tpu.memory_space<vmem>>
        %get3A_886 = tpu.memref_squeeze %get3A_885 : memref<1x64x256xf32, #tpu.memory_space<vmem>> -> memref<64x256xf32, #tpu.memory_space<vmem>>
        %get3A_887 = arith.index_cast %add3A_882 : i32 to index
        %get3A_888 = arith.constant 144 : index
        %get3A_889 = tpu.vector_load %get3A_886[%get3A_887, %get3A_888] {strides = array<i32>} : memref<64x256xf32, #tpu.memory_space<vmem>>, vector<1x16xf32>,
        %get3A_890 = vector.shape_cast %get3A_889 : vector<1x16xf32> to vector<16xf32>
        %mul3A_891 = arith.constant 4 : i32
        %mul3A_892 = arith.muli %mul3A_891, %scan3A_256 : i32
        %add3A_893 = arith.constant 1 : i32
        %add3A_894 = arith.addi %mul3A_892, %add3A_893 : i32
        %get3A_895 = arith.constant 0 : i32
        %get3A_896 = arith.constant 0 : i32
        %get3A_897 = tpu.memref_slice %arg11[%scan3A_243, %get3A_895, %get3A_896] : memref<2x64x256xf32, #tpu.memory_space<vmem>> -> memref<1x64x256xf32, #tpu.memory_space<vmem>>
        %get3A_898 = tpu.memref_squeeze %get3A_897 : memref<1x64x256xf32, #tpu.memory_space<vmem>> -> memref<64x256xf32, #tpu.memory_space<vmem>>
        %get3A_899 = arith.index_cast %add3A_894 : i32 to index
        %get3A_900 = arith.constant 144 : index
        %get3A_901 = tpu.vector_load %get3A_898[%get3A_899, %get3A_900] {strides = array<i32>} : memref<64x256xf32, #tpu.memory_space<vmem>>, vector<1x16xf32>,
        %get3A_902 = vector.shape_cast %get3A_901 : vector<1x16xf32> to vector<16xf32>
        %mul3A_903 = arith.constant 4 : i32
        %mul3A_904 = arith.muli %mul3A_903, %scan3A_256 : i32
        %add3A_905 = arith.constant 2 : i32
        %add3A_906 = arith.addi %mul3A_904, %add3A_905 : i32
        %get3A_907 = arith.constant 0 : i32
        %get3A_908 = arith.constant 0 : i32
        %get3A_909 = tpu.memref_slice %arg11[%scan3A_243, %get3A_907, %get3A_908] : memref<2x64x256xf32, #tpu.memory_space<vmem>> -> memref<1x64x256xf32, #tpu.memory_space<vmem>>
        %get3A_910 = tpu.memref_squeeze %get3A_909 : memref<1x64x256xf32, #tpu.memory_space<vmem>> -> memref<64x256xf32, #tpu.memory_space<vmem>>
        %get3A_911 = arith.index_cast %add3A_906 : i32 to index
        %get3A_912 = arith.constant 144 : index
        %get3A_913 = tpu.vector_load %get3A_910[%get3A_911, %get3A_912] {strides = array<i32>} : memref<64x256xf32, #tpu.memory_space<vmem>>, vector<1x16xf32>,
        %get3A_914 = vector.shape_cast %get3A_913 : vector<1x16xf32> to vector<16xf32>
        %mul3A_915 = arith.constant 4 : i32
        %mul3A_916 = arith.muli %mul3A_915, %scan3A_256 : i32
        %add3A_917 = arith.constant 3 : i32
        %add3A_918 = arith.addi %mul3A_916, %add3A_917 : i32
        %get3A_919 = arith.constant 0 : i32
        %get3A_920 = arith.constant 0 : i32
        %get3A_921 = tpu.memref_slice %arg11[%scan3A_243, %get3A_919, %get3A_920] : memref<2x64x256xf32, #tpu.memory_space<vmem>> -> memref<1x64x256xf32, #tpu.memory_space<vmem>>
        %get3A_922 = tpu.memref_squeeze %get3A_921 : memref<1x64x256xf32, #tpu.memory_space<vmem>> -> memref<64x256xf32, #tpu.memory_space<vmem>>
        %get3A_923 = arith.index_cast %add3A_918 : i32 to index
        %get3A_924 = arith.constant 144 : index
        %get3A_925 = tpu.vector_load %get3A_922[%get3A_923, %get3A_924] {strides = array<i32>} : memref<64x256xf32, #tpu.memory_space<vmem>>, vector<1x16xf32>,
        %get3A_926 = vector.shape_cast %get3A_925 : vector<1x16xf32> to vector<16xf32>
        %add3A_927 = arith.addf %get3A_890, %get3A_902 : vector<16xf32>
        %add3A_928 = arith.addf %get3A_914, %get3A_926 : vector<16xf32>
        %add3A_929 = arith.addf %add3A_927, %add3A_928 : vector<16xf32>
        %mul3A_930 = arith.mulf %get3A_890, %get3A_890 : vector<16xf32>
        %mul3A_931 = arith.mulf %get3A_902, %get3A_902 : vector<16xf32>
        %add3A_932 = arith.addf %mul3A_930, %mul3A_931 : vector<16xf32>
        %mul3A_933 = arith.mulf %get3A_914, %get3A_914 : vector<16xf32>
        %mul3A_934 = arith.mulf %get3A_926, %get3A_926 : vector<16xf32>
        %add3A_935 = arith.addf %mul3A_933, %mul3A_934 : vector<16xf32>
        %add3A_936 = arith.addf %add3A_932, %add3A_935 : vector<16xf32>
        %mul3A_937 = arith.constant 2.500000e-01 : f32
        %mul3A_938 = vector.broadcast %mul3A_937 : f32 to vector<16xf32>
        %mul3A_939 = arith.mulf %add3A_929, %mul3A_938 : vector<16xf32>
        %mul3A_940 = arith.constant 2.500000e-01 : f32
        %mul3A_941 = vector.broadcast %mul3A_940 : f32 to vector<16xf32>
        %mul3A_942 = arith.mulf %add3A_936, %mul3A_941 : vector<16xf32>
        %mul3A_943 = arith.mulf %mul3A_939, %mul3A_939 : vector<16xf32>
        %sub3A_944 = arith.subf %mul3A_942, %mul3A_943 : vector<16xf32>
        %add3A_945 = arith.addf %add3A_876, %sub3A_944 : vector<16xf32>
        %mul3A_946 = arith.mulf %get3A_890, %get3A_902 : vector<16xf32>
        %mul3A_947 = arith.mulf %mul3A_946, %get3A_914 : vector<16xf32>
        %mul3A_948 = arith.constant 4 : i32
        %mul3A_949 = arith.muli %mul3A_948, %scan3A_256 : i32
        %add3A_950 = arith.constant 0 : i32
        %add3A_951 = arith.addi %mul3A_949, %add3A_950 : i32
        %get3A_952 = arith.constant 0 : i32
        %get3A_953 = arith.constant 0 : i32
        %get3A_954 = tpu.memref_slice %arg11[%scan3A_243, %get3A_952, %get3A_953] : memref<2x64x256xf32, #tpu.memory_space<vmem>> -> memref<1x64x256xf32, #tpu.memory_space<vmem>>
        %get3A_955 = tpu.memref_squeeze %get3A_954 : memref<1x64x256xf32, #tpu.memory_space<vmem>> -> memref<64x256xf32, #tpu.memory_space<vmem>>
        %get3A_956 = arith.index_cast %add3A_951 : i32 to index
        %get3A_957 = arith.constant 160 : index
        %get3A_958 = tpu.vector_load %get3A_955[%get3A_956, %get3A_957] {strides = array<i32>} : memref<64x256xf32, #tpu.memory_space<vmem>>, vector<1x16xf32>,
        %get3A_959 = vector.shape_cast %get3A_958 : vector<1x16xf32> to vector<16xf32>
        %mul3A_960 = arith.constant 4 : i32
        %mul3A_961 = arith.muli %mul3A_960, %scan3A_256 : i32
        %add3A_962 = arith.constant 1 : i32
        %add3A_963 = arith.addi %mul3A_961, %add3A_962 : i32
        %get3A_964 = arith.constant 0 : i32
        %get3A_965 = arith.constant 0 : i32
        %get3A_966 = tpu.memref_slice %arg11[%scan3A_243, %get3A_964, %get3A_965] : memref<2x64x256xf32, #tpu.memory_space<vmem>> -> memref<1x64x256xf32, #tpu.memory_space<vmem>>
        %get3A_967 = tpu.memref_squeeze %get3A_966 : memref<1x64x256xf32, #tpu.memory_space<vmem>> -> memref<64x256xf32, #tpu.memory_space<vmem>>
        %get3A_968 = arith.index_cast %add3A_963 : i32 to index
        %get3A_969 = arith.constant 160 : index
        %get3A_970 = tpu.vector_load %get3A_967[%get3A_968, %get3A_969] {strides = array<i32>} : memref<64x256xf32, #tpu.memory_space<vmem>>, vector<1x16xf32>,
        %get3A_971 = vector.shape_cast %get3A_970 : vector<1x16xf32> to vector<16xf32>
        %mul3A_972 = arith.constant 4 : i32
        %mul3A_973 = arith.muli %mul3A_972, %scan3A_256 : i32
        %add3A_974 = arith.constant 2 : i32
        %add3A_975 = arith.addi %mul3A_973, %add3A_974 : i32
        %get3A_976 = arith.constant 0 : i32
        %get3A_977 = arith.constant 0 : i32
        %get3A_978 = tpu.memref_slice %arg11[%scan3A_243, %get3A_976, %get3A_977] : memref<2x64x256xf32, #tpu.memory_space<vmem>> -> memref<1x64x256xf32, #tpu.memory_space<vmem>>
        %get3A_979 = tpu.memref_squeeze %get3A_978 : memref<1x64x256xf32, #tpu.memory_space<vmem>> -> memref<64x256xf32, #tpu.memory_space<vmem>>
        %get3A_980 = arith.index_cast %add3A_975 : i32 to index
        %get3A_981 = arith.constant 160 : index
        %get3A_982 = tpu.vector_load %get3A_979[%get3A_980, %get3A_981] {strides = array<i32>} : memref<64x256xf32, #tpu.memory_space<vmem>>, vector<1x16xf32>,
        %get3A_983 = vector.shape_cast %get3A_982 : vector<1x16xf32> to vector<16xf32>
        %mul3A_984 = arith.constant 4 : i32
        %mul3A_985 = arith.muli %mul3A_984, %scan3A_256 : i32
        %add3A_986 = arith.constant 3 : i32
        %add3A_987 = arith.addi %mul3A_985, %add3A_986 : i32
        %get3A_988 = arith.constant 0 : i32
        %get3A_989 = arith.constant 0 : i32
        %get3A_990 = tpu.memref_slice %arg11[%scan3A_243, %get3A_988, %get3A_989] : memref<2x64x256xf32, #tpu.memory_space<vmem>> -> memref<1x64x256xf32, #tpu.memory_space<vmem>>
        %get3A_991 = tpu.memref_squeeze %get3A_990 : memref<1x64x256xf32, #tpu.memory_space<vmem>> -> memref<64x256xf32, #tpu.memory_space<vmem>>
        %get3A_992 = arith.index_cast %add3A_987 : i32 to index
        %get3A_993 = arith.constant 160 : index
        %get3A_994 = tpu.vector_load %get3A_991[%get3A_992, %get3A_993] {strides = array<i32>} : memref<64x256xf32, #tpu.memory_space<vmem>>, vector<1x16xf32>,
        %get3A_995 = vector.shape_cast %get3A_994 : vector<1x16xf32> to vector<16xf32>
        %add3A_996 = arith.addf %get3A_959, %get3A_971 : vector<16xf32>
        %add3A_997 = arith.addf %get3A_983, %get3A_995 : vector<16xf32>
        %add3A_998 = arith.addf %add3A_996, %add3A_997 : vector<16xf32>
        %mul3A_999 = arith.mulf %get3A_959, %get3A_959 : vector<16xf32>
        %mul3A_1000 = arith.mulf %get3A_971, %get3A_971 : vector<16xf32>
        %add3A_1001 = arith.addf %mul3A_999, %mul3A_1000 : vector<16xf32>
        %mul3A_1002 = arith.mulf %get3A_983, %get3A_983 : vector<16xf32>
        %mul3A_1003 = arith.mulf %get3A_995, %get3A_995 : vector<16xf32>
        %add3A_1004 = arith.addf %mul3A_1002, %mul3A_1003 : vector<16xf32>
        %add3A_1005 = arith.addf %add3A_1001, %add3A_1004 : vector<16xf32>
        %mul3A_1006 = arith.constant 2.500000e-01 : f32
        %mul3A_1007 = vector.broadcast %mul3A_1006 : f32 to vector<16xf32>
        %mul3A_1008 = arith.mulf %add3A_998, %mul3A_1007 : vector<16xf32>
        %mul3A_1009 = arith.constant 2.500000e-01 : f32
        %mul3A_1010 = vector.broadcast %mul3A_1009 : f32 to vector<16xf32>
        %mul3A_1011 = arith.mulf %add3A_1005, %mul3A_1010 : vector<16xf32>
        %mul3A_1012 = arith.mulf %mul3A_1008, %mul3A_1008 : vector<16xf32>
        %sub3A_1013 = arith.subf %mul3A_1011, %mul3A_1012 : vector<16xf32>
        %add3A_1014 = arith.addf %add3A_945, %sub3A_1013 : vector<16xf32>
        %mul3A_1015 = arith.mulf %get3A_959, %get3A_971 : vector<16xf32>
        %mul3A_1016 = arith.mulf %mul3A_1015, %get3A_983 : vector<16xf32>
        %mul3A_1017 = arith.constant 4 : i32
        %mul3A_1018 = arith.muli %mul3A_1017, %scan3A_256 : i32
        %add3A_1019 = arith.constant 0 : i32
        %add3A_1020 = arith.addi %mul3A_1018, %add3A_1019 : i32
        %get3A_1021 = arith.constant 0 : i32
        %get3A_1022 = arith.constant 0 : i32
        %get3A_1023 = tpu.memref_slice %arg11[%scan3A_243, %get3A_1021, %get3A_1022] : memref<2x64x256xf32, #tpu.memory_space<vmem>> -> memref<1x64x256xf32, #tpu.memory_space<vmem>>
        %get3A_1024 = tpu.memref_squeeze %get3A_1023 : memref<1x64x256xf32, #tpu.memory_space<vmem>> -> memref<64x256xf32, #tpu.memory_space<vmem>>
        %get3A_1025 = arith.index_cast %add3A_1020 : i32 to index
        %get3A_1026 = arith.constant 176 : index
        %get3A_1027 = tpu.vector_load %get3A_1024[%get3A_1025, %get3A_1026] {strides = array<i32>} : memref<64x256xf32, #tpu.memory_space<vmem>>, vector<1x16xf32>,
        %get3A_1028 = vector.shape_cast %get3A_1027 : vector<1x16xf32> to vector<16xf32>
        %mul3A_1029 = arith.constant 4 : i32
        %mul3A_1030 = arith.muli %mul3A_1029, %scan3A_256 : i32
        %add3A_1031 = arith.constant 1 : i32
        %add3A_1032 = arith.addi %mul3A_1030, %add3A_1031 : i32
        %get3A_1033 = arith.constant 0 : i32
        %get3A_1034 = arith.constant 0 : i32
        %get3A_1035 = tpu.memref_slice %arg11[%scan3A_243, %get3A_1033, %get3A_1034] : memref<2x64x256xf32, #tpu.memory_space<vmem>> -> memref<1x64x256xf32, #tpu.memory_space<vmem>>
        %get3A_1036 = tpu.memref_squeeze %get3A_1035 : memref<1x64x256xf32, #tpu.memory_space<vmem>> -> memref<64x256xf32, #tpu.memory_space<vmem>>
        %get3A_1037 = arith.index_cast %add3A_1032 : i32 to index
        %get3A_1038 = arith.constant 176 : index
        %get3A_1039 = tpu.vector_load %get3A_1036[%get3A_1037, %get3A_1038] {strides = array<i32>} : memref<64x256xf32, #tpu.memory_space<vmem>>, vector<1x16xf32>,
        %get3A_1040 = vector.shape_cast %get3A_1039 : vector<1x16xf32> to vector<16xf32>
        %mul3A_1041 = arith.constant 4 : i32
        %mul3A_1042 = arith.muli %mul3A_1041, %scan3A_256 : i32
        %add3A_1043 = arith.constant 2 : i32
        %add3A_1044 = arith.addi %mul3A_1042, %add3A_1043 : i32
        %get3A_1045 = arith.constant 0 : i32
        %get3A_1046 = arith.constant 0 : i32
        %get3A_1047 = tpu.memref_slice %arg11[%scan3A_243, %get3A_1045, %get3A_1046] : memref<2x64x256xf32, #tpu.memory_space<vmem>> -> memref<1x64x256xf32, #tpu.memory_space<vmem>>
        %get3A_1048 = tpu.memref_squeeze %get3A_1047 : memref<1x64x256xf32, #tpu.memory_space<vmem>> -> memref<64x256xf32, #tpu.memory_space<vmem>>
        %get3A_1049 = arith.index_cast %add3A_1044 : i32 to index
        %get3A_1050 = arith.constant 176 : index
        %get3A_1051 = tpu.vector_load %get3A_1048[%get3A_1049, %get3A_1050] {strides = array<i32>} : memref<64x256xf32, #tpu.memory_space<vmem>>, vector<1x16xf32>,
        %get3A_1052 = vector.shape_cast %get3A_1051 : vector<1x16xf32> to vector<16xf32>
        %mul3A_1053 = arith.constant 4 : i32
        %mul3A_1054 = arith.muli %mul3A_1053, %scan3A_256 : i32
        %add3A_1055 = arith.constant 3 : i32
        %add3A_1056 = arith.addi %mul3A_1054, %add3A_1055 : i32
        %get3A_1057 = arith.constant 0 : i32
        %get3A_1058 = arith.constant 0 : i32
        %get3A_1059 = tpu.memref_slice %arg11[%scan3A_243, %get3A_1057, %get3A_1058] : memref<2x64x256xf32, #tpu.memory_space<vmem>> -> memref<1x64x256xf32, #tpu.memory_space<vmem>>
        %get3A_1060 = tpu.memref_squeeze %get3A_1059 : memref<1x64x256xf32, #tpu.memory_space<vmem>> -> memref<64x256xf32, #tpu.memory_space<vmem>>
        %get3A_1061 = arith.index_cast %add3A_1056 : i32 to index
        %get3A_1062 = arith.constant 176 : index
        %get3A_1063 = tpu.vector_load %get3A_1060[%get3A_1061, %get3A_1062] {strides = array<i32>} : memref<64x256xf32, #tpu.memory_space<vmem>>, vector<1x16xf32>,
        %get3A_1064 = vector.shape_cast %get3A_1063 : vector<1x16xf32> to vector<16xf32>
        %add3A_1065 = arith.addf %get3A_1028, %get3A_1040 : vector<16xf32>
        %add3A_1066 = arith.addf %get3A_1052, %get3A_1064 : vector<16xf32>
        %add3A_1067 = arith.addf %add3A_1065, %add3A_1066 : vector<16xf32>
        %mul3A_1068 = arith.mulf %get3A_1028, %get3A_1028 : vector<16xf32>
        %mul3A_1069 = arith.mulf %get3A_1040, %get3A_1040 : vector<16xf32>
        %add3A_1070 = arith.addf %mul3A_1068, %mul3A_1069 : vector<16xf32>
        %mul3A_1071 = arith.mulf %get3A_1052, %get3A_1052 : vector<16xf32>
        %mul3A_1072 = arith.mulf %get3A_1064, %get3A_1064 : vector<16xf32>
        %add3A_1073 = arith.addf %mul3A_1071, %mul3A_1072 : vector<16xf32>
        %add3A_1074 = arith.addf %add3A_1070, %add3A_1073 : vector<16xf32>
        %mul3A_1075 = arith.constant 2.500000e-01 : f32
        %mul3A_1076 = vector.broadcast %mul3A_1075 : f32 to vector<16xf32>
        %mul3A_1077 = arith.mulf %add3A_1067, %mul3A_1076 : vector<16xf32>
        %mul3A_1078 = arith.constant 2.500000e-01 : f32
        %mul3A_1079 = vector.broadcast %mul3A_1078 : f32 to vector<16xf32>
        %mul3A_1080 = arith.mulf %add3A_1074, %mul3A_1079 : vector<16xf32>
        %mul3A_1081 = arith.mulf %mul3A_1077, %mul3A_1077 : vector<16xf32>
        %sub3A_1082 = arith.subf %mul3A_1080, %mul3A_1081 : vector<16xf32>
        %add3A_1083 = arith.addf %add3A_1014, %sub3A_1082 : vector<16xf32>
        %mul3A_1084 = arith.mulf %get3A_1028, %get3A_1040 : vector<16xf32>
        %mul3A_1085 = arith.mulf %mul3A_1084, %get3A_1052 : vector<16xf32>
        %mul3A_1086 = arith.constant 4 : i32
        %mul3A_1087 = arith.muli %mul3A_1086, %scan3A_256 : i32
        %add3A_1088 = arith.constant 0 : i32
        %add3A_1089 = arith.addi %mul3A_1087, %add3A_1088 : i32
        %get3A_1090 = arith.constant 0 : i32
        %get3A_1091 = arith.constant 0 : i32
        %get3A_1092 = tpu.memref_slice %arg11[%scan3A_243, %get3A_1090, %get3A_1091] : memref<2x64x256xf32, #tpu.memory_space<vmem>> -> memref<1x64x256xf32, #tpu.memory_space<vmem>>
        %get3A_1093 = tpu.memref_squeeze %get3A_1092 : memref<1x64x256xf32, #tpu.memory_space<vmem>> -> memref<64x256xf32, #tpu.memory_space<vmem>>
        %get3A_1094 = arith.index_cast %add3A_1089 : i32 to index
        %get3A_1095 = arith.constant 192 : index
        %get3A_1096 = tpu.vector_load %get3A_1093[%get3A_1094, %get3A_1095] {strides = array<i32>} : memref<64x256xf32, #tpu.memory_space<vmem>>, vector<1x16xf32>,
        %get3A_1097 = vector.shape_cast %get3A_1096 : vector<1x16xf32> to vector<16xf32>
        %mul3A_1098 = arith.constant 4 : i32
        %mul3A_1099 = arith.muli %mul3A_1098, %scan3A_256 : i32
        %add3A_1100 = arith.constant 1 : i32
        %add3A_1101 = arith.addi %mul3A_1099, %add3A_1100 : i32
        %get3A_1102 = arith.constant 0 : i32
        %get3A_1103 = arith.constant 0 : i32
        %get3A_1104 = tpu.memref_slice %arg11[%scan3A_243, %get3A_1102, %get3A_1103] : memref<2x64x256xf32, #tpu.memory_space<vmem>> -> memref<1x64x256xf32, #tpu.memory_space<vmem>>
        %get3A_1105 = tpu.memref_squeeze %get3A_1104 : memref<1x64x256xf32, #tpu.memory_space<vmem>> -> memref<64x256xf32, #tpu.memory_space<vmem>>
        %get3A_1106 = arith.index_cast %add3A_1101 : i32 to index
        %get3A_1107 = arith.constant 192 : index
        %get3A_1108 = tpu.vector_load %get3A_1105[%get3A_1106, %get3A_1107] {strides = array<i32>} : memref<64x256xf32, #tpu.memory_space<vmem>>, vector<1x16xf32>,
        %get3A_1109 = vector.shape_cast %get3A_1108 : vector<1x16xf32> to vector<16xf32>
        %mul3A_1110 = arith.constant 4 : i32
        %mul3A_1111 = arith.muli %mul3A_1110, %scan3A_256 : i32
        %add3A_1112 = arith.constant 2 : i32
        %add3A_1113 = arith.addi %mul3A_1111, %add3A_1112 : i32
        %get3A_1114 = arith.constant 0 : i32
        %get3A_1115 = arith.constant 0 : i32
        %get3A_1116 = tpu.memref_slice %arg11[%scan3A_243, %get3A_1114, %get3A_1115] : memref<2x64x256xf32, #tpu.memory_space<vmem>> -> memref<1x64x256xf32, #tpu.memory_space<vmem>>
        %get3A_1117 = tpu.memref_squeeze %get3A_1116 : memref<1x64x256xf32, #tpu.memory_space<vmem>> -> memref<64x256xf32, #tpu.memory_space<vmem>>
        %get3A_1118 = arith.index_cast %add3A_1113 : i32 to index
        %get3A_1119 = arith.constant 192 : index
        %get3A_1120 = tpu.vector_load %get3A_1117[%get3A_1118, %get3A_1119] {strides = array<i32>} : memref<64x256xf32, #tpu.memory_space<vmem>>, vector<1x16xf32>,
        %get3A_1121 = vector.shape_cast %get3A_1120 : vector<1x16xf32> to vector<16xf32>
        %mul3A_1122 = arith.constant 4 : i32
        %mul3A_1123 = arith.muli %mul3A_1122, %scan3A_256 : i32
        %add3A_1124 = arith.constant 3 : i32
        %add3A_1125 = arith.addi %mul3A_1123, %add3A_1124 : i32
        %get3A_1126 = arith.constant 0 : i32
        %get3A_1127 = arith.constant 0 : i32
        %get3A_1128 = tpu.memref_slice %arg11[%scan3A_243, %get3A_1126, %get3A_1127] : memref<2x64x256xf32, #tpu.memory_space<vmem>> -> memref<1x64x256xf32, #tpu.memory_space<vmem>>
        %get3A_1129 = tpu.memref_squeeze %get3A_1128 : memref<1x64x256xf32, #tpu.memory_space<vmem>> -> memref<64x256xf32, #tpu.memory_space<vmem>>
        %get3A_1130 = arith.index_cast %add3A_1125 : i32 to index
        %get3A_1131 = arith.constant 192 : index
        %get3A_1132 = tpu.vector_load %get3A_1129[%get3A_1130, %get3A_1131] {strides = array<i32>} : memref<64x256xf32, #tpu.memory_space<vmem>>, vector<1x16xf32>,
        %get3A_1133 = vector.shape_cast %get3A_1132 : vector<1x16xf32> to vector<16xf32>
        %add3A_1134 = arith.addf %get3A_1097, %get3A_1109 : vector<16xf32>
        %add3A_1135 = arith.addf %get3A_1121, %get3A_1133 : vector<16xf32>
        %add3A_1136 = arith.addf %add3A_1134, %add3A_1135 : vector<16xf32>
        %mul3A_1137 = arith.mulf %get3A_1097, %get3A_1097 : vector<16xf32>
        %mul3A_1138 = arith.mulf %get3A_1109, %get3A_1109 : vector<16xf32>
        %add3A_1139 = arith.addf %mul3A_1137, %mul3A_1138 : vector<16xf32>
        %mul3A_1140 = arith.mulf %get3A_1121, %get3A_1121 : vector<16xf32>
        %mul3A_1141 = arith.mulf %get3A_1133, %get3A_1133 : vector<16xf32>
        %add3A_1142 = arith.addf %mul3A_1140, %mul3A_1141 : vector<16xf32>
        %add3A_1143 = arith.addf %add3A_1139, %add3A_1142 : vector<16xf32>
        %mul3A_1144 = arith.constant 2.500000e-01 : f32
        %mul3A_1145 = vector.broadcast %mul3A_1144 : f32 to vector<16xf32>
        %mul3A_1146 = arith.mulf %add3A_1136, %mul3A_1145 : vector<16xf32>
        %mul3A_1147 = arith.constant 2.500000e-01 : f32
        %mul3A_1148 = vector.broadcast %mul3A_1147 : f32 to vector<16xf32>
        %mul3A_1149 = arith.mulf %add3A_1143, %mul3A_1148 : vector<16xf32>
        %mul3A_1150 = arith.mulf %mul3A_1146, %mul3A_1146 : vector<16xf32>
        %sub3A_1151 = arith.subf %mul3A_1149, %mul3A_1150 : vector<16xf32>
        %add3A_1152 = arith.addf %add3A_1083, %sub3A_1151 : vector<16xf32>
        %mul3A_1153 = arith.mulf %get3A_1097, %get3A_1109 : vector<16xf32>
        %mul3A_1154 = arith.mulf %mul3A_1153, %get3A_1121 : vector<16xf32>
        %mul3A_1155 = arith.constant 4 : i32
        %mul3A_1156 = arith.muli %mul3A_1155, %scan3A_256 : i32
        %add3A_1157 = arith.constant 0 : i32
        %add3A_1158 = arith.addi %mul3A_1156, %add3A_1157 : i32
        %get3A_1159 = arith.constant 0 : i32
        %get3A_1160 = arith.constant 0 : i32
        %get3A_1161 = tpu.memref_slice %arg11[%scan3A_243, %get3A_1159, %get3A_1160] : memref<2x64x256xf32, #tpu.memory_space<vmem>> -> memref<1x64x256xf32, #tpu.memory_space<vmem>>
        %get3A_1162 = tpu.memref_squeeze %get3A_1161 : memref<1x64x256xf32, #tpu.memory_space<vmem>> -> memref<64x256xf32, #tpu.memory_space<vmem>>
        %get3A_1163 = arith.index_cast %add3A_1158 : i32 to index
        %get3A_1164 = arith.constant 208 : index
        %get3A_1165 = tpu.vector_load %get3A_1162[%get3A_1163, %get3A_1164] {strides = array<i32>} : memref<64x256xf32, #tpu.memory_space<vmem>>, vector<1x16xf32>,
        %get3A_1166 = vector.shape_cast %get3A_1165 : vector<1x16xf32> to vector<16xf32>
        %mul3A_1167 = arith.constant 4 : i32
        %mul3A_1168 = arith.muli %mul3A_1167, %scan3A_256 : i32
        %add3A_1169 = arith.constant 1 : i32
        %add3A_1170 = arith.addi %mul3A_1168, %add3A_1169 : i32
        %get3A_1171 = arith.constant 0 : i32
        %get3A_1172 = arith.constant 0 : i32
        %get3A_1173 = tpu.memref_slice %arg11[%scan3A_243, %get3A_1171, %get3A_1172] : memref<2x64x256xf32, #tpu.memory_space<vmem>> -> memref<1x64x256xf32, #tpu.memory_space<vmem>>
        %get3A_1174 = tpu.memref_squeeze %get3A_1173 : memref<1x64x256xf32, #tpu.memory_space<vmem>> -> memref<64x256xf32, #tpu.memory_space<vmem>>
        %get3A_1175 = arith.index_cast %add3A_1170 : i32 to index
        %get3A_1176 = arith.constant 208 : index
        %get3A_1177 = tpu.vector_load %get3A_1174[%get3A_1175, %get3A_1176] {strides = array<i32>} : memref<64x256xf32, #tpu.memory_space<vmem>>, vector<1x16xf32>,
        %get3A_1178 = vector.shape_cast %get3A_1177 : vector<1x16xf32> to vector<16xf32>
        %mul3A_1179 = arith.constant 4 : i32
        %mul3A_1180 = arith.muli %mul3A_1179, %scan3A_256 : i32
        %add3A_1181 = arith.constant 2 : i32
        %add3A_1182 = arith.addi %mul3A_1180, %add3A_1181 : i32
        %get3A_1183 = arith.constant 0 : i32
        %get3A_1184 = arith.constant 0 : i32
        %get3A_1185 = tpu.memref_slice %arg11[%scan3A_243, %get3A_1183, %get3A_1184] : memref<2x64x256xf32, #tpu.memory_space<vmem>> -> memref<1x64x256xf32, #tpu.memory_space<vmem>>
        %get3A_1186 = tpu.memref_squeeze %get3A_1185 : memref<1x64x256xf32, #tpu.memory_space<vmem>> -> memref<64x256xf32, #tpu.memory_space<vmem>>
        %get3A_1187 = arith.index_cast %add3A_1182 : i32 to index
        %get3A_1188 = arith.constant 208 : index
        %get3A_1189 = tpu.vector_load %get3A_1186[%get3A_1187, %get3A_1188] {strides = array<i32>} : memref<64x256xf32, #tpu.memory_space<vmem>>, vector<1x16xf32>,
        %get3A_1190 = vector.shape_cast %get3A_1189 : vector<1x16xf32> to vector<16xf32>
        %mul3A_1191 = arith.constant 4 : i32
        %mul3A_1192 = arith.muli %mul3A_1191, %scan3A_256 : i32
        %add3A_1193 = arith.constant 3 : i32
        %add3A_1194 = arith.addi %mul3A_1192, %add3A_1193 : i32
        %get3A_1195 = arith.constant 0 : i32
        %get3A_1196 = arith.constant 0 : i32
        %get3A_1197 = tpu.memref_slice %arg11[%scan3A_243, %get3A_1195, %get3A_1196] : memref<2x64x256xf32, #tpu.memory_space<vmem>> -> memref<1x64x256xf32, #tpu.memory_space<vmem>>
        %get3A_1198 = tpu.memref_squeeze %get3A_1197 : memref<1x64x256xf32, #tpu.memory_space<vmem>> -> memref<64x256xf32, #tpu.memory_space<vmem>>
        %get3A_1199 = arith.index_cast %add3A_1194 : i32 to index
        %get3A_1200 = arith.constant 208 : index
        %get3A_1201 = tpu.vector_load %get3A_1198[%get3A_1199, %get3A_1200] {strides = array<i32>} : memref<64x256xf32, #tpu.memory_space<vmem>>, vector<1x16xf32>,
        %get3A_1202 = vector.shape_cast %get3A_1201 : vector<1x16xf32> to vector<16xf32>
        %add3A_1203 = arith.addf %get3A_1166, %get3A_1178 : vector<16xf32>
        %add3A_1204 = arith.addf %get3A_1190, %get3A_1202 : vector<16xf32>
        %add3A_1205 = arith.addf %add3A_1203, %add3A_1204 : vector<16xf32>
        %mul3A_1206 = arith.mulf %get3A_1166, %get3A_1166 : vector<16xf32>
        %mul3A_1207 = arith.mulf %get3A_1178, %get3A_1178 : vector<16xf32>
        %add3A_1208 = arith.addf %mul3A_1206, %mul3A_1207 : vector<16xf32>
        %mul3A_1209 = arith.mulf %get3A_1190, %get3A_1190 : vector<16xf32>
        %mul3A_1210 = arith.mulf %get3A_1202, %get3A_1202 : vector<16xf32>
        %add3A_1211 = arith.addf %mul3A_1209, %mul3A_1210 : vector<16xf32>
        %add3A_1212 = arith.addf %add3A_1208, %add3A_1211 : vector<16xf32>
        %mul3A_1213 = arith.constant 2.500000e-01 : f32
        %mul3A_1214 = vector.broadcast %mul3A_1213 : f32 to vector<16xf32>
        %mul3A_1215 = arith.mulf %add3A_1205, %mul3A_1214 : vector<16xf32>
        %mul3A_1216 = arith.constant 2.500000e-01 : f32
        %mul3A_1217 = vector.broadcast %mul3A_1216 : f32 to vector<16xf32>
        %mul3A_1218 = arith.mulf %add3A_1212, %mul3A_1217 : vector<16xf32>
        %mul3A_1219 = arith.mulf %mul3A_1215, %mul3A_1215 : vector<16xf32>
        %sub3A_1220 = arith.subf %mul3A_1218, %mul3A_1219 : vector<16xf32>
        %add3A_1221 = arith.addf %add3A_1152, %sub3A_1220 : vector<16xf32>
        %mul3A_1222 = arith.mulf %get3A_1166, %get3A_1178 : vector<16xf32>
        %mul3A_1223 = arith.mulf %mul3A_1222, %get3A_1190 : vector<16xf32>
        %mul3A_1224 = arith.constant 4 : i32
        %mul3A_1225 = arith.muli %mul3A_1224, %scan3A_256 : i32
        %add3A_1226 = arith.constant 0 : i32
        %add3A_1227 = arith.addi %mul3A_1225, %add3A_1226 : i32
        %get3A_1228 = arith.constant 0 : i32
        %get3A_1229 = arith.constant 0 : i32
        %get3A_1230 = tpu.memref_slice %arg11[%scan3A_243, %get3A_1228, %get3A_1229] : memref<2x64x256xf32, #tpu.memory_space<vmem>> -> memref<1x64x256xf32, #tpu.memory_space<vmem>>
        %get3A_1231 = tpu.memref_squeeze %get3A_1230 : memref<1x64x256xf32, #tpu.memory_space<vmem>> -> memref<64x256xf32, #tpu.memory_space<vmem>>
        %get3A_1232 = arith.index_cast %add3A_1227 : i32 to index
        %get3A_1233 = arith.constant 224 : index
        %get3A_1234 = tpu.vector_load %get3A_1231[%get3A_1232, %get3A_1233] {strides = array<i32>} : memref<64x256xf32, #tpu.memory_space<vmem>>, vector<1x16xf32>,
        %get3A_1235 = vector.shape_cast %get3A_1234 : vector<1x16xf32> to vector<16xf32>
        %mul3A_1236 = arith.constant 4 : i32
        %mul3A_1237 = arith.muli %mul3A_1236, %scan3A_256 : i32
        %add3A_1238 = arith.constant 1 : i32
        %add3A_1239 = arith.addi %mul3A_1237, %add3A_1238 : i32
        %get3A_1240 = arith.constant 0 : i32
        %get3A_1241 = arith.constant 0 : i32
        %get3A_1242 = tpu.memref_slice %arg11[%scan3A_243, %get3A_1240, %get3A_1241] : memref<2x64x256xf32, #tpu.memory_space<vmem>> -> memref<1x64x256xf32, #tpu.memory_space<vmem>>
        %get3A_1243 = tpu.memref_squeeze %get3A_1242 : memref<1x64x256xf32, #tpu.memory_space<vmem>> -> memref<64x256xf32, #tpu.memory_space<vmem>>
        %get3A_1244 = arith.index_cast %add3A_1239 : i32 to index
        %get3A_1245 = arith.constant 224 : index
        %get3A_1246 = tpu.vector_load %get3A_1243[%get3A_1244, %get3A_1245] {strides = array<i32>} : memref<64x256xf32, #tpu.memory_space<vmem>>, vector<1x16xf32>,
        %get3A_1247 = vector.shape_cast %get3A_1246 : vector<1x16xf32> to vector<16xf32>
        %mul3A_1248 = arith.constant 4 : i32
        %mul3A_1249 = arith.muli %mul3A_1248, %scan3A_256 : i32
        %add3A_1250 = arith.constant 2 : i32
        %add3A_1251 = arith.addi %mul3A_1249, %add3A_1250 : i32
        %get3A_1252 = arith.constant 0 : i32
        %get3A_1253 = arith.constant 0 : i32
        %get3A_1254 = tpu.memref_slice %arg11[%scan3A_243, %get3A_1252, %get3A_1253] : memref<2x64x256xf32, #tpu.memory_space<vmem>> -> memref<1x64x256xf32, #tpu.memory_space<vmem>>
        %get3A_1255 = tpu.memref_squeeze %get3A_1254 : memref<1x64x256xf32, #tpu.memory_space<vmem>> -> memref<64x256xf32, #tpu.memory_space<vmem>>
        %get3A_1256 = arith.index_cast %add3A_1251 : i32 to index
        %get3A_1257 = arith.constant 224 : index
        %get3A_1258 = tpu.vector_load %get3A_1255[%get3A_1256, %get3A_1257] {strides = array<i32>} : memref<64x256xf32, #tpu.memory_space<vmem>>, vector<1x16xf32>,
        %get3A_1259 = vector.shape_cast %get3A_1258 : vector<1x16xf32> to vector<16xf32>
        %mul3A_1260 = arith.constant 4 : i32
        %mul3A_1261 = arith.muli %mul3A_1260, %scan3A_256 : i32
        %add3A_1262 = arith.constant 3 : i32
        %add3A_1263 = arith.addi %mul3A_1261, %add3A_1262 : i32
        %get3A_1264 = arith.constant 0 : i32
        %get3A_1265 = arith.constant 0 : i32
        %get3A_1266 = tpu.memref_slice %arg11[%scan3A_243, %get3A_1264, %get3A_1265] : memref<2x64x256xf32, #tpu.memory_space<vmem>> -> memref<1x64x256xf32, #tpu.memory_space<vmem>>
        %get3A_1267 = tpu.memref_squeeze %get3A_1266 : memref<1x64x256xf32, #tpu.memory_space<vmem>> -> memref<64x256xf32, #tpu.memory_space<vmem>>
        %get3A_1268 = arith.index_cast %add3A_1263 : i32 to index
        %get3A_1269 = arith.constant 224 : index
        %get3A_1270 = tpu.vector_load %get3A_1267[%get3A_1268, %get3A_1269] {strides = array<i32>} : memref<64x256xf32, #tpu.memory_space<vmem>>, vector<1x16xf32>,
        %get3A_1271 = vector.shape_cast %get3A_1270 : vector<1x16xf32> to vector<16xf32>
        %add3A_1272 = arith.addf %get3A_1235, %get3A_1247 : vector<16xf32>
        %add3A_1273 = arith.addf %get3A_1259, %get3A_1271 : vector<16xf32>
        %add3A_1274 = arith.addf %add3A_1272, %add3A_1273 : vector<16xf32>
        %mul3A_1275 = arith.mulf %get3A_1235, %get3A_1235 : vector<16xf32>
        %mul3A_1276 = arith.mulf %get3A_1247, %get3A_1247 : vector<16xf32>
        %add3A_1277 = arith.addf %mul3A_1275, %mul3A_1276 : vector<16xf32>
        %mul3A_1278 = arith.mulf %get3A_1259, %get3A_1259 : vector<16xf32>
        %mul3A_1279 = arith.mulf %get3A_1271, %get3A_1271 : vector<16xf32>
        %add3A_1280 = arith.addf %mul3A_1278, %mul3A_1279 : vector<16xf32>
        %add3A_1281 = arith.addf %add3A_1277, %add3A_1280 : vector<16xf32>
        %mul3A_1282 = arith.constant 2.500000e-01 : f32
        %mul3A_1283 = vector.broadcast %mul3A_1282 : f32 to vector<16xf32>
        %mul3A_1284 = arith.mulf %add3A_1274, %mul3A_1283 : vector<16xf32>
        %mul3A_1285 = arith.constant 2.500000e-01 : f32
        %mul3A_1286 = vector.broadcast %mul3A_1285 : f32 to vector<16xf32>
        %mul3A_1287 = arith.mulf %add3A_1281, %mul3A_1286 : vector<16xf32>
        %mul3A_1288 = arith.mulf %mul3A_1284, %mul3A_1284 : vector<16xf32>
        %sub3A_1289 = arith.subf %mul3A_1287, %mul3A_1288 : vector<16xf32>
        %add3A_1290 = arith.addf %add3A_1221, %sub3A_1289 : vector<16xf32>
        %mul3A_1291 = arith.mulf %get3A_1235, %get3A_1247 : vector<16xf32>
        %mul3A_1292 = arith.mulf %mul3A_1291, %get3A_1259 : vector<16xf32>
        %mul3A_1293 = arith.constant 4 : i32
        %mul3A_1294 = arith.muli %mul3A_1293, %scan3A_256 : i32
        %add3A_1295 = arith.constant 0 : i32
        %add3A_1296 = arith.addi %mul3A_1294, %add3A_1295 : i32
        %get3A_1297 = arith.constant 0 : i32
        %get3A_1298 = arith.constant 0 : i32
        %get3A_1299 = tpu.memref_slice %arg11[%scan3A_243, %get3A_1297, %get3A_1298] : memref<2x64x256xf32, #tpu.memory_space<vmem>> -> memref<1x64x256xf32, #tpu.memory_space<vmem>>
        %get3A_1300 = tpu.memref_squeeze %get3A_1299 : memref<1x64x256xf32, #tpu.memory_space<vmem>> -> memref<64x256xf32, #tpu.memory_space<vmem>>
        %get3A_1301 = arith.index_cast %add3A_1296 : i32 to index
        %get3A_1302 = arith.constant 240 : index
        %get3A_1303 = tpu.vector_load %get3A_1300[%get3A_1301, %get3A_1302] {strides = array<i32>} : memref<64x256xf32, #tpu.memory_space<vmem>>, vector<1x16xf32>,
        %get3A_1304 = vector.shape_cast %get3A_1303 : vector<1x16xf32> to vector<16xf32>
        %mul3A_1305 = arith.constant 4 : i32
        %mul3A_1306 = arith.muli %mul3A_1305, %scan3A_256 : i32
        %add3A_1307 = arith.constant 1 : i32
        %add3A_1308 = arith.addi %mul3A_1306, %add3A_1307 : i32
        %get3A_1309 = arith.constant 0 : i32
        %get3A_1310 = arith.constant 0 : i32
        %get3A_1311 = tpu.memref_slice %arg11[%scan3A_243, %get3A_1309, %get3A_1310] : memref<2x64x256xf32, #tpu.memory_space<vmem>> -> memref<1x64x256xf32, #tpu.memory_space<vmem>>
        %get3A_1312 = tpu.memref_squeeze %get3A_1311 : memref<1x64x256xf32, #tpu.memory_space<vmem>> -> memref<64x256xf32, #tpu.memory_space<vmem>>
        %get3A_1313 = arith.index_cast %add3A_1308 : i32 to index
        %get3A_1314 = arith.constant 240 : index
        %get3A_1315 = tpu.vector_load %get3A_1312[%get3A_1313, %get3A_1314] {strides = array<i32>} : memref<64x256xf32, #tpu.memory_space<vmem>>, vector<1x16xf32>,
        %get3A_1316 = vector.shape_cast %get3A_1315 : vector<1x16xf32> to vector<16xf32>
        %mul3A_1317 = arith.constant 4 : i32
        %mul3A_1318 = arith.muli %mul3A_1317, %scan3A_256 : i32
        %add3A_1319 = arith.constant 2 : i32
        %add3A_1320 = arith.addi %mul3A_1318, %add3A_1319 : i32
        %get3A_1321 = arith.constant 0 : i32
        %get3A_1322 = arith.constant 0 : i32
        %get3A_1323 = tpu.memref_slice %arg11[%scan3A_243, %get3A_1321, %get3A_1322] : memref<2x64x256xf32, #tpu.memory_space<vmem>> -> memref<1x64x256xf32, #tpu.memory_space<vmem>>
        %get3A_1324 = tpu.memref_squeeze %get3A_1323 : memref<1x64x256xf32, #tpu.memory_space<vmem>> -> memref<64x256xf32, #tpu.memory_space<vmem>>
        %get3A_1325 = arith.index_cast %add3A_1320 : i32 to index
        %get3A_1326 = arith.constant 240 : index
        %get3A_1327 = tpu.vector_load %get3A_1324[%get3A_1325, %get3A_1326] {strides = array<i32>} : memref<64x256xf32, #tpu.memory_space<vmem>>, vector<1x16xf32>,
        %get3A_1328 = vector.shape_cast %get3A_1327 : vector<1x16xf32> to vector<16xf32>
        %mul3A_1329 = arith.constant 4 : i32
        %mul3A_1330 = arith.muli %mul3A_1329, %scan3A_256 : i32
        %add3A_1331 = arith.constant 3 : i32
        %add3A_1332 = arith.addi %mul3A_1330, %add3A_1331 : i32
        %get3A_1333 = arith.constant 0 : i32
        %get3A_1334 = arith.constant 0 : i32
        %get3A_1335 = tpu.memref_slice %arg11[%scan3A_243, %get3A_1333, %get3A_1334] : memref<2x64x256xf32, #tpu.memory_space<vmem>> -> memref<1x64x256xf32, #tpu.memory_space<vmem>>
        %get3A_1336 = tpu.memref_squeeze %get3A_1335 : memref<1x64x256xf32, #tpu.memory_space<vmem>> -> memref<64x256xf32, #tpu.memory_space<vmem>>
        %get3A_1337 = arith.index_cast %add3A_1332 : i32 to index
        %get3A_1338 = arith.constant 240 : index
        %get3A_1339 = tpu.vector_load %get3A_1336[%get3A_1337, %get3A_1338] {strides = array<i32>} : memref<64x256xf32, #tpu.memory_space<vmem>>, vector<1x16xf32>,
        %get3A_1340 = vector.shape_cast %get3A_1339 : vector<1x16xf32> to vector<16xf32>
        %add3A_1341 = arith.addf %get3A_1304, %get3A_1316 : vector<16xf32>
        %add3A_1342 = arith.addf %get3A_1328, %get3A_1340 : vector<16xf32>
        %add3A_1343 = arith.addf %add3A_1341, %add3A_1342 : vector<16xf32>
        %mul3A_1344 = arith.mulf %get3A_1304, %get3A_1304 : vector<16xf32>
        %mul3A_1345 = arith.mulf %get3A_1316, %get3A_1316 : vector<16xf32>
        %add3A_1346 = arith.addf %mul3A_1344, %mul3A_1345 : vector<16xf32>
        %mul3A_1347 = arith.mulf %get3A_1328, %get3A_1328 : vector<16xf32>
        %mul3A_1348 = arith.mulf %get3A_1340, %get3A_1340 : vector<16xf32>
        %add3A_1349 = arith.addf %mul3A_1347, %mul3A_1348 : vector<16xf32>
        %add3A_1350 = arith.addf %add3A_1346, %add3A_1349 : vector<16xf32>
        %mul3A_1351 = arith.constant 2.500000e-01 : f32
        %mul3A_1352 = vector.broadcast %mul3A_1351 : f32 to vector<16xf32>
        %mul3A_1353 = arith.mulf %add3A_1343, %mul3A_1352 : vector<16xf32>
        %mul3A_1354 = arith.constant 2.500000e-01 : f32
        %mul3A_1355 = vector.broadcast %mul3A_1354 : f32 to vector<16xf32>
        %mul3A_1356 = arith.mulf %add3A_1350, %mul3A_1355 : vector<16xf32>
        %mul3A_1357 = arith.mulf %mul3A_1353, %mul3A_1353 : vector<16xf32>
        %sub3A_1358 = arith.subf %mul3A_1356, %mul3A_1357 : vector<16xf32>
        %add3A_1359 = arith.addf %add3A_1290, %sub3A_1358 : vector<16xf32>
        %mul3A_1360 = arith.mulf %get3A_1304, %get3A_1316 : vector<16xf32>
        %mul3A_1361 = arith.mulf %mul3A_1360, %get3A_1328 : vector<16xf32>
        %iota3A = tpu.iota {dimensions = array<i32: 0>} : vector<16xi32>
        %add3A_1362 = arith.constant 8 : i32
        %add3A_1363 = vector.broadcast %add3A_1362 : i32 to vector<16xi32>
        %add3A_1364 = arith.addi %iota3A, %add3A_1363 : vector<16xi32>
        %and3A = arith.constant 15 : i32
        %and3A_1365 = vector.broadcast %and3A : i32 to vector<16xi32>
        %and3A_1366 = arith.andi %add3A_1364, %and3A_1365 : vector<16xi32>
        %broadcast_in_dim3A_1367 = vector.shape_cast %and3A_1366 : vector<16xi32> to vector<16x1xi32>
        %gather3A = vector.shape_cast %broadcast_in_dim3A_1367 : vector<16x1xi32> to vector<16xi32>
        %gather3A_1368 = tpu.dynamic_gather %add3A_1359[%gather3A] in [0] : vector<16xf32>, vector<16xi32> -> vector<16xf32>
        %add3A_1369 = arith.addf %add3A_1359, %gather3A_1368 : vector<16xf32>
        %add3A_1370 = arith.constant 4 : i32
        %add3A_1371 = vector.broadcast %add3A_1370 : i32 to vector<16xi32>
        %add3A_1372 = arith.addi %iota3A, %add3A_1371 : vector<16xi32>
        %and3A_1373 = arith.constant 15 : i32
        %and3A_1374 = vector.broadcast %and3A_1373 : i32 to vector<16xi32>
        %and3A_1375 = arith.andi %add3A_1372, %and3A_1374 : vector<16xi32>
        %broadcast_in_dim3A_1376 = vector.shape_cast %and3A_1375 : vector<16xi32> to vector<16x1xi32>
        %gather3A_1377 = vector.shape_cast %broadcast_in_dim3A_1376 : vector<16x1xi32> to vector<16xi32>
        %gather3A_1378 = tpu.dynamic_gather %add3A_1369[%gather3A_1377] in [0] : vector<16xf32>, vector<16xi32> -> vector<16xf32>
        %add3A_1379 = arith.addf %add3A_1369, %gather3A_1378 : vector<16xf32>
        %add3A_1380 = arith.constant 2 : i32
        %add3A_1381 = vector.broadcast %add3A_1380 : i32 to vector<16xi32>
        %add3A_1382 = arith.addi %iota3A, %add3A_1381 : vector<16xi32>
        %and3A_1383 = arith.constant 15 : i32
        %and3A_1384 = vector.broadcast %and3A_1383 : i32 to vector<16xi32>
        %and3A_1385 = arith.andi %add3A_1382, %and3A_1384 : vector<16xi32>
        %broadcast_in_dim3A_1386 = vector.shape_cast %and3A_1385 : vector<16xi32> to vector<16x1xi32>
        %gather3A_1387 = vector.shape_cast %broadcast_in_dim3A_1386 : vector<16x1xi32> to vector<16xi32>
        %gather3A_1388 = tpu.dynamic_gather %add3A_1379[%gather3A_1387] in [0] : vector<16xf32>, vector<16xi32> -> vector<16xf32>
        %add3A_1389 = arith.addf %add3A_1379, %gather3A_1388 : vector<16xf32>
        %add3A_1390 = arith.constant 1 : i32
        %add3A_1391 = vector.broadcast %add3A_1390 : i32 to vector<16xi32>
        %add3A_1392 = arith.addi %iota3A, %add3A_1391 : vector<16xi32>
        %and3A_1393 = arith.constant 15 : i32
        %and3A_1394 = vector.broadcast %and3A_1393 : i32 to vector<16xi32>
        %and3A_1395 = arith.andi %add3A_1392, %and3A_1394 : vector<16xi32>
        %broadcast_in_dim3A_1396 = vector.shape_cast %and3A_1395 : vector<16xi32> to vector<16x1xi32>
        %gather3A_1397 = vector.shape_cast %broadcast_in_dim3A_1396 : vector<16x1xi32> to vector<16xi32>
        %gather3A_1398 = tpu.dynamic_gather %add3A_1389[%gather3A_1397] in [0] : vector<16xf32>, vector<16xi32> -> vector<16xf32>
        %add3A_1399 = arith.addf %add3A_1389, %gather3A_1398 : vector<16xf32>
        %mul3A_1400 = arith.mulf %add3A_1399, %get3A_8 : vector<16xf32>
        %add3A_1401 = arith.addf %mul3A_1400, %get3A_11 : vector<16xf32>
        %neg3A = arith.constant 0.000000e+00 : f32
        %neg3A_1402 = vector.broadcast %neg3A : f32 to vector<16xf32>
        %neg3A_1403 = arith.subf %neg3A_1402, %add3A_1401 : vector<16xf32>
        %exp3A = math.exp %neg3A_1403 : vector<16xf32>
        %add3A_1404 = arith.constant 1.000000e+00 : f32
        %add3A_1405 = vector.broadcast %add3A_1404 : f32 to vector<16xf32>
        %add3A_1406 = arith.addf %add3A_1405, %exp3A : vector<16xf32>
        %div3A = arith.constant 1.000000e+00 : f32
        %div3A_1407 = vector.broadcast %div3A : f32 to vector<16xf32>
        %div3A_1408 = arith.divf %div3A_1407, %add3A_1406 : vector<16xf32>
        %mul3A_1409 = arith.mulf %div3A_1408, %mul3A_326 : vector<16xf32>
        %swap3A_1410 = arith.index_cast %add3A_148 : i32 to index
        %swap3A_1411 = arith.constant 0 : index
        %swap3A_1412 = tpu.vector_load %arg13[%swap3A_1410, %swap3A_1411] {strides = array<i32>} : memref<128x256xf32, #tpu.memory_space<vmem>>, vector<1x16xf32>,
        %swap3A_1413 = vector.shape_cast %swap3A_1412 : vector<1x16xf32> to vector<16xf32>
        %swap3A_1414 = vector.shape_cast %mul3A_1409 : vector<16xf32> to vector<1x16xf32>
        tpu.vector_store %arg13[%swap3A_1410, %swap3A_1411], %swap3A_1414 {add = true, strides = array<i32>} : memref<128x256xf32, #tpu.memory_space<vmem>>, vector<1x16xf32>,
        %mul3A_1415 = arith.mulf %div3A_1408, %mul3A_395 : vector<16xf32>
        %swap3A_1416 = arith.index_cast %add3A_148 : i32 to index
        %swap3A_1417 = arith.constant 16 : index
        %swap3A_1418 = tpu.vector_load %arg13[%swap3A_1416, %swap3A_1417] {strides = array<i32>} : memref<128x256xf32, #tpu.memory_space<vmem>>, vector<1x16xf32>,
        %swap3A_1419 = vector.shape_cast %swap3A_1418 : vector<1x16xf32> to vector<16xf32>
        %swap3A_1420 = vector.shape_cast %mul3A_1415 : vector<16xf32> to vector<1x16xf32>
        tpu.vector_store %arg13[%swap3A_1416, %swap3A_1417], %swap3A_1420 {add = true, strides = array<i32>} : memref<128x256xf32, #tpu.memory_space<vmem>>, vector<1x16xf32>,
        %mul3A_1421 = arith.mulf %div3A_1408, %mul3A_464 : vector<16xf32>
        %swap3A_1422 = arith.index_cast %add3A_148 : i32 to index
        %swap3A_1423 = arith.constant 32 : index
        %swap3A_1424 = tpu.vector_load %arg13[%swap3A_1422, %swap3A_1423] {strides = array<i32>} : memref<128x256xf32, #tpu.memory_space<vmem>>, vector<1x16xf32>,
        %swap3A_1425 = vector.shape_cast %swap3A_1424 : vector<1x16xf32> to vector<16xf32>
        %swap3A_1426 = vector.shape_cast %mul3A_1421 : vector<16xf32> to vector<1x16xf32>
        tpu.vector_store %arg13[%swap3A_1422, %swap3A_1423], %swap3A_1426 {add = true, strides = array<i32>} : memref<128x256xf32, #tpu.memory_space<vmem>>, vector<1x16xf32>,
        %mul3A_1427 = arith.mulf %div3A_1408, %mul3A_533 : vector<16xf32>
        %swap3A_1428 = arith.index_cast %add3A_148 : i32 to index
        %swap3A_1429 = arith.constant 48 : index
        %swap3A_1430 = tpu.vector_load %arg13[%swap3A_1428, %swap3A_1429] {strides = array<i32>} : memref<128x256xf32, #tpu.memory_space<vmem>>, vector<1x16xf32>,
        %swap3A_1431 = vector.shape_cast %swap3A_1430 : vector<1x16xf32> to vector<16xf32>
        %swap3A_1432 = vector.shape_cast %mul3A_1427 : vector<16xf32> to vector<1x16xf32>
        tpu.vector_store %arg13[%swap3A_1428, %swap3A_1429], %swap3A_1432 {add = true, strides = array<i32>} : memref<128x256xf32, #tpu.memory_space<vmem>>, vector<1x16xf32>,
        %mul3A_1433 = arith.mulf %div3A_1408, %mul3A_602 : vector<16xf32>
        %swap3A_1434 = arith.index_cast %add3A_148 : i32 to index
        %swap3A_1435 = arith.constant 64 : index
        %swap3A_1436 = tpu.vector_load %arg13[%swap3A_1434, %swap3A_1435] {strides = array<i32>} : memref<128x256xf32, #tpu.memory_space<vmem>>, vector<1x16xf32>,
        %swap3A_1437 = vector.shape_cast %swap3A_1436 : vector<1x16xf32> to vector<16xf32>
        %swap3A_1438 = vector.shape_cast %mul3A_1433 : vector<16xf32> to vector<1x16xf32>
        tpu.vector_store %arg13[%swap3A_1434, %swap3A_1435], %swap3A_1438 {add = true, strides = array<i32>} : memref<128x256xf32, #tpu.memory_space<vmem>>, vector<1x16xf32>,
        %mul3A_1439 = arith.mulf %div3A_1408, %mul3A_671 : vector<16xf32>
        %swap3A_1440 = arith.index_cast %add3A_148 : i32 to index
        %swap3A_1441 = arith.constant 80 : index
        %swap3A_1442 = tpu.vector_load %arg13[%swap3A_1440, %swap3A_1441] {strides = array<i32>} : memref<128x256xf32, #tpu.memory_space<vmem>>, vector<1x16xf32>,
        %swap3A_1443 = vector.shape_cast %swap3A_1442 : vector<1x16xf32> to vector<16xf32>
        %swap3A_1444 = vector.shape_cast %mul3A_1439 : vector<16xf32> to vector<1x16xf32>
        tpu.vector_store %arg13[%swap3A_1440, %swap3A_1441], %swap3A_1444 {add = true, strides = array<i32>} : memref<128x256xf32, #tpu.memory_space<vmem>>, vector<1x16xf32>,
        %mul3A_1445 = arith.mulf %div3A_1408, %mul3A_740 : vector<16xf32>
        %swap3A_1446 = arith.index_cast %add3A_148 : i32 to index
        %swap3A_1447 = arith.constant 96 : index
        %swap3A_1448 = tpu.vector_load %arg13[%swap3A_1446, %swap3A_1447] {strides = array<i32>} : memref<128x256xf32, #tpu.memory_space<vmem>>, vector<1x16xf32>,
        %swap3A_1449 = vector.shape_cast %swap3A_1448 : vector<1x16xf32> to vector<16xf32>
        %swap3A_1450 = vector.shape_cast %mul3A_1445 : vector<16xf32> to vector<1x16xf32>
        tpu.vector_store %arg13[%swap3A_1446, %swap3A_1447], %swap3A_1450 {add = true, strides = array<i32>} : memref<128x256xf32, #tpu.memory_space<vmem>>, vector<1x16xf32>,
        %mul3A_1451 = arith.mulf %div3A_1408, %mul3A_809 : vector<16xf32>
        %swap3A_1452 = arith.index_cast %add3A_148 : i32 to index
        %swap3A_1453 = arith.constant 112 : index
        %swap3A_1454 = tpu.vector_load %arg13[%swap3A_1452, %swap3A_1453] {strides = array<i32>} : memref<128x256xf32, #tpu.memory_space<vmem>>, vector<1x16xf32>,
        %swap3A_1455 = vector.shape_cast %swap3A_1454 : vector<1x16xf32> to vector<16xf32>
        %swap3A_1456 = vector.shape_cast %mul3A_1451 : vector<16xf32> to vector<1x16xf32>
        tpu.vector_store %arg13[%swap3A_1452, %swap3A_1453], %swap3A_1456 {add = true, strides = array<i32>} : memref<128x256xf32, #tpu.memory_space<vmem>>, vector<1x16xf32>,
        %mul3A_1457 = arith.mulf %div3A_1408, %mul3A_878 : vector<16xf32>
        %swap3A_1458 = arith.index_cast %add3A_148 : i32 to index
        %swap3A_1459 = arith.constant 128 : index
        %swap3A_1460 = tpu.vector_load %arg13[%swap3A_1458, %swap3A_1459] {strides = array<i32>} : memref<128x256xf32, #tpu.memory_space<vmem>>, vector<1x16xf32>,
        %swap3A_1461 = vector.shape_cast %swap3A_1460 : vector<1x16xf32> to vector<16xf32>
        %swap3A_1462 = vector.shape_cast %mul3A_1457 : vector<16xf32> to vector<1x16xf32>
        tpu.vector_store %arg13[%swap3A_1458, %swap3A_1459], %swap3A_1462 {add = true, strides = array<i32>} : memref<128x256xf32, #tpu.memory_space<vmem>>, vector<1x16xf32>,
        %mul3A_1463 = arith.mulf %div3A_1408, %mul3A_947 : vector<16xf32>
        %swap3A_1464 = arith.index_cast %add3A_148 : i32 to index
        %swap3A_1465 = arith.constant 144 : index
        %swap3A_1466 = tpu.vector_load %arg13[%swap3A_1464, %swap3A_1465] {strides = array<i32>} : memref<128x256xf32, #tpu.memory_space<vmem>>, vector<1x16xf32>,
        %swap3A_1467 = vector.shape_cast %swap3A_1466 : vector<1x16xf32> to vector<16xf32>
        %swap3A_1468 = vector.shape_cast %mul3A_1463 : vector<16xf32> to vector<1x16xf32>
        tpu.vector_store %arg13[%swap3A_1464, %swap3A_1465], %swap3A_1468 {add = true, strides = array<i32>} : memref<128x256xf32, #tpu.memory_space<vmem>>, vector<1x16xf32>,
        %mul3A_1469 = arith.mulf %div3A_1408, %mul3A_1016 : vector<16xf32>
        %swap3A_1470 = arith.index_cast %add3A_148 : i32 to index
        %swap3A_1471 = arith.constant 160 : index
        %swap3A_1472 = tpu.vector_load %arg13[%swap3A_1470, %swap3A_1471] {strides = array<i32>} : memref<128x256xf32, #tpu.memory_space<vmem>>, vector<1x16xf32>,
        %swap3A_1473 = vector.shape_cast %swap3A_1472 : vector<1x16xf32> to vector<16xf32>
        %swap3A_1474 = vector.shape_cast %mul3A_1469 : vector<16xf32> to vector<1x16xf32>
        tpu.vector_store %arg13[%swap3A_1470, %swap3A_1471], %swap3A_1474 {add = true, strides = array<i32>} : memref<128x256xf32, #tpu.memory_space<vmem>>, vector<1x16xf32>,
        %mul3A_1475 = arith.mulf %div3A_1408, %mul3A_1085 : vector<16xf32>
        %swap3A_1476 = arith.index_cast %add3A_148 : i32 to index
        %swap3A_1477 = arith.constant 176 : index
        %swap3A_1478 = tpu.vector_load %arg13[%swap3A_1476, %swap3A_1477] {strides = array<i32>} : memref<128x256xf32, #tpu.memory_space<vmem>>, vector<1x16xf32>,
        %swap3A_1479 = vector.shape_cast %swap3A_1478 : vector<1x16xf32> to vector<16xf32>
        %swap3A_1480 = vector.shape_cast %mul3A_1475 : vector<16xf32> to vector<1x16xf32>
        tpu.vector_store %arg13[%swap3A_1476, %swap3A_1477], %swap3A_1480 {add = true, strides = array<i32>} : memref<128x256xf32, #tpu.memory_space<vmem>>, vector<1x16xf32>,
        %mul3A_1481 = arith.mulf %div3A_1408, %mul3A_1154 : vector<16xf32>
        %swap3A_1482 = arith.index_cast %add3A_148 : i32 to index
        %swap3A_1483 = arith.constant 192 : index
        %swap3A_1484 = tpu.vector_load %arg13[%swap3A_1482, %swap3A_1483] {strides = array<i32>} : memref<128x256xf32, #tpu.memory_space<vmem>>, vector<1x16xf32>,
        %swap3A_1485 = vector.shape_cast %swap3A_1484 : vector<1x16xf32> to vector<16xf32>
        %swap3A_1486 = vector.shape_cast %mul3A_1481 : vector<16xf32> to vector<1x16xf32>
        tpu.vector_store %arg13[%swap3A_1482, %swap3A_1483], %swap3A_1486 {add = true, strides = array<i32>} : memref<128x256xf32, #tpu.memory_space<vmem>>, vector<1x16xf32>,
        %mul3A_1487 = arith.mulf %div3A_1408, %mul3A_1223 : vector<16xf32>
        %swap3A_1488 = arith.index_cast %add3A_148 : i32 to index
        %swap3A_1489 = arith.constant 208 : index
        %swap3A_1490 = tpu.vector_load %arg13[%swap3A_1488, %swap3A_1489] {strides = array<i32>} : memref<128x256xf32, #tpu.memory_space<vmem>>, vector<1x16xf32>,
        %swap3A_1491 = vector.shape_cast %swap3A_1490 : vector<1x16xf32> to vector<16xf32>
        %swap3A_1492 = vector.shape_cast %mul3A_1487 : vector<16xf32> to vector<1x16xf32>
        tpu.vector_store %arg13[%swap3A_1488, %swap3A_1489], %swap3A_1492 {add = true, strides = array<i32>} : memref<128x256xf32, #tpu.memory_space<vmem>>, vector<1x16xf32>,
        %mul3A_1493 = arith.mulf %div3A_1408, %mul3A_1292 : vector<16xf32>
        %swap3A_1494 = arith.index_cast %add3A_148 : i32 to index
        %swap3A_1495 = arith.constant 224 : index
        %swap3A_1496 = tpu.vector_load %arg13[%swap3A_1494, %swap3A_1495] {strides = array<i32>} : memref<128x256xf32, #tpu.memory_space<vmem>>, vector<1x16xf32>,
        %swap3A_1497 = vector.shape_cast %swap3A_1496 : vector<1x16xf32> to vector<16xf32>
        %swap3A_1498 = vector.shape_cast %mul3A_1493 : vector<16xf32> to vector<1x16xf32>
        tpu.vector_store %arg13[%swap3A_1494, %swap3A_1495], %swap3A_1498 {add = true, strides = array<i32>} : memref<128x256xf32, #tpu.memory_space<vmem>>, vector<1x16xf32>,
        %mul3A_1499 = arith.mulf %div3A_1408, %mul3A_1361 : vector<16xf32>
        %swap3A_1500 = arith.index_cast %add3A_148 : i32 to index
        %swap3A_1501 = arith.constant 240 : index
        %swap3A_1502 = tpu.vector_load %arg13[%swap3A_1500, %swap3A_1501] {strides = array<i32>} : memref<128x256xf32, #tpu.memory_space<vmem>>, vector<1x16xf32>,
        %swap3A_1503 = vector.shape_cast %swap3A_1502 : vector<1x16xf32> to vector<16xf32>
        %swap3A_1504 = vector.shape_cast %mul3A_1499 : vector<16xf32> to vector<1x16xf32>
        tpu.vector_store %arg13[%swap3A_1500, %swap3A_1501], %swap3A_1504 {add = true, strides = array<i32>} : memref<128x256xf32, #tpu.memory_space<vmem>>, vector<1x16xf32>,
      }
      %scan3A_248 = arith.constant 16 : i32
      %add3A_249 = arith.constant 2 : i32
      %add3A_250 = arith.addi %add3A_148, %add3A_249 : i32
      %lt3A_251 = arith.constant 128 : i32
      %lt3A_252 = arith.cmpi slt, %add3A_250, %lt3A_251 : i32
      %convert_element_type3A_253 = arith.extui %lt3A_252 : i1 to i32
      %cond3A_254 = arith.constant 0 : i32
      %cond3A_255 = arith.cmpi ne, %convert_element_type3A_253, %cond3A_254 : i32
      scf.if %cond3A_255 {
        %mul3A_256 = arith.constant 64 : i32
        %mul3A_257 = arith.muli %add3A_250, %mul3A_256 : i32
        %dma_start3A_258 = arith.constant 1 : i32
        %dma_start3A_259 = arith.constant 0 : i32
        %dma_start3A_260 = arith.constant 0 : i32
        %dma_start3A_261 = tpu.memref_slice %arg11[%dma_start3A_258, %dma_start3A_259, %dma_start3A_260] : memref<2x64x256xf32, #tpu.memory_space<vmem>> -> memref<1x64x256xf32, #tpu.memory_space<vmem>>
        %dma_start3A_262 = tpu.memref_squeeze %dma_start3A_261 : memref<1x64x256xf32, #tpu.memory_space<vmem>> -> memref<64x256xf32, #tpu.memory_space<vmem>>
        %dma_start3A_263 = tpu.memref_slice %arg9[%mul3A_257] : memref<8192xi32, #tpu.memory_space<vmem>> -> memref<64xi32, #tpu.memory_space<vmem>>
        %dma_start3A_264 = arith.constant 0 : i32
        %dma_start3A_265 = arith.constant 0 : i32
        %dma_start3A_266 = tpu.memref_slice %arg2[%dma_start3A_264, %dma_start3A_265] : memref<50000x256xf32, #tpu.memory_space<hbm>> -> memref<50000x256xf32, #tpu.memory_space<hbm>>
        tpu.enqueue_indirect_dma source(%dma_start3A_266 : memref<50000x256xf32, #tpu.memory_space<hbm>>) target(%dma_start3A_262 : memref<64x256xf32, #tpu.memory_space<vmem>>) offsets(%dma_start3A_263 : memref<64xi32, #tpu.memory_space<vmem>>) semaphore(%arg17 : memref<!tpu.dma_semaphore, #tpu.memory_space<semaphore_mem>>)
      } else {
      }
    }
    %scan3A_35 = arith.constant 64 : i32
    %dma_wait3A = arith.constant 0 : i32
    %dma_wait3A_36 = arith.constant 0 : i32
    %dma_wait3A_37 = tpu.memref_slice %arg2[%dma_wait3A, %dma_wait3A_36] : memref<50000x256xf32, #tpu.memory_space<hbm>> -> memref<50000x256xf32, #tpu.memory_space<hbm>>
    tpu.wait_indirect_dma semaphore(%arg18 : memref<!tpu.dma_semaphore, #tpu.memory_space<semaphore_mem>>) src(%dma_wait3A_37 : memref<50000x256xf32, #tpu.memory_space<hbm>>) dst(%arg12 : memref<128x256xf32, #tpu.memory_space<vmem>>)
    "tpu.region"() ({
      %run_scoped3A = tpu.sem_alloc : memref<!tpu.dma_semaphore, #tpu.memory_space<semaphore_mem>>
      %dma_start3A_38 = arith.constant 0 : i32
      %dma_start3A_39 = tpu.memref_slice %arg8[%mul3A_2, %dma_start3A_38] : memref<4096x256xf32, #tpu.memory_space<hbm>> -> memref<128x256xf32, #tpu.memory_space<hbm>>
      %dma_start3A_40 = arith.constant 0 : i32
      %dma_start3A_41 = tpu.memref_slice %arg8[%mul3A_2, %dma_start3A_40] : memref<4096x256xf32, #tpu.memory_space<hbm>> -> memref<128x256xf32, #tpu.memory_space<hbm>>
      tpu.enqueue_dma source(%arg13 : memref<128x256xf32, #tpu.memory_space<vmem>>) target(%dma_start3A_41 : memref<128x256xf32, #tpu.memory_space<hbm>>) target_semaphore(%run_scoped3A : memref<!tpu.dma_semaphore, #tpu.memory_space<semaphore_mem>>)
      %dma_wait3A_42 = arith.constant 0 : i32
      %dma_wait3A_43 = tpu.memref_slice %arg8[%mul3A_2, %dma_wait3A_42] : memref<4096x256xf32, #tpu.memory_space<hbm>> -> memref<128x256xf32, #tpu.memory_space<hbm>>
      %dma_wait3A_44 = arith.constant 0 : i32
      %dma_wait3A_45 = tpu.memref_slice %arg8[%mul3A_2, %dma_wait3A_44] : memref<4096x256xf32, #tpu.memory_space<hbm>> -> memref<128x256xf32, #tpu.memory_space<hbm>>
      tpu.wait_dma2 semaphore(%run_scoped3A : memref<!tpu.dma_semaphore, #tpu.memory_space<semaphore_mem>>) src(%arg13 : memref<128x256xf32, #tpu.memory_space<vmem>>) dst(%dma_wait3A_45 : memref<128x256xf32, #tpu.memory_space<hbm>>)
      tpu.yield
    }) : () -> ()
    "tpu.region"() ({
      %run_scoped3A = tpu.sem_alloc : memref<!tpu.dma_semaphore, #tpu.memory_space<semaphore_mem>>
      %dma_start3A_38 = arith.constant 0 : i32
      %dma_start3A_39 = tpu.memref_slice %arg7[%mul3A_2, %dma_start3A_38] : memref<4096x256xf32, #tpu.memory_space<hbm>> -> memref<128x256xf32, #tpu.memory_space<hbm>>
      %dma_start3A_40 = arith.constant 0 : i32
      %dma_start3A_41 = tpu.memref_slice %arg7[%mul3A_2, %dma_start3A_40] : memref<4096x256xf32, #tpu.memory_space<hbm>> -> memref<128x256xf32, #tpu.memory_space<hbm>>
      tpu.enqueue_dma source(%arg12 : memref<128x256xf32, #tpu.memory_space<vmem>>) target(%dma_start3A_41 : memref<128x256xf32, #tpu.memory_space<hbm>>) target_semaphore(%run_scoped3A : memref<!tpu.dma_semaphore, #tpu.memory_space<semaphore_mem>>)
      %dma_wait3A_42 = arith.constant 0 : i32
      %dma_wait3A_43 = tpu.memref_slice %arg7[%mul3A_2, %dma_wait3A_42] : memref<4096x256xf32, #tpu.memory_space<hbm>> -> memref<128x256xf32, #tpu.memory_space<hbm>>
      %dma_wait3A_44 = arith.constant 0 : i32
      %dma_wait3A_45 = tpu.memref_slice %arg7[%mul3A_2, %dma_wait3A_44] : memref<4096x256xf32, #tpu.memory_space<hbm>> -> memref<128x256xf32, #tpu.memory_space<hbm>>
      tpu.wait_dma2 semaphore(%run_scoped3A : memref<!tpu.dma_semaphore, #tpu.memory_space<semaphore_mem>>) src(%arg12 : memref<128x256xf32, #tpu.memory_space<vmem>>) dst(%dma_wait3A_45 : memref<128x256xf32, #tpu.memory_space<hbm>>)
      tpu.yield
    }) : () -> ()
    return
  }
}

module attributes {stable_mosaic.version = 14 : i64} {
  func.func @body(%arg0: i32, %arg1: memref<1x1xf32, #tpu.memory_space<smem>>, %arg2: memref<512x256xf32, #tpu.memory_space<vmem>>, %arg3: memref<512x256xf32, #tpu.memory_space<vmem>>, %arg4: memref<256x256xf32, #tpu.memory_space<vmem>>, %arg5: memref<256x256xf32, #tpu.memory_space<vmem>>, %arg6: memref<1x256xf32, #tpu.memory_space<vmem>>, %arg7: memref<256x256xf32, #tpu.memory_space<vmem>>, %arg8: memref<256x128xf32, #tpu.memory_space<vmem>>, %arg9: memref<1x128xf32, #tpu.memory_space<vmem>>, %arg10: memref<512x128xf32, #tpu.memory_space<vmem>>) attributes {dimension_semantics = [#tpu.dimension_semantics<arbitrary>], iteration_bounds = array<i64: 8>, scalar_prefetch = 0 : i64, scratch_operands = 0 : i64, tpu.core_type = #tpu.core_type<tc>, window_params = [{transform_indices = @transform_0, window_bounds = array<i64: 1, 1>}, {transform_indices = @transform_1, window_bounds = array<i64: 512, 256>}, {transform_indices = @transform_2, window_bounds = array<i64: 512, 256>}, {pipeline_mode = #tpu.pipeline_mode<synchronous>, transform_indices = @transform_3, window_bounds = array<i64: 256, 256>}, {pipeline_mode = #tpu.pipeline_mode<synchronous>, transform_indices = @transform_4, window_bounds = array<i64: 256, 256>}, {pipeline_mode = #tpu.pipeline_mode<synchronous>, transform_indices = @transform_5, window_bounds = array<i64: 1, 256>}, {pipeline_mode = #tpu.pipeline_mode<synchronous>, transform_indices = @transform_6, window_bounds = array<i64: 256, 256>}, {pipeline_mode = #tpu.pipeline_mode<synchronous>, transform_indices = @transform_7, window_bounds = array<i64: 256, 128>}, {pipeline_mode = #tpu.pipeline_mode<synchronous>, transform_indices = @transform_8, window_bounds = array<i64: 1, 128>}, {transform_indices = @transform_9, window_bounds = array<i64: 512, 128>}]} {
    %get3A = arith.constant 0 : index
    %get3A_0 = arith.constant 0 : index
    %get3A_1 = vector.load %arg2[%get3A, %get3A_0] : memref<512x256xf32, #tpu.memory_space<vmem>>, vector<512x256xf32>
    %get3A_2 = arith.constant 0 : index
    %get3A_3 = arith.constant 0 : index
    %get3A_4 = vector.load %arg3[%get3A_2, %get3A_3] : memref<512x256xf32, #tpu.memory_space<vmem>>, vector<512x256xf32>
    %get3A_5 = arith.constant 0 : index
    %get3A_6 = arith.constant 0 : index
    %get3A_7 = vector.load %arg4[%get3A_5, %get3A_6] : memref<256x256xf32, #tpu.memory_space<vmem>>, vector<256x256xf32>
    %dot_general3A = arith.constant dense<0.000000e+00> : vector<512x256xf32>
    %dot_general3A_8 = tpu.matmul %get3A_1, %get3A_7, %dot_general3A {dimension_numbers = #tpu.dot_dimension_numbers<[1], [0], [0], [1], [0, 0, 1, 1], [], []>, transpose_lhs_hint = false} : vector<512x256xf32>, vector<256x256xf32>, vector<512x256xf32> -> vector<512x256xf32>
    %get3A_9 = arith.constant 0 : index
    %get3A_10 = arith.constant 0 : index
    %get3A_11 = vector.load %arg5[%get3A_9, %get3A_10] : memref<256x256xf32, #tpu.memory_space<vmem>>, vector<256x256xf32>
    %dot_general3A_12 = arith.constant dense<0.000000e+00> : vector<512x256xf32>
    %dot_general3A_13 = tpu.matmul %get3A_4, %get3A_11, %dot_general3A_12 {dimension_numbers = #tpu.dot_dimension_numbers<[1], [0], [0], [1], [0, 0, 1, 1], [], []>, transpose_lhs_hint = false} : vector<512x256xf32>, vector<256x256xf32>, vector<512x256xf32> -> vector<512x256xf32>
    %add3A = arith.addf %dot_general3A_8, %dot_general3A_13 : vector<512x256xf32>
    %get3A_14 = arith.constant 0 : index
    %get3A_15 = arith.constant 0 : index
    %get3A_16 = vector.load %arg6[%get3A_14, %get3A_15] : memref<1x256xf32, #tpu.memory_space<vmem>>, vector<1x256xf32>
    %add3A_17 = vector.broadcast %get3A_16 : vector<1x256xf32> to vector<512x256xf32>
    %add3A_18 = arith.addf %add3A, %add3A_17 : vector<512x256xf32>
    %max3A = arith.constant 0.000000e+00 : f32
    %max3A_19 = vector.broadcast %max3A : f32 to vector<512x256xf32>
    %max3A_20 = arith.maximumf %add3A_18, %max3A_19 : vector<512x256xf32>
    %get3A_21 = arith.constant 0 : index
    %get3A_22 = arith.constant 0 : index
    %get3A_23 = memref.load %arg1[%get3A_21, %get3A_22] : memref<1x1xf32, #tpu.memory_space<smem>>
    %sub3A = arith.constant 1.000000e+00 : f32
    %sub3A_24 = arith.subf %sub3A, %get3A_23 : f32
    %mul3A = vector.broadcast %sub3A_24 : f32 to vector<512x256xf32>
    %mul3A_25 = arith.mulf %mul3A, %max3A_20 : vector<512x256xf32>
    %get3A_26 = arith.constant 0 : index
    %get3A_27 = arith.constant 0 : index
    %get3A_28 = vector.load %arg7[%get3A_26, %get3A_27] : memref<256x256xf32, #tpu.memory_space<vmem>>, vector<256x256xf32>
    %dot_general3A_29 = arith.constant dense<0.000000e+00> : vector<512x256xf32>
    %dot_general3A_30 = tpu.matmul %get3A_1, %get3A_28, %dot_general3A_29 {dimension_numbers = #tpu.dot_dimension_numbers<[1], [0], [0], [1], [0, 0, 1, 1], [], []>, transpose_lhs_hint = false} : vector<512x256xf32>, vector<256x256xf32>, vector<512x256xf32> -> vector<512x256xf32>
    %mul3A_31 = vector.broadcast %get3A_23 : f32 to vector<512x256xf32>
    %mul3A_32 = arith.mulf %mul3A_31, %dot_general3A_30 : vector<512x256xf32>
    %add3A_33 = arith.addf %mul3A_25, %mul3A_32 : vector<512x256xf32>
    %get3A_34 = arith.constant 0 : index
    %get3A_35 = arith.constant 0 : index
    %get3A_36 = vector.load %arg8[%get3A_34, %get3A_35] : memref<256x128xf32, #tpu.memory_space<vmem>>, vector<256x128xf32>
    %dot_general3A_37 = arith.constant dense<0.000000e+00> : vector<512x128xf32>
    %dot_general3A_38 = tpu.matmul %add3A_33, %get3A_36, %dot_general3A_37 {dimension_numbers = #tpu.dot_dimension_numbers<[1], [0], [0], [1], [0, 0, 1, 1], [], []>, transpose_lhs_hint = false} : vector<512x256xf32>, vector<256x128xf32>, vector<512x128xf32> -> vector<512x128xf32>
    %get3A_39 = arith.constant 0 : index
    %get3A_40 = arith.constant 0 : index
    %get3A_41 = vector.load %arg9[%get3A_39, %get3A_40] : memref<1x128xf32, #tpu.memory_space<vmem>>, vector<1x128xf32>
    %add3A_42 = vector.broadcast %get3A_41 : vector<1x128xf32> to vector<512x128xf32>
    %add3A_43 = arith.addf %dot_general3A_38, %add3A_42 : vector<512x128xf32>
    %reduce_max3A = arith.constant dense<0xFF800000> : vector<512xf32>
    %reduce_max3A_44 = vector.multi_reduction <maximumf>, %add3A_43, %reduce_max3A [1] : vector<512x128xf32> to vector<512xf32>
    %broadcast_in_dim3A = vector.shape_cast %reduce_max3A_44 : vector<512xf32> to vector<512x1xf32>
    %sub3A_45 = vector.broadcast %broadcast_in_dim3A : vector<512x1xf32> to vector<512x128xf32>
    %sub3A_46 = arith.subf %add3A_43, %sub3A_45 : vector<512x128xf32>
    %exp3A = math.exp %sub3A_46 : vector<512x128xf32>
    %reduce_sum3A = arith.constant dense<0.000000e+00> : vector<512xf32>
    %reduce_sum3A_47 = vector.multi_reduction <add>, %exp3A, %reduce_sum3A [1] : vector<512x128xf32> to vector<512xf32>
    %broadcast_in_dim3A_48 = vector.shape_cast %reduce_sum3A_47 : vector<512xf32> to vector<512x1xf32>
    %log3A = math.log %broadcast_in_dim3A_48 : vector<512x1xf32>
    %add3A_49 = arith.addf %log3A, %broadcast_in_dim3A : vector<512x1xf32>
    %sub3A_50 = vector.broadcast %add3A_49 : vector<512x1xf32> to vector<512x128xf32>
    %sub3A_51 = arith.subf %add3A_43, %sub3A_50 : vector<512x128xf32>
    %swap3A = arith.constant 0 : index
    %swap3A_52 = arith.constant 0 : index
    %swap3A_53 = vector.load %arg10[%swap3A, %swap3A_52] : memref<512x128xf32, #tpu.memory_space<vmem>>, vector<512x128xf32>
    tpu.vector_store %arg10[%swap3A, %swap3A_52], %sub3A_51 {strides = array<i32>} : memref<512x128xf32, #tpu.memory_space<vmem>>, vector<512x128xf32>,
    return
  }
  func.func @transform_0(%arg0: i32) -> (i32, i32) {
    %c0_i32 = arith.constant 0 : i32
    %c0_i32_0 = arith.constant 0 : i32
    %c0_i32_1 = arith.constant 0 : i32
    return %c0_i32, %c0_i32_0 : i32, i32
  }
  func.func @transform_1(%arg0: i32) -> (i32, i32) {
    %c0_i32 = arith.constant 0 : i32
    %c0_i32_0 = arith.constant 0 : i32
    return %arg0, %c0_i32 : i32, i32
  }
  func.func @transform_2(%arg0: i32) -> (i32, i32) {
    %c0_i32 = arith.constant 0 : i32
    %c0_i32_0 = arith.constant 0 : i32
    return %arg0, %c0_i32 : i32, i32
  }
  func.func @transform_3(%arg0: i32) -> (i32, i32) {
    %c0_i32 = arith.constant 0 : i32
    %c0_i32_0 = arith.constant 0 : i32
    %c0_i32_1 = arith.constant 0 : i32
    return %c0_i32, %c0_i32_0 : i32, i32
  }
  func.func @transform_4(%arg0: i32) -> (i32, i32) {
    %c0_i32 = arith.constant 0 : i32
    %c0_i32_0 = arith.constant 0 : i32
    %c0_i32_1 = arith.constant 0 : i32
    return %c0_i32, %c0_i32_0 : i32, i32
  }
  func.func @transform_5(%arg0: i32) -> (i32, i32) {
    %c0_i32 = arith.constant 0 : i32
    %c0_i32_0 = arith.constant 0 : i32
    %c0_i32_1 = arith.constant 0 : i32
    return %c0_i32, %c0_i32_0 : i32, i32
  }
  func.func @transform_6(%arg0: i32) -> (i32, i32) {
    %c0_i32 = arith.constant 0 : i32
    %c0_i32_0 = arith.constant 0 : i32
    %c0_i32_1 = arith.constant 0 : i32
    return %c0_i32, %c0_i32_0 : i32, i32
  }
  func.func @transform_7(%arg0: i32) -> (i32, i32) {
    %c0_i32 = arith.constant 0 : i32
    %c0_i32_0 = arith.constant 0 : i32
    %c0_i32_1 = arith.constant 0 : i32
    return %c0_i32, %c0_i32_0 : i32, i32
  }
  func.func @transform_8(%arg0: i32) -> (i32, i32) {
    %c0_i32 = arith.constant 0 : i32
    %c0_i32_0 = arith.constant 0 : i32
    %c0_i32_1 = arith.constant 0 : i32
    return %c0_i32, %c0_i32_0 : i32, i32
  }
  func.func @transform_9(%arg0: i32) -> (i32, i32) {
    %c0_i32 = arith.constant 0 : i32
    %c0_i32_0 = arith.constant 0 : i32
    return %arg0, %c0_i32 : i32, i32
  }
}

</mosaic_0001>

<sc_bundles>
// kernel: kernel.4.cloned.1.call-start
scs
__scs_entry_jumppad:
0x0: {  	(pc) =	sbr.rel $0x88, $3  }
0x1: {  	(tag) =	ssettag $0x0;
	lr =	simm.s32 $0x1  }
0x2: {  	[smem:$0x3F96] =	sst lr;
	_ =	strace $0xD0000000  }
0x3: {  	_ = 	snop  }
0x4: {  	_ = 	snop  }
0x5: {  	_ = 	snop  }
0x6: {  	_ = 	snop  }
0x7: {  	_ = 	snop  }
__scs_overlays_trampoline_lowered:
0x8: {  	[smem:$0x3FA5] =	sst s0  }
0x9: {  	[smem:$0x3FA6] =	sst s1  }
0xa: {  	[smem:$0x3FA7] =	sst s2  }
0xb: {  	[smem:$0x3FA8] =	sst s3  }
0xc: {  	[smem:$0x3FA9] =	sst s4  }
0xd: {  	[smem:$0x3FAA] =	sst s5  }
0xe: {  	[smem:$0x3FAB] =	sst s6  }
0xf: {  	[smem:$0x3FAC] =	sst s7  }
0x10: {  	[smem:$0x3FAD] =	sst s8  }
0x11: {  	[smem:$0x3FAE] =	sst s9;
	s0 =	simm.s32 @!p0 $0x0  }
0x12: {  	s1 =	sld [smem:$0x3F94];
	s0 =	simm.s32 @p0 $0x1  }
0x13: {  	[smem:$0x3FAF] =	sst s0;
	s0 =	simm.s32 @!p1 $0x0  }
0x14: {  	s2 =	sld [smem:$0x3F93];
	s0 =	simm.s32 @p1 $0x1  }
0x15: {  	[smem:$0x3FB0] =	sst s0;
	s0 =	simm.s32 @!p2 $0x0  }
0x16: {  	s3 =	sld [smem:$0x3FDB];
	s0 =	simm.s32 @p2 $0x1  }
0x17: {  	s4 =	simm.s32 $0x1BF5;
	[smem:$0x3FB2] =	sst s0  }
0x18: {  	s0 =	sld [smem:$0x3F95];
	_ =	swait.ge [sflag:s4], $0x0  }
0x19: {  	s7 =	sld [smem:$0x3F96]  }
0x1a: {  	s8 =	sadd.s32 $0xFFFFE003, lr  }
0x1b: {  	s9 =	sadd.s32 $0xFFFFFEF7, lr;
	s5 =	simm.s32 $0xFFFFFFFF;
	p2 =	slt.u32 s8, $0xFFFFF086  }
0x1c: {  	p1 =	slt.u32 s9, $0xF7A;
	s5 =	simm.s32 @!p2 $0x0  }
0x1d: {  	s5 =	simm.s32 @p1 $0x1;
	p0 =	seq.s32 s7, s2  }
0x1e: {  	s7 =	smul.u32 @!p0 $0xF7A, s2;
	p2 =	seq.s32 @!p0 s5, $0x0  }
0x1f: {  	s9 =	smul.u32 $0xF7A, s1;
	s8 =	simm.s32 @!p0 $0x1BF5;
	p2 =	por !p2, p0  }
0x20: {  	[sflag:s8] =	ssyncset.s32 @!p0 $0xFFFFF086;
	s6 =	sadd.s32 @!p0 s3, s7;
	s7 =	simm.s32 @!p0 $0x108  }
0x21: {  	s3 =	sadd.s32 s3, s9;
	s6 =	sadd.s32 @!p0 $0x88, s6;
	s7 =	simm.s32 @p2 $0x1082  }
0x22: {  	[simem:s7], [sflag:s8] =	dma.local @!p0 [hbm:s6], $0xF7A  }
0x23: {  	s9 =	sor.u32 $0xD0000000, s2;
	s6 =	simm.s32 $0x108;
	_ =	swait.ge @!p0 [sflag:s8], $0x0  }
0x24: {  	s3 =	sadd.s32 $0x88, s3;
	s6 =	simm.s32 @!p1 $0x1082;
	[sflag:s4] =	ssyncset.s32 $0xFFFFF086  }
0x25: {  	[simem:s6], [sflag:s4] =	dma.local [hbm:s3], $0xF7A  }
0x26: {  	[smem:$0x3F96] =	sst s1;
	(tag) =	ssettag s2;
	_ =	strace s9  }
0x27: {  	s1 =	sld [smem:$0x3FA6]  }
0x28: {  	s2 =	sld [smem:$0x3FA7]  }
0x29: {  	s4 =	sld [smem:$0x3FA9]  }
0x2a: {  	p0 =	seq.s32 s5, $0x0;
	s5 =	sld [smem:$0x3FAA]  }
0x2b: {  	s6 =	sld [smem:$0x3FAB]  }
0x2c: {  	s7 =	sld [smem:$0x3FAC]  }
0x2d: {  	s3 =	simm.s32 $0x108;
	s8 =	sld [smem:$0x3FAD]  }
0x2e: {  	s3 =	simm.s32 @!p0 $0x1082;
	s9 =	sld [smem:$0x3FAE]  }
0x2f: {  	lr =	sadd.s32 s0, s3;
	s0 =	sld [smem:$0x3FA5]  }
0x30: {  	s3 =	sld [smem:$0x3FA8]  }
0x31: {  	[smem:$0x3FB1] =	sst s10  }
0x32: {  	s10 =	sld [smem:$0x3FAF];
	_ =	sdelay $0x3  }
0x33: {  	p0 =	seq.s32 s10, $0x1;
	s10 =	sld [smem:$0x3FB1];
	_ =	sdelay $0x3  }
0x34: {  	[smem:$0x3FB1] =	sst s10  }
0x35: {  	s10 =	sld [smem:$0x3FB0];
	_ =	sdelay $0x3  }
0x36: {  	p1 =	seq.s32 s10, $0x1;
	s10 =	sld [smem:$0x3FB1];
	_ =	sdelay $0x3  }
0x37: {  	[smem:$0x3FB1] =	sst s10  }
0x38: {  	s10 =	sld [smem:$0x3FB2]  }
0x39: {  	_ = 	snop;
	(pc) =	sbr.ind lr, $3  }
0x3a: {  	_ = 	snop  }
0x3b: {  	_ = 	snop  }
0x3c: {  	p2 =	seq.s32 s10, $0x1;
	s10 =	sld [smem:$0x3FB1]  }
0x3d: {  	_ =	shalt  }
0x3e: {  	_ =	shalt  }
0x3f: {  	_ =	shalt  }
0x40: {  	_ =	shalt  }
0x41: {  	_ =	shalt  }
0x42: {  	_ =	shalt  }
0x43: {  	_ =	shalt  }
0x44: {  	_ =	shalt  }
0x45: {  	_ =	shalt  }
0x46: {  	_ =	shalt  }
0x47: {  	_ =	shalt  }
0x48: {  	_ =	shalt  }
0x49: {  	_ =	shalt  }
0x4a: {  	_ =	shalt  }
0x4b: {  	_ =	shalt  }
0x4c: {  	_ =	shalt  }
0x4d: {  	_ =	shalt  }
0x4e: {  	_ =	shalt  }
0x4f: {  	_ =	shalt  }
0x50: {  	_ =	shalt  }
0x51: {  	_ =	shalt  }
0x52: {  	_ =	shalt  }
0x53: {  	_ =	shalt  }
0x54: {  	_ =	shalt  }
0x55: {  	_ =	shalt  }
0x56: {  	_ =	shalt  }
0x57: {  	_ =	shalt  }
0x58: {  	_ =	shalt  }
0x59: {  	_ =	shalt  }
0x5a: {  	_ =	shalt  }
0x5b: {  	_ =	shalt  }
0x5c: {  	_ =	shalt  }
0x5d: {  	_ =	shalt  }
0x5e: {  	_ =	shalt  }
0x5f: {  	_ =	shalt  }
0x60: {  	_ =	shalt  }
0x61: {  	_ =	shalt  }
0x62: {  	_ =	shalt  }
0x63: {  	_ =	shalt  }
0x64: {  	_ =	shalt  }
0x65: {  	_ =	shalt  }
0x66: {  	_ =	shalt  }
0x67: {  	_ =	shalt  }
0x68: {  	_ =	shalt  }
0x69: {  	_ =	shalt  }
0x6a: {  	_ =	shalt  }
0x6b: {  	_ =	shalt  }
0x6c: {  	_ =	shalt  }
0x6d: {  	_ =	shalt  }
0x6e: {  	_ =	shalt  }
0x6f: {  	_ =	shalt  }
0x70: {  	_ =	shalt  }
0x71: {  	_ =	shalt  }
0x72: {  	_ =	shalt  }
0x73: {  	_ =	shalt  }
0x74: {  	_ =	shalt  }
0x75: {  	_ =	shalt  }
0x76: {  	_ =	shalt  }
0x77: {  	_ =	shalt  }
0x78: {  	_ =	shalt  }
0x79: {  	_ =	shalt  }
0x7a: {  	_ =	shalt  }
0x7b: {  	_ =	shalt  }
0x7c: {  	_ =	shalt  }
0x7d: {  	_ =	shalt  }
0x7e: {  	_ =	shalt  }
0x7f: {  	_ =	shalt  }
0x80: {  	_ =	shalt  }
0x81: {  	_ =	shalt  }
0x82: {  	_ =	shalt  }
0x83: {  	_ =	shalt  }
0x84: {  	_ =	shalt  }
0x85: {  	_ =	shalt  }
0x86: {  	_ =	shalt  }
0x87: {  	_ =	shalt  }
.Lfunc_end0:
.L_simem_size_0:
called_computation_lowered:
.L_overlay_start_0:
0x88: {  	s2 =	sld [smem:$0x3FD9]  }
0x89: {  	s3 =	sld [smem:$0x3FFE];
	_ =	sdelay $0x1  }
0x8a: {  	s1 =	srdreg.scid  }
0x8b: {  	s0 =	sand.u32 $0x1, s1  }
0x8c: {  	s17 =	sshll.u32 s0, $0xA;
	s2 =	sadd.s32 s3, s2  }
0x8d: {  	s2 =	sadd.s32 s2, s17  }
0x8e: {  	[smem:$0x3FBD] =	sst s2  }
0x8f: {  	_ = 	snop  }
0x90: {  	s2 =	sld [smem:$0x3FC9]  }
0x91: {  	s18 =	sld [smem:$0x3FC7];
	(tm) =	ssettm $0x1  }
0x92: {  	s4 =	sld [smem:$0x3FFB];
	_ =	sdelay $0x3  }
0x93: {  	_ =	strace s4  }
0x94: {  	s4 =	sld [smem:$0x3FFC];
	_ =	sdelay $0x3  }
0x95: {  	_ =	strace s4  }
0x96: {  	s4 =	sld [smem:$0x3FFD];
	_ =	sdelay $0x3  }
0x97: {  	_ =	strace s4  }
0x98: {  	_ =	strace $0x8FFFFFFF  }
0x99: {  	s19 =	sld [smem:$0x3FDB];
	_ =	sdelay $0x1  }
0x9a: {  	s5 =	simm.s32 $_scs_section_size  }
0x9b: {  	s6 =	simm.s32 $_size__tile_overlayer_lowered;
	s7 =	simm.s32 $_tile_overlayer_lowered  }
0x9c: {  	s22 =	simm.s32 $0x1BFF;
	s21 =	sshll.u32 s7, $0x1;
	s4 =	sadd.s32 s5, s19  }
0x9d: {  	s8 =	simm.s32 $0x0;
	s20 =	sshll.u32 s6, $0x1;
	s6 =	sadd.s32 s21, s4  }
0x9e: {  	[timem:s8], [sflag:s22] =	dma.local [hbm:s6], s20  }
0x9f: {  	_ =	swait.ge [sflag:s22], s20  }
0xa0: {  	s5 =	ssub.s32 $0x0, s20;
	[sflag:s22] =	ssyncset.done $0x0  }
0xa1: {  	[sflag:s22] =	ssyncadd.s32 s5;
	_ =	sdelay $0x1  }
0xa2: {  	s23 =	simm.s32 $0x1B8B  }
0xa3: {  	_ =	swait.ge [sflag:s23], $0x1  }
0xa4: {  	[sflag:s23] =	ssyncset.done $0x0  }
0xa5: {  	s25 =	simm.s32 $0x1B8E;
	s24 =	sld [smem:$0x3FFE];
	[sflag:s23] =	ssyncadd.s32 $0xFFFFFFFF  }
0xa6: {  	s26 =	simm.s32 $execute0_lowered;
	[smem:$0x3FD2] =	sst s25  }
0xa7: {  	s6 =	sshll.u32 s26, $0x1;
	_ =	strace $0x80000046;
	[dreg:$0x1] =	wrdreg $0xFFFFFFFF  }
0xa8: {  	s28 =	simm.s32 $_size_execute0_lowered;
	s4 =	sadd.s32 s4, s6;
	[dreg:$0x0] =	wrdreg $0x0  }
0xa9: {  	s6 =	sshll.u32 s28, $0x1;
	[dreg:$0x2] =	wrdreg s4  }
0xaa: {  	[dreg:$0x3] =	wrdreg s6  }
0xab: {  	[dreg:$0x4] =	wrdreg $0xC0  }
0xac: {  	_ =	task [dreg:s8], $0x5FFFF  }
0xad: {  	[dreg:$0x1] =	wrdreg $0xFFFFFFFF  }
0xae: {  	[dreg:$0x0] =	wrdreg $0x60  }
0xaf: {  	[dreg:$0x2] =	wrdreg s18  }
0xb0: {  	[dreg:$0x3] =	wrdreg s24  }
0xb1: {  	[dreg:$0x4] =	wrdreg s2  }
0xb2: {  	[dreg:$0x5] =	wrdreg $0x9  }
0xb3: {  	_ =	task.clear_ibuf [dreg:s8], $0x6FFFF;
	_ =	strace $0x90000046  }
0xb4: {  	s29 =	simm.s32 $0x9;
	_ =	strace $0x80000048  }
0xb5: {  	_ =	swait.ge [sflag:s29], $0x1  }
0xb6: {  	[sflag:s29] =	ssyncadd.s32 $0xFFFFFFFF  }
0xb7: {  	_ =	strace $0x90000048  }
0xb8: {  	_ =	sfence  }
0xb9: {  	s30 =	sld [smem:$0x0];
	_ =	sdelay $0x2  }
0xba: {  	s31 =	sshll.u32 s1, $0xD;
	s1 =	sshrl.u32 s1, $0x2  }
0xbb: {  	s3 =	sand.u32 $0x4000, s31;
	s1 =	sadd.s32 s1, s30  }
0xbc: {  	s0 =	sor.u32 s3, s0;
	s1 =	sshll.u32 s1, $0x11  }
0xbd: {  	s0 =	sor.u32 s1, s0  }
0xbe: {  	s0 =	sadd.s32 $0x8F2B, s0  }
0xbf: {  	[sflag:s0] =	ssyncadd.remote.s32 $0x1  }
0xc0: {  	_ =	sfence.sel $0xFFFF  }
0xc1: {  	[dreg:$0x0] =	wrdreg $0xFFFFFFFF;
	(pc) =	sbr.abs _section_cstart, $3  }
0xc2: {  	[dreg:$0x1] =	wrdreg $0xFFFFFFFF  }
0xc3: {  	_ =	task.clear_ibuf [dreg:s8], $0x2FFFF;
	_ =	strace $0x9FFFFFFF  }
0xc4: {  	(tm) =	ssettm $0x7FFFFFFF  }
0xc5: {  	_ =	shalt  }
tec
execute0_lowered:
.L_overlay_start_1:
0x0: {  	(tag) =	ssettag $0x1  }
0x1: {  	s1 =	rddreg [dreg:$0x0]  }
0x2: {  	s0 =	rddreg [dreg:$0x1]  }
0x3: {  	s2 =	srdreg.scid;
	s3 =	stileid.u32;
	v0 =	vimm.s32 $0x76543210  }
0x4: {  	s4 =	rddreg [dreg:$0x2];
	v1 =	vimm.s32 $0xFEDCBA98;
	v3 =	vimm.s32 $0x3210FEDC;
	s18 =	simm.s32 $0x6080;
	s19 =	simm.s32 $0x6880  }
0x5: {  	v5 =	vimm.s32 $0xBA987654;
	s20 =	simm.s32 $0x7080;
	s21 =	simm.s32 $0x7880;
	s22 =	simm.s32 $0x8080  }
0x6: {  	v4 =	vlaneseq.u32;
	v6 =	vimm.s32 $0x10FEDCBA;
	v7 =	vimm.s32 $0x98765432;
	s23 =	simm.s32 $0x8880;
	s24 =	simm.s32 $0x9080;
	s28 =	simm.s32 $0x1  }
0x7: {  	v60 =	vimm.s32 $0xFEDCBA9;
	v8 =	vimm.s32 $0x87654321;
	s29 =	simm.s32 $0x2;
	s30 =	simm.s32 $0x3;
	s2 =	sand.u32 $0x1, s2;
	v2 =	vunpack.c.l.s4.s8 v0  }
0x8: {  	s5 =	sshll.u32 s3, $0x1;
	s3 =	simm.s32 $0x0;
	s25 =	sadd.s32 $0x1600, s0;
	v1 =	vunpack.c.l.s4.s8 v1;
	v58 =	vand.u32 $0x7, v4;
	v3 =	vunpack.c.l.s4.s8 v3  }
0x9: {  	s26 =	sadd.s32 $0x1800, s0;
	v5 =	vunpack.c.l.s4.s8 v5;
	v6 =	vunpack.c.l.s4.s8 v6;
	v7 =	vunpack.c.l.s4.s8 v7;
	s7 =	sor.u32 s2, s5;
	[smem:$0x7FF] =	sst s3  }
0xa: {  	v8 =	vunpack.c.l.s4.s8 v8;
	v61 =	vshrl.u32 v4, $0x3;
	v63 =	vor.u32 $0x8, v4;
	s2 =	ssub.s32 $0x2, s2;
	_ =	strace $0x80000047;
	[dreg:$0x13] =	wrdreg s25  }
0xb: {  	v62 =	vmul.u32 $0x8, v61;
	s5 =	sshll.u32 s7, $0xA;
	s8 =	sshll.u32 s7, $0xC;
	[dreg:$0x14] =	wrdreg s26;
	v2 =	vunpack.c.0.s8.s32 v2;
	v1 =	vunpack.c.0.s8.s32 v1  }
.Ltmp0:
0xc: {  	s31 =	sshrl.u32 s2, $0x1;
	s7 =	sshll.u32 s7, $0x4;
	v59 =	vunpack.c.0.s8.s32 v3;
	v5 =	vunpack.c.0.s8.s32 v5;
	v3 =	vunpack.c.l.s4.s8 v60;
	(pc) =	sbr.rel .LBB2_1-.Ltmp0, $4  }
0xd: {  	[tilespmem:$0x1FFC0] =	vst v58;
	s25 =	simm.s32 $0x4;
	v6 =	vunpack.c.0.s8.s32 v6;
	v7 =	vunpack.c.0.s8.s32 v7;
	s26 =	simm.s32 $0x9880;
	s6 =	sadd.s32 s5, s0;
	v1 =	vand.u32 $0xF, v1  }
0xe: {  	v8 =	vunpack.c.0.s8.s32 v8;
	[tilespmem:$0x1FFE0] =	vst v63;
	s0 =	sadd.s32 s8, s0;
	s2 =	ssub.s32 s2, s31;
	s7 =	sadd.s32 s4, s7;
	v9 =	vunpack.c.0.s8.s32 v3;
	v55 =	vcombine.low v1, v2  }
0xf: {  	s5 =	simm.s32 $0xA080;
	[tilespmem:$0x1FFD0] =	vst v62;
	s6 =	sadd.s32 $0x101400, s6;
	s8 =	sadd.s32 $0x21A00, s0;
	v57 =	vcombine.low v5, v59  }
0x10: {  	vm0 =	vmmov $0xffff;
	s9 =	sadd.s32 $0x1A00, s0;
	s13 =	smax.u32 s2, $0x1;
	v60 =	vcombine.low v7, v6;
	s2 =	simm.s32 $0x0;
	v61 =	vcombine.low v8, v9;
	[tilespmem:$0x1FFF0] =	vst v55  }
.LBB2_8:
0x11: {  	_ =	swait.ge [sflag:s30], $0x8000  }
0x12: {  	[sflag:s30] =	ssyncset.done $0x0  }
0x13: {  	s0 =	simm.s32 $0x12080;
	[sflag:s30] =	ssyncadd.s32 $0xFFFF8000  }
0x14: {  	[hbm4b:s8+s3] =	stream.linear.scatter [tilespmem:s0], [sflag:$0x4], $0x8000, $0x38;
	[tilespmem:$0x1A180] =	vst v63  }
0x15: {  	s2 =	sadd.s32 $0x1, s2;
	_ =	swait.ge [sflag:s25], $0x8000  }
0x16: {  	p0 =	sne.s32 s2, s13;
	[sflag:s25] =	ssyncset.done $0x0  }
.Ltmp1:
0x17: {  	s5 =	simm.s32 $0xA080;
	[sflag:s25] =	ssyncadd.s32 $0xFFFF8000;
	(pc) =	sbr.rel @!p0 .LBB2_9-.Ltmp1, $4  }
0x18: {  	[hbm4b:s9+s3] =	stream.linear.scatter [tilespmem:s5], [sflag:$0x4], $0x8000, $0x38;
	[tilespmem:$0x1A180] =	vst v63  }
0x19: {  	_ =	swait.ge [sflag:s25], $0x8000  }
0x1a: {  	[sflag:s25] =	ssyncset.done $0x0  }
0x1b: {  	[sflag:s25] =	ssyncadd.s32 $0xFFFF8000  }
.LBB2_1:
0x1c: {  	[tilespmem:s3], [sflag:$0x4] =	stream.linear.gather [hbm4b:s6+s3], $0x2000, $0x38;
	[tilespmem:$0x1A180] =	vst v63  }
0x1d: {  	_ =	swait.ge [sflag:s25], $0x2000  }
0x1e: {  	[sflag:s25] =	ssyncset.done $0x0  }
0x1f: {  	s0 =	simm.s32 $0x2000;
	[sflag:s25] =	ssyncadd.s32 $0xFFFFE000  }
0x20: {  	[tilespmem:s0], [sflag:$0x4] =	stream.linear.gather [hbm4b:s7+s3], $0x80, $0x38;
	[tilespmem:$0x1A180] =	vst v63  }
0x21: {  	_ =	swait.ge [sflag:s25], $0x80  }
0x22: {  	[sflag:s25] =	ssyncset.done $0x0  }
0x23: {  	s4 =	simm.s32 $0x1A080;
	s12 =	rddreg [dreg:$0x13];
	[sflag:s25] =	ssyncadd.s32 $0xFFFFFF80  }
0x24: {  	[tilespmem:s4], [sflag:$0x4] =	stream.linear.gather [hbm4b:s12+s3], $0x80, $0x38;
	[tilespmem:$0x1A180] =	vst v63  }
0x25: {  	_ =	swait.ge [sflag:s25], $0x80  }
0x26: {  	[sflag:s25] =	ssyncset.done $0x0  }
0x27: {  	s15 =	simm.s32 $0x1A100;
	s14 =	rddreg [dreg:$0x14];
	[sflag:s25] =	ssyncadd.s32 $0xFFFFFF80  }
0x28: {  	[tilespmem:s15], [sflag:$0x4] =	stream.linear.gather [hbm4b:s14+s3], $0x80, $0x38;
	[tilespmem:$0x1A180] =	vst v63  }
0x29: {  	_ =	swait.ge [sflag:s25], $0x80  }
0x2a: {  	[sflag:s25] =	ssyncset.done $0x0  }
0x2b: {  	[sflag:s25] =	ssyncadd.s32 $0xFFFFFF80  }
0x2c: {  	v8 =	vld [tilespmem:$0x2000];
	_ =	sdelay $0x2  }
0x2d: {  	v0 =	vld [tilespmem:$0x1FFC0]  }
0x2e: {  	v1 =	vld [tilespmem:$0x1FFD0]  }
0x2f: {  	v2 =	vld [tilespmem:$0x1FFE0];
	v9 =	vshll.u32 v8, $0x1  }
0x30: {  	v8 =	vand.u32 $0x7, v8;
	v9 =	vand.u32 $0xFFFFFFF0, v9  }
0x31: {  	v8 =	vor.u32 v8, v9  }
0x32: {  	v9 =	vperm.xlane v8, v0;
	_ =	sdelay $0x1  }
0x33: {  	v8 =	vperm.xlane v8, v2;
	v9 =	vadd.s32 v1, v9;
	_ =	sdelay $0x1  }
0x34: {  	v8 =	vadd.s32 v1, v8;
	_ =	sdelay $0x2  }
0x35: {  	[tilespmem:s5], [sflag:$0x3] =	stream.indirect_vreg.gather [hbm4b:s1+s3], $0x80, v9, vm0, $0xb8;
	[tilespmem:$0x1A180] =	vst v63  }
0x36: {  	s16 =	simm.s32 $0xA880  }
0x37: {  	[tilespmem:s16], [sflag:$0x3] =	stream.indirect_vreg.gather [hbm4b:s1+s3], $0x80, v8, vm0, $0xb8;
	[tilespmem:$0x1A180] =	vst v63  }
0x38: {  	v8 =	vld [tilespmem:$0x2010];
	_ =	sdelay $0x4  }
0x39: {  	v45 =	vshll.u32 v8, $0x1  }
0x3a: {  	v8 =	vand.u32 $0x7, v8;
	v9 =	vand.u32 $0xFFFFFFF0, v45  }
0x3b: {  	v8 =	vor.u32 v8, v9  }
0x3c: {  	v9 =	vperm.xlane v8, v0;
	_ =	sdelay $0x1  }
0x3d: {  	v8 =	vperm.xlane v8, v2;
	v9 =	vadd.s32 v1, v9;
	_ =	sdelay $0x1  }
0x3e: {  	v8 =	vadd.s32 v1, v8;
	_ =	sdelay $0x1  }
0x3f: {  	s17 =	simm.s32 $0xB080  }
0x40: {  	[tilespmem:s17], [sflag:$0x3] =	stream.indirect_vreg.gather [hbm4b:s1+s3], $0x80, v9, vm0, $0xb8;
	[tilespmem:$0x1A180] =	vst v63  }
0x41: {  	s31 =	simm.s32 $0xB880  }
0x42: {  	[tilespmem:s31], [sflag:$0x3] =	stream.indirect_vreg.gather [hbm4b:s1+s3], $0x80, v8, vm0, $0xb8;
	[tilespmem:$0x1A180] =	vst v63  }
0x43: {  	v8 =	vld [tilespmem:$0x2020];
	_ =	sdelay $0x4  }
0x44: {  	v46 =	vshll.u32 v8, $0x1  }
0x45: {  	v8 =	vand.u32 $0x7, v8;
	v9 =	vand.u32 $0xFFFFFFF0, v46  }
0x46: {  	v8 =	vor.u32 v8, v9  }
0x47: {  	v9 =	vperm.xlane v8, v0;
	_ =	sdelay $0x1  }
0x48: {  	v8 =	vperm.xlane v8, v2;
	v9 =	vadd.s32 v1, v9;
	_ =	sdelay $0x1  }
0x49: {  	v8 =	vadd.s32 v1, v8;
	_ =	sdelay $0x1  }
0x4a: {  	s4 =	simm.s32 $0xC080  }
0x4b: {  	[tilespmem:s4], [sflag:$0x3] =	stream.indirect_vreg.gather [hbm4b:s1+s3], $0x80, v9, vm0, $0xb8;
	[tilespmem:$0x1A180] =	vst v63  }
0x4c: {  	s5 =	simm.s32 $0xC880  }
0x4d: {  	[tilespmem:s5], [sflag:$0x3] =	stream.indirect_vreg.gather [hbm4b:s1+s3], $0x80, v8, vm0, $0xb8;
	[tilespmem:$0x1A180] =	vst v63  }
0x4e: {  	v8 =	vld [tilespmem:$0x2030];
	_ =	sdelay $0x4  }
0x4f: {  	v47 =	vshll.u32 v8, $0x1  }
0x50: {  	v8 =	vand.u32 $0x7, v8;
	v9 =	vand.u32 $0xFFFFFFF0, v47  }
0x51: {  	v8 =	vor.u32 v8, v9  }
0x52: {  	v9 =	vperm.xlane v8, v0;
	_ =	sdelay $0x1  }
0x53: {  	v8 =	vperm.xlane v8, v2;
	v9 =	vadd.s32 v1, v9;
	_ =	sdelay $0x1  }
0x54: {  	v8 =	vadd.s32 v1, v8;
	_ =	sdelay $0x1  }
0x55: {  	s10 =	simm.s32 $0xD080  }
0x56: {  	[tilespmem:s10], [sflag:$0x3] =	stream.indirect_vreg.gather [hbm4b:s1+s3], $0x80, v9, vm0, $0xb8;
	[tilespmem:$0x1A180] =	vst v63  }
0x57: {  	s11 =	simm.s32 $0xD880  }
0x58: {  	[tilespmem:s11], [sflag:$0x3] =	stream.indirect_vreg.gather [hbm4b:s1+s3], $0x80, v8, vm0, $0xb8;
	[tilespmem:$0x1A180] =	vst v63  }
0x59: {  	v8 =	vld [tilespmem:$0x2040];
	_ =	sdelay $0x4  }
0x5a: {  	v48 =	vshll.u32 v8, $0x1  }
0x5b: {  	v8 =	vand.u32 $0x7, v8;
	v9 =	vand.u32 $0xFFFFFFF0, v48  }
0x5c: {  	v8 =	vor.u32 v8, v9  }
0x5d: {  	v9 =	vperm.xlane v8, v0;
	_ =	sdelay $0x1  }
0x5e: {  	v8 =	vperm.xlane v8, v2;
	v9 =	vadd.s32 v1, v9;
	_ =	sdelay $0x1  }
0x5f: {  	v8 =	vadd.s32 v1, v8;
	_ =	sdelay $0x1  }
0x60: {  	s12 =	simm.s32 $0xE080  }
0x61: {  	[tilespmem:s12], [sflag:$0x3] =	stream.indirect_vreg.gather [hbm4b:s1+s3], $0x80, v9, vm0, $0xb8;
	[tilespmem:$0x1A180] =	vst v63  }
0x62: {  	s14 =	simm.s32 $0xE880  }
0x63: {  	[tilespmem:s14], [sflag:$0x3] =	stream.indirect_vreg.gather [hbm4b:s1+s3], $0x80, v8, vm0, $0xb8;
	[tilespmem:$0x1A180] =	vst v63  }
0x64: {  	v8 =	vld [tilespmem:$0x2050];
	_ =	sdelay $0x4  }
0x65: {  	v49 =	vshll.u32 v8, $0x1  }
0x66: {  	v8 =	vand.u32 $0x7, v8;
	v9 =	vand.u32 $0xFFFFFFF0, v49  }
0x67: {  	v8 =	vor.u32 v8, v9  }
0x68: {  	v9 =	vperm.xlane v8, v0;
	_ =	sdelay $0x1  }
0x69: {  	v8 =	vperm.xlane v8, v2;
	v9 =	vadd.s32 v1, v9;
	_ =	sdelay $0x1  }
0x6a: {  	v8 =	vadd.s32 v1, v8;
	_ =	sdelay $0x1  }
0x6b: {  	s15 =	simm.s32 $0xF080  }
0x6c: {  	[tilespmem:s15], [sflag:$0x3] =	stream.indirect_vreg.gather [hbm4b:s1+s3], $0x80, v9, vm0, $0xb8;
	[tilespmem:$0x1A180] =	vst v63  }
0x6d: {  	s16 =	simm.s32 $0xF880  }
0x6e: {  	[tilespmem:s16], [sflag:$0x3] =	stream.indirect_vreg.gather [hbm4b:s1+s3], $0x80, v8, vm0, $0xb8;
	[tilespmem:$0x1A180] =	vst v63  }
0x6f: {  	v8 =	vld [tilespmem:$0x2060];
	_ =	sdelay $0x4  }
0x70: {  	v50 =	vshll.u32 v8, $0x1  }
0x71: {  	v8 =	vand.u32 $0x7, v8;
	v9 =	vand.u32 $0xFFFFFFF0, v50  }
0x72: {  	v8 =	vor.u32 v8, v9  }
0x73: {  	v9 =	vperm.xlane v8, v0;
	_ =	sdelay $0x1  }
0x74: {  	v8 =	vperm.xlane v8, v2;
	v9 =	vadd.s32 v1, v9;
	_ =	sdelay $0x1  }
0x75: {  	v8 =	vadd.s32 v1, v8;
	_ =	sdelay $0x1  }
0x76: {  	s17 =	simm.s32 $0x10080  }
0x77: {  	[tilespmem:s17], [sflag:$0x3] =	stream.indirect_vreg.gather [hbm4b:s1+s3], $0x80, v9, vm0, $0xb8;
	[tilespmem:$0x1A180] =	vst v63  }
0x78: {  	s31 =	simm.s32 $0x10880  }
0x79: {  	[tilespmem:s31], [sflag:$0x3] =	stream.indirect_vreg.gather [hbm4b:s1+s3], $0x80, v8, vm0, $0xb8;
	[tilespmem:$0x1A180] =	vst v63  }
0x7a: {  	v8 =	vld [tilespmem:$0x2070];
	_ =	sdelay $0x4  }
0x7b: {  	v51 =	vshll.u32 v8, $0x1  }
0x7c: {  	v8 =	vand.u32 $0x7, v8;
	v9 =	vand.u32 $0xFFFFFFF0, v51  }
0x7d: {  	v8 =	vor.u32 v8, v9  }
0x7e: {  	v9 =	vperm.xlane v8, v0;
	_ =	sdelay $0x1  }
0x7f: {  	v8 =	vperm.xlane v8, v2;
	v9 =	vadd.s32 v1, v9;
	_ =	sdelay $0x1  }
0x80: {  	v8 =	vadd.s32 v1, v8;
	_ =	sdelay $0x1  }
0x81: {  	s4 =	simm.s32 $0x11080  }
0x82: {  	[tilespmem:s4], [sflag:$0x3] =	stream.indirect_vreg.gather [hbm4b:s1+s3], $0x80, v9, vm0, $0xb8;
	[tilespmem:$0x1A180] =	vst v63  }
0x83: {  	s5 =	simm.s32 $0x11880  }
0x84: {  	[tilespmem:s5], [sflag:$0x3] =	stream.indirect_vreg.gather [hbm4b:s1+s3], $0x80, v8, vm0, $0xb8;
	[tilespmem:$0x1A180] =	vst v63  }
0x85: {  	v8 =	vld [tilespmem:$0x0];
	_ =	sdelay $0x4  }
0x86: {  	v52 =	vshll.u32 v8, $0x1  }
0x87: {  	v8 =	vand.u32 $0x7, v8;
	v9 =	vand.u32 $0xFFFFFFF0, v52  }
0x88: {  	v8 =	vor.u32 v8, v9  }
0x89: {  	v9 =	vperm.xlane v8, v0;
	_ =	sdelay $0x1  }
0x8a: {  	v8 =	vperm.xlane v8, v2;
	v10 =	vadd.s32 v1, v9;
	_ =	sdelay $0x1  }
0x8b: {  	v11 =	vadd.s32 v1, v8;
	_ =	sdelay $0x1  }
0x8c: {  	s10 =	simm.s32 $0x2080;
	v63 =	vld [tilespmem:$0x1A080]  }
0x8d: {  	v3 =	vld [tilespmem:$0x1A100];
	[tilespmem:s10], [sflag:$0x1] =	stream.indirect_vreg.gather [hbm4b:s1+s3], $0x80, v10, vm0, $0xb8  }
0x8e: {  	s11 =	simm.s32 $0x2880  }
0x8f: {  	[tilespmem:s11], [sflag:$0x1] =	stream.indirect_vreg.gather [hbm4b:s1+s3], $0x80, v11, vm0, $0xb8;
	[tilespmem:$0x1A180] =	vst v63  }
0x90: {  	v10 =	vld [tilespmem:$0x10];
	_ =	sdelay $0x4  }
0x91: {  	v53 =	vshll.u32 v10, $0x1  }
0x92: {  	v10 =	vand.u32 $0x7, v10;
	v11 =	vand.u32 $0xFFFFFFF0, v53  }
0x93: {  	v10 =	vor.u32 v10, v11  }
0x94: {  	v11 =	vperm.xlane v10, v0;
	_ =	sdelay $0x1  }
0x95: {  	v10 =	vperm.xlane v10, v2;
	v11 =	vadd.s32 v1, v11;
	_ =	sdelay $0x1  }
0x96: {  	v10 =	vadd.s32 v1, v10;
	_ =	sdelay $0x1  }
0x97: {  	s12 =	simm.s32 $0x3080  }
0x98: {  	[tilespmem:s12], [sflag:$0x1] =	stream.indirect_vreg.gather [hbm4b:s1+s3], $0x80, v11, vm0, $0xb8;
	[tilespmem:$0x1A180] =	vst v63  }
0x99: {  	s14 =	simm.s32 $0x3880  }
0x9a: {  	[tilespmem:s14], [sflag:$0x1] =	stream.indirect_vreg.gather [hbm4b:s1+s3], $0x80, v10, vm0, $0xb8;
	[tilespmem:$0x1A180] =	vst v63  }
0x9b: {  	v10 =	vld [tilespmem:$0x20];
	_ =	sdelay $0x4  }
0x9c: {  	v54 =	vshll.u32 v10, $0x1  }
0x9d: {  	v10 =	vand.u32 $0x7, v10;
	v11 =	vand.u32 $0xFFFFFFF0, v54  }
0x9e: {  	v10 =	vor.u32 v10, v11  }
0x9f: {  	v11 =	vperm.xlane v10, v0;
	_ =	sdelay $0x1  }
0xa0: {  	v10 =	vperm.xlane v10, v2;
	v11 =	vadd.s32 v1, v11;
	_ =	sdelay $0x1  }
0xa1: {  	v10 =	vadd.s32 v1, v10;
	_ =	sdelay $0x1  }
0xa2: {  	s15 =	simm.s32 $0x4080  }
0xa3: {  	[tilespmem:s15], [sflag:$0x1] =	stream.indirect_vreg.gather [hbm4b:s1+s3], $0x80, v11, vm0, $0xb8;
	[tilespmem:$0x1A180] =	vst v63  }
0xa4: {  	s16 =	simm.s32 $0x4880  }
0xa5: {  	[tilespmem:s16], [sflag:$0x1] =	stream.indirect_vreg.gather [hbm4b:s1+s3], $0x80, v10, vm0, $0xb8;
	[tilespmem:$0x1A180] =	vst v63  }
0xa6: {  	v10 =	vld [tilespmem:$0x30];
	_ =	sdelay $0x4  }
0xa7: {  	v55 =	vshll.u32 v10, $0x1  }
0xa8: {  	v10 =	vand.u32 $0x7, v10;
	v11 =	vand.u32 $0xFFFFFFF0, v55  }
0xa9: {  	v10 =	vor.u32 v10, v11  }
0xaa: {  	v11 =	vperm.xlane v10, v0;
	_ =	sdelay $0x1  }
0xab: {  	v10 =	vperm.xlane v10, v2;
	v11 =	vadd.s32 v1, v11;
	_ =	sdelay $0x1  }
0xac: {  	v10 =	vadd.s32 v1, v10;
	_ =	sdelay $0x1  }
0xad: {  	s17 =	simm.s32 $0x5080  }
0xae: {  	[tilespmem:s17], [sflag:$0x1] =	stream.indirect_vreg.gather [hbm4b:s1+s3], $0x80, v11, vm0, $0xb8;
	[tilespmem:$0x1A180] =	vst v63  }
0xaf: {  	s31 =	simm.s32 $0x5880  }
0xb0: {  	[tilespmem:s31], [sflag:$0x1] =	stream.indirect_vreg.gather [hbm4b:s1+s3], $0x80, v10, vm0, $0xb8;
	[tilespmem:$0x1A180] =	vst v63  }
0xb1: {  	v10 =	vld [tilespmem:$0x40];
	_ =	sdelay $0x4  }
0xb2: {  	v56 =	vshll.u32 v10, $0x1  }
0xb3: {  	v10 =	vand.u32 $0x7, v10;
	v11 =	vand.u32 $0xFFFFFFF0, v56  }
0xb4: {  	v10 =	vor.u32 v10, v11  }
0xb5: {  	v11 =	vperm.xlane v10, v0;
	_ =	sdelay $0x1  }
0xb6: {  	v10 =	vperm.xlane v10, v2;
	v11 =	vadd.s32 v1, v11;
	_ =	sdelay $0x1  }
0xb7: {  	v10 =	vadd.s32 v1, v10;
	_ =	sdelay $0x2  }
0xb8: {  	[tilespmem:s18], [sflag:$0x2] =	stream.indirect_vreg.gather [hbm4b:s1+s3], $0x80, v11, vm0, $0xb8;
	[tilespmem:$0x1A180] =	vst v63  }
0xb9: {  	_ = 	snop  }
0xba: {  	[tilespmem:s19], [sflag:$0x2] =	stream.indirect_vreg.gather [hbm4b:s1+s3], $0x80, v10, vm0, $0xb8;
	[tilespmem:$0x1A180] =	vst v63  }
0xbb: {  	v10 =	vld [tilespmem:$0x50];
	_ =	sdelay $0x4  }
0xbc: {  	v58 =	vshll.u32 v10, $0x1  }
0xbd: {  	v10 =	vand.u32 $0x7, v10;
	v11 =	vand.u32 $0xFFFFFFF0, v58  }
0xbe: {  	v10 =	vor.u32 v10, v11  }
0xbf: {  	v11 =	vperm.xlane v10, v0;
	_ =	sdelay $0x1  }
0xc0: {  	v10 =	vperm.xlane v10, v2;
	v11 =	vadd.s32 v1, v11;
	_ =	sdelay $0x1  }
0xc1: {  	v10 =	vadd.s32 v1, v10;
	_ =	sdelay $0x2  }
0xc2: {  	[tilespmem:s20], [sflag:$0x2] =	stream.indirect_vreg.gather [hbm4b:s1+s3], $0x80, v11, vm0, $0xb8;
	[tilespmem:$0x1A180] =	vst v63  }
0xc3: {  	_ = 	snop  }
0xc4: {  	[tilespmem:s21], [sflag:$0x2] =	stream.indirect_vreg.gather [hbm4b:s1+s3], $0x80, v10, vm0, $0xb8;
	[tilespmem:$0x1A180] =	vst v63  }
0xc5: {  	v10 =	vld [tilespmem:$0x60];
	_ =	sdelay $0x4  }
0xc6: {  	v59 =	vshll.u32 v10, $0x1  }
0xc7: {  	v10 =	vand.u32 $0x7, v10;
	v11 =	vand.u32 $0xFFFFFFF0, v59  }
0xc8: {  	v10 =	vor.u32 v10, v11  }
0xc9: {  	v11 =	vperm.xlane v10, v0;
	_ =	sdelay $0x1  }
0xca: {  	v10 =	vperm.xlane v10, v2;
	v11 =	vadd.s32 v1, v11;
	_ =	sdelay $0x1  }
0xcb: {  	v10 =	vadd.s32 v1, v10;
	_ =	sdelay $0x2  }
0xcc: {  	[tilespmem:s22], [sflag:$0x2] =	stream.indirect_vreg.gather [hbm4b:s1+s3], $0x80, v11, vm0, $0xb8;
	[tilespmem:$0x1A180] =	vst v63  }
0xcd: {  	_ = 	snop  }
0xce: {  	[tilespmem:s23], [sflag:$0x2] =	stream.indirect_vreg.gather [hbm4b:s1+s3], $0x80, v10, vm0, $0xb8;
	[tilespmem:$0x1A180] =	vst v63  }
0xcf: {  	v10 =	vld [tilespmem:$0x70];
	_ =	sdelay $0x4  }
0xd0: {  	v62 =	vshll.u32 v10, $0x1  }
0xd1: {  	v10 =	vand.u32 $0x7, v10;
	v11 =	vand.u32 $0xFFFFFFF0, v62  }
0xd2: {  	v10 =	vor.u32 v10, v11  }
0xd3: {  	v11 =	vperm.xlane v10, v0;
	_ =	sdelay $0x1  }
0xd4: {  	v10 =	vperm.xlane v10, v2;
	v11 =	vadd.s32 v1, v11;
	_ =	sdelay $0x1  }
0xd5: {  	v10 =	vadd.s32 v1, v10;
	_ =	sdelay $0x2  }
0xd6: {  	[tilespmem:s24], [sflag:$0x2] =	stream.indirect_vreg.gather [hbm4b:s1+s3], $0x80, v11, vm0, $0xb8;
	[tilespmem:$0x1A180] =	vst v63  }
0xd7: {  	s0 =	simm.s32 $0x0;
	[tilespmem:$0x1FFB0] =	vst v3  }
0xd8: {  	[tilespmem:s26], [sflag:$0x2] =	stream.indirect_vreg.gather [hbm4b:s1+s3], $0x80, v10, vm0, $0xb8;
	[tilespmem:$0x1A180] =	vst v63  }
.LBB2_2:
0xd9: {  	s10 =	sshll.u32 s0, $0x9;
	s4 =	sshll.u32 s0, $0x8  }
0xda: {  	_ =	swait.ge [sflag:s28], $0x4000;
	s11 =	sand.u32 $0x7800, s10;
	s4 =	sand.u32 $0x300, s4  }
0xdb: {  	[sflag:s28] =	ssyncset.done $0x0;
	s12 =	sor.u32 s4, s11  }
0xdc: {  	v0 =	vimm.f32 $0.0e+00;
	[sflag:s28] =	ssyncadd.s32 $0xFFFFC000;
	s11 =	sadd.s32 $0x12080, s12  }
0xdd: {  	[tilespmem:s12+$0x12080] =	vst v0;
	s16 =	sor.u32 $0x10, s11  }
0xde: {  	s17 =	sor.u32 $0x20, s11;
	[tilespmem:s11+$0x10] =	vst v0;
	[dreg:$0x4] =	wrdreg s16  }
0xdf: {  	s31 =	sor.u32 $0x30, s11;
	[tilespmem:s11+$0x20] =	vst v0;
	[dreg:$0x5] =	wrdreg s17  }
0xe0: {  	s5 =	sor.u32 $0x40, s11;
	[tilespmem:s11+$0x30] =	vst v0;
	[dreg:$0x6] =	wrdreg s31  }
0xe1: {  	s14 =	sor.u32 $0x50, s11;
	[tilespmem:s11+$0x40] =	vst v0;
	[dreg:$0x7] =	wrdreg s5  }
0xe2: {  	s15 =	sor.u32 $0x60, s11;
	[tilespmem:s11+$0x50] =	vst v0;
	[dreg:$0x8] =	wrdreg s14  }
0xe3: {  	[tilespmem:s11+$0x60] =	vst v0;
	[dreg:$0x9] =	wrdreg s15;
	s16 =	sor.u32 $0x70, s11  }
0xe4: {  	[tilespmem:s11+$0x70] =	vst v0;
	s17 =	sor.u32 $0x400, s11;
	[dreg:$0xa] =	wrdreg s16  }
0xe5: {  	[tilespmem:s11+$0x400] =	vst v0;
	s31 =	sor.u32 $0x410, s11;
	[dreg:$0xb] =	wrdreg s17  }
0xe6: {  	[tilespmem:s11+$0x410] =	vst v0;
	s5 =	sor.u32 $0x420, s11;
	[dreg:$0xc] =	wrdreg s31  }
0xe7: {  	[tilespmem:s11+$0x420] =	vst v0;
	s14 =	sor.u32 $0x430, s11;
	[dreg:$0xd] =	wrdreg s5  }
0xe8: {  	[tilespmem:s11+$0x430] =	vst v0;
	s15 =	sor.u32 $0x440, s11;
	[dreg:$0xe] =	wrdreg s14  }
0xe9: {  	[tilespmem:s11+$0x440] =	vst v0;
	[dreg:$0xf] =	wrdreg s15;
	s16 =	sor.u32 $0x450, s11  }
0xea: {  	[tilespmem:s11+$0x450] =	vst v0;
	s17 =	sor.u32 $0x460, s11;
	[dreg:$0x10] =	wrdreg s16  }
0xeb: {  	p0 =	por $0x0, $0x0;
	[tilespmem:s11+$0x460] =	vst v0;
	s31 =	sor.u32 $0x470, s11;
	[dreg:$0x11] =	wrdreg s17  }
0xec: {  	[tilespmem:s11+$0x470] =	vst v0;
	s15 =	simm.s32 $0x0;
	[dreg:$0x12] =	wrdreg s31;
	s16 =	simm.s32 $0x0  }
.LBB2_3:
0xed: {  	s4 =	sand.u32 $0x3800, s15;
	s14 =	sand.u32 $0x200, s16  }
0xee: {  	s4 =	sor.u32 s14, s4  }
0xef: {  	v11 =	vld [tilespmem:s4+$0x2080]  }
0xf0: {  	v12 =	vld [tilespmem:s4+$0x2100]  }
0xf1: {  	v10 =	vld [tilespmem:s4+$0x2180]  }
0xf2: {  	v16 =	vld [tilespmem:s4+$0x2200]  }
0xf3: {  	v13 =	vld [tilespmem:s4+$0x2090]  }
0xf4: {  	v15 =	vld [tilespmem:s4+$0x2190]  }
0xf5: {  	v23 =	vld [tilespmem:s4+$0x2210]  }
0xf6: {  	v14 =	vld [tilespmem:s4+$0x2110];
	_ =	sdelay $0x1  }
0xf7: {  	v17 =	vadd.f32 v12, v11;
	v19 =	vmul.f32 v11, v11  }
0xf8: {  	v41 =	vld [tilespmem:s4+$0x2220];
	v18 =	vadd.f32 v16, v10;
	v20 =	vmul.f32 v12, v12;
	v21 =	vmul.f32 v10, v10  }
0xf9: {  	v33 =	vld [tilespmem:s4+$0x2230];
	v22 =	vmul.f32 v16, v16;
	v42 =	vadd.f32 v23, v15;
	v25 =	vmul.f32 v13, v13  }
0xfa: {  	v16 =	vld [tilespmem:s4+$0x20A0];
	v26 =	vmul.f32 v14, v14;
	v27 =	vmul.f32 v15, v15;
	v24 =	vadd.f32 v18, v17  }
0xfb: {  	v23 =	vmul.f32 v23, v23;
	v19 =	vadd.f32 v20, v19;
	v38 =	vadd.f32 v22, v21;
	v18 =	vld [tilespmem:s4+$0x2120]  }
0xfc: {  	v40 =	vadd.f32 v14, v13;
	v17 =	vld [tilespmem:s4+$0x21A0];
	v25 =	vadd.f32 v26, v25  }
0xfd: {  	v23 =	vadd.f32 v23, v27;
	v20 =	vld [tilespmem:s4+$0x2130];
	v19 =	vadd.f32 v38, v19  }
0xfe: {  	v21 =	vld [tilespmem:s4+$0x21B0];
	v22 =	vmul.f32 v41, v41;
	v39 =	vmul.f32 $2.500000000e-01, v24;
	v24 =	vadd.f32 v42, v40  }
0xff: {  	v23 =	vadd.f32 v23, v25;
	v30 =	vmul.f32 v16, v16;
	v28 =	vmul.f32 $2.500000000e-01, v19  }
0x100: {  	v26 =	vld [tilespmem:s4+$0x2150];
	v43 =	vmul.f32 v39, v39;
	v24 =	vmul.f32 $2.500000000e-01, v24  }
0x101: {  	v59 =	vld [tilespmem:s4+$0x2250];
	v48 =	vmul.f32 $2.500000000e-01, v23;
	v44 =	vadd.f32 v18, v16;
	v31 =	vmul.f32 v18, v18  }
0x102: {  	v19 =	vld [tilespmem:s4+$0x20B0];
	v29 =	vadd.f32 v41, v17;
	v32 =	vmul.f32 v17, v17;
	v34 =	vmul.f32 v20, v20  }
0x103: {  	v23 =	vld [tilespmem:s4+$0x2140];
	v51 =	vadd.f32 v33, v21;
	v53 =	vmul.f32 v21, v21;
	v33 =	vmul.f32 v33, v33  }
0x104: {  	v35 =	vld [tilespmem:s4+$0x2240];
	v28 =	vsub.f32 v28, v43;
	v49 =	vmul.f32 v24, v24;
	v45 =	vadd.f32 v29, v44  }
0x105: {  	v41 =	vmul.f32 v26, v26;
	v24 =	vld [tilespmem:s4+$0x21C0];
	v46 =	vadd.f32 v31, v30;
	v47 =	vadd.f32 v22, v32  }
0x106: {  	v22 =	vld [tilespmem:s4+$0x20C0];
	v55 =	vadd.f32 v33, v53;
	v33 =	vmul.f32 v59, v59;
	v30 =	vsub.f32 v48, v49  }
0x107: {  	v27 =	vadd.f32 v47, v46;
	v25 =	vmul.f32 $2.500000000e-01, v45;
	v50 =	vadd.f32 v20, v19  }
0x108: {  	v42 =	vld [tilespmem:s4+$0x2260];
	v52 =	vmul.f32 v19, v19;
	v37 =	vmul.f32 v23, v23  }
0x109: {  	v28 =	vadd.f32 v30, v28;
	v30 =	vld [tilespmem:s4+$0x21E0];
	v27 =	vmul.f32 $2.500000000e-01, v27;
	v29 =	vadd.f32 v51, v50  }
0x10a: {  	v36 =	vmul.f32 v25, v25;
	v25 =	vld [tilespmem:s4+$0x20D0];
	v54 =	vadd.f32 v34, v52;
	v62 =	vadd.f32 v35, v24  }
0x10b: {  	v1 =	vmul.f32 v24, v24;
	v35 =	vmul.f32 v35, v35;
	v58 =	vadd.f32 v23, v22  }
0x10c: {  	v0 =	vmul.f32 v22, v22;
	v56 =	vsub.f32 v27, v36;
	v27 =	vld [tilespmem:s4+$0x21D0];
	v31 =	vadd.f32 v55, v54  }
0x10d: {  	v29 =	vmul.f32 $2.500000000e-01, v29;
	v35 =	vadd.f32 v35, v1;
	v32 =	vadd.f32 v62, v58  }
0x10e: {  	v2 =	vadd.f32 v37, v0;
	v38 =	vadd.f32 v56, v28;
	v31 =	vmul.f32 $2.500000000e-01, v31;
	v28 =	vld [tilespmem:s4+$0x20E0]  }
0x10f: {  	v44 =	vmul.f32 v29, v29;
	v29 =	vld [tilespmem:s4+$0x2160];
	v52 =	vadd.f32 v42, v30;
	v45 =	vadd.f32 v26, v25  }
0x110: {  	v40 =	vmul.f32 v25, v25;
	v34 =	vadd.f32 v35, v2;
	v32 =	vmul.f32 $2.500000000e-01, v32  }
0x111: {  	v42 =	vmul.f32 v42, v42;
	v31 =	vsub.f32 v31, v44;
	v39 =	vadd.f32 v59, v27  }
0x112: {  	s14 =	simm.s32 $0x1;
	v46 =	vmul.f32 v27, v27;
	v48 =	vadd.f32 v41, v40;
	v50 =	vmul.f32 v32, v32;
	v32 =	vld [tilespmem:s4+$0x2170]  }
0x113: {  	s14 =	simm.s32 @!p0 $0x0;
	v44 =	vmul.f32 v30, v30;
	v49 =	vadd.f32 v31, v38;
	v47 =	vadd.f32 v39, v45  }
0x114: {  	s14 =	sshll.u32 s14, $0x9;
	v31 =	vld [tilespmem:s4+$0x20F0];
	v33 =	vadd.f32 v33, v46;
	v53 =	vmul.f32 v28, v28;
	v43 =	vmul.f32 v29, v29  }
0x115: {  	s17 =	sadd.s32 s14, s15;
	v34 =	vmul.f32 $2.500000000e-01, v34;
	v55 =	vadd.f32 v42, v44;
	v51 =	vadd.f32 v29, v28;
	v45 =	vld [tilespmem:s4+$0x2270]  }
0x116: {  	s14 =	sor.u32 $0x400, s17;
	s31 =	sadd.s32 $0x80, s17;
	v37 =	vadd.f32 v33, v48;
	v35 =	vmul.f32 $2.500000000e-01, v47;
	v33 =	vld [tilespmem:s4+$0x21F0];
	v54 =	vadd.f32 v43, v53  }
0x117: {  	s5 =	sor.u32 $0x400, s31;
	v38 =	vsub.f32 v34, v50;
	v34 =	vld [tilespmem:s14+$0x2080];
	s14 =	sadd.s32 $0x100, s17;
	v39 =	vadd.f32 v52, v51;
	v0 =	vmul.f32 v32, v32  }
0x118: {  	s4 =	sadd.s32 $0x180, s17;
	v37 =	vmul.f32 $2.500000000e-01, v37;
	v46 =	vmul.f32 v35, v35;
	v35 =	vld [tilespmem:s5+$0x2080];
	s5 =	sor.u32 $0x400, s14;
	v40 =	vadd.f32 v55, v54  }
0x119: {  	v38 =	vadd.f32 v38, v49;
	v39 =	vmul.f32 $2.500000000e-01, v39;
	v62 =	vmul.f32 v31, v31;
	v36 =	vld [tilespmem:s5+$0x2080];
	s5 =	sor.u32 $0x400, s4  }
0x11a: {  	v56 =	vadd.f32 v32, v31;
	v37 =	vsub.f32 v37, v46;
	v58 =	vld [tilespmem:s5+$0x2080];
	v40 =	vmul.f32 $2.500000000e-01, v40  }
0x11b: {  	v2 =	vadd.f32 v0, v62;
	v54 =	vmul.f32 v39, v39;
	v59 =	vadd.f32 v45, v33  }
0x11c: {  	s5 =	sor.u32 $0x410, s17;
	v1 =	vmul.f32 v33, v33;
	v45 =	vmul.f32 v45, v45;
	v47 =	vadd.f32 v37, v38  }
0x11d: {  	v49 =	vmul.f32 v34, v34;
	v37 =	vld [tilespmem:s5+$0x2080];
	s5 =	sor.u32 $0x410, s31;
	v40 =	vsub.f32 v40, v54;
	v41 =	vadd.f32 v59, v56  }
0x11e: {  	v45 =	vadd.f32 v45, v1;
	v55 =	vadd.f32 v35, v34;
	v38 =	vld [tilespmem:s5+$0x2080];
	s5 =	sor.u32 $0x410, s14;
	v50 =	vmul.f32 v35, v35  }
0x11f: {  	v39 =	vld [tilespmem:s5+$0x2080];
	s5 =	sor.u32 $0x410, s4;
	v56 =	vmul.f32 v36, v36;
	v44 =	vadd.f32 v40, v47;
	v48 =	vadd.f32 v58, v36  }
0x120: {  	v42 =	vmul.f32 v58, v58;
	v51 =	vld [tilespmem:s5+$0x2080];
	v43 =	vadd.f32 v45, v2;
	v41 =	vmul.f32 $2.500000000e-01, v41  }
0x121: {  	v59 =	vadd.f32 v50, v49;
	v58 =	vadd.f32 v48, v55  }
0x122: {  	s5 =	sor.u32 $0x420, s17;
	v42 =	vadd.f32 v42, v56;
	v43 =	vmul.f32 $2.500000000e-01, v43;
	v62 =	vmul.f32 v41, v41  }
0x123: {  	v40 =	vld [tilespmem:s5+$0x2080];
	s5 =	sor.u32 $0x420, s31;
	v2 =	vmul.f32 v37, v37;
	v0 =	vadd.f32 v38, v37;
	v52 =	vmul.f32 v38, v38  }
0x124: {  	v46 =	vadd.f32 v42, v59;
	v45 =	vmul.f32 $2.500000000e-01, v58;
	v42 =	vld [tilespmem:s5+$0x2080];
	s5 =	sor.u32 $0x420, s14;
	v47 =	vsub.f32 v43, v62  }
0x125: {  	v53 =	vmul.f32 v39, v39;
	v1 =	vadd.f32 v51, v39;
	v41 =	vld [tilespmem:s5+$0x2080];
	s5 =	sor.u32 $0x420, s4;
	v51 =	vmul.f32 v51, v51  }
0x126: {  	v58 =	vadd.f32 v52, v2;
	v54 =	vld [tilespmem:s5+$0x2080];
	s5 =	sor.u32 $0x430, s17;
	v46 =	vmul.f32 $2.500000000e-01, v46;
	v55 =	vmul.f32 v45, v45  }
0x127: {  	v48 =	vadd.f32 v1, v0;
	v43 =	vld [tilespmem:s5+$0x2080];
	s5 =	sor.u32 $0x430, s31;
	v59 =	vadd.f32 v51, v53  }
0x128: {  	v47 =	vadd.f32 v47, v44;
	v45 =	vld [tilespmem:s5+$0x2080];
	s5 =	sor.u32 $0x430, s14;
	v46 =	vsub.f32 v46, v55  }
0x129: {  	v1 =	vmul.f32 v40, v40;
	v44 =	vld [tilespmem:s5+$0x2080];
	s5 =	sor.u32 $0x430, s4;
	v49 =	vadd.f32 v59, v58;
	v48 =	vmul.f32 $2.500000000e-01, v48  }
0x12a: {  	v62 =	vadd.f32 v42, v40;
	v2 =	vmul.f32 v42, v42;
	v51 =	vld [tilespmem:s5+$0x2080];
	v56 =	vadd.f32 v46, v47  }
0x12b: {  	v59 =	vmul.f32 v41, v41;
	v0 =	vadd.f32 v54, v41;
	v54 =	vmul.f32 v54, v54  }
0x12c: {  	s5 =	sor.u32 $0x440, s17;
	v49 =	vmul.f32 $2.500000000e-01, v49;
	v52 =	vadd.f32 v2, v1;
	v58 =	vmul.f32 v43, v43  }
0x12d: {  	v46 =	vld [tilespmem:s5+$0x2080];
	s5 =	sor.u32 $0x440, s31;
	v50 =	vadd.f32 v0, v62;
	v62 =	vmul.f32 v48, v48;
	v54 =	vadd.f32 v54, v59  }
0x12e: {  	v0 =	vadd.f32 v45, v43;
	v48 =	vld [tilespmem:s5+$0x2080];
	s5 =	sor.u32 $0x440, s14;
	v59 =	vmul.f32 v45, v45;
	v2 =	vmul.f32 v44, v44  }
0x12f: {  	v47 =	vld [tilespmem:s5+$0x2080];
	s5 =	sor.u32 $0x440, s4;
	v1 =	vadd.f32 v51, v44;
	v49 =	vsub.f32 v49, v62;
	v51 =	vmul.f32 v51, v51  }
0x130: {  	v8 =	vmovc v60;
	v60 =	vld [tilespmem:s5+$0x2080];
	v52 =	vadd.f32 v54, v52;
	v50 =	vmul.f32 $2.500000000e-01, v50;
	v62 =	vadd.f32 v59, v58  }
0x131: {  	v7 =	vmov v57;
	v57 =	vadd.f32 v1, v0;
	v51 =	vadd.f32 v51, v2  }
0x132: {  	s5 =	sor.u32 $0x450, s17;
	v53 =	vadd.f32 v49, v56;
	v52 =	vmul.f32 $2.500000000e-01, v52;
	v50 =	vmul.f32 v50, v50  }
0x133: {  	v0 =	vmul.f32 v46, v46;
	v49 =	vld [tilespmem:s5+$0x2080];
	s5 =	sor.u32 $0x450, s31;
	v56 =	vadd.f32 v48, v46;
	v1 =	vmul.f32 v48, v48  }
0x134: {  	v55 =	vadd.f32 v51, v62;
	v54 =	vmul.f32 $2.500000000e-01, v57;
	v52 =	vsub.f32 v52, v50;
	v51 =	vld [tilespmem:s5+$0x2080];
	s5 =	sor.u32 $0x450, s14  }
0x135: {  	v2 =	vmul.f32 v47, v47;
	v57 =	vadd.f32 v60, v47;
	v60 =	vmul.f32 v60, v60;
	v50 =	vld [tilespmem:s5+$0x2080];
	s5 =	sor.u32 $0x450, s4  }
0x136: {  	v0 =	vadd.f32 v1, v0;
	v55 =	vmul.f32 $2.500000000e-01, v55;
	v54 =	vmul.f32 v54, v54;
	v59 =	vld [tilespmem:s5+$0x2080]  }
0x137: {  	s5 =	sor.u32 $0x460, s17;
	v56 =	vadd.f32 v57, v56;
	v1 =	vadd.f32 v60, v2  }
0x138: {  	v52 =	vadd.f32 v52, v53;
	v53 =	vld [tilespmem:s5+$0x2080];
	s5 =	sor.u32 $0x460, s31;
	v55 =	vsub.f32 v55, v54  }
0x139: {  	s17 =	sor.u32 $0x470, s17;
	v62 =	vmul.f32 v49, v49;
	v54 =	vld [tilespmem:s5+$0x2080];
	v57 =	vadd.f32 v1, v0;
	v56 =	vmul.f32 $2.500000000e-01, v56  }
0x13a: {  	v5 =	vmovc v63;
	s5 =	sor.u32 $0x460, s14;
	v58 =	vadd.f32 v51, v49;
	v63 =	vmul.f32 v51, v51;
	v0 =	vld [tilespmem:s17+$0x2080];
	v55 =	vadd.f32 v55, v52  }
0x13b: {  	v9 =	vmovc v61;
	v52 =	vld [tilespmem:s5+$0x2080];
	s5 =	sor.u32 $0x460, s4;
	v57 =	vmul.f32 $2.500000000e-01, v57;
	v56 =	vmul.f32 v56, v56;
	v61 =	vadd.f32 v59, v50  }
0x13c: {  	s17 =	sor.u32 $0x470, s31;
	v2 =	vmul.f32 v50, v50;
	v60 =	vld [tilespmem:s5+$0x2080];
	v59 =	vmul.f32 v59, v59  }
0x13d: {  	s31 =	sor.u32 $0x470, s14;
	v4 =	vld [tilespmem:s17+$0x2080];
	v56 =	vsub.f32 v57, v56;
	v58 =	vadd.f32 v61, v58  }
0x13e: {  	s4 =	sor.u32 $0x470, s4;
	v61 =	vadd.f32 v63, v62;
	v62 =	vld [tilespmem:s31+$0x2080];
	v57 =	vadd.f32 v59, v2  }
0x13f: {  	v6 =	vmul.f32 v53, v53;
	v63 =	vld [tilespmem:s4+$0x2080]  }
0x140: {  	v59 =	vadd.f32 v54, v53;
	v1 =	vmul.f32 v54, v54;
	v57 =	vadd.f32 v57, v61  }
0x141: {  	v61 =	vmul.f32 v52, v52;
	v3 =	vadd.f32 v60, v52;
	v60 =	vmul.f32 v60, v60  }
0x142: {  	v1 =	vadd.f32 v1, v6;
	v6 =	vmul.f32 $2.500000000e-01, v58  }
0x143: {  	v2 =	vmul.f32 v4, v4;
	v3 =	vadd.f32 v3, v59;
	v58 =	vadd.f32 v60, v61  }
0x144: {  	v59 =	vadd.f32 v4, v0;
	v60 =	vadd.f32 v63, v62;
	v61 =	vmul.f32 v0, v0  }
0x145: {  	v63 =	vmul.f32 v63, v63;
	v1 =	vadd.f32 v58, v1;
	v58 =	vmul.f32 v62, v62  }
0x146: {  	v57 =	vmul.f32 $2.500000000e-01, v57;
	v6 =	vmul.f32 v6, v6;
	v59 =	vadd.f32 v60, v59  }
0x147: {  	v2 =	vadd.f32 v2, v61;
	v3 =	vmul.f32 $2.500000000e-01, v3;
	v58 =	vadd.f32 v63, v58  }
0x148: {  	v55 =	vadd.f32 v56, v55;
	v6 =	vsub.f32 v57, v6;
	v1 =	vmul.f32 $2.500000000e-01, v1  }
0x149: {  	v3 =	vmul.f32 v3, v3;
	v56 =	vmul.f32 $2.500000000e-01, v59;
	v2 =	vadd.f32 v58, v2  }
0x14a: {  	v6 =	vadd.f32 v6, v55  }
0x14b: {  	v1 =	vsub.f32 v1, v3;
	v3 =	vmul.f32 v56, v56;
	v2 =	vmul.f32 $2.500000000e-01, v2  }
0x14c: {  	v58 =	vld [tilespmem:$0x1FFF0]  }
0x14d: {  	v1 =	vadd.f32 v1, v6;
	v2 =	vsub.f32 v2, v3;
	_ =	sdelay $0x1  }
0x14e: {  	v1 =	vadd.f32 v2, v1;
	_ =	sdelay $0x1  }
0x14f: {  	v2 =	vperm.xlane v1, v58;
	_ =	sdelay $0x1  }
0x150: {  	v1 =	vadd.f32 v1, v2;
	_ =	sdelay $0x1  }
0x151: {  	v2 =	vperm.xlane v1, v7;
	_ =	sdelay $0x1  }
0x152: {  	v1 =	vadd.f32 v1, v2;
	_ =	sdelay $0x1  }
0x153: {  	v2 =	vperm.xlane v1, v8;
	_ =	sdelay $0x1  }
0x154: {  	v1 =	vadd.f32 v1, v2;
	_ =	sdelay $0x1  }
0x155: {  	v2 =	vperm.xlane v1, v9  }
0x156: {  	v59 =	vld [tilespmem:$0x1FFB0]  }
0x157: {  	v1 =	vadd.f32 v1, v2;
	_ =	sdelay $0x1  }
0x158: {  	v1 =	vmul.f32 v1, v5;
	_ =	sdelay $0x1  }
0x159: {  	v1 =	vadd.f32 v1, v59;
	_ =	sdelay $0x1  }
0x15a: {  	v1 =	vsub.f32 $0.0e+00, v1;
	_ =	sdelay $0x1  }
0x15b: {  	v1 =	vmul.f32 $1.442695020e+00, v1;
	_ =	sdelay $0x1  }
0x15c: {  	(erf) = vpow2.f32 v1;
	_ =	sdelay $0x8  }
0x15d: {  	v1 =	vpop (erf)  }
0x15e: {  	v1 =	vadd.f32 $1.000000000e+00, v1;
	_ =	sdelay $0x1  }
0x15f: {  	(erf) = vrcp.f32 v1  }
0x160: {  	v12 =	vmul.f32 v12, v11;
	v11 =	vmul.f32 v26, v25  }
0x161: {  	v14 =	vmul.f32 v14, v13;
	v32 =	vmul.f32 v32, v31  }
0x162: {  	v11 =	vmul.f32 v27, v11;
	v29 =	vmul.f32 v29, v28  }
0x163: {  	v13 =	vmul.f32 v33, v32;
	v35 =	vmul.f32 v35, v34  }
0x164: {  	v37 =	vmul.f32 v38, v37;
	v6 =	vmul.f32 v20, v19  }
0x165: {  	v54 =	vmul.f32 v54, v53;
	v0 =	vmul.f32 v4, v0  }
0x166: {  	v3 =	vmul.f32 v18, v16;
	v6 =	vmul.f32 v21, v6  }
0x167: {  	v2 =	vmul.f32 v10, v12;
	v10 =	vmul.f32 v23, v22  }
0x168: {  	v3 =	vmul.f32 v17, v3;
	v1 =	vmul.f32 v15, v14;
	v38 =	vpop (erf)  }
0x169: {  	v10 =	vmul.f32 v24, v10;
	v2 =	vmul.f32 v38, v2  }
0x16a: {  	v15 =	vmul.f32 v39, v37;
	v1 =	vmul.f32 v38, v1  }
0x16b: {  	s14 =	rddreg [dreg:$0x4];
	v39 =	vmul.f32 v42, v40;
	v40 =	vmul.f32 v38, v3;
	[tilespmem:s12+$0x12080] =	vst.add.f32.msk $0xffff, v2  }
0x16c: {  	s17 =	rddreg [dreg:$0x5];
	v12 =	vmul.f32 v30, v29;
	v42 =	vmul.f32 v38, v6;
	[tilespmem:s14+$0x0] =	vst.add.f32.msk $0xffff, v1  }
0x16d: {  	s31 =	rddreg [dreg:$0x6];
	v3 =	vmul.f32 v45, v43;
	v43 =	vmul.f32 v38, v10;
	[tilespmem:s17+$0x0] =	vst.add.f32.msk $0xffff, v40  }
0x16e: {  	s4 =	rddreg [dreg:$0x7];
	v14 =	vmul.f32 v36, v35;
	v45 =	vmul.f32 v38, v11;
	[tilespmem:s31+$0x0] =	vst.add.f32.msk $0xffff, v42  }
0x16f: {  	v10 =	vmul.f32 v48, v46;
	v46 =	vmul.f32 v38, v12;
	s17 =	rddreg [dreg:$0x8];
	[tilespmem:s4+$0x0] =	vst.add.f32.msk $0xffff, v43  }
0x170: {  	v6 =	vmul.f32 v41, v39;
	v48 =	vmul.f32 v38, v13;
	s31 =	rddreg [dreg:$0x9];
	[tilespmem:s17+$0x0] =	vst.add.f32.msk $0xffff, v45  }
0x171: {  	v11 =	vmul.f32 v51, v49;
	v49 =	vmul.f32 v38, v14;
	s4 =	rddreg [dreg:$0xa];
	[tilespmem:s31+$0x0] =	vst.add.f32.msk $0xffff, v46  }
0x172: {  	v51 =	vmul.f32 v38, v15;
	v3 =	vmul.f32 v44, v3;
	s17 =	rddreg [dreg:$0xb];
	[tilespmem:s4+$0x0] =	vst.add.f32.msk $0xffff, v48  }
0x173: {  	v10 =	vmul.f32 v47, v10;
	v55 =	vmul.f32 v38, v6;
	s31 =	rddreg [dreg:$0xc];
	[tilespmem:s17+$0x0] =	vst.add.f32.msk $0xffff, v49  }
0x174: {  	v11 =	vmul.f32 v50, v11;
	v56 =	vmul.f32 v38, v3;
	s4 =	rddreg [dreg:$0xd];
	[tilespmem:s31+$0x0] =	vst.add.f32.msk $0xffff, v51  }
0x175: {  	p1 =	sne.s32 s16, $0x1E00;
	v3 =	vmul.f32 v52, v54;
	v58 =	vmul.f32 v38, v10;
	s17 =	rddreg [dreg:$0xe];
	[tilespmem:s4+$0x0] =	vst.add.f32.msk $0xffff, v55  }
.Ltmp2:
0x176: {  	v0 =	vmul.f32 v62, v0;
	v59 =	vmul.f32 v38, v11;
	s31 =	rddreg [dreg:$0xf];
	[tilespmem:s17+$0x0] =	vst.add.f32.msk $0xffff, v56;
	(pc) =	sbr.rel @p1 .LBB2_3-.Ltmp2, $4  }
0x177: {  	v62 =	vmul.f32 v38, v3;
	s4 =	rddreg [dreg:$0x10];
	[tilespmem:s31+$0x0] =	vst.add.f32.msk $0xffff, v58  }
0x178: {  	v0 =	vmul.f32 v38, v0;
	s17 =	rddreg [dreg:$0x11];
	[tilespmem:s4+$0x0] =	vst.add.f32.msk $0xffff, v59  }
0x179: {  	s31 =	rddreg [dreg:$0x12];
	[tilespmem:s17+$0x0] =	vst.add.f32.msk $0xffff, v62  }
0x17a: {  	s16 =	sadd.s32 $0x200, s16;
	p0 =	por !p0, !p0;
	s15 =	sadd.s32 $0x400, s15;
	v57 =	vmovc v7;
	v60 =	vmov v8;
	v61 =	vmov v9;
	v63 =	vmov v5;
	[tilespmem:s31+$0x0] =	vst.add.f32.msk $0xffff, v0  }
0x17b: {  	p0 =	seq.s32 s0, $0x3F  }
0x17c: {  	s4 =	sshrl.u32 @!p0 s10, $0x2  }
0x17d: {  	v0 =	vld @!p0 [tilespmem:s4+$0x80];
	_ =	sdelay $0x4  }
0x17e: {  	v1 =	vshll.u32 @!p0 v0, $0x1  }
0x17f: {  	v2 =	vlaneseq.u32 @!p0;
	v0 =	vand.u32 @!p0 $0x7, v0;
	v1 =	vand.u32 @!p0 $0xFFFFFFF0, v1  }
0x180: {  	v3 =	vshrl.u32 @!p0 v2, $0x3;
	v0 =	vor.u32 @!p0 v0, v1;
	v1 =	vand.u32 @!p0 $0x7, v2  }
0x181: {  	v3 =	vmul.u32 @!p0 $0x8, v3;
	v4 =	vperm.xlane @!p0 v0, v1  }
0x182: {  	v2 =	vor.u32 @!p0 $0x8, v2  }
0x183: {  	v0 =	vperm.xlane @!p0 v0, v2;
	v4 =	vadd.s32 @!p0 v3, v4;
	_ =	sdelay $0x1  }
0x184: {  	v0 =	vadd.s32 @!p0 v3, v0;
	_ =	sdelay $0x1  }
0x185: {  	vm1 =	vmmov @!p0 $0xffff;
	s5 =	simm.s32 @!p0 $0x0;
	s12 =	simm.s32 @!p0 $0x2080  }
0x186: {  	[tilespmem:s12], [sflag:$0x1] =	stream.indirect_vreg.gather @!p0 [hbm4b:s1+s5], $0x80, v4, vm1, $0xb8;
	[tilespmem:$0x1A180] =	vst v63  }
0x187: {  	s12 =	simm.s32 @!p0 $0x2880  }
0x188: {  	[tilespmem:s12], [sflag:$0x1] =	stream.indirect_vreg.gather @!p0 [hbm4b:s1+s5], $0x80, v0, vm1, $0xb8;
	[tilespmem:$0x1A180] =	vst v63  }
0x189: {  	v0 =	vld @!p0 [tilespmem:s4+$0x90];
	_ =	sdelay $0x4  }
0x18a: {  	v4 =	vshll.u32 @!p0 v0, $0x1  }
0x18b: {  	v0 =	vand.u32 @!p0 $0x7, v0;
	v4 =	vand.u32 @!p0 $0xFFFFFFF0, v4  }
0x18c: {  	v0 =	vor.u32 @!p0 v0, v4  }
0x18d: {  	v4 =	vperm.xlane @!p0 v0, v1;
	_ =	sdelay $0x1  }
0x18e: {  	v0 =	vperm.xlane @!p0 v0, v2;
	v4 =	vadd.s32 @!p0 v3, v4;
	_ =	sdelay $0x1  }
0x18f: {  	v0 =	vadd.s32 @!p0 v3, v0;
	_ =	sdelay $0x1  }
0x190: {  	s12 =	simm.s32 @!p0 $0x3080  }
0x191: {  	[tilespmem:s12], [sflag:$0x1] =	stream.indirect_vreg.gather @!p0 [hbm4b:s1+s5], $0x80, v4, vm1, $0xb8;
	[tilespmem:$0x1A180] =	vst v63  }
0x192: {  	s12 =	simm.s32 @!p0 $0x3880  }
0x193: {  	[tilespmem:s12], [sflag:$0x1] =	stream.indirect_vreg.gather @!p0 [hbm4b:s1+s5], $0x80, v0, vm1, $0xb8;
	[tilespmem:$0x1A180] =	vst v63  }
0x194: {  	v0 =	vld @!p0 [tilespmem:s4+$0xA0];
	_ =	sdelay $0x4  }
0x195: {  	v4 =	vshll.u32 @!p0 v0, $0x1  }
0x196: {  	v0 =	vand.u32 @!p0 $0x7, v0;
	v4 =	vand.u32 @!p0 $0xFFFFFFF0, v4  }
0x197: {  	v0 =	vor.u32 @!p0 v0, v4  }
0x198: {  	v4 =	vperm.xlane @!p0 v0, v1;
	_ =	sdelay $0x1  }
0x199: {  	v0 =	vperm.xlane @!p0 v0, v2;
	v4 =	vadd.s32 @!p0 v3, v4;
	_ =	sdelay $0x1  }
0x19a: {  	v0 =	vadd.s32 @!p0 v3, v0;
	_ =	sdelay $0x1  }
0x19b: {  	s12 =	simm.s32 @!p0 $0x4080  }
0x19c: {  	[tilespmem:s12], [sflag:$0x1] =	stream.indirect_vreg.gather @!p0 [hbm4b:s1+s5], $0x80, v4, vm1, $0xb8;
	[tilespmem:$0x1A180] =	vst v63  }
0x19d: {  	s12 =	simm.s32 @!p0 $0x4880  }
0x19e: {  	[tilespmem:s12], [sflag:$0x1] =	stream.indirect_vreg.gather @!p0 [hbm4b:s1+s5], $0x80, v0, vm1, $0xb8;
	[tilespmem:$0x1A180] =	vst v63  }
0x19f: {  	v0 =	vld @!p0 [tilespmem:s4+$0xB0];
	_ =	sdelay $0x4  }
0x1a0: {  	v4 =	vshll.u32 @!p0 v0, $0x1  }
0x1a1: {  	v0 =	vand.u32 @!p0 $0x7, v0;
	v4 =	vand.u32 @!p0 $0xFFFFFFF0, v4  }
0x1a2: {  	v0 =	vor.u32 @!p0 v0, v4  }
0x1a3: {  	v1 =	vperm.xlane @!p0 v0, v1;
	_ =	sdelay $0x1  }
0x1a4: {  	v0 =	vperm.xlane @!p0 v0, v2;
	v1 =	vadd.s32 @!p0 v3, v1;
	_ =	sdelay $0x1  }
0x1a5: {  	v0 =	vadd.s32 @!p0 v3, v0;
	_ =	sdelay $0x1  }
0x1a6: {  	s4 =	simm.s32 @!p0 $0x5080  }
0x1a7: {  	[tilespmem:s4], [sflag:$0x1] =	stream.indirect_vreg.gather @!p0 [hbm4b:s1+s5], $0x80, v1, vm1, $0xb8;
	[tilespmem:$0x1A180] =	vst v63  }
0x1a8: {  	s4 =	simm.s32 @!p0 $0x5880  }
0x1a9: {  	[tilespmem:s4], [sflag:$0x1] =	stream.indirect_vreg.gather @!p0 [hbm4b:s1+s5], $0x80, v0, vm1, $0xb8;
	[tilespmem:$0x1A180] =	vst v63  }
0x1aa: {  	_ =	swait.ge [sflag:s29], $0x4000  }
0x1ab: {  	[sflag:s29] =	ssyncset.done $0x0  }
0x1ac: {  	v63 =	vimm.f32 $0.0e+00;
	[sflag:s29] =	ssyncadd.s32 $0xFFFFC000  }
0x1ad: {  	[tilespmem:s11+$0x80] =	vst v63  }
0x1ae: {  	[tilespmem:s11+$0x90] =	vst v63  }
0x1af: {  	[tilespmem:s11+$0xA0] =	vst v63  }
0x1b0: {  	[tilespmem:s11+$0xB0] =	vst v63  }
0x1b1: {  	[tilespmem:s11+$0xC0] =	vst v63  }
0x1b2: {  	[tilespmem:s11+$0xD0] =	vst v63  }
0x1b3: {  	[tilespmem:s11+$0xE0] =	vst v63  }
0x1b4: {  	[tilespmem:s11+$0xF0] =	vst v63  }
0x1b5: {  	[tilespmem:s11+$0x480] =	vst v63  }
0x1b6: {  	[tilespmem:s11+$0x490] =	vst v63  }
0x1b7: {  	[tilespmem:s11+$0x4A0] =	vst v63  }
0x1b8: {  	[tilespmem:s11+$0x4B0] =	vst v63  }
0x1b9: {  	[tilespmem:s11+$0x4C0] =	vst v63  }
0x1ba: {  	[tilespmem:s11+$0x4D0] =	vst v63  }
0x1bb: {  	[tilespmem:s11+$0x4E0] =	vst v63  }
0x1bc: {  	p1 =	por $0x0, $0x0;
	s15 =	simm.s32 $0x0;
	s12 =	simm.s32 $0x0;
	[tilespmem:s11+$0x4F0] =	vst v63  }
.LBB2_5:
0x1bd: {  	s4 =	sand.u32 $0x3800, s12;
	s5 =	sand.u32 $0x200, s15  }
0x1be: {  	s4 =	sor.u32 s5, s4  }
0x1bf: {  	v11 =	vld [tilespmem:s4+$0x6080]  }
0x1c0: {  	v12 =	vld [tilespmem:s4+$0x6100]  }
0x1c1: {  	v10 =	vld [tilespmem:s4+$0x6180]  }
0x1c2: {  	v0 =	vld [tilespmem:s4+$0x6200]  }
0x1c3: {  	v13 =	vld [tilespmem:s4+$0x6090]  }
0x1c4: {  	v14 =	vld [tilespmem:s4+$0x6110]  }
0x1c5: {  	v15 =	vld [tilespmem:s4+$0x6190]  }
0x1c6: {  	v16 =	vld [tilespmem:s4+$0x60A0]  }
0x1c7: {  	v18 =	vld [tilespmem:s4+$0x6120]  }
0x1c8: {  	v19 =	vld [tilespmem:s4+$0x6210]  }
0x1c9: {  	v1 =	vadd.f32 v12, v11;
	v3 =	vmul.f32 v11, v11;
	v4 =	vmul.f32 v12, v12  }
0x1ca: {  	v17 =	vld [tilespmem:s4+$0x61A0];
	v2 =	vadd.f32 v0, v10;
	v6 =	vmul.f32 v10, v10;
	v0 =	vmul.f32 v0, v0  }
0x1cb: {  	v29 =	vld [tilespmem:s4+$0x6240];
	v34 =	vadd.f32 v14, v13;
	v20 =	vmul.f32 v14, v14;
	v24 =	vmul.f32 v16, v16  }
0x1cc: {  	v25 =	vmul.f32 v18, v18;
	v1 =	vadd.f32 v2, v1;
	v33 =	vadd.f32 v4, v3;
	v3 =	vld [tilespmem:s4+$0x6220]  }
0x1cd: {  	v22 =	vmul.f32 v19, v19;
	v0 =	vadd.f32 v0, v6;
	v4 =	vadd.f32 v19, v15;
	v19 =	vld [tilespmem:s4+$0x60B0]  }
0x1ce: {  	v21 =	vmul.f32 v15, v15;
	v6 =	vmul.f32 v13, v13;
	v36 =	vadd.f32 v25, v24;
	v24 =	vld [tilespmem:s4+$0x61C0]  }
0x1cf: {  	v27 =	vld [tilespmem:s4+$0x6230];
	v0 =	vadd.f32 v0, v33;
	v1 =	vmul.f32 $2.500000000e-01, v1;
	v2 =	vadd.f32 v4, v34  }
0x1d0: {  	v26 =	vmul.f32 v17, v17;
	v4 =	vadd.f32 v20, v6;
	v6 =	vadd.f32 v22, v21;
	v20 =	vld [tilespmem:s4+$0x6130]  }
0x1d1: {  	v35 =	vadd.f32 v18, v16;
	v21 =	vld [tilespmem:s4+$0x61B0];
	v0 =	vmul.f32 $2.500000000e-01, v0;
	v1 =	vmul.f32 v1, v1  }
0x1d2: {  	v4 =	vadd.f32 v6, v4;
	v2 =	vmul.f32 $2.500000000e-01, v2;
	v23 =	vadd.f32 v3, v17  }
0x1d3: {  	v3 =	vmul.f32 v3, v3;
	v39 =	vmul.f32 v19, v19;
	v42 =	vadd.f32 v29, v24  }
0x1d4: {  	v43 =	vmul.f32 v24, v24;
	v29 =	vmul.f32 v29, v29;
	v0 =	vsub.f32 v0, v1  }
0x1d5: {  	v25 =	vld [tilespmem:s4+$0x60D0];
	v37 =	vmul.f32 $2.500000000e-01, v4;
	v2 =	vmul.f32 v2, v2;
	v6 =	vadd.f32 v23, v35  }
0x1d6: {  	v22 =	vld [tilespmem:s4+$0x60C0];
	v3 =	vadd.f32 v3, v26;
	v38 =	vadd.f32 v27, v21;
	v28 =	vmul.f32 v20, v20  }
0x1d7: {  	v23 =	vld [tilespmem:s4+$0x6140];
	v40 =	vmul.f32 v21, v21;
	v27 =	vmul.f32 v27, v27;
	v1 =	vsub.f32 v37, v2  }
0x1d8: {  	v26 =	vld [tilespmem:s4+$0x6150];
	v3 =	vadd.f32 v3, v36;
	v4 =	vmul.f32 $2.500000000e-01, v6;
	v6 =	vadd.f32 v20, v19  }
0x1d9: {  	v28 =	vadd.f32 v28, v39;
	v2 =	vadd.f32 v27, v40;
	v27 =	vld [tilespmem:s4+$0x61D0]  }
0x1da: {  	s5 =	simm.s32 $0x1;
	v34 =	vmul.f32 v25, v25;
	v36 =	vld [tilespmem:s4+$0x6260];
	v0 =	vadd.f32 v1, v0;
	v1 =	vadd.f32 v29, v43  }
0x1db: {  	s5 =	simm.s32 @!p1 $0x0;
	v29 =	vld [tilespmem:s4+$0x6160];
	v3 =	vmul.f32 $2.500000000e-01, v3;
	v4 =	vmul.f32 v4, v4;
	v6 =	vadd.f32 v38, v6  }
0x1dc: {  	s5 =	sshll.u32 s5, $0x9;
	v30 =	vmul.f32 v22, v22;
	v2 =	vadd.f32 v2, v28;
	v28 =	vld [tilespmem:s4+$0x60E0];
	v31 =	vmul.f32 v23, v23  }
0x1dd: {  	s16 =	sadd.s32 s5, s12;
	v35 =	vmul.f32 v26, v26;
	v41 =	vsub.f32 v3, v4;
	v3 =	vmul.f32 $2.500000000e-01, v6;
	v6 =	vld [tilespmem:s4+$0x6250]  }
0x1de: {  	s31 =	sor.u32 $0x400, s16;
	s17 =	sadd.s32 $0x80, s16;
	v4 =	vadd.f32 v23, v22;
	v31 =	vadd.f32 v31, v30;
	v30 =	vld [tilespmem:s4+$0x61E0]  }
0x1df: {  	s5 =	sor.u32 $0x400, s17;
	v32 =	vadd.f32 v26, v25;
	v2 =	vmul.f32 $2.500000000e-01, v2;
	v44 =	vadd.f32 v35, v34;
	v34 =	vld [tilespmem:s31+$0x6080]  }
0x1e0: {  	v35 =	vld [tilespmem:s5+$0x6080];
	v0 =	vadd.f32 v41, v0;
	v4 =	vadd.f32 v42, v4;
	v3 =	vmul.f32 v3, v3  }
0x1e1: {  	v37 =	vmul.f32 v29, v29;
	v1 =	vadd.f32 v1, v31;
	v47 =	vmul.f32 v28, v28  }
0x1e2: {  	v2 =	vsub.f32 v2, v3;
	v3 =	vmul.f32 v27, v27;
	v4 =	vmul.f32 $2.500000000e-01, v4  }
0x1e3: {  	v33 =	vadd.f32 v6, v27;
	v6 =	vmul.f32 v6, v6;
	v1 =	vmul.f32 $2.500000000e-01, v1  }
0x1e4: {  	v31 =	vld [tilespmem:s4+$0x60F0];
	v37 =	vadd.f32 v37, v47;
	v0 =	vadd.f32 v2, v0;
	v45 =	vmul.f32 v4, v4  }
0x1e5: {  	v38 =	vld [tilespmem:s4+$0x6270];
	v46 =	vadd.f32 v36, v30;
	v48 =	vmul.f32 v30, v30;
	v41 =	vadd.f32 v35, v34  }
0x1e6: {  	v36 =	vmul.f32 v36, v36;
	v32 =	vadd.f32 v33, v32;
	v3 =	vadd.f32 v6, v3;
	v33 =	vld [tilespmem:s4+$0x61F0]  }
0x1e7: {  	v43 =	vmul.f32 v34, v34;
	v6 =	vadd.f32 v29, v28;
	v1 =	vsub.f32 v1, v45  }
0x1e8: {  	v2 =	vadd.f32 v36, v48;
	v3 =	vadd.f32 v3, v44;
	v4 =	vmul.f32 $2.500000000e-01, v32;
	v32 =	vld [tilespmem:s4+$0x6170]  }
0x1e9: {  	s14 =	sadd.s32 $0x100, s16;
	v39 =	vmul.f32 v31, v31;
	v6 =	vadd.f32 v46, v6;
	v44 =	vmul.f32 v35, v35  }
0x1ea: {  	s31 =	sor.u32 $0x400, s14;
	s4 =	sadd.s32 $0x180, s16;
	v0 =	vadd.f32 v1, v0;
	v3 =	vmul.f32 $2.500000000e-01, v3;
	v4 =	vmul.f32 v4, v4  }
0x1eb: {  	v36 =	vld [tilespmem:s31+$0x6080];
	s31 =	sor.u32 $0x400, s4;
	v2 =	vadd.f32 v2, v37;
	v50 =	vadd.f32 v38, v33;
	v51 =	vmul.f32 v33, v33  }
0x1ec: {  	v38 =	vmul.f32 v38, v38;
	v49 =	vsub.f32 v3, v4;
	v3 =	vmul.f32 $2.500000000e-01, v6;
	v6 =	vld [tilespmem:s31+$0x6080];
	s31 =	sor.u32 $0x410, s16  }
0x1ed: {  	v52 =	vadd.f32 v44, v43;
	v2 =	vmul.f32 $2.500000000e-01, v2;
	v40 =	vmul.f32 v32, v32;
	v37 =	vld [tilespmem:s31+$0x6080]  }
0x1ee: {  	v4 =	vadd.f32 v32, v31;
	s31 =	sor.u32 $0x410, s17;
	v1 =	vadd.f32 v38, v51;
	v3 =	vmul.f32 v3, v3  }
0x1ef: {  	v0 =	vadd.f32 v49, v0;
	v38 =	vld [tilespmem:s31+$0x6080];
	s31 =	sor.u32 $0x410, s14;
	v40 =	vadd.f32 v40, v39  }
0x1f0: {  	v4 =	vadd.f32 v50, v4;
	v39 =	vld [tilespmem:s31+$0x6080];
	s31 =	sor.u32 $0x410, s4;
	v2 =	vsub.f32 v2, v3;
	v3 =	vmul.f32 v36, v36  }
0x1f1: {  	v45 =	vld [tilespmem:s31+$0x6080];
	v42 =	vadd.f32 v6, v36;
	v6 =	vmul.f32 v6, v6;
	v1 =	vadd.f32 v1, v40  }
0x1f2: {  	s31 =	sor.u32 $0x420, s16;
	v4 =	vmul.f32 $2.500000000e-01, v4;
	v0 =	vadd.f32 v2, v0;
	v55 =	vmul.f32 v37, v37  }
0x1f3: {  	v40 =	vld [tilespmem:s31+$0x6080];
	s31 =	sor.u32 $0x420, s17;
	v41 =	vadd.f32 v42, v41;
	v3 =	vadd.f32 v6, v3;
	v1 =	vmul.f32 $2.500000000e-01, v1  }
0x1f4: {  	v53 =	vmul.f32 v4, v4;
	v6 =	vadd.f32 v38, v37;
	v42 =	vld [tilespmem:s31+$0x6080];
	s31 =	sor.u32 $0x420, s14;
	v46 =	vmul.f32 v38, v38  }
0x1f5: {  	v56 =	vmul.f32 v39, v39;
	v3 =	vadd.f32 v3, v52;
	v4 =	vmul.f32 $2.500000000e-01, v41;
	v41 =	vld [tilespmem:s31+$0x6080];
	s31 =	sor.u32 $0x420, s4  }
0x1f6: {  	v54 =	vadd.f32 v45, v39;
	v1 =	vsub.f32 v1, v53;
	v45 =	vmul.f32 v45, v45;
	v47 =	vld [tilespmem:s31+$0x6080];
	s31 =	sor.u32 $0x430, s16  }
0x1f7: {  	v46 =	vadd.f32 v46, v55;
	v3 =	vmul.f32 $2.500000000e-01, v3;
	v4 =	vmul.f32 v4, v4;
	v43 =	vld [tilespmem:s31+$0x6080];
	s31 =	sor.u32 $0x430, s17  }
0x1f8: {  	v48 =	vmul.f32 v40, v40;
	v6 =	vadd.f32 v54, v6;
	v2 =	vadd.f32 v45, v56;
	v45 =	vld [tilespmem:s31+$0x6080];
	s31 =	sor.u32 $0x430, s14  }
0x1f9: {  	v0 =	vadd.f32 v1, v0;
	v49 =	vmul.f32 v42, v42;
	v57 =	vsub.f32 v3, v4;
	v44 =	vld [tilespmem:s31+$0x6080];
	s31 =	sor.u32 $0x430, s4  }
0x1fa: {  	v2 =	vadd.f32 v2, v46;
	v3 =	vmul.f32 $2.500000000e-01, v6;
	v4 =	vadd.f32 v42, v40;
	v6 =	vld [tilespmem:s31+$0x6080]  }
0x1fb: {  	v59 =	vmul.f32 v41, v41;
	s31 =	sor.u32 $0x440, s16;
	v58 =	vadd.f32 v47, v41;
	v47 =	vmul.f32 v47, v47  }
0x1fc: {  	v49 =	vadd.f32 v49, v48;
	v2 =	vmul.f32 $2.500000000e-01, v2;
	v46 =	vld [tilespmem:s31+$0x6080];
	s31 =	sor.u32 $0x440, s17;
	v3 =	vmul.f32 v3, v3  }
0x1fd: {  	v0 =	vadd.f32 v57, v0;
	v48 =	vld [tilespmem:s31+$0x6080];
	s31 =	sor.u32 $0x440, s14;
	v52 =	vmul.f32 v43, v43;
	v4 =	vadd.f32 v58, v4  }
0x1fe: {  	v1 =	vadd.f32 v47, v59;
	v53 =	vmul.f32 v45, v45;
	v47 =	vld [tilespmem:s31+$0x6080];
	s31 =	sor.u32 $0x440, s4;
	v2 =	vsub.f32 v2, v3  }
0x1ff: {  	v3 =	vmul.f32 v44, v44;
	v54 =	vld [tilespmem:s31+$0x6080];
	v51 =	vadd.f32 v6, v44;
	v6 =	vmul.f32 v6, v6  }
0x200: {  	v50 =	vadd.f32 v45, v43;
	v1 =	vadd.f32 v1, v49  }
0x201: {  	v4 =	vmul.f32 $2.500000000e-01, v4;
	v61 =	vadd.f32 v53, v52;
	v3 =	vadd.f32 v6, v3  }
0x202: {  	s31 =	sor.u32 $0x450, s16;
	v0 =	vadd.f32 v2, v0;
	v57 =	vmul.f32 v46, v46;
	v60 =	vadd.f32 v51, v50  }
0x203: {  	v49 =	vld [tilespmem:s31+$0x6080];
	s31 =	sor.u32 $0x450, s17;
	v62 =	vmul.f32 v4, v4;
	v59 =	vmul.f32 v47, v47;
	v3 =	vadd.f32 v3, v61  }
0x204: {  	v51 =	vld [tilespmem:s31+$0x6080];
	s31 =	sor.u32 $0x450, s14;
	v4 =	vmul.f32 $2.500000000e-01, v60;
	v63 =	vadd.f32 v54, v47;
	v54 =	vmul.f32 v54, v54  }
0x205: {  	v1 =	vmul.f32 $2.500000000e-01, v1;
	v6 =	vadd.f32 v48, v46;
	v58 =	vmul.f32 v48, v48;
	v50 =	vld [tilespmem:s31+$0x6080];
	s31 =	sor.u32 $0x450, s4  }
0x206: {  	v3 =	vmul.f32 $2.500000000e-01, v3;
	v4 =	vmul.f32 v4, v4;
	v2 =	vadd.f32 v54, v59;
	v54 =	vld [tilespmem:s31+$0x6080];
	s31 =	sor.u32 $0x460, s16  }
0x207: {  	v53 =	vadd.f32 v58, v57;
	v6 =	vadd.f32 v63, v6;
	v52 =	vld [tilespmem:s31+$0x6080];
	s31 =	sor.u32 $0x460, s17  }
0x208: {  	v1 =	vsub.f32 v1, v62;
	v60 =	vsub.f32 v3, v4;
	v4 =	vld [tilespmem:s31+$0x6080];
	s31 =	sor.u32 $0x460, s14  }
0x209: {  	v56 =	vmul.f32 v49, v49;
	v2 =	vadd.f32 v2, v53;
	v3 =	vmul.f32 $2.500000000e-01, v6;
	v53 =	vld [tilespmem:s31+$0x6080];
	s31 =	sor.u32 $0x460, s4  }
0x20a: {  	v0 =	vadd.f32 v1, v0;
	s16 =	sor.u32 $0x470, s16;
	v57 =	vmul.f32 v51, v51;
	v63 =	vmul.f32 v50, v50;
	v6 =	vld [tilespmem:s31+$0x6080]  }
0x20b: {  	v58 =	vld [tilespmem:s16+$0x6080];
	s17 =	sor.u32 $0x470, s17;
	v62 =	vmul.f32 v3, v3;
	v3 =	vadd.f32 v51, v49;
	v55 =	vadd.f32 v54, v50  }
0x20c: {  	v59 =	vld [tilespmem:s17+$0x6080];
	v0 =	vadd.f32 v60, v0;
	v61 =	vmul.f32 $2.500000000e-01, v2;
	s31 =	sor.u32 $0x470, s14;
	v54 =	vmul.f32 v54, v54  }
0x20d: {  	s4 =	sor.u32 $0x470, s4;
	v3 =	vadd.f32 v55, v3;
	v55 =	vadd.f32 v57, v56;
	v56 =	vld [tilespmem:s31+$0x6080]  }
0x20e: {  	v1 =	vsub.f32 v61, v62;
	v61 =	vmul.f32 v52, v52;
	v2 =	vadd.f32 v54, v63;
	v57 =	vld [tilespmem:s4+$0x6080]  }
0x20f: {  	v54 =	vadd.f32 v4, v52;
	v62 =	vmul.f32 v4, v4;
	v60 =	vadd.f32 v6, v53  }
0x210: {  	v2 =	vadd.f32 v2, v55;
	v55 =	vmul.f32 v53, v53;
	v6 =	vmul.f32 v6, v6  }
0x211: {  	v63 =	vmul.f32 v59, v59;
	v54 =	vadd.f32 v60, v54  }
0x212: {  	v3 =	vmul.f32 $2.500000000e-01, v3;
	v60 =	vadd.f32 v62, v61;
	v6 =	vadd.f32 v6, v55  }
0x213: {  	v55 =	vadd.f32 v59, v58;
	v62 =	vmul.f32 v58, v58;
	v61 =	vadd.f32 v57, v56  }
0x214: {  	v57 =	vmul.f32 v57, v57;
	v6 =	vadd.f32 v6, v60;
	v60 =	vmul.f32 v56, v56  }
0x215: {  	v2 =	vmul.f32 $2.500000000e-01, v2;
	v3 =	vmul.f32 v3, v3;
	v55 =	vadd.f32 v61, v55  }
0x216: {  	v54 =	vmul.f32 $2.500000000e-01, v54;
	v61 =	vadd.f32 v63, v62;
	v57 =	vadd.f32 v57, v60  }
0x217: {  	v0 =	vadd.f32 v1, v0;
	v60 =	vsub.f32 v2, v3;
	v62 =	vmul.f32 $2.500000000e-01, v6  }
0x218: {  	v6 =	vmul.f32 v54, v54;
	v63 =	vmul.f32 $2.500000000e-01, v55;
	v3 =	vadd.f32 v57, v61  }
0x219: {  	v0 =	vadd.f32 v60, v0  }
0x21a: {  	v60 =	vsub.f32 v62, v6;
	v61 =	vmul.f32 $2.500000000e-01, v3;
	v3 =	vmul.f32 v63, v63  }
0x21b: {  	v57 =	vld [tilespmem:$0x1FFF0]  }
0x21c: {  	v0 =	vadd.f32 v60, v0;
	v62 =	vsub.f32 v61, v3;
	_ =	sdelay $0x1  }
0x21d: {  	v0 =	vadd.f32 v62, v0;
	_ =	sdelay $0x1  }
0x21e: {  	v1 =	vperm.xlane v0, v57;
	_ =	sdelay $0x1  }
0x21f: {  	v0 =	vadd.f32 v0, v1;
	_ =	sdelay $0x1  }
0x220: {  	v1 =	vperm.xlane v0, v7;
	_ =	sdelay $0x1  }
0x221: {  	v0 =	vadd.f32 v0, v1;
	_ =	sdelay $0x1  }
0x222: {  	v1 =	vperm.xlane v0, v8;
	_ =	sdelay $0x1  }
0x223: {  	v0 =	vadd.f32 v0, v1;
	_ =	sdelay $0x1  }
0x224: {  	v1 =	vperm.xlane v0, v9  }
0x225: {  	v63 =	vld [tilespmem:$0x1FFB0]  }
0x226: {  	v0 =	vadd.f32 v0, v1;
	_ =	sdelay $0x1  }
0x227: {  	v0 =	vmul.f32 v0, v5;
	_ =	sdelay $0x1  }
0x228: {  	v0 =	vadd.f32 v0, v63;
	_ =	sdelay $0x1  }
0x229: {  	v0 =	vsub.f32 $0.0e+00, v0;
	_ =	sdelay $0x1  }
0x22a: {  	v0 =	vmul.f32 $1.442695020e+00, v0;
	_ =	sdelay $0x1  }
0x22b: {  	(erf) = vpow2.f32 v0;
	_ =	sdelay $0x8  }
0x22c: {  	v0 =	vpop (erf)  }
0x22d: {  	v0 =	vadd.f32 $1.000000000e+00, v0;
	_ =	sdelay $0x1  }
0x22e: {  	(erf) = vrcp.f32 v0  }
0x22f: {  	v12 =	vmul.f32 v12, v11;
	v11 =	vmul.f32 v29, v28  }
0x230: {  	v14 =	vmul.f32 v14, v13;
	v34 =	vmul.f32 v35, v34  }
0x231: {  	v18 =	vmul.f32 v18, v16;
	v11 =	vmul.f32 v30, v11  }
0x232: {  	v13 =	vmul.f32 v36, v34;
	v32 =	vmul.f32 v32, v31  }
0x233: {  	v35 =	vmul.f32 v38, v37;
	v38 =	vmul.f32 v42, v40  }
0x234: {  	v40 =	vmul.f32 v45, v43;
	v4 =	vmul.f32 v4, v52  }
0x235: {  	v2 =	vmul.f32 v17, v18;
	v6 =	vmul.f32 v23, v22  }
0x236: {  	v3 =	vmul.f32 v20, v19;
	v1 =	vmul.f32 v10, v12  }
0x237: {  	v6 =	vmul.f32 v24, v6;
	v0 =	vmul.f32 v15, v14;
	v37 =	vpop (erf)  }
0x238: {  	v3 =	vmul.f32 v21, v3;
	v1 =	vmul.f32 v37, v1  }
0x239: {  	v10 =	vmul.f32 v26, v25;
	v0 =	vmul.f32 v37, v0  }
0x23a: {  	v14 =	vmul.f32 v39, v35;
	v39 =	vmul.f32 v37, v2;
	[tilespmem:s11+$0x80] =	vst.add.f32.msk $0xffff, v1  }
0x23b: {  	v10 =	vmul.f32 v27, v10;
	v42 =	vmul.f32 v37, v3;
	[tilespmem:s11+$0x90] =	vst.add.f32.msk $0xffff, v0  }
0x23c: {  	v12 =	vmul.f32 v33, v32;
	v43 =	vmul.f32 v37, v6;
	[tilespmem:s11+$0xA0] =	vst.add.f32.msk $0xffff, v39  }
0x23d: {  	v3 =	vmul.f32 v41, v38;
	v45 =	vmul.f32 v37, v10;
	[tilespmem:s11+$0xB0] =	vst.add.f32.msk $0xffff, v42  }
0x23e: {  	v6 =	vmul.f32 v48, v46;
	v48 =	vmul.f32 v37, v11;
	[tilespmem:s11+$0xC0] =	vst.add.f32.msk $0xffff, v43  }
0x23f: {  	v10 =	vmul.f32 v51, v49;
	v51 =	vmul.f32 v37, v12;
	[tilespmem:s11+$0xD0] =	vst.add.f32.msk $0xffff, v45  }
0x240: {  	v2 =	vmul.f32 v44, v40;
	v54 =	vmul.f32 v37, v13;
	[tilespmem:s11+$0xE0] =	vst.add.f32.msk $0xffff, v48  }
0x241: {  	v55 =	vmul.f32 v37, v14;
	v6 =	vmul.f32 v47, v6;
	[tilespmem:s11+$0xF0] =	vst.add.f32.msk $0xffff, v51  }
0x242: {  	v10 =	vmul.f32 v50, v10;
	[tilespmem:s11+$0x480] =	vst.add.f32.msk $0xffff, v54;
	v57 =	vmul.f32 v37, v3  }
0x243: {  	v3 =	vmul.f32 v59, v58;
	[tilespmem:s11+$0x490] =	vst.add.f32.msk $0xffff, v55;
	v58 =	vmul.f32 v37, v2  }
0x244: {  	p2 =	sne.s32 s15, $0x1E00;
	v59 =	vmul.f32 v53, v4;
	[tilespmem:s11+$0x4A0] =	vst.add.f32.msk $0xffff, v57;
	v60 =	vmul.f32 v37, v6  }
.Ltmp3:
0x245: {  	v3 =	vmul.f32 v56, v3;
	[tilespmem:s11+$0x4B0] =	vst.add.f32.msk $0xffff, v58;
	v61 =	vmul.f32 v37, v10;
	(pc) =	sbr.rel @p2 .LBB2_5-.Ltmp3, $4  }
0x246: {  	v62 =	vmul.f32 v37, v59;
	[tilespmem:s11+$0x4C0] =	vst.add.f32.msk $0xffff, v60  }
0x247: {  	[tilespmem:s11+$0x4D0] =	vst.add.f32.msk $0xffff, v61;
	v63 =	vmul.f32 v37, v3  }
0x248: {  	[tilespmem:s11+$0x4E0] =	vst.add.f32.msk $0xffff, v62  }
0x249: {  	s15 =	sadd.s32 $0x200, s15;
	p1 =	por !p1, !p1;
	s12 =	sadd.s32 $0x400, s12;
	[tilespmem:s11+$0x4F0] =	vst.add.f32.msk $0xffff, v63  }
.Ltmp4:
0x24a: {  	(pc) =	sbr.rel @p0 .LBB2_8-.Ltmp4, $2  }
0x24b: {  	_ =	sdelay $0x2  }
0x24c: {  	v60 =	vmov v8;
	v61 =	vmov v9;
	v57 =	vmov v7  }
0x24d: {  	s4 =	sshrl.u32 s10, $0x2  }
0x24e: {  	v0 =	vld [tilespmem:s4+$0xC0];
	_ =	sdelay $0x2  }
0x24f: {  	v2 =	vld [tilespmem:$0x1FFC0]  }
0x250: {  	v3 =	vld [tilespmem:$0x1FFD0]  }
0x251: {  	v4 =	vld [tilespmem:$0x1FFE0];
	v1 =	vshll.u32 v0, $0x1  }
0x252: {  	v0 =	vand.u32 $0x7, v0;
	v1 =	vand.u32 $0xFFFFFFF0, v1  }
0x253: {  	v0 =	vor.u32 v0, v1  }
0x254: {  	v1 =	vperm.xlane v0, v2;
	_ =	sdelay $0x1  }
0x255: {  	v0 =	vperm.xlane v0, v4;
	v1 =	vadd.s32 v3, v1;
	_ =	sdelay $0x1  }
0x256: {  	v0 =	vadd.s32 v3, v0;
	_ =	sdelay $0x2  }
0x257: {  	[tilespmem:s18], [sflag:$0x2] =	stream.indirect_vreg.gather [hbm4b:s1+s3], $0x80, v1, vm0, $0xb8;
	[tilespmem:$0x1A180] =	vst v63  }
0x258: {  	_ = 	snop  }
0x259: {  	[tilespmem:s19], [sflag:$0x2] =	stream.indirect_vreg.gather [hbm4b:s1+s3], $0x80, v0, vm0, $0xb8;
	[tilespmem:$0x1A180] =	vst v63  }
0x25a: {  	v0 =	vld [tilespmem:s4+$0xD0];
	_ =	sdelay $0x4  }
0x25b: {  	v58 =	vshll.u32 v0, $0x1  }
0x25c: {  	v0 =	vand.u32 $0x7, v0;
	v1 =	vand.u32 $0xFFFFFFF0, v58  }
0x25d: {  	v0 =	vor.u32 v0, v1  }
0x25e: {  	v1 =	vperm.xlane v0, v2;
	_ =	sdelay $0x1  }
0x25f: {  	v0 =	vperm.xlane v0, v4;
	v1 =	vadd.s32 v3, v1;
	_ =	sdelay $0x1  }
0x260: {  	v0 =	vadd.s32 v3, v0;
	_ =	sdelay $0x2  }
0x261: {  	[tilespmem:s20], [sflag:$0x2] =	stream.indirect_vreg.gather [hbm4b:s1+s3], $0x80, v1, vm0, $0xb8;
	[tilespmem:$0x1A180] =	vst v63  }
0x262: {  	_ = 	snop  }
0x263: {  	[tilespmem:s21], [sflag:$0x2] =	stream.indirect_vreg.gather [hbm4b:s1+s3], $0x80, v0, vm0, $0xb8;
	[tilespmem:$0x1A180] =	vst v63  }
0x264: {  	v0 =	vld [tilespmem:s4+$0xE0];
	_ =	sdelay $0x4  }
0x265: {  	v59 =	vshll.u32 v0, $0x1  }
0x266: {  	v0 =	vand.u32 $0x7, v0;
	v1 =	vand.u32 $0xFFFFFFF0, v59  }
0x267: {  	v0 =	vor.u32 v0, v1  }
0x268: {  	v1 =	vperm.xlane v0, v2;
	_ =	sdelay $0x1  }
0x269: {  	v0 =	vperm.xlane v0, v4;
	v1 =	vadd.s32 v3, v1;
	_ =	sdelay $0x1  }
0x26a: {  	v0 =	vadd.s32 v3, v0;
	_ =	sdelay $0x2  }
0x26b: {  	[tilespmem:s22], [sflag:$0x2] =	stream.indirect_vreg.gather [hbm4b:s1+s3], $0x80, v1, vm0, $0xb8;
	[tilespmem:$0x1A180] =	vst v63  }
0x26c: {  	_ = 	snop  }
0x26d: {  	[tilespmem:s23], [sflag:$0x2] =	stream.indirect_vreg.gather [hbm4b:s1+s3], $0x80, v0, vm0, $0xb8;
	[tilespmem:$0x1A180] =	vst v63  }
0x26e: {  	v0 =	vld [tilespmem:s4+$0xF0];
	_ =	sdelay $0x4  }
0x26f: {  	v62 =	vshll.u32 v0, $0x1  }
0x270: {  	v0 =	vand.u32 $0x7, v0;
	v1 =	vand.u32 $0xFFFFFFF0, v62  }
0x271: {  	v0 =	vor.u32 v0, v1  }
0x272: {  	v1 =	vperm.xlane v0, v2;
	_ =	sdelay $0x1  }
0x273: {  	v0 =	vperm.xlane v0, v4;
	v1 =	vadd.s32 v3, v1;
	_ =	sdelay $0x1  }
0x274: {  	v0 =	vadd.s32 v3, v0  }
.Ltmp5:
0x275: {  	_ = 	snop;
	(pc) =	sbr.rel .LBB2_2-.Ltmp5, $4  }
0x276: {  	_ = 	snop  }
0x277: {  	[tilespmem:s24], [sflag:$0x2] =	stream.indirect_vreg.gather [hbm4b:s1+s3], $0x80, v1, vm0, $0xb8;
	[tilespmem:$0x1A180] =	vst v63  }
0x278: {  	s0 =	sadd.s32 $0x1, s0  }
0x279: {  	v63 =	vmov v5;
	[tilespmem:s26], [sflag:$0x2] =	stream.indirect_vreg.gather [hbm4b:s1+s3], $0x80, v0, vm0, $0xb8;
	[tilespmem:$0x1A180] =	vst v63  }
.LBB2_9:
0x27a: {  	_ =	sfence.sel $0x180000  }
0x27b: {  	[bflag:$0x0] =	sbarrier.arrive $0xFFFF  }
0x27c: {  	_ =	strace $0x90000047  }
0x27d: {  	s0 =	stileid.u32;
	[bflag:$0x2] =	sbarrier.arrive $0xFFFF  }
0x27e: {  	p0 =	sne.s32 s0, $0x0;
	s0 =	rddreg [dreg:$0x3]  }
0x27f: {  	s0 =	sadd.s32 @!p0 $0x100000, s0  }
0x280: {  	[sflag:s0] =	ssyncadd.tile.s32 @!p0 $0x1;
	_ =	shalt  }
.Lfunc_end2:
_tile_overlayer_lowered:
.L_overlay_start_2:
0x281: {  	(tag) =	ssettag $0x2  }
0x282: {  	s0 =	rddreg [dreg:$0x0];
	s2 =	stileid.u32  }
0x283: {  	s1 =	rddreg [dreg:$0x1];
	p0 =	sne.s32 s2, $0x0  }
0x284: {  	s3 =	rddreg [dreg:$0x2];
	[bflag:$0x3] =	sbarrier.arrive $0xFFFF;
	s2 =	simm.s32 @!p0 $0x1C04  }
0x285: {  	[timem:s3], [sflag:s2] =	dma.local @!p0 [hbm:s0], s1  }
0x286: {  	s0 =	simm.s32 @!p0 $0x4  }
0x287: {  	_ =	swait.ge @!p0 [sflag:s0], s1  }
0x288: {  	s1 =	ssub.s32 @!p0 $0x0, s1;
	[sflag:s0] =	ssyncset.done @!p0 $0x0  }
0x289: {  	[sflag:s0] =	ssyncadd.s32 @!p0 s1  }
0x28a: {  	[bflag:$0x3] =	sbarrier.arrive $0xFFFF  }
0x28b: {  	_ =	shalt  }

</sc_bundles>
